<compile_context>
chip_gen: v7x
topology: tpu7x:2x2x1
jax: 0.10.2.dev20260603
libtpu: 0.0.44.dev20260713+nightly
codegen_flags: <defaults>
</compile_context>

<pallas_src>
import functools

import jax
import jax.numpy as jnp
from jax import lax
from jax.experimental import pallas as pl
from jax.experimental.pallas import tpu as pltpu
from jax.experimental.pallas import tpu_sc as plsc

F32 = jnp.float32

N_NODE = 10000
NP = 10240
N_EDGE = 640000
EP = 655360
DUMP = NP - 1
B = 4

NSC = 2
NTILE = 16
LANE = 16
NW = NSC * NTILE
EPW = EP // NW
CHUNK = 2048

EB = 5120



_SC_PARAMS = pltpu.CompilerParams(needs_layout_passes=False)


def _worker_id():
    return lax.axis_index("s") * NSC + lax.axis_index("c")


@functools.partial(jax.jit, static_argnames=("d", "nidx", "diff"))
def _sc_gather(table, idxs, *, d, nidx, diff):
    n_out = 1 if diff else nidx
    out_type = [jax.ShapeDtypeStruct((B, d, EP), F32) for _ in range(n_out)]
    scratch = (
        [pltpu.VMEM((d * NP,), F32)]
        + [pltpu.VMEM((CHUNK,), jnp.int32) for _ in range(nidx)]
        + [pltpu.VMEM((d, CHUNK), F32) for _ in range(n_out)]
    )
    mesh = plsc.VectorSubcoreMesh(core_axis_name="c", subcore_axis_name="s")

    def body(*refs):
        table_h = refs[0]
        idx_h = refs[1:1 + nidx]
        out_h = refs[1 + nidx:1 + nidx + n_out]
        sc = refs[1 + nidx + n_out:]
        tab_v = sc[0]
        idx_v = sc[1:1 + nidx]
        buf_v = sc[1 + nidx:]

        base = _worker_id() * EPW
        for b in range(B):
            pltpu.sync_copy(table_h.at[b], tab_v)
            for ck in range(EPW // CHUNK):
                for j in range(nidx):
                    pltpu.sync_copy(
                        idx_h[j].at[pl.ds(base + ck * CHUNK, CHUNK)],
                        idx_v[j])
                def inner(i, _, ck=ck):
                    gathered = []
                    for j in range(nidx):
                        iv = idx_v[j][pl.ds(i * LANE, LANE)]
                        gathered.append(
                            [plsc.load_gather(tab_v, [iv + dd * NP])
                             for dd in range(d)])
                    if diff:
                        for dd in range(d):
                            buf_v[0][dd, pl.ds(i * LANE, LANE)] = (
                                gathered[0][dd] - gathered[1][dd])
                    else:
                        for j in range(nidx):
                            for dd in range(d):
                                buf_v[j][dd, pl.ds(i * LANE, LANE)] = \
                                    gathered[j][dd]
                    return 0
                lax.fori_loop(0, CHUNK // LANE, inner, 0)
                for j in range(n_out):
                    pltpu.sync_copy(
                        buf_v[j],
                        out_h[j].at[b, :, pl.ds(base + ck * CHUNK, CHUNK)])

    k = pl.kernel(body, out_type=out_type, mesh=mesh, scratch_types=scratch,
                  compiler_params=_SC_PARAMS)
    res = k(table, *idxs)
    return res


@functools.partial(jax.jit, static_argnames=("d", "signs"))
def _sc_scatter(vals, idxs, *, d, signs):
    ns = len(signs)
    dn = d * NP
    out_type = jax.ShapeDtypeStruct((NW, B, dn), F32)
    scratch = (
        [pltpu.VMEM((dn,), F32)]
        + [pltpu.VMEM((CHUNK,), jnp.int32) for _ in range(ns)]
        + [pltpu.VMEM((d, CHUNK), F32) for _ in range(ns)]
    )
    mesh = plsc.VectorSubcoreMesh(core_axis_name="c", subcore_axis_name="s")

    def body(*refs):
        val_h = refs[0:ns]
        idx_h = refs[ns:2 * ns]
        out_h = refs[2 * ns]
        sc = refs[2 * ns + 1:]
        acc_v = sc[0]
        idx_v = sc[1:1 + ns]
        buf_v = sc[1 + ns:1 + 2 * ns]

        wid = _worker_id()
        base = wid * EPW
        zeros = jnp.zeros((LANE,), F32)
        for b in range(B):
            def zbody(i, _):
                for u in range(8):
                    acc_v[pl.ds(i * 8 * LANE + u * LANE, LANE)] = zeros
                return 0
            lax.fori_loop(0, dn // (8 * LANE), zbody, 0)
            for ck in range(EPW // CHUNK):
                for j in range(ns):
                    pltpu.sync_copy(
                        val_h[j].at[b, :, pl.ds(base + ck * CHUNK, CHUNK)],
                        buf_v[j])
                    pltpu.sync_copy(
                        idx_h[j].at[pl.ds(base + ck * CHUNK, CHUNK)],
                        idx_v[j])
                def inner(i, _, ck=ck):
                    for j in range(ns):
                        iv = idx_v[j][pl.ds(i * LANE, LANE)]
                        cnt, _last = plsc.scan_count(iv)
                        vs = []
                        for dd in range(d):
                            v = buf_v[j][dd, pl.ds(i * LANE, LANE)]
                            if signs[j] < 0:
                                v = -v
                            vs.append(v)
                        mk1 = cnt == 1
                        for dd in range(d):
                            plsc.addupdate_scatter(
                                acc_v, [iv + dd * NP], vs[dd], mask=mk1)
                        dups = plsc.all_reduce_population_count(cnt > 1)

                        @pl.when(dups[0] > 0)
                        def _(iv=iv, cnt=cnt, vs=vs):
                            rounds = lax.reduce_max(cnt, axes=(0,))

                            def sbody(rr, _, iv=iv, cnt=cnt, vs=vs):
                                mk = cnt == rr
                                for dd in range(d):
                                    plsc.addupdate_scatter(
                                        acc_v, [iv + dd * NP], vs[dd],
                                        mask=mk)
                                return 0
                            lax.fori_loop(2, rounds + 1, sbody, 0)
                    return 0
                lax.fori_loop(0, CHUNK // LANE, inner, 0)
            pltpu.sync_copy(acc_v, out_h.at[wid, b])

    k = pl.kernel(body, out_type=out_type, mesh=mesh, scratch_types=scratch,
                  compiler_params=_SC_PARAMS)
    return k(*vals, *idxs)



def _rb(v):
    return v.astype(jnp.bfloat16).astype(F32)


def _mlp_fwd(xs, w1, b1, w2, b2, din, dhid, dout):
    hs = []
    for j in range(dhid):
        if din == 1:
            acc = xs[0] * w1[0, j]
        else:
            acc = _rb(xs[0]) * _rb(w1[0, j])
            for dd in range(1, din):
                acc = acc + _rb(xs[dd]) * _rb(w1[dd, j])
        hs.append(jnp.tanh(acc + b1[j]))
    outs = []
    for o in range(dout):
        acc = _rb(hs[0]) * _rb(w2[0, o])
        for j in range(1, dhid):
            acc = acc + _rb(hs[j]) * _rb(w2[j, o])
        outs.append(acc + b2[o])
    return outs, hs


def _mlp_bwd(douts, hs, w1, w2, din, dhid, dout):
    dxs = [None] * din
    for j in range(dhid):
        if dout == 1:
            acc = douts[0] * w2[j, 0]
        else:
            acc = _rb(douts[0]) * _rb(w2[j, 0])
            for o in range(1, dout):
                acc = acc + _rb(douts[o]) * _rb(w2[j, o])
        dz = acc * (1.0 - hs[j] * hs[j])
        dzr = _rb(dz)
        for dd in range(din):
            t = dzr * _rb(w1[dd, j])
            dxs[dd] = t if dxs[dd] is None else dxs[dd] + t
    return dxs


def _smem_spec(shape):
    return pl.BlockSpec(shape, lambda *_: (0,) * len(shape),
                        memory_space=pltpu.SMEM)


def _edge_spec(d):
    return pl.BlockSpec((B, d, EB), lambda i: (0, 0, i))


def _wargs(p):
    return (p["W1"], p["b1"], p["W2"], p["b2"])


def _wspecs(p):
    return [_smem_spec(p["W1"].shape), _smem_spec(p["b1"].shape),
            _smem_spec(p["W2"].shape), _smem_spec(p["b2"].shape)]


def _edge_out(d):
    return jax.ShapeDtypeStruct((B, d, EP), F32)


_GRID = EP // EB



def _t1(e, p_f1, p_f2):
    def kern(e_ref, w11, b11, w21, b21, w12, b12, w22, b22,
             ee_ref, hf1_ref, nu_ref, hf2_ref):
        ev = e_ref[:, 0, :]
        ee, hf1 = _mlp_fwd([ev], w11, b11, w21, b21, 1, 5, 5)
        nu, hf2 = _mlp_fwd(ee, w12, b12, w22, b22, 5, 5, 5)
        for dd in range(5):
            ee_ref[:, dd, :] = ee[dd]
            hf1_ref[:, dd, :] = hf1[dd]
            nu_ref[:, dd, :] = nu[dd]
            hf2_ref[:, dd, :] = hf2[dd]

    return pl.pallas_call(
        kern,
        grid=(_GRID,),
        in_specs=[_edge_spec(1)] + _wspecs(p_f1) + _wspecs(p_f2),
        out_specs=[_edge_spec(5)] * 4,
        out_shape=[_edge_out(5)] * 4,
    )(e, *_wargs(p_f1), *_wargs(p_f2))



def _t2(edge_embed, nes, ner, p_f3, p_f4, p_g2):
    def kern(ee_ref, nes_ref, ner_ref,
             w13, b13, w23, b23, w14, b14, w24, b24, w1g, b1g, w2g, b2g,
             v2_ref, h3_ref, h4_ref, hg2_ref):
        m = [nes_ref[:, dd, :] * ner_ref[:, dd, :] for dd in range(5)]
        n11, h3 = _mlp_fwd(m, w13, b13, w23, b23, 5, 5, 5)
        n12, h4 = _mlp_fwd(m, w14, b14, w24, b24, 5, 5, 5)
        ee = [((ee_ref[:, dd, :] + n11[dd]) + (ee_ref[:, dd, :] + n12[dd]))
              * 0.5 for dd in range(5)]
        v2, hg2 = _mlp_fwd(ee, w1g, b1g, w2g, b2g, 5, 5, 1)
        v2_ref[:, 0, :] = v2[0]
        for dd in range(5):
            h3_ref[:, dd, :] = h3[dd]
            h4_ref[:, dd, :] = h4[dd]
            hg2_ref[:, dd, :] = hg2[dd]

    return pl.pallas_call(
        kern,
        grid=(_GRID,),
        in_specs=[_edge_spec(5)] * 3 + _wspecs(p_f3) + _wspecs(p_f4)
        + _wspecs(p_g2),
        out_specs=[_edge_spec(1)] + [_edge_spec(5)] * 3,
        out_shape=[_edge_out(1)] + [_edge_out(5)] * 3,
    )(edge_embed, nes, ner, *_wargs(p_f3), *_wargs(p_f4), *_wargs(p_g2))



def _t4(dvvs, hg2, h3, h4, nes, ner, p_f3, p_f4, p_g2):
    def kern(dvvs_ref, hg2_ref, h3_ref, h4_ref, nes_ref, ner_ref,
             w13, b13, w23, b23, w14, b14, w24, b24, w1g, b1g, w2g, b2g,
             dee_ref, dnes_ref, dner_ref):
        dv2 = dvvs_ref[:, 0, :]
        hg2 = [hg2_ref[:, dd, :] for dd in range(5)]
        dee = _mlp_bwd([dv2], hg2, w1g, w2g, 5, 5, 1)
        deeh = [0.5 * x for x in dee]
        h3 = [h3_ref[:, dd, :] for dd in range(5)]
        h4 = [h4_ref[:, dd, :] for dd in range(5)]
        dma = _mlp_bwd(deeh, h3, w13, w23, 5, 5, 5)
        dmb = _mlp_bwd(deeh, h4, w14, w24, 5, 5, 5)
        for dd in range(5):
            dm = dma[dd] + dmb[dd]
            dee_ref[:, dd, :] = dee[dd]
            dnes_ref[:, dd, :] = dm * ner_ref[:, dd, :]
            dner_ref[:, dd, :] = dm * nes_ref[:, dd, :]

    return pl.pallas_call(
        kern,
        grid=(_GRID,),
        in_specs=[_edge_spec(1)] + [_edge_spec(5)] * 5 + _wspecs(p_f3)
        + _wspecs(p_f4) + _wspecs(p_g2),
        out_specs=[_edge_spec(5)] * 3,
        out_shape=[_edge_out(5)] * 3,
    )(dvvs, hg2, h3, h4, nes, ner, *_wargs(p_f3), *_wargs(p_f4),
      *_wargs(p_g2))



def _t5(dnus, hf2, dee, hf1, p_f1, p_f2):
    def kern(dnus_ref, hf2_ref, dee_ref, hf1_ref,
             w11, b11, w21, b21, w12, b12, w22, b22, de_ref):
        dnu = [dnus_ref[:, dd, :] for dd in range(5)]
        hf2 = [hf2_ref[:, dd, :] for dd in range(5)]
        dee2 = _mlp_bwd(dnu, hf2, w12, w22, 5, 5, 5)
        deet = [dee_ref[:, dd, :] + dee2[dd] for dd in range(5)]
        hf1 = [hf1_ref[:, dd, :] for dd in range(5)]
        de = _mlp_bwd(deet, hf1, w11, w21, 1, 5, 5)
        de_ref[:, 0, :] = de[0]

    return pl.pallas_call(
        kern,
        grid=(_GRID,),
        in_specs=[_edge_spec(5)] * 4 + _wspecs(p_f1) + _wspecs(p_f2),
        out_specs=_edge_spec(1),
        out_shape=_edge_out(1),
    )(dnus, hf2, dee, hf1, *_wargs(p_f1), *_wargs(p_f2))



def _fold(parts, extra=None, neg=False):
    nw, b_, w = parts.shape
    wb = 2560
    grid = w // wb

    def kern(*refs):
        if extra is None:
            p_ref, o_ref = refs
            s = jnp.sum(p_ref[...], axis=0)
        else:
            p_ref, e_ref, o_ref = refs
            s = jnp.sum(p_ref[...], axis=0) + e_ref[...]
        o_ref[...] = -s if neg else s

    in_specs = [pl.BlockSpec((nw, B, wb), lambda i: (0, 0, i))]
    args = [parts]
    if extra is not None:
        in_specs.append(pl.BlockSpec((B, wb), lambda i: (0, i)))
        args.append(extra)
    return pl.pallas_call(
        kern,
        grid=(grid,),
        in_specs=in_specs,
        out_specs=pl.BlockSpec((B, wb), lambda i: (0, i)),
        out_shape=jax.ShapeDtypeStruct((B, w), F32),
    )(*args)



def _t3(qpad, ppad, ne, vv_in, params):
    p_v1, p_v3, p_v, p_t = (params["V1"], params["V3"], params["V"],
                            params["T"])
    w1n2 = jnp.pad(params["net2"]["W1"], ((0, NP - N_NODE), (0, 0)))
    b1n2 = params["net2"]["b1"].reshape(1, -1)
    w2n2 = params["net2"]["W2"].reshape(1, -1)
    h2 = w1n2.shape[1]

    def kern(q_ref, p_ref, ne_ref, vv_ref, w1n2_ref, b1n2_ref, w2n2_ref,
             w1v1, b1v1, w2v1, b2v1, w1v3, b1v3, w2v3, b2v3,
             w1v, b1v, w2v, b2v, w1t, b1t, w2t, b2t,
             dvv_ref, dne_ref, dqn_ref, dt_ref):
        q = q_ref[...]
        vv = vv_ref[...]
        ne = [ne_ref[:, dd, :] for dd in range(5)]
        v1, hg1 = _mlp_fwd(ne, w1v1, b1v1, w2v1, b2v1, 5, 5, 1)
        v3, hg3 = _mlp_fwd([q], w1v3, b1v3, w2v3, b2v3, 1, 5, 1)
        u = [v1[0], vv, v3[0]]
        vth, hgv = _mlp_fwd(u, w1v, b1v, w2v, b2v, 3, 5, 1)
        h11 = vth[0]
        z = jnp.dot(h11, w1n2_ref[...],
                    preferred_element_type=F32) + b1n2_ref[...]
        a = jnp.tanh(z)
        g = (1.0 - a * a) * w2n2_ref[...]
        dh11 = lax.dot_general(g, w1n2_ref[...],
                               (((1,), (1,)), ((), ())),
                               preferred_element_type=F32)
        du = _mlp_bwd([dh11], hgv, w1v, w2v, 3, 5, 1)
        dvv_ref[...] = du[1]
        dqn_ref[...] = _mlp_bwd([du[2]], hg3, w1v3, w2v3, 1, 5, 1)[0]
        dne = _mlp_bwd([du[0]], hg1, w1v1, w2v1, 5, 5, 1)
        for dd in range(5):
            dne_ref[:, dd, :] = dne[dd]
        pv = p_ref[...]
        dt = None
        for j in range(10):
            ht = jnp.tanh(pv * w1t[0, j] + b1t[j])
            dz = w2t[j, 0] * (1.0 - ht * ht)
            t = _rb(dz) * _rb(w1t[0, j])
            dt = t if dt is None else dt + t
        dt_ref[...] = dt

    vm = lambda shape: pl.BlockSpec(shape, lambda: (0,) * len(shape))
    return pl.pallas_call(
        kern,
        in_specs=[vm((B, NP)), vm((B, NP)), vm((B, 5, NP)),
                  vm((B, NP)), vm((NP, h2)), vm((1, h2)), vm((1, h2))]
        + _wspecs(p_v1) + _wspecs(p_v3) + _wspecs(p_v) + _wspecs(p_t),
        out_specs=[vm((B, NP)), vm((B, 5, NP)), vm((B, NP)), vm((B, NP))],
        out_shape=[jax.ShapeDtypeStruct((B, NP), F32),
                   jax.ShapeDtypeStruct((B, 5, NP), F32),
                   jax.ShapeDtypeStruct((B, NP), F32),
                   jax.ShapeDtypeStruct((B, NP), F32)],
    )(qpad, ppad, ne, vv_in, w1n2, b1n2, w2n2,
      *_wargs(p_v1), *_wargs(p_v3), *_wargs(p_v), *_wargs(p_t))



def kernel(x, edge_index, params):
    n = N_NODE
    q = x[:, 0:n]
    p = x[:, n:2 * n]
    s = jnp.pad(edge_index[0], (0, EP - N_EDGE), constant_values=DUMP)
    r = jnp.pad(edge_index[1], (0, EP - N_EDGE), constant_values=DUMP)
    qpad = jnp.pad(q, ((0, 0), (0, NP - n)))
    ppad = jnp.pad(p, ((0, 0), (0, NP - n)))

    e = _sc_gather(qpad, (s, r), d=1, nidx=2, diff=True)[0]
    edge_embed, hf1, nu, hf2 = _t1(e, params["edge_init"],
                                   params["node_update"])
    nep = _sc_scatter((nu,), (s,), d=5, signs=(1,))
    ne_flat = _fold(nep)
    ne = ne_flat.reshape(B, 5, NP)

    nes, ner = _sc_gather(ne_flat, (s, r), d=5, nidx=2, diff=False)
    v2, h3, h4, hg2 = _t2(edge_embed, nes, ner, params["edge_up1"],
                          params["edge_up2"], params["V2"])
    vvp = _sc_scatter((v2,), (s,), d=1, signs=(1,))
    vv = _fold(vvp)

    dvv, dne_node, dqn, dt = _t3(qpad, ppad, ne, vv, params)

    dvvs = _sc_gather(dvv, (s,), d=1, nidx=1, diff=False)[0]
    dee, dnes, dner = _t4(dvvs, hg2, h3, h4, nes, ner,
                          params["edge_up1"], params["edge_up2"],
                          params["V2"])
    dnep = _sc_scatter((dnes, dner), (s, r), d=5, signs=(1, 1))
    dne_flat = _fold(dnep, extra=dne_node.reshape(B, 5 * NP))

    dnus = _sc_gather(dne_flat, (s,), d=5, nidx=1, diff=False)[0]
    de = _t5(dnus, hf2, dee, hf1, params["edge_init"],
             params["node_update"])
    dqp = _sc_scatter((de, de), (s, r), d=1, signs=(1, -1))
    mdq = _fold(dqp, extra=dqn, neg=True)

    return jnp.concatenate([dt[:, :n], mdq[:, :n]], axis=1)

# --- scband reference (transcript-rebuilt; emitter-appended) ---
"""Pipeline reference for scband-sghn-71880572666047 (READ-ONLY COPY).

The authoritative reference and input builder live on the scoring server;
editing this copy changes nothing except your own understanding.
"""

import jax, jax.numpy as jnp
import numpy as np

N_PARTICLE = 10000
N_EDGES = 640000
BATCH = 4
HIDDEN2 = 256
OUT_DIM = 1


def _mlp_params(key, d_in, d_hid, d_out):
    k1, k2 = jax.random.split(key)
    return {
        "W1": jax.random.normal(k1, (d_in, d_hid), jnp.float32) / np.sqrt(d_in),
        "b1": jnp.zeros((d_hid,), jnp.float32),
        "W2": jax.random.normal(k2, (d_hid, d_out), jnp.float32) / np.sqrt(d_hid),
        "b2": jnp.zeros((d_out,), jnp.float32),
    }


def _mlp(x, p):
    return jnp.tanh(x @ p["W1"] + p["b1"]) @ p["W2"] + p["b2"]


def setup_inputs(seed: int = 0) -> dict:
    key = jax.random.key(seed)
    ks = jax.random.split(key, 12)
    x = jax.random.normal(ks[0], (BATCH, 2 * N_PARTICLE), jnp.float32)
    edge_index = jax.random.randint(ks[1], (2, N_EDGES), 0, N_PARTICLE, dtype=jnp.int32)
    params = {
        "node_update": _mlp_params(ks[2], 5, 5, 5),      # mlp_node_embed_update
        "edge_init": _mlp_params(ks[3], 1, 5, 5),        # mlp_edge_embed_inti1
        "edge_up1": _mlp_params(ks[4], 5, 5, 5),         # mlp_edge_embed_updae1
        "edge_up2": _mlp_params(ks[5], 5, 5, 5),         # mlp_edge_embed_updae2
        "net2": _mlp_params(ks[6], N_PARTICLE, HIDDEN2, OUT_DIM),
        "V1": _mlp_params(ks[7], 5, 5, 1),
        "V2": _mlp_params(ks[8], 5, 5, 1),
        "V3": _mlp_params(ks[9], 1, 5, 1),
        "V": _mlp_params(ks[10], 3, 5, 1),
        "T": _mlp_params(ks[11], 1, 10, 1),
    }
    return {"x": x, "edge_index": edge_index, "params": params}


def _forward(x, params, edge_index):
    n = N_PARTICLE
    q = x[:, 0:n]
    p = x[:, n:2 * n]
    senders = edge_index[0]
    receivers = edge_index[1]
    B = x.shape[0]

    def V_total(q_):
        position = q_[..., None]                                   # [B, n, 1]
        eij = (q_[:, senders] - q_[:, receivers])[..., None]       # [B, E, 1]
        edge_embed = _mlp(eij, params["edge_init"])               # [B, E, 5]
        node_up2 = _mlp(edge_embed, params["node_update"])        # [B, E, 5]
        agg = jnp.zeros((B, n, 5), node_up2.dtype).at[:, senders].add(node_up2)
        node_embed = agg                                            # [B, n, 5]
        node1 = node_embed[:, receivers, :] * node_embed[:, senders, :]
        node11 = _mlp(node1, params["edge_up1"])
        node12 = _mlp(node1, params["edge_up2"])
        ee1 = edge_embed + node11
        ee2 = edge_embed + node12
        ee = (ee1 + ee2) / 2.0
        v1 = _mlp(node_embed, params["V1"])                        # [B, n, 1]
        v2 = _mlp(ee, params["V2"])                                # [B, E, 1]
        vv = jnp.zeros((B, n, 1), v2.dtype).at[:, senders].add(v2)
        v3 = _mlp(position, params["V3"])                          # [B, n, 1]
        Vtheta = _mlp(jnp.concatenate([v1, vv, v3], axis=2), params["V"])  # [B, n, 1]
        h11 = Vtheta[..., 0]                                        # [B, n]
        Vth = _mlp(h11, params["net2"])                            # [B, out_dim]
        return Vth.sum()

    def T_total(p_):
        return _mlp(p_[..., None], params["T"]).sum()

    dT = jax.grad(T_total)(p)
    dV = jax.grad(V_total)(q)
    dvt = jnp.concatenate([dT, -dV], axis=1)
    return dvt


def reference(x, edge_index, params):
    return _forward(x, params, edge_index)

if __name__ == "__main__":
    import jax
    _d = setup_inputs()
    print(jax.jit(kernel)(*tuple(_d.values())))

</pallas_src>

<mosaic_0001>
#map = affine_map<(d0, d1) -> (0, 0)>
#map1 = affine_map<(d0, d1) -> (0)>
#map2 = affine_map<(d0, d1) -> (0, 0, 0)>
module attributes {stable_mosaic.version = 14 : i64} {
  func.func @body(%arg0: i32, %arg1: i32, %arg2: memref<4x10240xf32, #tpu.memory_space<hbm>>, %arg3: memref<655360xi32, #tpu.memory_space<hbm>>, %arg4: memref<655360xi32, #tpu.memory_space<hbm>>, %arg5: memref<4x1x655360xf32, #tpu.memory_space<hbm>>, %arg6: memref<10240xf32, #tpu.memory_space<vmem>>, %arg7: memref<2048xi32, #tpu.memory_space<vmem>>, %arg8: memref<2048xi32, #tpu.memory_space<vmem>>, %arg9: memref<1x2048xf32, #tpu.memory_space<vmem>>) attributes {dimension_semantics = [#tpu.dimension_semantics<core_parallel>, #tpu.dimension_semantics<subcore_parallel>], iteration_bounds = array<i64: 2, 16>, scalar_prefetch = 0 : i64, scratch_operands = 4 : i64, tpu.core_type = #tpu.core_type<sc_vector_subcore>, window_params = [{transform_indices = #map}, {transform_indices = #map1}, {transform_indices = #map1}, {transform_indices = #map2}]} {
    %mul3A = arith.constant 2 : i32
    %mul3A_0 = arith.muli %arg1, %mul3A : i32
    %add3A = arith.addi %mul3A_0, %arg0 : i32
    %mul3A_1 = arith.constant 20480 : i32
    %mul3A_2 = arith.muli %add3A, %mul3A_1 : i32
    %run_scoped3A = arith.constant 0 : i32
    "tpu.region"() ({
      %run_scoped3A_565 = tpu.sem_alloc : memref<!tpu.dma_semaphore, #tpu.memory_space<semaphore_mem>>
      %dma_start3A = arith.constant 0 : i32
      %dma_start3A_566 = tpu.memref_slice %arg2[%run_scoped3A, %dma_start3A] : memref<4x10240xf32, #tpu.memory_space<hbm>> -> memref<1x10240xf32, #tpu.memory_space<hbm>>
      %dma_start3A_567 = tpu.memref_squeeze %dma_start3A_566 : memref<1x10240xf32, #tpu.memory_space<hbm>> -> memref<10240xf32, #tpu.memory_space<hbm>>
      %dma_start3A_568 = arith.constant 0 : i32
      %dma_start3A_569 = tpu.memref_slice %arg2[%run_scoped3A, %dma_start3A_568] : memref<4x10240xf32, #tpu.memory_space<hbm>> -> memref<1x10240xf32, #tpu.memory_space<hbm>>
      %dma_start3A_570 = tpu.memref_squeeze %dma_start3A_569 : memref<1x10240xf32, #tpu.memory_space<hbm>> -> memref<10240xf32, #tpu.memory_space<hbm>>
      tpu.enqueue_dma source(%dma_start3A_570 : memref<10240xf32, #tpu.memory_space<hbm>>) target(%arg6 : memref<10240xf32, #tpu.memory_space<vmem>>) target_semaphore(%run_scoped3A_565 : memref<!tpu.dma_semaphore, #tpu.memory_space<semaphore_mem>>)
      %dma_wait3A = arith.constant 0 : i32
      %dma_wait3A_571 = tpu.memref_slice %arg2[%run_scoped3A, %dma_wait3A] : memref<4x10240xf32, #tpu.memory_space<hbm>> -> memref<1x10240xf32, #tpu.memory_space<hbm>>
      %dma_wait3A_572 = tpu.memref_squeeze %dma_wait3A_571 : memref<1x10240xf32, #tpu.memory_space<hbm>> -> memref<10240xf32, #tpu.memory_space<hbm>>
      %dma_wait3A_573 = arith.constant 0 : i32
      %dma_wait3A_574 = tpu.memref_slice %arg2[%run_scoped3A, %dma_wait3A_573] : memref<4x10240xf32, #tpu.memory_space<hbm>> -> memref<1x10240xf32, #tpu.memory_space<hbm>>
      %dma_wait3A_575 = tpu.memref_squeeze %dma_wait3A_574 : memref<1x10240xf32, #tpu.memory_space<hbm>> -> memref<10240xf32, #tpu.memory_space<hbm>>
      tpu.wait_dma2 semaphore(%run_scoped3A_565 : memref<!tpu.dma_semaphore, #tpu.memory_space<semaphore_mem>>) src(%dma_wait3A_575 : memref<10240xf32, #tpu.memory_space<hbm>>) dst(%arg6 : memref<10240xf32, #tpu.memory_space<vmem>>)
      tpu.yield
    }) : () -> ()
    %add3A_3 = arith.constant 0 : i32
    %add3A_4 = arith.addi %mul3A_2, %add3A_3 : i32
    "tpu.region"() ({
      %run_scoped3A_565 = tpu.sem_alloc : memref<!tpu.dma_semaphore, #tpu.memory_space<semaphore_mem>>
      %dma_start3A = tpu.memref_slice %arg3[%add3A_4] : memref<655360xi32, #tpu.memory_space<hbm>> -> memref<2048xi32, #tpu.memory_space<hbm>>
      %dma_start3A_566 = tpu.memref_slice %arg3[%add3A_4] : memref<655360xi32, #tpu.memory_space<hbm>> -> memref<2048xi32, #tpu.memory_space<hbm>>
      tpu.enqueue_dma source(%dma_start3A_566 : memref<2048xi32, #tpu.memory_space<hbm>>) target(%arg7 : memref<2048xi32, #tpu.memory_space<vmem>>) target_semaphore(%run_scoped3A_565 : memref<!tpu.dma_semaphore, #tpu.memory_space<semaphore_mem>>)
      %dma_wait3A = tpu.memref_slice %arg3[%add3A_4] : memref<655360xi32, #tpu.memory_space<hbm>> -> memref<2048xi32, #tpu.memory_space<hbm>>
      %dma_wait3A_567 = tpu.memref_slice %arg3[%add3A_4] : memref<655360xi32, #tpu.memory_space<hbm>> -> memref<2048xi32, #tpu.memory_space<hbm>>
      tpu.wait_dma2 semaphore(%run_scoped3A_565 : memref<!tpu.dma_semaphore, #tpu.memory_space<semaphore_mem>>) src(%dma_wait3A_567 : memref<2048xi32, #tpu.memory_space<hbm>>) dst(%arg7 : memref<2048xi32, #tpu.memory_space<vmem>>)
      tpu.yield
    }) : () -> ()
    %add3A_5 = arith.constant 0 : i32
    %add3A_6 = arith.addi %mul3A_2, %add3A_5 : i32
    "tpu.region"() ({
      %run_scoped3A_565 = tpu.sem_alloc : memref<!tpu.dma_semaphore, #tpu.memory_space<semaphore_mem>>
      %dma_start3A = tpu.memref_slice %arg4[%add3A_6] : memref<655360xi32, #tpu.memory_space<hbm>> -> memref<2048xi32, #tpu.memory_space<hbm>>
      %dma_start3A_566 = tpu.memref_slice %arg4[%add3A_6] : memref<655360xi32, #tpu.memory_space<hbm>> -> memref<2048xi32, #tpu.memory_space<hbm>>
      tpu.enqueue_dma source(%dma_start3A_566 : memref<2048xi32, #tpu.memory_space<hbm>>) target(%arg8 : memref<2048xi32, #tpu.memory_space<vmem>>) target_semaphore(%run_scoped3A_565 : memref<!tpu.dma_semaphore, #tpu.memory_space<semaphore_mem>>)
      %dma_wait3A = tpu.memref_slice %arg4[%add3A_6] : memref<655360xi32, #tpu.memory_space<hbm>> -> memref<2048xi32, #tpu.memory_space<hbm>>
      %dma_wait3A_567 = tpu.memref_slice %arg4[%add3A_6] : memref<655360xi32, #tpu.memory_space<hbm>> -> memref<2048xi32, #tpu.memory_space<hbm>>
      tpu.wait_dma2 semaphore(%run_scoped3A_565 : memref<!tpu.dma_semaphore, #tpu.memory_space<semaphore_mem>>) src(%dma_wait3A_567 : memref<2048xi32, #tpu.memory_space<hbm>>) dst(%arg8 : memref<2048xi32, #tpu.memory_space<vmem>>)
      tpu.yield
    }) : () -> ()
    %scan3A = arith.constant 0 : i32
    %scan3A_7 = arith.constant 0 : i32
    %scan3A_8 = arith.constant 128 : i32
    %scan3A_9 = arith.addi %scan3A_7, %scan3A_8 : i32
    %scan3A_10 = arith.constant 1 : i32
    %scan3A_11 = scf.for %scan3A_565 = %scan3A_7 to %scan3A_9 step %scan3A_10 iter_args(%scan3A_566 = %scan3A) -> (i32)  : i32 {
      %mul3A_567 = arith.constant 16 : i32
      %mul3A_568 = arith.muli %scan3A_565, %mul3A_567 : i32
      %get3A = arith.index_cast %mul3A_568 : i32 to index
      %get3A_569 = tpu.vector_load %arg7[%get3A] {strides = array<i32>} : memref<2048xi32, #tpu.memory_space<vmem>>, vector<16xi32>,
      %add3A_570 = arith.constant 0 : i32
      %add3A_571 = vector.broadcast %add3A_570 : i32 to vector<16xi32>
      %add3A_572 = arith.addi %get3A_569, %add3A_571 : vector<16xi32>
      %gather3A = tpu.vector_load_idx %arg6[%add3A_572] : memref<10240xf32, #tpu.memory_space<vmem>>[vector<16xi32>], vector<16xf32>,
      %mul3A_573 = arith.constant 16 : i32
      %mul3A_574 = arith.muli %scan3A_565, %mul3A_573 : i32
      %get3A_575 = arith.index_cast %mul3A_574 : i32 to index
      %get3A_576 = tpu.vector_load %arg8[%get3A_575] {strides = array<i32>} : memref<2048xi32, #tpu.memory_space<vmem>>, vector<16xi32>,
      %add3A_577 = arith.constant 0 : i32
      %add3A_578 = vector.broadcast %add3A_577 : i32 to vector<16xi32>
      %add3A_579 = arith.addi %get3A_576, %add3A_578 : vector<16xi32>
      %gather3A_580 = tpu.vector_load_idx %arg6[%add3A_579] : memref<10240xf32, #tpu.memory_space<vmem>>[vector<16xi32>], vector<16xf32>,
      %sub3A = arith.subf %gather3A, %gather3A_580 : vector<16xf32>
      %mul3A_581 = arith.constant 16 : i32
      %mul3A_582 = arith.muli %scan3A_565, %mul3A_581 : i32
      %swap3A = arith.constant 0 : i32
      %swap3A_583 = arith.index_cast %swap3A : i32 to index
      %swap3A_584 = arith.index_cast %mul3A_582 : i32 to index
      %swap3A_585 = tpu.vector_load %arg9[%swap3A_583, %swap3A_584] {strides = array<i32>} : memref<1x2048xf32, #tpu.memory_space<vmem>>, vector<16xf32>,
      tpu.vector_store %arg9[%swap3A_583, %swap3A_584], %sub3A {strides = array<i32>} : memref<1x2048xf32, #tpu.memory_space<vmem>>, vector<16xf32>,
      %scan3A_586 = arith.constant 0 : i32
      scf.yield %scan3A_586 : i32
    }
    %scan3A_12 = arith.constant 128 : i32
    %add3A_13 = arith.constant 0 : i32
    %add3A_14 = arith.addi %mul3A_2, %add3A_13 : i32
    %run_scoped3A_15 = arith.constant 0 : i32
    "tpu.region"() ({
      %run_scoped3A_565 = tpu.sem_alloc : memref<!tpu.dma_semaphore, #tpu.memory_space<semaphore_mem>>
      %dma_start3A = arith.constant 0 : i32
      %dma_start3A_566 = tpu.memref_slice %arg5[%run_scoped3A_15, %dma_start3A, %add3A_14] : memref<4x1x655360xf32, #tpu.memory_space<hbm>> -> memref<1x1x2048xf32, #tpu.memory_space<hbm>>
      %dma_start3A_567 = tpu.memref_squeeze %dma_start3A_566 : memref<1x1x2048xf32, #tpu.memory_space<hbm>> -> memref<1x2048xf32, #tpu.memory_space<hbm>>
      %dma_start3A_568 = arith.constant 0 : i32
      %dma_start3A_569 = tpu.memref_slice %arg5[%run_scoped3A_15, %dma_start3A_568, %add3A_14] : memref<4x1x655360xf32, #tpu.memory_space<hbm>> -> memref<1x1x2048xf32, #tpu.memory_space<hbm>>
      %dma_start3A_570 = tpu.memref_squeeze %dma_start3A_569 : memref<1x1x2048xf32, #tpu.memory_space<hbm>> -> memref<1x2048xf32, #tpu.memory_space<hbm>>
      tpu.enqueue_dma source(%arg9 : memref<1x2048xf32, #tpu.memory_space<vmem>>) target(%dma_start3A_570 : memref<1x2048xf32, #tpu.memory_space<hbm>>) target_semaphore(%run_scoped3A_565 : memref<!tpu.dma_semaphore, #tpu.memory_space<semaphore_mem>>)
      %dma_wait3A = arith.constant 0 : i32
      %dma_wait3A_571 = tpu.memref_slice %arg5[%run_scoped3A_15, %dma_wait3A, %add3A_14] : memref<4x1x655360xf32, #tpu.memory_space<hbm>> -> memref<1x1x2048xf32, #tpu.memory_space<hbm>>
      %dma_wait3A_572 = tpu.memref_squeeze %dma_wait3A_571 : memref<1x1x2048xf32, #tpu.memory_space<hbm>> -> memref<1x2048xf32, #tpu.memory_space<hbm>>
      %dma_wait3A_573 = arith.constant 0 : i32
      %dma_wait3A_574 = tpu.memref_slice %arg5[%run_scoped3A_15, %dma_wait3A_573, %add3A_14] : memref<4x1x655360xf32, #tpu.memory_space<hbm>> -> memref<1x1x2048xf32, #tpu.memory_space<hbm>>
      %dma_wait3A_575 = tpu.memref_squeeze %dma_wait3A_574 : memref<1x1x2048xf32, #tpu.memory_space<hbm>> -> memref<1x2048xf32, #tpu.memory_space<hbm>>
      tpu.wait_dma2 semaphore(%run_scoped3A_565 : memref<!tpu.dma_semaphore, #tpu.memory_space<semaphore_mem>>) src(%arg9 : memref<1x2048xf32, #tpu.memory_space<vmem>>) dst(%dma_wait3A_575 : memref<1x2048xf32, #tpu.memory_space<hbm>>)
      tpu.yield
    }) : () -> ()
    %add3A_16 = arith.constant 2048 : i32
    %add3A_17 = arith.addi %mul3A_2, %add3A_16 : i32
    "tpu.region"() ({
      %run_scoped3A_565 = tpu.sem_alloc : memref<!tpu.dma_semaphore, #tpu.memory_space<semaphore_mem>>
      %dma_start3A = tpu.memref_slice %arg3[%add3A_17] : memref<655360xi32, #tpu.memory_space<hbm>> -> memref<2048xi32, #tpu.memory_space<hbm>>
      %dma_start3A_566 = tpu.memref_slice %arg3[%add3A_17] : memref<655360xi32, #tpu.memory_space<hbm>> -> memref<2048xi32, #tpu.memory_space<hbm>>
      tpu.enqueue_dma source(%dma_start3A_566 : memref<2048xi32, #tpu.memory_space<hbm>>) target(%arg7 : memref<2048xi32, #tpu.memory_space<vmem>>) target_semaphore(%run_scoped3A_565 : memref<!tpu.dma_semaphore, #tpu.memory_space<semaphore_mem>>)
      %dma_wait3A = tpu.memref_slice %arg3[%add3A_17] : memref<655360xi32, #tpu.memory_space<hbm>> -> memref<2048xi32, #tpu.memory_space<hbm>>
      %dma_wait3A_567 = tpu.memref_slice %arg3[%add3A_17] : memref<655360xi32, #tpu.memory_space<hbm>> -> memref<2048xi32, #tpu.memory_space<hbm>>
      tpu.wait_dma2 semaphore(%run_scoped3A_565 : memref<!tpu.dma_semaphore, #tpu.memory_space<semaphore_mem>>) src(%dma_wait3A_567 : memref<2048xi32, #tpu.memory_space<hbm>>) dst(%arg7 : memref<2048xi32, #tpu.memory_space<vmem>>)
      tpu.yield
    }) : () -> ()
    %add3A_18 = arith.constant 2048 : i32
    %add3A_19 = arith.addi %mul3A_2, %add3A_18 : i32
    "tpu.region"() ({
      %run_scoped3A_565 = tpu.sem_alloc : memref<!tpu.dma_semaphore, #tpu.memory_space<semaphore_mem>>
      %dma_start3A = tpu.memref_slice %arg4[%add3A_19] : memref<655360xi32, #tpu.memory_space<hbm>> -> memref<2048xi32, #tpu.memory_space<hbm>>
      %dma_start3A_566 = tpu.memref_slice %arg4[%add3A_19] : memref<655360xi32, #tpu.memory_space<hbm>> -> memref<2048xi32, #tpu.memory_space<hbm>>
      tpu.enqueue_dma source(%dma_start3A_566 : memref<2048xi32, #tpu.memory_space<hbm>>) target(%arg8 : memref<2048xi32, #tpu.memory_space<vmem>>) target_semaphore(%run_scoped3A_565 : memref<!tpu.dma_semaphore, #tpu.memory_space<semaphore_mem>>)
      %dma_wait3A = tpu.memref_slice %arg4[%add3A_19] : memref<655360xi32, #tpu.memory_space<hbm>> -> memref<2048xi32, #tpu.memory_space<hbm>>
      %dma_wait3A_567 = tpu.memref_slice %arg4[%add3A_19] : memref<655360xi32, #tpu.memory_space<hbm>> -> memref<2048xi32, #tpu.memory_space<hbm>>
      tpu.wait_dma2 semaphore(%run_scoped3A_565 : memref<!tpu.dma_semaphore, #tpu.memory_space<semaphore_mem>>) src(%dma_wait3A_567 : memref<2048xi32, #tpu.memory_space<hbm>>) dst(%arg8 : memref<2048xi32, #tpu.memory_space<vmem>>)
      tpu.yield
    }) : () -> ()
    %scan3A_20 = arith.constant 0 : i32
    %scan3A_21 = arith.constant 0 : i32
    %scan3A_22 = arith.constant 128 : i32
    %scan3A_23 = arith.addi %scan3A_21, %scan3A_22 : i32
    %scan3A_24 = arith.constant 1 : i32
    %scan3A_25 = scf.for %scan3A_565 = %scan3A_21 to %scan3A_23 step %scan3A_24 iter_args(%scan3A_566 = %scan3A_20) -> (i32)  : i32 {
      %mul3A_567 = arith.constant 16 : i32
      %mul3A_568 = arith.muli %scan3A_565, %mul3A_567 : i32
      %get3A = arith.index_cast %mul3A_568 : i32 to index
      %get3A_569 = tpu.vector_load %arg7[%get3A] {strides = array<i32>} : memref<2048xi32, #tpu.memory_space<vmem>>, vector<16xi32>,
      %add3A_570 = arith.constant 0 : i32
      %add3A_571 = vector.broadcast %add3A_570 : i32 to vector<16xi32>
      %add3A_572 = arith.addi %get3A_569, %add3A_571 : vector<16xi32>
      %gather3A = tpu.vector_load_idx %arg6[%add3A_572] : memref<10240xf32, #tpu.memory_space<vmem>>[vector<16xi32>], vector<16xf32>,
      %mul3A_573 = arith.constant 16 : i32
      %mul3A_574 = arith.muli %scan3A_565, %mul3A_573 : i32
      %get3A_575 = arith.index_cast %mul3A_574 : i32 to index
      %get3A_576 = tpu.vector_load %arg8[%get3A_575] {strides = array<i32>} : memref<2048xi32, #tpu.memory_space<vmem>>, vector<16xi32>,
      %add3A_577 = arith.constant 0 : i32
      %add3A_578 = vector.broadcast %add3A_577 : i32 to vector<16xi32>
      %add3A_579 = arith.addi %get3A_576, %add3A_578 : vector<16xi32>
      %gather3A_580 = tpu.vector_load_idx %arg6[%add3A_579] : memref<10240xf32, #tpu.memory_space<vmem>>[vector<16xi32>], vector<16xf32>,
      %sub3A = arith.subf %gather3A, %gather3A_580 : vector<16xf32>
      %mul3A_581 = arith.constant 16 : i32
      %mul3A_582 = arith.muli %scan3A_565, %mul3A_581 : i32
      %swap3A = arith.constant 0 : i32
      %swap3A_583 = arith.index_cast %swap3A : i32 to index
      %swap3A_584 = arith.index_cast %mul3A_582 : i32 to index
      %swap3A_585 = tpu.vector_load %arg9[%swap3A_583, %swap3A_584] {strides = array<i32>} : memref<1x2048xf32, #tpu.memory_space<vmem>>, vector<16xf32>,
      tpu.vector_store %arg9[%swap3A_583, %swap3A_584], %sub3A {strides = array<i32>} : memref<1x2048xf32, #tpu.memory_space<vmem>>, vector<16xf32>,
      %scan3A_586 = arith.constant 0 : i32
      scf.yield %scan3A_586 : i32
    }
    %scan3A_26 = arith.constant 128 : i32
    %add3A_27 = arith.constant 2048 : i32
    %add3A_28 = arith.addi %mul3A_2, %add3A_27 : i32
    %run_scoped3A_29 = arith.constant 0 : i32
    "tpu.region"() ({
      %run_scoped3A_565 = tpu.sem_alloc : memref<!tpu.dma_semaphore, #tpu.memory_space<semaphore_mem>>
      %dma_start3A = arith.constant 0 : i32
      %dma_start3A_566 = tpu.memref_slice %arg5[%run_scoped3A_29, %dma_start3A, %add3A_28] : memref<4x1x655360xf32, #tpu.memory_space<hbm>> -> memref<1x1x2048xf32, #tpu.memory_space<hbm>>
      %dma_start3A_567 = tpu.memref_squeeze %dma_start3A_566 : memref<1x1x2048xf32, #tpu.memory_space<hbm>> -> memref<1x2048xf32, #tpu.memory_space<hbm>>
      %dma_start3A_568 = arith.constant 0 : i32
      %dma_start3A_569 = tpu.memref_slice %arg5[%run_scoped3A_29, %dma_start3A_568, %add3A_28] : memref<4x1x655360xf32, #tpu.memory_space<hbm>> -> memref<1x1x2048xf32, #tpu.memory_space<hbm>>
      %dma_start3A_570 = tpu.memref_squeeze %dma_start3A_569 : memref<1x1x2048xf32, #tpu.memory_space<hbm>> -> memref<1x2048xf32, #tpu.memory_space<hbm>>
      tpu.enqueue_dma source(%arg9 : memref<1x2048xf32, #tpu.memory_space<vmem>>) target(%dma_start3A_570 : memref<1x2048xf32, #tpu.memory_space<hbm>>) target_semaphore(%run_scoped3A_565 : memref<!tpu.dma_semaphore, #tpu.memory_space<semaphore_mem>>)
      %dma_wait3A = arith.constant 0 : i32
      %dma_wait3A_571 = tpu.memref_slice %arg5[%run_scoped3A_29, %dma_wait3A, %add3A_28] : memref<4x1x655360xf32, #tpu.memory_space<hbm>> -> memref<1x1x2048xf32, #tpu.memory_space<hbm>>
      %dma_wait3A_572 = tpu.memref_squeeze %dma_wait3A_571 : memref<1x1x2048xf32, #tpu.memory_space<hbm>> -> memref<1x2048xf32, #tpu.memory_space<hbm>>
      %dma_wait3A_573 = arith.constant 0 : i32
      %dma_wait3A_574 = tpu.memref_slice %arg5[%run_scoped3A_29, %dma_wait3A_573, %add3A_28] : memref<4x1x655360xf32, #tpu.memory_space<hbm>> -> memref<1x1x2048xf32, #tpu.memory_space<hbm>>
      %dma_wait3A_575 = tpu.memref_squeeze %dma_wait3A_574 : memref<1x1x2048xf32, #tpu.memory_space<hbm>> -> memref<1x2048xf32, #tpu.memory_space<hbm>>
      tpu.wait_dma2 semaphore(%run_scoped3A_565 : memref<!tpu.dma_semaphore, #tpu.memory_space<semaphore_mem>>) src(%arg9 : memref<1x2048xf32, #tpu.memory_space<vmem>>) dst(%dma_wait3A_575 : memref<1x2048xf32, #tpu.memory_space<hbm>>)
      tpu.yield
    }) : () -> ()
    %add3A_30 = arith.constant 4096 : i32
    %add3A_31 = arith.addi %mul3A_2, %add3A_30 : i32
    "tpu.region"() ({
      %run_scoped3A_565 = tpu.sem_alloc : memref<!tpu.dma_semaphore, #tpu.memory_space<semaphore_mem>>
      %dma_start3A = tpu.memref_slice %arg3[%add3A_31] : memref<655360xi32, #tpu.memory_space<hbm>> -> memref<2048xi32, #tpu.memory_space<hbm>>
      %dma_start3A_566 = tpu.memref_slice %arg3[%add3A_31] : memref<655360xi32, #tpu.memory_space<hbm>> -> memref<2048xi32, #tpu.memory_space<hbm>>
      tpu.enqueue_dma source(%dma_start3A_566 : memref<2048xi32, #tpu.memory_space<hbm>>) target(%arg7 : memref<2048xi32, #tpu.memory_space<vmem>>) target_semaphore(%run_scoped3A_565 : memref<!tpu.dma_semaphore, #tpu.memory_space<semaphore_mem>>)
      %dma_wait3A = tpu.memref_slice %arg3[%add3A_31] : memref<655360xi32, #tpu.memory_space<hbm>> -> memref<2048xi32, #tpu.memory_space<hbm>>
      %dma_wait3A_567 = tpu.memref_slice %arg3[%add3A_31] : memref<655360xi32, #tpu.memory_space<hbm>> -> memref<2048xi32, #tpu.memory_space<hbm>>
      tpu.wait_dma2 semaphore(%run_scoped3A_565 : memref<!tpu.dma_semaphore, #tpu.memory_space<semaphore_mem>>) src(%dma_wait3A_567 : memref<2048xi32, #tpu.memory_space<hbm>>) dst(%arg7 : memref<2048xi32, #tpu.memory_space<vmem>>)
      tpu.yield
    }) : () -> ()
    %add3A_32 = arith.constant 4096 : i32
    %add3A_33 = arith.addi %mul3A_2, %add3A_32 : i32
    "tpu.region"() ({
      %run_scoped3A_565 = tpu.sem_alloc : memref<!tpu.dma_semaphore, #tpu.memory_space<semaphore_mem>>
      %dma_start3A = tpu.memref_slice %arg4[%add3A_33] : memref<655360xi32, #tpu.memory_space<hbm>> -> memref<2048xi32, #tpu.memory_space<hbm>>
      %dma_start3A_566 = tpu.memref_slice %arg4[%add3A_33] : memref<655360xi32, #tpu.memory_space<hbm>> -> memref<2048xi32, #tpu.memory_space<hbm>>
      tpu.enqueue_dma source(%dma_start3A_566 : memref<2048xi32, #tpu.memory_space<hbm>>) target(%arg8 : memref<2048xi32, #tpu.memory_space<vmem>>) target_semaphore(%run_scoped3A_565 : memref<!tpu.dma_semaphore, #tpu.memory_space<semaphore_mem>>)
      %dma_wait3A = tpu.memref_slice %arg4[%add3A_33] : memref<655360xi32, #tpu.memory_space<hbm>> -> memref<2048xi32, #tpu.memory_space<hbm>>
      %dma_wait3A_567 = tpu.memref_slice %arg4[%add3A_33] : memref<655360xi32, #tpu.memory_space<hbm>> -> memref<2048xi32, #tpu.memory_space<hbm>>
      tpu.wait_dma2 semaphore(%run_scoped3A_565 : memref<!tpu.dma_semaphore, #tpu.memory_space<semaphore_mem>>) src(%dma_wait3A_567 : memref<2048xi32, #tpu.memory_space<hbm>>) dst(%arg8 : memref<2048xi32, #tpu.memory_space<vmem>>)
      tpu.yield
    }) : () -> ()
    %scan3A_34 = arith.constant 0 : i32
    %scan3A_35 = arith.constant 0 : i32
    %scan3A_36 = arith.constant 128 : i32
    %scan3A_37 = arith.addi %scan3A_35, %scan3A_36 : i32
    %scan3A_38 = arith.constant 1 : i32
    %scan3A_39 = scf.for %scan3A_565 = %scan3A_35 to %scan3A_37 step %scan3A_38 iter_args(%scan3A_566 = %scan3A_34) -> (i32)  : i32 {
      %mul3A_567 = arith.constant 16 : i32
      %mul3A_568 = arith.muli %scan3A_565, %mul3A_567 : i32
      %get3A = arith.index_cast %mul3A_568 : i32 to index
      %get3A_569 = tpu.vector_load %arg7[%get3A] {strides = array<i32>} : memref<2048xi32, #tpu.memory_space<vmem>>, vector<16xi32>,
      %add3A_570 = arith.constant 0 : i32
      %add3A_571 = vector.broadcast %add3A_570 : i32 to vector<16xi32>
      %add3A_572 = arith.addi %get3A_569, %add3A_571 : vector<16xi32>
      %gather3A = tpu.vector_load_idx %arg6[%add3A_572] : memref<10240xf32, #tpu.memory_space<vmem>>[vector<16xi32>], vector<16xf32>,
      %mul3A_573 = arith.constant 16 : i32
      %mul3A_574 = arith.muli %scan3A_565, %mul3A_573 : i32
      %get3A_575 = arith.index_cast %mul3A_574 : i32 to index
      %get3A_576 = tpu.vector_load %arg8[%get3A_575] {strides = array<i32>} : memref<2048xi32, #tpu.memory_space<vmem>>, vector<16xi32>,
      %add3A_577 = arith.constant 0 : i32
      %add3A_578 = vector.broadcast %add3A_577 : i32 to vector<16xi32>
      %add3A_579 = arith.addi %get3A_576, %add3A_578 : vector<16xi32>
      %gather3A_580 = tpu.vector_load_idx %arg6[%add3A_579] : memref<10240xf32, #tpu.memory_space<vmem>>[vector<16xi32>], vector<16xf32>,
      %sub3A = arith.subf %gather3A, %gather3A_580 : vector<16xf32>
      %mul3A_581 = arith.constant 16 : i32
      %mul3A_582 = arith.muli %scan3A_565, %mul3A_581 : i32
      %swap3A = arith.constant 0 : i32
      %swap3A_583 = arith.index_cast %swap3A : i32 to index
      %swap3A_584 = arith.index_cast %mul3A_582 : i32 to index
      %swap3A_585 = tpu.vector_load %arg9[%swap3A_583, %swap3A_584] {strides = array<i32>} : memref<1x2048xf32, #tpu.memory_space<vmem>>, vector<16xf32>,
      tpu.vector_store %arg9[%swap3A_583, %swap3A_584], %sub3A {strides = array<i32>} : memref<1x2048xf32, #tpu.memory_space<vmem>>, vector<16xf32>,
      %scan3A_586 = arith.constant 0 : i32
      scf.yield %scan3A_586 : i32
    }
    %scan3A_40 = arith.constant 128 : i32
    %add3A_41 = arith.constant 4096 : i32
    %add3A_42 = arith.addi %mul3A_2, %add3A_41 : i32
    %run_scoped3A_43 = arith.constant 0 : i32
    "tpu.region"() ({
      %run_scoped3A_565 = tpu.sem_alloc : memref<!tpu.dma_semaphore, #tpu.memory_space<semaphore_mem>>
      %dma_start3A = arith.constant 0 : i32
      %dma_start3A_566 = tpu.memref_slice %arg5[%run_scoped3A_43, %dma_start3A, %add3A_42] : memref<4x1x655360xf32, #tpu.memory_space<hbm>> -> memref<1x1x2048xf32, #tpu.memory_space<hbm>>
      %dma_start3A_567 = tpu.memref_squeeze %dma_start3A_566 : memref<1x1x2048xf32, #tpu.memory_space<hbm>> -> memref<1x2048xf32, #tpu.memory_space<hbm>>
      %dma_start3A_568 = arith.constant 0 : i32
      %dma_start3A_569 = tpu.memref_slice %arg5[%run_scoped3A_43, %dma_start3A_568, %add3A_42] : memref<4x1x655360xf32, #tpu.memory_space<hbm>> -> memref<1x1x2048xf32, #tpu.memory_space<hbm>>
      %dma_start3A_570 = tpu.memref_squeeze %dma_start3A_569 : memref<1x1x2048xf32, #tpu.memory_space<hbm>> -> memref<1x2048xf32, #tpu.memory_space<hbm>>
      tpu.enqueue_dma source(%arg9 : memref<1x2048xf32, #tpu.memory_space<vmem>>) target(%dma_start3A_570 : memref<1x2048xf32, #tpu.memory_space<hbm>>) target_semaphore(%run_scoped3A_565 : memref<!tpu.dma_semaphore, #tpu.memory_space<semaphore_mem>>)
      %dma_wait3A = arith.constant 0 : i32
      %dma_wait3A_571 = tpu.memref_slice %arg5[%run_scoped3A_43, %dma_wait3A, %add3A_42] : memref<4x1x655360xf32, #tpu.memory_space<hbm>> -> memref<1x1x2048xf32, #tpu.memory_space<hbm>>
      %dma_wait3A_572 = tpu.memref_squeeze %dma_wait3A_571 : memref<1x1x2048xf32, #tpu.memory_space<hbm>> -> memref<1x2048xf32, #tpu.memory_space<hbm>>
      %dma_wait3A_573 = arith.constant 0 : i32
      %dma_wait3A_574 = tpu.memref_slice %arg5[%run_scoped3A_43, %dma_wait3A_573, %add3A_42] : memref<4x1x655360xf32, #tpu.memory_space<hbm>> -> memref<1x1x2048xf32, #tpu.memory_space<hbm>>
      %dma_wait3A_575 = tpu.memref_squeeze %dma_wait3A_574 : memref<1x1x2048xf32, #tpu.memory_space<hbm>> -> memref<1x2048xf32, #tpu.memory_space<hbm>>
      tpu.wait_dma2 semaphore(%run_scoped3A_565 : memref<!tpu.dma_semaphore, #tpu.memory_space<semaphore_mem>>) src(%arg9 : memref<1x2048xf32, #tpu.memory_space<vmem>>) dst(%dma_wait3A_575 : memref<1x2048xf32, #tpu.memory_space<hbm>>)
      tpu.yield
    }) : () -> ()
    %add3A_44 = arith.constant 6144 : i32
    %add3A_45 = arith.addi %mul3A_2, %add3A_44 : i32
    "tpu.region"() ({
      %run_scoped3A_565 = tpu.sem_alloc : memref<!tpu.dma_semaphore, #tpu.memory_space<semaphore_mem>>
      %dma_start3A = tpu.memref_slice %arg3[%add3A_45] : memref<655360xi32, #tpu.memory_space<hbm>> -> memref<2048xi32, #tpu.memory_space<hbm>>
      %dma_start3A_566 = tpu.memref_slice %arg3[%add3A_45] : memref<655360xi32, #tpu.memory_space<hbm>> -> memref<2048xi32, #tpu.memory_space<hbm>>
      tpu.enqueue_dma source(%dma_start3A_566 : memref<2048xi32, #tpu.memory_space<hbm>>) target(%arg7 : memref<2048xi32, #tpu.memory_space<vmem>>) target_semaphore(%run_scoped3A_565 : memref<!tpu.dma_semaphore, #tpu.memory_space<semaphore_mem>>)
      %dma_wait3A = tpu.memref_slice %arg3[%add3A_45] : memref<655360xi32, #tpu.memory_space<hbm>> -> memref<2048xi32, #tpu.memory_space<hbm>>
      %dma_wait3A_567 = tpu.memref_slice %arg3[%add3A_45] : memref<655360xi32, #tpu.memory_space<hbm>> -> memref<2048xi32, #tpu.memory_space<hbm>>
      tpu.wait_dma2 semaphore(%run_scoped3A_565 : memref<!tpu.dma_semaphore, #tpu.memory_space<semaphore_mem>>) src(%dma_wait3A_567 : memref<2048xi32, #tpu.memory_space<hbm>>) dst(%arg7 : memref<2048xi32, #tpu.memory_space<vmem>>)
      tpu.yield
    }) : () -> ()
    %add3A_46 = arith.constant 6144 : i32
    %add3A_47 = arith.addi %mul3A_2, %add3A_46 : i32
    "tpu.region"() ({
      %run_scoped3A_565 = tpu.sem_alloc : memref<!tpu.dma_semaphore, #tpu.memory_space<semaphore_mem>>
      %dma_start3A = tpu.memref_slice %arg4[%add3A_47] : memref<655360xi32, #tpu.memory_space<hbm>> -> memref<2048xi32, #tpu.memory_space<hbm>>
      %dma_start3A_566 = tpu.memref_slice %arg4[%add3A_47] : memref<655360xi32, #tpu.memory_space<hbm>> -> memref<2048xi32, #tpu.memory_space<hbm>>
      tpu.enqueue_dma source(%dma_start3A_566 : memref<2048xi32, #tpu.memory_space<hbm>>) target(%arg8 : memref<2048xi32, #tpu.memory_space<vmem>>) target_semaphore(%run_scoped3A_565 : memref<!tpu.dma_semaphore, #tpu.memory_space<semaphore_mem>>)
      %dma_wait3A = tpu.memref_slice %arg4[%add3A_47] : memref<655360xi32, #tpu.memory_space<hbm>> -> memref<2048xi32, #tpu.memory_space<hbm>>
      %dma_wait3A_567 = tpu.memref_slice %arg4[%add3A_47] : memref<655360xi32, #tpu.memory_space<hbm>> -> memref<2048xi32, #tpu.memory_space<hbm>>
      tpu.wait_dma2 semaphore(%run_scoped3A_565 : memref<!tpu.dma_semaphore, #tpu.memory_space<semaphore_mem>>) src(%dma_wait3A_567 : memref<2048xi32, #tpu.memory_space<hbm>>) dst(%arg8 : memref<2048xi32, #tpu.memory_space<vmem>>)
      tpu.yield
    }) : () -> ()
    %scan3A_48 = arith.constant 0 : i32
    %scan3A_49 = arith.constant 0 : i32
    %scan3A_50 = arith.constant 128 : i32
    %scan3A_51 = arith.addi %scan3A_49, %scan3A_50 : i32
    %scan3A_52 = arith.constant 1 : i32
    %scan3A_53 = scf.for %scan3A_565 = %scan3A_49 to %scan3A_51 step %scan3A_52 iter_args(%scan3A_566 = %scan3A_48) -> (i32)  : i32 {
      %mul3A_567 = arith.constant 16 : i32
      %mul3A_568 = arith.muli %scan3A_565, %mul3A_567 : i32
      %get3A = arith.index_cast %mul3A_568 : i32 to index
      %get3A_569 = tpu.vector_load %arg7[%get3A] {strides = array<i32>} : memref<2048xi32, #tpu.memory_space<vmem>>, vector<16xi32>,
      %add3A_570 = arith.constant 0 : i32
      %add3A_571 = vector.broadcast %add3A_570 : i32 to vector<16xi32>
      %add3A_572 = arith.addi %get3A_569, %add3A_571 : vector<16xi32>
      %gather3A = tpu.vector_load_idx %arg6[%add3A_572] : memref<10240xf32, #tpu.memory_space<vmem>>[vector<16xi32>], vector<16xf32>,
      %mul3A_573 = arith.constant 16 : i32
      %mul3A_574 = arith.muli %scan3A_565, %mul3A_573 : i32
      %get3A_575 = arith.index_cast %mul3A_574 : i32 to index
      %get3A_576 = tpu.vector_load %arg8[%get3A_575] {strides = array<i32>} : memref<2048xi32, #tpu.memory_space<vmem>>, vector<16xi32>,
      %add3A_577 = arith.constant 0 : i32
      %add3A_578 = vector.broadcast %add3A_577 : i32 to vector<16xi32>
      %add3A_579 = arith.addi %get3A_576, %add3A_578 : vector<16xi32>
      %gather3A_580 = tpu.vector_load_idx %arg6[%add3A_579] : memref<10240xf32, #tpu.memory_space<vmem>>[vector<16xi32>], vector<16xf32>,
      %sub3A = arith.subf %gather3A, %gather3A_580 : vector<16xf32>
      %mul3A_581 = arith.constant 16 : i32
      %mul3A_582 = arith.muli %scan3A_565, %mul3A_581 : i32
      %swap3A = arith.constant 0 : i32
      %swap3A_583 = arith.index_cast %swap3A : i32 to index
      %swap3A_584 = arith.index_cast %mul3A_582 : i32 to index
      %swap3A_585 = tpu.vector_load %arg9[%swap3A_583, %swap3A_584] {strides = array<i32>} : memref<1x2048xf32, #tpu.memory_space<vmem>>, vector<16xf32>,
      tpu.vector_store %arg9[%swap3A_583, %swap3A_584], %sub3A {strides = array<i32>} : memref<1x2048xf32, #tpu.memory_space<vmem>>, vector<16xf32>,
      %scan3A_586 = arith.constant 0 : i32
      scf.yield %scan3A_586 : i32
    }
    %scan3A_54 = arith.constant 128 : i32
    %add3A_55 = arith.constant 6144 : i32
    %add3A_56 = arith.addi %mul3A_2, %add3A_55 : i32
    %run_scoped3A_57 = arith.constant 0 : i32
    "tpu.region"() ({
      %run_scoped3A_565 = tpu.sem_alloc : memref<!tpu.dma_semaphore, #tpu.memory_space<semaphore_mem>>
      %dma_start3A = arith.constant 0 : i32
      %dma_start3A_566 = tpu.memref_slice %arg5[%run_scoped3A_57, %dma_start3A, %add3A_56] : memref<4x1x655360xf32, #tpu.memory_space<hbm>> -> memref<1x1x2048xf32, #tpu.memory_space<hbm>>
      %dma_start3A_567 = tpu.memref_squeeze %dma_start3A_566 : memref<1x1x2048xf32, #tpu.memory_space<hbm>> -> memref<1x2048xf32, #tpu.memory_space<hbm>>
      %dma_start3A_568 = arith.constant 0 : i32
      %dma_start3A_569 = tpu.memref_slice %arg5[%run_scoped3A_57, %dma_start3A_568, %add3A_56] : memref<4x1x655360xf32, #tpu.memory_space<hbm>> -> memref<1x1x2048xf32, #tpu.memory_space<hbm>>
      %dma_start3A_570 = tpu.memref_squeeze %dma_start3A_569 : memref<1x1x2048xf32, #tpu.memory_space<hbm>> -> memref<1x2048xf32, #tpu.memory_space<hbm>>
      tpu.enqueue_dma source(%arg9 : memref<1x2048xf32, #tpu.memory_space<vmem>>) target(%dma_start3A_570 : memref<1x2048xf32, #tpu.memory_space<hbm>>) target_semaphore(%run_scoped3A_565 : memref<!tpu.dma_semaphore, #tpu.memory_space<semaphore_mem>>)
      %dma_wait3A = arith.constant 0 : i32
      %dma_wait3A_571 = tpu.memref_slice %arg5[%run_scoped3A_57, %dma_wait3A, %add3A_56] : memref<4x1x655360xf32, #tpu.memory_space<hbm>> -> memref<1x1x2048xf32, #tpu.memory_space<hbm>>
      %dma_wait3A_572 = tpu.memref_squeeze %dma_wait3A_571 : memref<1x1x2048xf32, #tpu.memory_space<hbm>> -> memref<1x2048xf32, #tpu.memory_space<hbm>>
      %dma_wait3A_573 = arith.constant 0 : i32
      %dma_wait3A_574 = tpu.memref_slice %arg5[%run_scoped3A_57, %dma_wait3A_573, %add3A_56] : memref<4x1x655360xf32, #tpu.memory_space<hbm>> -> memref<1x1x2048xf32, #tpu.memory_space<hbm>>
      %dma_wait3A_575 = tpu.memref_squeeze %dma_wait3A_574 : memref<1x1x2048xf32, #tpu.memory_space<hbm>> -> memref<1x2048xf32, #tpu.memory_space<hbm>>
      tpu.wait_dma2 semaphore(%run_scoped3A_565 : memref<!tpu.dma_semaphore, #tpu.memory_space<semaphore_mem>>) src(%arg9 : memref<1x2048xf32, #tpu.memory_space<vmem>>) dst(%dma_wait3A_575 : memref<1x2048xf32, #tpu.memory_space<hbm>>)
      tpu.yield
    }) : () -> ()
    %add3A_58 = arith.constant 8192 : i32
    %add3A_59 = arith.addi %mul3A_2, %add3A_58 : i32
    "tpu.region"() ({
      %run_scoped3A_565 = tpu.sem_alloc : memref<!tpu.dma_semaphore, #tpu.memory_space<semaphore_mem>>
      %dma_start3A = tpu.memref_slice %arg3[%add3A_59] : memref<655360xi32, #tpu.memory_space<hbm>> -> memref<2048xi32, #tpu.memory_space<hbm>>
      %dma_start3A_566 = tpu.memref_slice %arg3[%add3A_59] : memref<655360xi32, #tpu.memory_space<hbm>> -> memref<2048xi32, #tpu.memory_space<hbm>>
      tpu.enqueue_dma source(%dma_start3A_566 : memref<2048xi32, #tpu.memory_space<hbm>>) target(%arg7 : memref<2048xi32, #tpu.memory_space<vmem>>) target_semaphore(%run_scoped3A_565 : memref<!tpu.dma_semaphore, #tpu.memory_space<semaphore_mem>>)
      %dma_wait3A = tpu.memref_slice %arg3[%add3A_59] : memref<655360xi32, #tpu.memory_space<hbm>> -> memref<2048xi32, #tpu.memory_space<hbm>>
      %dma_wait3A_567 = tpu.memref_slice %arg3[%add3A_59] : memref<655360xi32, #tpu.memory_space<hbm>> -> memref<2048xi32, #tpu.memory_space<hbm>>
      tpu.wait_dma2 semaphore(%run_scoped3A_565 : memref<!tpu.dma_semaphore, #tpu.memory_space<semaphore_mem>>) src(%dma_wait3A_567 : memref<2048xi32, #tpu.memory_space<hbm>>) dst(%arg7 : memref<2048xi32, #tpu.memory_space<vmem>>)
      tpu.yield
    }) : () -> ()
    %add3A_60 = arith.constant 8192 : i32
    %add3A_61 = arith.addi %mul3A_2, %add3A_60 : i32
    "tpu.region"() ({
      %run_scoped3A_565 = tpu.sem_alloc : memref<!tpu.dma_semaphore, #tpu.memory_space<semaphore_mem>>
      %dma_start3A = tpu.memref_slice %arg4[%add3A_61] : memref<655360xi32, #tpu.memory_space<hbm>> -> memref<2048xi32, #tpu.memory_space<hbm>>
      %dma_start3A_566 = tpu.memref_slice %arg4[%add3A_61] : memref<655360xi32, #tpu.memory_space<hbm>> -> memref<2048xi32, #tpu.memory_space<hbm>>
      tpu.enqueue_dma source(%dma_start3A_566 : memref<2048xi32, #tpu.memory_space<hbm>>) target(%arg8 : memref<2048xi32, #tpu.memory_space<vmem>>) target_semaphore(%run_scoped3A_565 : memref<!tpu.dma_semaphore, #tpu.memory_space<semaphore_mem>>)
      %dma_wait3A = tpu.memref_slice %arg4[%add3A_61] : memref<655360xi32, #tpu.memory_space<hbm>> -> memref<2048xi32, #tpu.memory_space<hbm>>
      %dma_wait3A_567 = tpu.memref_slice %arg4[%add3A_61] : memref<655360xi32, #tpu.memory_space<hbm>> -> memref<2048xi32, #tpu.memory_space<hbm>>
      tpu.wait_dma2 semaphore(%run_scoped3A_565 : memref<!tpu.dma_semaphore, #tpu.memory_space<semaphore_mem>>) src(%dma_wait3A_567 : memref<2048xi32, #tpu.memory_space<hbm>>) dst(%arg8 : memref<2048xi32, #tpu.memory_space<vmem>>)
      tpu.yield
    }) : () -> ()
    %scan3A_62 = arith.constant 0 : i32
    %scan3A_63 = arith.constant 0 : i32
    %scan3A_64 = arith.constant 128 : i32
    %scan3A_65 = arith.addi %scan3A_63, %scan3A_64 : i32
    %scan3A_66 = arith.constant 1 : i32
    %scan3A_67 = scf.for %scan3A_565 = %scan3A_63 to %scan3A_65 step %scan3A_66 iter_args(%scan3A_566 = %scan3A_62) -> (i32)  : i32 {
      %mul3A_567 = arith.constant 16 : i32
      %mul3A_568 = arith.muli %scan3A_565, %mul3A_567 : i32
      %get3A = arith.index_cast %mul3A_568 : i32 to index
      %get3A_569 = tpu.vector_load %arg7[%get3A] {strides = array<i32>} : memref<2048xi32, #tpu.memory_space<vmem>>, vector<16xi32>,
      %add3A_570 = arith.constant 0 : i32
      %add3A_571 = vector.broadcast %add3A_570 : i32 to vector<16xi32>
      %add3A_572 = arith.addi %get3A_569, %add3A_571 : vector<16xi32>
      %gather3A = tpu.vector_load_idx %arg6[%add3A_572] : memref<10240xf32, #tpu.memory_space<vmem>>[vector<16xi32>], vector<16xf32>,
      %mul3A_573 = arith.constant 16 : i32
      %mul3A_574 = arith.muli %scan3A_565, %mul3A_573 : i32
      %get3A_575 = arith.index_cast %mul3A_574 : i32 to index
      %get3A_576 = tpu.vector_load %arg8[%get3A_575] {strides = array<i32>} : memref<2048xi32, #tpu.memory_space<vmem>>, vector<16xi32>,
      %add3A_577 = arith.constant 0 : i32
      %add3A_578 = vector.broadcast %add3A_577 : i32 to vector<16xi32>
      %add3A_579 = arith.addi %get3A_576, %add3A_578 : vector<16xi32>
      %gather3A_580 = tpu.vector_load_idx %arg6[%add3A_579] : memref<10240xf32, #tpu.memory_space<vmem>>[vector<16xi32>], vector<16xf32>,
      %sub3A = arith.subf %gather3A, %gather3A_580 : vector<16xf32>
      %mul3A_581 = arith.constant 16 : i32
      %mul3A_582 = arith.muli %scan3A_565, %mul3A_581 : i32
      %swap3A = arith.constant 0 : i32
      %swap3A_583 = arith.index_cast %swap3A : i32 to index
      %swap3A_584 = arith.index_cast %mul3A_582 : i32 to index
      %swap3A_585 = tpu.vector_load %arg9[%swap3A_583, %swap3A_584] {strides = array<i32>} : memref<1x2048xf32, #tpu.memory_space<vmem>>, vector<16xf32>,
      tpu.vector_store %arg9[%swap3A_583, %swap3A_584], %sub3A {strides = array<i32>} : memref<1x2048xf32, #tpu.memory_space<vmem>>, vector<16xf32>,
      %scan3A_586 = arith.constant 0 : i32
      scf.yield %scan3A_586 : i32
    }
    %scan3A_68 = arith.constant 128 : i32
    %add3A_69 = arith.constant 8192 : i32
    %add3A_70 = arith.addi %mul3A_2, %add3A_69 : i32
    %run_scoped3A_71 = arith.constant 0 : i32
    "tpu.region"() ({
      %run_scoped3A_565 = tpu.sem_alloc : memref<!tpu.dma_semaphore, #tpu.memory_space<semaphore_mem>>
      %dma_start3A = arith.constant 0 : i32
      %dma_start3A_566 = tpu.memref_slice %arg5[%run_scoped3A_71, %dma_start3A, %add3A_70] : memref<4x1x655360xf32, #tpu.memory_space<hbm>> -> memref<1x1x2048xf32, #tpu.memory_space<hbm>>
      %dma_start3A_567 = tpu.memref_squeeze %dma_start3A_566 : memref<1x1x2048xf32, #tpu.memory_space<hbm>> -> memref<1x2048xf32, #tpu.memory_space<hbm>>
      %dma_start3A_568 = arith.constant 0 : i32
      %dma_start3A_569 = tpu.memref_slice %arg5[%run_scoped3A_71, %dma_start3A_568, %add3A_70] : memref<4x1x655360xf32, #tpu.memory_space<hbm>> -> memref<1x1x2048xf32, #tpu.memory_space<hbm>>
      %dma_start3A_570 = tpu.memref_squeeze %dma_start3A_569 : memref<1x1x2048xf32, #tpu.memory_space<hbm>> -> memref<1x2048xf32, #tpu.memory_space<hbm>>
      tpu.enqueue_dma source(%arg9 : memref<1x2048xf32, #tpu.memory_space<vmem>>) target(%dma_start3A_570 : memref<1x2048xf32, #tpu.memory_space<hbm>>) target_semaphore(%run_scoped3A_565 : memref<!tpu.dma_semaphore, #tpu.memory_space<semaphore_mem>>)
      %dma_wait3A = arith.constant 0 : i32
      %dma_wait3A_571 = tpu.memref_slice %arg5[%run_scoped3A_71, %dma_wait3A, %add3A_70] : memref<4x1x655360xf32, #tpu.memory_space<hbm>> -> memref<1x1x2048xf32, #tpu.memory_space<hbm>>
      %dma_wait3A_572 = tpu.memref_squeeze %dma_wait3A_571 : memref<1x1x2048xf32, #tpu.memory_space<hbm>> -> memref<1x2048xf32, #tpu.memory_space<hbm>>
      %dma_wait3A_573 = arith.constant 0 : i32
      %dma_wait3A_574 = tpu.memref_slice %arg5[%run_scoped3A_71, %dma_wait3A_573, %add3A_70] : memref<4x1x655360xf32, #tpu.memory_space<hbm>> -> memref<1x1x2048xf32, #tpu.memory_space<hbm>>
      %dma_wait3A_575 = tpu.memref_squeeze %dma_wait3A_574 : memref<1x1x2048xf32, #tpu.memory_space<hbm>> -> memref<1x2048xf32, #tpu.memory_space<hbm>>
      tpu.wait_dma2 semaphore(%run_scoped3A_565 : memref<!tpu.dma_semaphore, #tpu.memory_space<semaphore_mem>>) src(%arg9 : memref<1x2048xf32, #tpu.memory_space<vmem>>) dst(%dma_wait3A_575 : memref<1x2048xf32, #tpu.memory_space<hbm>>)
      tpu.yield
    }) : () -> ()
    %add3A_72 = arith.constant 10240 : i32
    %add3A_73 = arith.addi %mul3A_2, %add3A_72 : i32
    "tpu.region"() ({
      %run_scoped3A_565 = tpu.sem_alloc : memref<!tpu.dma_semaphore, #tpu.memory_space<semaphore_mem>>
      %dma_start3A = tpu.memref_slice %arg3[%add3A_73] : memref<655360xi32, #tpu.memory_space<hbm>> -> memref<2048xi32, #tpu.memory_space<hbm>>
      %dma_start3A_566 = tpu.memref_slice %arg3[%add3A_73] : memref<655360xi32, #tpu.memory_space<hbm>> -> memref<2048xi32, #tpu.memory_space<hbm>>
      tpu.enqueue_dma source(%dma_start3A_566 : memref<2048xi32, #tpu.memory_space<hbm>>) target(%arg7 : memref<2048xi32, #tpu.memory_space<vmem>>) target_semaphore(%run_scoped3A_565 : memref<!tpu.dma_semaphore, #tpu.memory_space<semaphore_mem>>)
      %dma_wait3A = tpu.memref_slice %arg3[%add3A_73] : memref<655360xi32, #tpu.memory_space<hbm>> -> memref<2048xi32, #tpu.memory_space<hbm>>
      %dma_wait3A_567 = tpu.memref_slice %arg3[%add3A_73] : memref<655360xi32, #tpu.memory_space<hbm>> -> memref<2048xi32, #tpu.memory_space<hbm>>
      tpu.wait_dma2 semaphore(%run_scoped3A_565 : memref<!tpu.dma_semaphore, #tpu.memory_space<semaphore_mem>>) src(%dma_wait3A_567 : memref<2048xi32, #tpu.memory_space<hbm>>) dst(%arg7 : memref<2048xi32, #tpu.memory_space<vmem>>)
      tpu.yield
    }) : () -> ()
    %add3A_74 = arith.constant 10240 : i32
    %add3A_75 = arith.addi %mul3A_2, %add3A_74 : i32
    "tpu.region"() ({
      %run_scoped3A_565 = tpu.sem_alloc : memref<!tpu.dma_semaphore, #tpu.memory_space<semaphore_mem>>
      %dma_start3A = tpu.memref_slice %arg4[%add3A_75] : memref<655360xi32, #tpu.memory_space<hbm>> -> memref<2048xi32, #tpu.memory_space<hbm>>
      %dma_start3A_566 = tpu.memref_slice %arg4[%add3A_75] : memref<655360xi32, #tpu.memory_space<hbm>> -> memref<2048xi32, #tpu.memory_space<hbm>>
      tpu.enqueue_dma source(%dma_start3A_566 : memref<2048xi32, #tpu.memory_space<hbm>>) target(%arg8 : memref<2048xi32, #tpu.memory_space<vmem>>) target_semaphore(%run_scoped3A_565 : memref<!tpu.dma_semaphore, #tpu.memory_space<semaphore_mem>>)
      %dma_wait3A = tpu.memref_slice %arg4[%add3A_75] : memref<655360xi32, #tpu.memory_space<hbm>> -> memref<2048xi32, #tpu.memory_space<hbm>>
      %dma_wait3A_567 = tpu.memref_slice %arg4[%add3A_75] : memref<655360xi32, #tpu.memory_space<hbm>> -> memref<2048xi32, #tpu.memory_space<hbm>>
      tpu.wait_dma2 semaphore(%run_scoped3A_565 : memref<!tpu.dma_semaphore, #tpu.memory_space<semaphore_mem>>) src(%dma_wait3A_567 : memref<2048xi32, #tpu.memory_space<hbm>>) dst(%arg8 : memref<2048xi32, #tpu.memory_space<vmem>>)
      tpu.yield
    }) : () -> ()
    %scan3A_76 = arith.constant 0 : i32
    %scan3A_77 = arith.constant 0 : i32
    %scan3A_78 = arith.constant 128 : i32
    %scan3A_79 = arith.addi %scan3A_77, %scan3A_78 : i32
    %scan3A_80 = arith.constant 1 : i32
    %scan3A_81 = scf.for %scan3A_565 = %scan3A_77 to %scan3A_79 step %scan3A_80 iter_args(%scan3A_566 = %scan3A_76) -> (i32)  : i32 {
      %mul3A_567 = arith.constant 16 : i32
      %mul3A_568 = arith.muli %scan3A_565, %mul3A_567 : i32
      %get3A = arith.index_cast %mul3A_568 : i32 to index
      %get3A_569 = tpu.vector_load %arg7[%get3A] {strides = array<i32>} : memref<2048xi32, #tpu.memory_space<vmem>>, vector<16xi32>,
      %add3A_570 = arith.constant 0 : i32
      %add3A_571 = vector.broadcast %add3A_570 : i32 to vector<16xi32>
      %add3A_572 = arith.addi %get3A_569, %add3A_571 : vector<16xi32>
      %gather3A = tpu.vector_load_idx %arg6[%add3A_572] : memref<10240xf32, #tpu.memory_space<vmem>>[vector<16xi32>], vector<16xf32>,
      %mul3A_573 = arith.constant 16 : i32
      %mul3A_574 = arith.muli %scan3A_565, %mul3A_573 : i32
      %get3A_575 = arith.index_cast %mul3A_574 : i32 to index
      %get3A_576 = tpu.vector_load %arg8[%get3A_575] {strides = array<i32>} : memref<2048xi32, #tpu.memory_space<vmem>>, vector<16xi32>,
      %add3A_577 = arith.constant 0 : i32
      %add3A_578 = vector.broadcast %add3A_577 : i32 to vector<16xi32>
      %add3A_579 = arith.addi %get3A_576, %add3A_578 : vector<16xi32>
      %gather3A_580 = tpu.vector_load_idx %arg6[%add3A_579] : memref<10240xf32, #tpu.memory_space<vmem>>[vector<16xi32>], vector<16xf32>,
      %sub3A = arith.subf %gather3A, %gather3A_580 : vector<16xf32>
      %mul3A_581 = arith.constant 16 : i32
      %mul3A_582 = arith.muli %scan3A_565, %mul3A_581 : i32
      %swap3A = arith.constant 0 : i32
      %swap3A_583 = arith.index_cast %swap3A : i32 to index
      %swap3A_584 = arith.index_cast %mul3A_582 : i32 to index
      %swap3A_585 = tpu.vector_load %arg9[%swap3A_583, %swap3A_584] {strides = array<i32>} : memref<1x2048xf32, #tpu.memory_space<vmem>>, vector<16xf32>,
      tpu.vector_store %arg9[%swap3A_583, %swap3A_584], %sub3A {strides = array<i32>} : memref<1x2048xf32, #tpu.memory_space<vmem>>, vector<16xf32>,
      %scan3A_586 = arith.constant 0 : i32
      scf.yield %scan3A_586 : i32
    }
    %scan3A_82 = arith.constant 128 : i32
    %add3A_83 = arith.constant 10240 : i32
    %add3A_84 = arith.addi %mul3A_2, %add3A_83 : i32
    %run_scoped3A_85 = arith.constant 0 : i32
    "tpu.region"() ({
      %run_scoped3A_565 = tpu.sem_alloc : memref<!tpu.dma_semaphore, #tpu.memory_space<semaphore_mem>>
      %dma_start3A = arith.constant 0 : i32
      %dma_start3A_566 = tpu.memref_slice %arg5[%run_scoped3A_85, %dma_start3A, %add3A_84] : memref<4x1x655360xf32, #tpu.memory_space<hbm>> -> memref<1x1x2048xf32, #tpu.memory_space<hbm>>
      %dma_start3A_567 = tpu.memref_squeeze %dma_start3A_566 : memref<1x1x2048xf32, #tpu.memory_space<hbm>> -> memref<1x2048xf32, #tpu.memory_space<hbm>>
      %dma_start3A_568 = arith.constant 0 : i32
      %dma_start3A_569 = tpu.memref_slice %arg5[%run_scoped3A_85, %dma_start3A_568, %add3A_84] : memref<4x1x655360xf32, #tpu.memory_space<hbm>> -> memref<1x1x2048xf32, #tpu.memory_space<hbm>>
      %dma_start3A_570 = tpu.memref_squeeze %dma_start3A_569 : memref<1x1x2048xf32, #tpu.memory_space<hbm>> -> memref<1x2048xf32, #tpu.memory_space<hbm>>
      tpu.enqueue_dma source(%arg9 : memref<1x2048xf32, #tpu.memory_space<vmem>>) target(%dma_start3A_570 : memref<1x2048xf32, #tpu.memory_space<hbm>>) target_semaphore(%run_scoped3A_565 : memref<!tpu.dma_semaphore, #tpu.memory_space<semaphore_mem>>)
      %dma_wait3A = arith.constant 0 : i32
      %dma_wait3A_571 = tpu.memref_slice %arg5[%run_scoped3A_85, %dma_wait3A, %add3A_84] : memref<4x1x655360xf32, #tpu.memory_space<hbm>> -> memref<1x1x2048xf32, #tpu.memory_space<hbm>>
      %dma_wait3A_572 = tpu.memref_squeeze %dma_wait3A_571 : memref<1x1x2048xf32, #tpu.memory_space<hbm>> -> memref<1x2048xf32, #tpu.memory_space<hbm>>
      %dma_wait3A_573 = arith.constant 0 : i32
      %dma_wait3A_574 = tpu.memref_slice %arg5[%run_scoped3A_85, %dma_wait3A_573, %add3A_84] : memref<4x1x655360xf32, #tpu.memory_space<hbm>> -> memref<1x1x2048xf32, #tpu.memory_space<hbm>>
      %dma_wait3A_575 = tpu.memref_squeeze %dma_wait3A_574 : memref<1x1x2048xf32, #tpu.memory_space<hbm>> -> memref<1x2048xf32, #tpu.memory_space<hbm>>
      tpu.wait_dma2 semaphore(%run_scoped3A_565 : memref<!tpu.dma_semaphore, #tpu.memory_space<semaphore_mem>>) src(%arg9 : memref<1x2048xf32, #tpu.memory_space<vmem>>) dst(%dma_wait3A_575 : memref<1x2048xf32, #tpu.memory_space<hbm>>)
      tpu.yield
    }) : () -> ()
    %add3A_86 = arith.constant 12288 : i32
    %add3A_87 = arith.addi %mul3A_2, %add3A_86 : i32
    "tpu.region"() ({
      %run_scoped3A_565 = tpu.sem_alloc : memref<!tpu.dma_semaphore, #tpu.memory_space<semaphore_mem>>
      %dma_start3A = tpu.memref_slice %arg3[%add3A_87] : memref<655360xi32, #tpu.memory_space<hbm>> -> memref<2048xi32, #tpu.memory_space<hbm>>
      %dma_start3A_566 = tpu.memref_slice %arg3[%add3A_87] : memref<655360xi32, #tpu.memory_space<hbm>> -> memref<2048xi32, #tpu.memory_space<hbm>>
      tpu.enqueue_dma source(%dma_start3A_566 : memref<2048xi32, #tpu.memory_space<hbm>>) target(%arg7 : memref<2048xi32, #tpu.memory_space<vmem>>) target_semaphore(%run_scoped3A_565 : memref<!tpu.dma_semaphore, #tpu.memory_space<semaphore_mem>>)
      %dma_wait3A = tpu.memref_slice %arg3[%add3A_87] : memref<655360xi32, #tpu.memory_space<hbm>> -> memref<2048xi32, #tpu.memory_space<hbm>>
      %dma_wait3A_567 = tpu.memref_slice %arg3[%add3A_87] : memref<655360xi32, #tpu.memory_space<hbm>> -> memref<2048xi32, #tpu.memory_space<hbm>>
      tpu.wait_dma2 semaphore(%run_scoped3A_565 : memref<!tpu.dma_semaphore, #tpu.memory_space<semaphore_mem>>) src(%dma_wait3A_567 : memref<2048xi32, #tpu.memory_space<hbm>>) dst(%arg7 : memref<2048xi32, #tpu.memory_space<vmem>>)
      tpu.yield
    }) : () -> ()
    %add3A_88 = arith.constant 12288 : i32
    %add3A_89 = arith.addi %mul3A_2, %add3A_88 : i32
    "tpu.region"() ({
      %run_scoped3A_565 = tpu.sem_alloc : memref<!tpu.dma_semaphore, #tpu.memory_space<semaphore_mem>>
      %dma_start3A = tpu.memref_slice %arg4[%add3A_89] : memref<655360xi32, #tpu.memory_space<hbm>> -> memref<2048xi32, #tpu.memory_space<hbm>>
      %dma_start3A_566 = tpu.memref_slice %arg4[%add3A_89] : memref<655360xi32, #tpu.memory_space<hbm>> -> memref<2048xi32, #tpu.memory_space<hbm>>
      tpu.enqueue_dma source(%dma_start3A_566 : memref<2048xi32, #tpu.memory_space<hbm>>) target(%arg8 : memref<2048xi32, #tpu.memory_space<vmem>>) target_semaphore(%run_scoped3A_565 : memref<!tpu.dma_semaphore, #tpu.memory_space<semaphore_mem>>)
      %dma_wait3A = tpu.memref_slice %arg4[%add3A_89] : memref<655360xi32, #tpu.memory_space<hbm>> -> memref<2048xi32, #tpu.memory_space<hbm>>
      %dma_wait3A_567 = tpu.memref_slice %arg4[%add3A_89] : memref<655360xi32, #tpu.memory_space<hbm>> -> memref<2048xi32, #tpu.memory_space<hbm>>
      tpu.wait_dma2 semaphore(%run_scoped3A_565 : memref<!tpu.dma_semaphore, #tpu.memory_space<semaphore_mem>>) src(%dma_wait3A_567 : memref<2048xi32, #tpu.memory_space<hbm>>) dst(%arg8 : memref<2048xi32, #tpu.memory_space<vmem>>)
      tpu.yield
    }) : () -> ()
    %scan3A_90 = arith.constant 0 : i32
    %scan3A_91 = arith.constant 0 : i32
    %scan3A_92 = arith.constant 128 : i32
    %scan3A_93 = arith.addi %scan3A_91, %scan3A_92 : i32
    %scan3A_94 = arith.constant 1 : i32
    %scan3A_95 = scf.for %scan3A_565 = %scan3A_91 to %scan3A_93 step %scan3A_94 iter_args(%scan3A_566 = %scan3A_90) -> (i32)  : i32 {
      %mul3A_567 = arith.constant 16 : i32
      %mul3A_568 = arith.muli %scan3A_565, %mul3A_567 : i32
      %get3A = arith.index_cast %mul3A_568 : i32 to index
      %get3A_569 = tpu.vector_load %arg7[%get3A] {strides = array<i32>} : memref<2048xi32, #tpu.memory_space<vmem>>, vector<16xi32>,
      %add3A_570 = arith.constant 0 : i32
      %add3A_571 = vector.broadcast %add3A_570 : i32 to vector<16xi32>
      %add3A_572 = arith.addi %get3A_569, %add3A_571 : vector<16xi32>
      %gather3A = tpu.vector_load_idx %arg6[%add3A_572] : memref<10240xf32, #tpu.memory_space<vmem>>[vector<16xi32>], vector<16xf32>,
      %mul3A_573 = arith.constant 16 : i32
      %mul3A_574 = arith.muli %scan3A_565, %mul3A_573 : i32
      %get3A_575 = arith.index_cast %mul3A_574 : i32 to index
      %get3A_576 = tpu.vector_load %arg8[%get3A_575] {strides = array<i32>} : memref<2048xi32, #tpu.memory_space<vmem>>, vector<16xi32>,
      %add3A_577 = arith.constant 0 : i32
      %add3A_578 = vector.broadcast %add3A_577 : i32 to vector<16xi32>
      %add3A_579 = arith.addi %get3A_576, %add3A_578 : vector<16xi32>
      %gather3A_580 = tpu.vector_load_idx %arg6[%add3A_579] : memref<10240xf32, #tpu.memory_space<vmem>>[vector<16xi32>], vector<16xf32>,
      %sub3A = arith.subf %gather3A, %gather3A_580 : vector<16xf32>
      %mul3A_581 = arith.constant 16 : i32
      %mul3A_582 = arith.muli %scan3A_565, %mul3A_581 : i32
      %swap3A = arith.constant 0 : i32
      %swap3A_583 = arith.index_cast %swap3A : i32 to index
      %swap3A_584 = arith.index_cast %mul3A_582 : i32 to index
      %swap3A_585 = tpu.vector_load %arg9[%swap3A_583, %swap3A_584] {strides = array<i32>} : memref<1x2048xf32, #tpu.memory_space<vmem>>, vector<16xf32>,
      tpu.vector_store %arg9[%swap3A_583, %swap3A_584], %sub3A {strides = array<i32>} : memref<1x2048xf32, #tpu.memory_space<vmem>>, vector<16xf32>,
      %scan3A_586 = arith.constant 0 : i32
      scf.yield %scan3A_586 : i32
    }
    %scan3A_96 = arith.constant 128 : i32
    %add3A_97 = arith.constant 12288 : i32
    %add3A_98 = arith.addi %mul3A_2, %add3A_97 : i32
    %run_scoped3A_99 = arith.constant 0 : i32
    "tpu.region"() ({
      %run_scoped3A_565 = tpu.sem_alloc : memref<!tpu.dma_semaphore, #tpu.memory_space<semaphore_mem>>
      %dma_start3A = arith.constant 0 : i32
      %dma_start3A_566 = tpu.memref_slice %arg5[%run_scoped3A_99, %dma_start3A, %add3A_98] : memref<4x1x655360xf32, #tpu.memory_space<hbm>> -> memref<1x1x2048xf32, #tpu.memory_space<hbm>>
      %dma_start3A_567 = tpu.memref_squeeze %dma_start3A_566 : memref<1x1x2048xf32, #tpu.memory_space<hbm>> -> memref<1x2048xf32, #tpu.memory_space<hbm>>
      %dma_start3A_568 = arith.constant 0 : i32
      %dma_start3A_569 = tpu.memref_slice %arg5[%run_scoped3A_99, %dma_start3A_568, %add3A_98] : memref<4x1x655360xf32, #tpu.memory_space<hbm>> -> memref<1x1x2048xf32, #tpu.memory_space<hbm>>
      %dma_start3A_570 = tpu.memref_squeeze %dma_start3A_569 : memref<1x1x2048xf32, #tpu.memory_space<hbm>> -> memref<1x2048xf32, #tpu.memory_space<hbm>>
      tpu.enqueue_dma source(%arg9 : memref<1x2048xf32, #tpu.memory_space<vmem>>) target(%dma_start3A_570 : memref<1x2048xf32, #tpu.memory_space<hbm>>) target_semaphore(%run_scoped3A_565 : memref<!tpu.dma_semaphore, #tpu.memory_space<semaphore_mem>>)
      %dma_wait3A = arith.constant 0 : i32
      %dma_wait3A_571 = tpu.memref_slice %arg5[%run_scoped3A_99, %dma_wait3A, %add3A_98] : memref<4x1x655360xf32, #tpu.memory_space<hbm>> -> memref<1x1x2048xf32, #tpu.memory_space<hbm>>
      %dma_wait3A_572 = tpu.memref_squeeze %dma_wait3A_571 : memref<1x1x2048xf32, #tpu.memory_space<hbm>> -> memref<1x2048xf32, #tpu.memory_space<hbm>>
      %dma_wait3A_573 = arith.constant 0 : i32
      %dma_wait3A_574 = tpu.memref_slice %arg5[%run_scoped3A_99, %dma_wait3A_573, %add3A_98] : memref<4x1x655360xf32, #tpu.memory_space<hbm>> -> memref<1x1x2048xf32, #tpu.memory_space<hbm>>
      %dma_wait3A_575 = tpu.memref_squeeze %dma_wait3A_574 : memref<1x1x2048xf32, #tpu.memory_space<hbm>> -> memref<1x2048xf32, #tpu.memory_space<hbm>>
      tpu.wait_dma2 semaphore(%run_scoped3A_565 : memref<!tpu.dma_semaphore, #tpu.memory_space<semaphore_mem>>) src(%arg9 : memref<1x2048xf32, #tpu.memory_space<vmem>>) dst(%dma_wait3A_575 : memref<1x2048xf32, #tpu.memory_space<hbm>>)
      tpu.yield
    }) : () -> ()
    %add3A_100 = arith.constant 14336 : i32
    %add3A_101 = arith.addi %mul3A_2, %add3A_100 : i32
    "tpu.region"() ({
      %run_scoped3A_565 = tpu.sem_alloc : memref<!tpu.dma_semaphore, #tpu.memory_space<semaphore_mem>>
      %dma_start3A = tpu.memref_slice %arg3[%add3A_101] : memref<655360xi32, #tpu.memory_space<hbm>> -> memref<2048xi32, #tpu.memory_space<hbm>>
      %dma_start3A_566 = tpu.memref_slice %arg3[%add3A_101] : memref<655360xi32, #tpu.memory_space<hbm>> -> memref<2048xi32, #tpu.memory_space<hbm>>
      tpu.enqueue_dma source(%dma_start3A_566 : memref<2048xi32, #tpu.memory_space<hbm>>) target(%arg7 : memref<2048xi32, #tpu.memory_space<vmem>>) target_semaphore(%run_scoped3A_565 : memref<!tpu.dma_semaphore, #tpu.memory_space<semaphore_mem>>)
      %dma_wait3A = tpu.memref_slice %arg3[%add3A_101] : memref<655360xi32, #tpu.memory_space<hbm>> -> memref<2048xi32, #tpu.memory_space<hbm>>
      %dma_wait3A_567 = tpu.memref_slice %arg3[%add3A_101] : memref<655360xi32, #tpu.memory_space<hbm>> -> memref<2048xi32, #tpu.memory_space<hbm>>
      tpu.wait_dma2 semaphore(%run_scoped3A_565 : memref<!tpu.dma_semaphore, #tpu.memory_space<semaphore_mem>>) src(%dma_wait3A_567 : memref<2048xi32, #tpu.memory_space<hbm>>) dst(%arg7 : memref<2048xi32, #tpu.memory_space<vmem>>)
      tpu.yield
    }) : () -> ()
    %add3A_102 = arith.constant 14336 : i32
    %add3A_103 = arith.addi %mul3A_2, %add3A_102 : i32
    "tpu.region"() ({
      %run_scoped3A_565 = tpu.sem_alloc : memref<!tpu.dma_semaphore, #tpu.memory_space<semaphore_mem>>
      %dma_start3A = tpu.memref_slice %arg4[%add3A_103] : memref<655360xi32, #tpu.memory_space<hbm>> -> memref<2048xi32, #tpu.memory_space<hbm>>
      %dma_start3A_566 = tpu.memref_slice %arg4[%add3A_103] : memref<655360xi32, #tpu.memory_space<hbm>> -> memref<2048xi32, #tpu.memory_space<hbm>>
      tpu.enqueue_dma source(%dma_start3A_566 : memref<2048xi32, #tpu.memory_space<hbm>>) target(%arg8 : memref<2048xi32, #tpu.memory_space<vmem>>) target_semaphore(%run_scoped3A_565 : memref<!tpu.dma_semaphore, #tpu.memory_space<semaphore_mem>>)
      %dma_wait3A = tpu.memref_slice %arg4[%add3A_103] : memref<655360xi32, #tpu.memory_space<hbm>> -> memref<2048xi32, #tpu.memory_space<hbm>>
      %dma_wait3A_567 = tpu.memref_slice %arg4[%add3A_103] : memref<655360xi32, #tpu.memory_space<hbm>> -> memref<2048xi32, #tpu.memory_space<hbm>>
      tpu.wait_dma2 semaphore(%run_scoped3A_565 : memref<!tpu.dma_semaphore, #tpu.memory_space<semaphore_mem>>) src(%dma_wait3A_567 : memref<2048xi32, #tpu.memory_space<hbm>>) dst(%arg8 : memref<2048xi32, #tpu.memory_space<vmem>>)
      tpu.yield
    }) : () -> ()
    %scan3A_104 = arith.constant 0 : i32
    %scan3A_105 = arith.constant 0 : i32
    %scan3A_106 = arith.constant 128 : i32
    %scan3A_107 = arith.addi %scan3A_105, %scan3A_106 : i32
    %scan3A_108 = arith.constant 1 : i32
    %scan3A_109 = scf.for %scan3A_565 = %scan3A_105 to %scan3A_107 step %scan3A_108 iter_args(%scan3A_566 = %scan3A_104) -> (i32)  : i32 {
      %mul3A_567 = arith.constant 16 : i32
      %mul3A_568 = arith.muli %scan3A_565, %mul3A_567 : i32
      %get3A = arith.index_cast %mul3A_568 : i32 to index
      %get3A_569 = tpu.vector_load %arg7[%get3A] {strides = array<i32>} : memref<2048xi32, #tpu.memory_space<vmem>>, vector<16xi32>,
      %add3A_570 = arith.constant 0 : i32
      %add3A_571 = vector.broadcast %add3A_570 : i32 to vector<16xi32>
      %add3A_572 = arith.addi %get3A_569, %add3A_571 : vector<16xi32>
      %gather3A = tpu.vector_load_idx %arg6[%add3A_572] : memref<10240xf32, #tpu.memory_space<vmem>>[vector<16xi32>], vector<16xf32>,
      %mul3A_573 = arith.constant 16 : i32
      %mul3A_574 = arith.muli %scan3A_565, %mul3A_573 : i32
      %get3A_575 = arith.index_cast %mul3A_574 : i32 to index
      %get3A_576 = tpu.vector_load %arg8[%get3A_575] {strides = array<i32>} : memref<2048xi32, #tpu.memory_space<vmem>>, vector<16xi32>,
      %add3A_577 = arith.constant 0 : i32
      %add3A_578 = vector.broadcast %add3A_577 : i32 to vector<16xi32>
      %add3A_579 = arith.addi %get3A_576, %add3A_578 : vector<16xi32>
      %gather3A_580 = tpu.vector_load_idx %arg6[%add3A_579] : memref<10240xf32, #tpu.memory_space<vmem>>[vector<16xi32>], vector<16xf32>,
      %sub3A = arith.subf %gather3A, %gather3A_580 : vector<16xf32>
      %mul3A_581 = arith.constant 16 : i32
      %mul3A_582 = arith.muli %scan3A_565, %mul3A_581 : i32
      %swap3A = arith.constant 0 : i32
      %swap3A_583 = arith.index_cast %swap3A : i32 to index
      %swap3A_584 = arith.index_cast %mul3A_582 : i32 to index
      %swap3A_585 = tpu.vector_load %arg9[%swap3A_583, %swap3A_584] {strides = array<i32>} : memref<1x2048xf32, #tpu.memory_space<vmem>>, vector<16xf32>,
      tpu.vector_store %arg9[%swap3A_583, %swap3A_584], %sub3A {strides = array<i32>} : memref<1x2048xf32, #tpu.memory_space<vmem>>, vector<16xf32>,
      %scan3A_586 = arith.constant 0 : i32
      scf.yield %scan3A_586 : i32
    }
    %scan3A_110 = arith.constant 128 : i32
    %add3A_111 = arith.constant 14336 : i32
    %add3A_112 = arith.addi %mul3A_2, %add3A_111 : i32
    %run_scoped3A_113 = arith.constant 0 : i32
    "tpu.region"() ({
      %run_scoped3A_565 = tpu.sem_alloc : memref<!tpu.dma_semaphore, #tpu.memory_space<semaphore_mem>>
      %dma_start3A = arith.constant 0 : i32
      %dma_start3A_566 = tpu.memref_slice %arg5[%run_scoped3A_113, %dma_start3A, %add3A_112] : memref<4x1x655360xf32, #tpu.memory_space<hbm>> -> memref<1x1x2048xf32, #tpu.memory_space<hbm>>
      %dma_start3A_567 = tpu.memref_squeeze %dma_start3A_566 : memref<1x1x2048xf32, #tpu.memory_space<hbm>> -> memref<1x2048xf32, #tpu.memory_space<hbm>>
      %dma_start3A_568 = arith.constant 0 : i32
      %dma_start3A_569 = tpu.memref_slice %arg5[%run_scoped3A_113, %dma_start3A_568, %add3A_112] : memref<4x1x655360xf32, #tpu.memory_space<hbm>> -> memref<1x1x2048xf32, #tpu.memory_space<hbm>>
      %dma_start3A_570 = tpu.memref_squeeze %dma_start3A_569 : memref<1x1x2048xf32, #tpu.memory_space<hbm>> -> memref<1x2048xf32, #tpu.memory_space<hbm>>
      tpu.enqueue_dma source(%arg9 : memref<1x2048xf32, #tpu.memory_space<vmem>>) target(%dma_start3A_570 : memref<1x2048xf32, #tpu.memory_space<hbm>>) target_semaphore(%run_scoped3A_565 : memref<!tpu.dma_semaphore, #tpu.memory_space<semaphore_mem>>)
      %dma_wait3A = arith.constant 0 : i32
      %dma_wait3A_571 = tpu.memref_slice %arg5[%run_scoped3A_113, %dma_wait3A, %add3A_112] : memref<4x1x655360xf32, #tpu.memory_space<hbm>> -> memref<1x1x2048xf32, #tpu.memory_space<hbm>>
      %dma_wait3A_572 = tpu.memref_squeeze %dma_wait3A_571 : memref<1x1x2048xf32, #tpu.memory_space<hbm>> -> memref<1x2048xf32, #tpu.memory_space<hbm>>
      %dma_wait3A_573 = arith.constant 0 : i32
      %dma_wait3A_574 = tpu.memref_slice %arg5[%run_scoped3A_113, %dma_wait3A_573, %add3A_112] : memref<4x1x655360xf32, #tpu.memory_space<hbm>> -> memref<1x1x2048xf32, #tpu.memory_space<hbm>>
      %dma_wait3A_575 = tpu.memref_squeeze %dma_wait3A_574 : memref<1x1x2048xf32, #tpu.memory_space<hbm>> -> memref<1x2048xf32, #tpu.memory_space<hbm>>
      tpu.wait_dma2 semaphore(%run_scoped3A_565 : memref<!tpu.dma_semaphore, #tpu.memory_space<semaphore_mem>>) src(%arg9 : memref<1x2048xf32, #tpu.memory_space<vmem>>) dst(%dma_wait3A_575 : memref<1x2048xf32, #tpu.memory_space<hbm>>)
      tpu.yield
    }) : () -> ()
    %add3A_114 = arith.constant 16384 : i32
    %add3A_115 = arith.addi %mul3A_2, %add3A_114 : i32
    "tpu.region"() ({
      %run_scoped3A_565 = tpu.sem_alloc : memref<!tpu.dma_semaphore, #tpu.memory_space<semaphore_mem>>
      %dma_start3A = tpu.memref_slice %arg3[%add3A_115] : memref<655360xi32, #tpu.memory_space<hbm>> -> memref<2048xi32, #tpu.memory_space<hbm>>
      %dma_start3A_566 = tpu.memref_slice %arg3[%add3A_115] : memref<655360xi32, #tpu.memory_space<hbm>> -> memref<2048xi32, #tpu.memory_space<hbm>>
      tpu.enqueue_dma source(%dma_start3A_566 : memref<2048xi32, #tpu.memory_space<hbm>>) target(%arg7 : memref<2048xi32, #tpu.memory_space<vmem>>) target_semaphore(%run_scoped3A_565 : memref<!tpu.dma_semaphore, #tpu.memory_space<semaphore_mem>>)
      %dma_wait3A = tpu.memref_slice %arg3[%add3A_115] : memref<655360xi32, #tpu.memory_space<hbm>> -> memref<2048xi32, #tpu.memory_space<hbm>>
      %dma_wait3A_567 = tpu.memref_slice %arg3[%add3A_115] : memref<655360xi32, #tpu.memory_space<hbm>> -> memref<2048xi32, #tpu.memory_space<hbm>>
      tpu.wait_dma2 semaphore(%run_scoped3A_565 : memref<!tpu.dma_semaphore, #tpu.memory_space<semaphore_mem>>) src(%dma_wait3A_567 : memref<2048xi32, #tpu.memory_space<hbm>>) dst(%arg7 : memref<2048xi32, #tpu.memory_space<vmem>>)
      tpu.yield
    }) : () -> ()
    %add3A_116 = arith.constant 16384 : i32
    %add3A_117 = arith.addi %mul3A_2, %add3A_116 : i32
    "tpu.region"() ({
      %run_scoped3A_565 = tpu.sem_alloc : memref<!tpu.dma_semaphore, #tpu.memory_space<semaphore_mem>>
      %dma_start3A = tpu.memref_slice %arg4[%add3A_117] : memref<655360xi32, #tpu.memory_space<hbm>> -> memref<2048xi32, #tpu.memory_space<hbm>>
      %dma_start3A_566 = tpu.memref_slice %arg4[%add3A_117] : memref<655360xi32, #tpu.memory_space<hbm>> -> memref<2048xi32, #tpu.memory_space<hbm>>
      tpu.enqueue_dma source(%dma_start3A_566 : memref<2048xi32, #tpu.memory_space<hbm>>) target(%arg8 : memref<2048xi32, #tpu.memory_space<vmem>>) target_semaphore(%run_scoped3A_565 : memref<!tpu.dma_semaphore, #tpu.memory_space<semaphore_mem>>)
      %dma_wait3A = tpu.memref_slice %arg4[%add3A_117] : memref<655360xi32, #tpu.memory_space<hbm>> -> memref<2048xi32, #tpu.memory_space<hbm>>
      %dma_wait3A_567 = tpu.memref_slice %arg4[%add3A_117] : memref<655360xi32, #tpu.memory_space<hbm>> -> memref<2048xi32, #tpu.memory_space<hbm>>
      tpu.wait_dma2 semaphore(%run_scoped3A_565 : memref<!tpu.dma_semaphore, #tpu.memory_space<semaphore_mem>>) src(%dma_wait3A_567 : memref<2048xi32, #tpu.memory_space<hbm>>) dst(%arg8 : memref<2048xi32, #tpu.memory_space<vmem>>)
      tpu.yield
    }) : () -> ()
    %scan3A_118 = arith.constant 0 : i32
    %scan3A_119 = arith.constant 0 : i32
    %scan3A_120 = arith.constant 128 : i32
    %scan3A_121 = arith.addi %scan3A_119, %scan3A_120 : i32
    %scan3A_122 = arith.constant 1 : i32
    %scan3A_123 = scf.for %scan3A_565 = %scan3A_119 to %scan3A_121 step %scan3A_122 iter_args(%scan3A_566 = %scan3A_118) -> (i32)  : i32 {
      %mul3A_567 = arith.constant 16 : i32
      %mul3A_568 = arith.muli %scan3A_565, %mul3A_567 : i32
      %get3A = arith.index_cast %mul3A_568 : i32 to index
      %get3A_569 = tpu.vector_load %arg7[%get3A] {strides = array<i32>} : memref<2048xi32, #tpu.memory_space<vmem>>, vector<16xi32>,
      %add3A_570 = arith.constant 0 : i32
      %add3A_571 = vector.broadcast %add3A_570 : i32 to vector<16xi32>
      %add3A_572 = arith.addi %get3A_569, %add3A_571 : vector<16xi32>
      %gather3A = tpu.vector_load_idx %arg6[%add3A_572] : memref<10240xf32, #tpu.memory_space<vmem>>[vector<16xi32>], vector<16xf32>,
      %mul3A_573 = arith.constant 16 : i32
      %mul3A_574 = arith.muli %scan3A_565, %mul3A_573 : i32
      %get3A_575 = arith.index_cast %mul3A_574 : i32 to index
      %get3A_576 = tpu.vector_load %arg8[%get3A_575] {strides = array<i32>} : memref<2048xi32, #tpu.memory_space<vmem>>, vector<16xi32>,
      %add3A_577 = arith.constant 0 : i32
      %add3A_578 = vector.broadcast %add3A_577 : i32 to vector<16xi32>
      %add3A_579 = arith.addi %get3A_576, %add3A_578 : vector<16xi32>
      %gather3A_580 = tpu.vector_load_idx %arg6[%add3A_579] : memref<10240xf32, #tpu.memory_space<vmem>>[vector<16xi32>], vector<16xf32>,
      %sub3A = arith.subf %gather3A, %gather3A_580 : vector<16xf32>
      %mul3A_581 = arith.constant 16 : i32
      %mul3A_582 = arith.muli %scan3A_565, %mul3A_581 : i32
      %swap3A = arith.constant 0 : i32
      %swap3A_583 = arith.index_cast %swap3A : i32 to index
      %swap3A_584 = arith.index_cast %mul3A_582 : i32 to index
      %swap3A_585 = tpu.vector_load %arg9[%swap3A_583, %swap3A_584] {strides = array<i32>} : memref<1x2048xf32, #tpu.memory_space<vmem>>, vector<16xf32>,
      tpu.vector_store %arg9[%swap3A_583, %swap3A_584], %sub3A {strides = array<i32>} : memref<1x2048xf32, #tpu.memory_space<vmem>>, vector<16xf32>,
      %scan3A_586 = arith.constant 0 : i32
      scf.yield %scan3A_586 : i32
    }
    %scan3A_124 = arith.constant 128 : i32
    %add3A_125 = arith.constant 16384 : i32
    %add3A_126 = arith.addi %mul3A_2, %add3A_125 : i32
    %run_scoped3A_127 = arith.constant 0 : i32
    "tpu.region"() ({
      %run_scoped3A_565 = tpu.sem_alloc : memref<!tpu.dma_semaphore, #tpu.memory_space<semaphore_mem>>
      %dma_start3A = arith.constant 0 : i32
      %dma_start3A_566 = tpu.memref_slice %arg5[%run_scoped3A_127, %dma_start3A, %add3A_126] : memref<4x1x655360xf32, #tpu.memory_space<hbm>> -> memref<1x1x2048xf32, #tpu.memory_space<hbm>>
      %dma_start3A_567 = tpu.memref_squeeze %dma_start3A_566 : memref<1x1x2048xf32, #tpu.memory_space<hbm>> -> memref<1x2048xf32, #tpu.memory_space<hbm>>
      %dma_start3A_568 = arith.constant 0 : i32
      %dma_start3A_569 = tpu.memref_slice %arg5[%run_scoped3A_127, %dma_start3A_568, %add3A_126] : memref<4x1x655360xf32, #tpu.memory_space<hbm>> -> memref<1x1x2048xf32, #tpu.memory_space<hbm>>
      %dma_start3A_570 = tpu.memref_squeeze %dma_start3A_569 : memref<1x1x2048xf32, #tpu.memory_space<hbm>> -> memref<1x2048xf32, #tpu.memory_space<hbm>>
      tpu.enqueue_dma source(%arg9 : memref<1x2048xf32, #tpu.memory_space<vmem>>) target(%dma_start3A_570 : memref<1x2048xf32, #tpu.memory_space<hbm>>) target_semaphore(%run_scoped3A_565 : memref<!tpu.dma_semaphore, #tpu.memory_space<semaphore_mem>>)
      %dma_wait3A = arith.constant 0 : i32
      %dma_wait3A_571 = tpu.memref_slice %arg5[%run_scoped3A_127, %dma_wait3A, %add3A_126] : memref<4x1x655360xf32, #tpu.memory_space<hbm>> -> memref<1x1x2048xf32, #tpu.memory_space<hbm>>
      %dma_wait3A_572 = tpu.memref_squeeze %dma_wait3A_571 : memref<1x1x2048xf32, #tpu.memory_space<hbm>> -> memref<1x2048xf32, #tpu.memory_space<hbm>>
      %dma_wait3A_573 = arith.constant 0 : i32
      %dma_wait3A_574 = tpu.memref_slice %arg5[%run_scoped3A_127, %dma_wait3A_573, %add3A_126] : memref<4x1x655360xf32, #tpu.memory_space<hbm>> -> memref<1x1x2048xf32, #tpu.memory_space<hbm>>
      %dma_wait3A_575 = tpu.memref_squeeze %dma_wait3A_574 : memref<1x1x2048xf32, #tpu.memory_space<hbm>> -> memref<1x2048xf32, #tpu.memory_space<hbm>>
      tpu.wait_dma2 semaphore(%run_scoped3A_565 : memref<!tpu.dma_semaphore, #tpu.memory_space<semaphore_mem>>) src(%arg9 : memref<1x2048xf32, #tpu.memory_space<vmem>>) dst(%dma_wait3A_575 : memref<1x2048xf32, #tpu.memory_space<hbm>>)
      tpu.yield
    }) : () -> ()
    %add3A_128 = arith.constant 18432 : i32
    %add3A_129 = arith.addi %mul3A_2, %add3A_128 : i32
    "tpu.region"() ({
      %run_scoped3A_565 = tpu.sem_alloc : memref<!tpu.dma_semaphore, #tpu.memory_space<semaphore_mem>>
      %dma_start3A = tpu.memref_slice %arg3[%add3A_129] : memref<655360xi32, #tpu.memory_space<hbm>> -> memref<2048xi32, #tpu.memory_space<hbm>>
      %dma_start3A_566 = tpu.memref_slice %arg3[%add3A_129] : memref<655360xi32, #tpu.memory_space<hbm>> -> memref<2048xi32, #tpu.memory_space<hbm>>
      tpu.enqueue_dma source(%dma_start3A_566 : memref<2048xi32, #tpu.memory_space<hbm>>) target(%arg7 : memref<2048xi32, #tpu.memory_space<vmem>>) target_semaphore(%run_scoped3A_565 : memref<!tpu.dma_semaphore, #tpu.memory_space<semaphore_mem>>)
      %dma_wait3A = tpu.memref_slice %arg3[%add3A_129] : memref<655360xi32, #tpu.memory_space<hbm>> -> memref<2048xi32, #tpu.memory_space<hbm>>
      %dma_wait3A_567 = tpu.memref_slice %arg3[%add3A_129] : memref<655360xi32, #tpu.memory_space<hbm>> -> memref<2048xi32, #tpu.memory_space<hbm>>
      tpu.wait_dma2 semaphore(%run_scoped3A_565 : memref<!tpu.dma_semaphore, #tpu.memory_space<semaphore_mem>>) src(%dma_wait3A_567 : memref<2048xi32, #tpu.memory_space<hbm>>) dst(%arg7 : memref<2048xi32, #tpu.memory_space<vmem>>)
      tpu.yield
    }) : () -> ()
    %add3A_130 = arith.constant 18432 : i32
    %add3A_131 = arith.addi %mul3A_2, %add3A_130 : i32
    "tpu.region"() ({
      %run_scoped3A_565 = tpu.sem_alloc : memref<!tpu.dma_semaphore, #tpu.memory_space<semaphore_mem>>
      %dma_start3A = tpu.memref_slice %arg4[%add3A_131] : memref<655360xi32, #tpu.memory_space<hbm>> -> memref<2048xi32, #tpu.memory_space<hbm>>
      %dma_start3A_566 = tpu.memref_slice %arg4[%add3A_131] : memref<655360xi32, #tpu.memory_space<hbm>> -> memref<2048xi32, #tpu.memory_space<hbm>>
      tpu.enqueue_dma source(%dma_start3A_566 : memref<2048xi32, #tpu.memory_space<hbm>>) target(%arg8 : memref<2048xi32, #tpu.memory_space<vmem>>) target_semaphore(%run_scoped3A_565 : memref<!tpu.dma_semaphore, #tpu.memory_space<semaphore_mem>>)
      %dma_wait3A = tpu.memref_slice %arg4[%add3A_131] : memref<655360xi32, #tpu.memory_space<hbm>> -> memref<2048xi32, #tpu.memory_space<hbm>>
      %dma_wait3A_567 = tpu.memref_slice %arg4[%add3A_131] : memref<655360xi32, #tpu.memory_space<hbm>> -> memref<2048xi32, #tpu.memory_space<hbm>>
      tpu.wait_dma2 semaphore(%run_scoped3A_565 : memref<!tpu.dma_semaphore, #tpu.memory_space<semaphore_mem>>) src(%dma_wait3A_567 : memref<2048xi32, #tpu.memory_space<hbm>>) dst(%arg8 : memref<2048xi32, #tpu.memory_space<vmem>>)
      tpu.yield
    }) : () -> ()
    %scan3A_132 = arith.constant 0 : i32
    %scan3A_133 = arith.constant 0 : i32
    %scan3A_134 = arith.constant 128 : i32
    %scan3A_135 = arith.addi %scan3A_133, %scan3A_134 : i32
    %scan3A_136 = arith.constant 1 : i32
    %scan3A_137 = scf.for %scan3A_565 = %scan3A_133 to %scan3A_135 step %scan3A_136 iter_args(%scan3A_566 = %scan3A_132) -> (i32)  : i32 {
      %mul3A_567 = arith.constant 16 : i32
      %mul3A_568 = arith.muli %scan3A_565, %mul3A_567 : i32
      %get3A = arith.index_cast %mul3A_568 : i32 to index
      %get3A_569 = tpu.vector_load %arg7[%get3A] {strides = array<i32>} : memref<2048xi32, #tpu.memory_space<vmem>>, vector<16xi32>,
      %add3A_570 = arith.constant 0 : i32
      %add3A_571 = vector.broadcast %add3A_570 : i32 to vector<16xi32>
      %add3A_572 = arith.addi %get3A_569, %add3A_571 : vector<16xi32>
      %gather3A = tpu.vector_load_idx %arg6[%add3A_572] : memref<10240xf32, #tpu.memory_space<vmem>>[vector<16xi32>], vector<16xf32>,
      %mul3A_573 = arith.constant 16 : i32
      %mul3A_574 = arith.muli %scan3A_565, %mul3A_573 : i32
      %get3A_575 = arith.index_cast %mul3A_574 : i32 to index
      %get3A_576 = tpu.vector_load %arg8[%get3A_575] {strides = array<i32>} : memref<2048xi32, #tpu.memory_space<vmem>>, vector<16xi32>,
      %add3A_577 = arith.constant 0 : i32
      %add3A_578 = vector.broadcast %add3A_577 : i32 to vector<16xi32>
      %add3A_579 = arith.addi %get3A_576, %add3A_578 : vector<16xi32>
      %gather3A_580 = tpu.vector_load_idx %arg6[%add3A_579] : memref<10240xf32, #tpu.memory_space<vmem>>[vector<16xi32>], vector<16xf32>,
      %sub3A = arith.subf %gather3A, %gather3A_580 : vector<16xf32>
      %mul3A_581 = arith.constant 16 : i32
      %mul3A_582 = arith.muli %scan3A_565, %mul3A_581 : i32
      %swap3A = arith.constant 0 : i32
      %swap3A_583 = arith.index_cast %swap3A : i32 to index
      %swap3A_584 = arith.index_cast %mul3A_582 : i32 to index
      %swap3A_585 = tpu.vector_load %arg9[%swap3A_583, %swap3A_584] {strides = array<i32>} : memref<1x2048xf32, #tpu.memory_space<vmem>>, vector<16xf32>,
      tpu.vector_store %arg9[%swap3A_583, %swap3A_584], %sub3A {strides = array<i32>} : memref<1x2048xf32, #tpu.memory_space<vmem>>, vector<16xf32>,
      %scan3A_586 = arith.constant 0 : i32
      scf.yield %scan3A_586 : i32
    }
    %scan3A_138 = arith.constant 128 : i32
    %add3A_139 = arith.constant 18432 : i32
    %add3A_140 = arith.addi %mul3A_2, %add3A_139 : i32
    %run_scoped3A_141 = arith.constant 0 : i32
    "tpu.region"() ({
      %run_scoped3A_565 = tpu.sem_alloc : memref<!tpu.dma_semaphore, #tpu.memory_space<semaphore_mem>>
      %dma_start3A = arith.constant 0 : i32
      %dma_start3A_566 = tpu.memref_slice %arg5[%run_scoped3A_141, %dma_start3A, %add3A_140] : memref<4x1x655360xf32, #tpu.memory_space<hbm>> -> memref<1x1x2048xf32, #tpu.memory_space<hbm>>
      %dma_start3A_567 = tpu.memref_squeeze %dma_start3A_566 : memref<1x1x2048xf32, #tpu.memory_space<hbm>> -> memref<1x2048xf32, #tpu.memory_space<hbm>>
      %dma_start3A_568 = arith.constant 0 : i32
      %dma_start3A_569 = tpu.memref_slice %arg5[%run_scoped3A_141, %dma_start3A_568, %add3A_140] : memref<4x1x655360xf32, #tpu.memory_space<hbm>> -> memref<1x1x2048xf32, #tpu.memory_space<hbm>>
      %dma_start3A_570 = tpu.memref_squeeze %dma_start3A_569 : memref<1x1x2048xf32, #tpu.memory_space<hbm>> -> memref<1x2048xf32, #tpu.memory_space<hbm>>
      tpu.enqueue_dma source(%arg9 : memref<1x2048xf32, #tpu.memory_space<vmem>>) target(%dma_start3A_570 : memref<1x2048xf32, #tpu.memory_space<hbm>>) target_semaphore(%run_scoped3A_565 : memref<!tpu.dma_semaphore, #tpu.memory_space<semaphore_mem>>)
      %dma_wait3A = arith.constant 0 : i32
      %dma_wait3A_571 = tpu.memref_slice %arg5[%run_scoped3A_141, %dma_wait3A, %add3A_140] : memref<4x1x655360xf32, #tpu.memory_space<hbm>> -> memref<1x1x2048xf32, #tpu.memory_space<hbm>>
      %dma_wait3A_572 = tpu.memref_squeeze %dma_wait3A_571 : memref<1x1x2048xf32, #tpu.memory_space<hbm>> -> memref<1x2048xf32, #tpu.memory_space<hbm>>
      %dma_wait3A_573 = arith.constant 0 : i32
      %dma_wait3A_574 = tpu.memref_slice %arg5[%run_scoped3A_141, %dma_wait3A_573, %add3A_140] : memref<4x1x655360xf32, #tpu.memory_space<hbm>> -> memref<1x1x2048xf32, #tpu.memory_space<hbm>>
      %dma_wait3A_575 = tpu.memref_squeeze %dma_wait3A_574 : memref<1x1x2048xf32, #tpu.memory_space<hbm>> -> memref<1x2048xf32, #tpu.memory_space<hbm>>
      tpu.wait_dma2 semaphore(%run_scoped3A_565 : memref<!tpu.dma_semaphore, #tpu.memory_space<semaphore_mem>>) src(%arg9 : memref<1x2048xf32, #tpu.memory_space<vmem>>) dst(%dma_wait3A_575 : memref<1x2048xf32, #tpu.memory_space<hbm>>)
      tpu.yield
    }) : () -> ()
    %run_scoped3A_142 = arith.constant 1 : i32
    "tpu.region"() ({
      %run_scoped3A_565 = tpu.sem_alloc : memref<!tpu.dma_semaphore, #tpu.memory_space<semaphore_mem>>
      %dma_start3A = arith.constant 0 : i32
      %dma_start3A_566 = tpu.memref_slice %arg2[%run_scoped3A_142, %dma_start3A] : memref<4x10240xf32, #tpu.memory_space<hbm>> -> memref<1x10240xf32, #tpu.memory_space<hbm>>
      %dma_start3A_567 = tpu.memref_squeeze %dma_start3A_566 : memref<1x10240xf32, #tpu.memory_space<hbm>> -> memref<10240xf32, #tpu.memory_space<hbm>>
      %dma_start3A_568 = arith.constant 0 : i32
      %dma_start3A_569 = tpu.memref_slice %arg2[%run_scoped3A_142, %dma_start3A_568] : memref<4x10240xf32, #tpu.memory_space<hbm>> -> memref<1x10240xf32, #tpu.memory_space<hbm>>
      %dma_start3A_570 = tpu.memref_squeeze %dma_start3A_569 : memref<1x10240xf32, #tpu.memory_space<hbm>> -> memref<10240xf32, #tpu.memory_space<hbm>>
      tpu.enqueue_dma source(%dma_start3A_570 : memref<10240xf32, #tpu.memory_space<hbm>>) target(%arg6 : memref<10240xf32, #tpu.memory_space<vmem>>) target_semaphore(%run_scoped3A_565 : memref<!tpu.dma_semaphore, #tpu.memory_space<semaphore_mem>>)
      %dma_wait3A = arith.constant 0 : i32
      %dma_wait3A_571 = tpu.memref_slice %arg2[%run_scoped3A_142, %dma_wait3A] : memref<4x10240xf32, #tpu.memory_space<hbm>> -> memref<1x10240xf32, #tpu.memory_space<hbm>>
      %dma_wait3A_572 = tpu.memref_squeeze %dma_wait3A_571 : memref<1x10240xf32, #tpu.memory_space<hbm>> -> memref<10240xf32, #tpu.memory_space<hbm>>
      %dma_wait3A_573 = arith.constant 0 : i32
      %dma_wait3A_574 = tpu.memref_slice %arg2[%run_scoped3A_142, %dma_wait3A_573] : memref<4x10240xf32, #tpu.memory_space<hbm>> -> memref<1x10240xf32, #tpu.memory_space<hbm>>
      %dma_wait3A_575 = tpu.memref_squeeze %dma_wait3A_574 : memref<1x10240xf32, #tpu.memory_space<hbm>> -> memref<10240xf32, #tpu.memory_space<hbm>>
      tpu.wait_dma2 semaphore(%run_scoped3A_565 : memref<!tpu.dma_semaphore, #tpu.memory_space<semaphore_mem>>) src(%dma_wait3A_575 : memref<10240xf32, #tpu.memory_space<hbm>>) dst(%arg6 : memref<10240xf32, #tpu.memory_space<vmem>>)
      tpu.yield
    }) : () -> ()
    %add3A_143 = arith.constant 0 : i32
    %add3A_144 = arith.addi %mul3A_2, %add3A_143 : i32
    "tpu.region"() ({
      %run_scoped3A_565 = tpu.sem_alloc : memref<!tpu.dma_semaphore, #tpu.memory_space<semaphore_mem>>
      %dma_start3A = tpu.memref_slice %arg3[%add3A_144] : memref<655360xi32, #tpu.memory_space<hbm>> -> memref<2048xi32, #tpu.memory_space<hbm>>
      %dma_start3A_566 = tpu.memref_slice %arg3[%add3A_144] : memref<655360xi32, #tpu.memory_space<hbm>> -> memref<2048xi32, #tpu.memory_space<hbm>>
      tpu.enqueue_dma source(%dma_start3A_566 : memref<2048xi32, #tpu.memory_space<hbm>>) target(%arg7 : memref<2048xi32, #tpu.memory_space<vmem>>) target_semaphore(%run_scoped3A_565 : memref<!tpu.dma_semaphore, #tpu.memory_space<semaphore_mem>>)
      %dma_wait3A = tpu.memref_slice %arg3[%add3A_144] : memref<655360xi32, #tpu.memory_space<hbm>> -> memref<2048xi32, #tpu.memory_space<hbm>>
      %dma_wait3A_567 = tpu.memref_slice %arg3[%add3A_144] : memref<655360xi32, #tpu.memory_space<hbm>> -> memref<2048xi32, #tpu.memory_space<hbm>>
      tpu.wait_dma2 semaphore(%run_scoped3A_565 : memref<!tpu.dma_semaphore, #tpu.memory_space<semaphore_mem>>) src(%dma_wait3A_567 : memref<2048xi32, #tpu.memory_space<hbm>>) dst(%arg7 : memref<2048xi32, #tpu.memory_space<vmem>>)
      tpu.yield
    }) : () -> ()
    %add3A_145 = arith.constant 0 : i32
    %add3A_146 = arith.addi %mul3A_2, %add3A_145 : i32
    "tpu.region"() ({
      %run_scoped3A_565 = tpu.sem_alloc : memref<!tpu.dma_semaphore, #tpu.memory_space<semaphore_mem>>
      %dma_start3A = tpu.memref_slice %arg4[%add3A_146] : memref<655360xi32, #tpu.memory_space<hbm>> -> memref<2048xi32, #tpu.memory_space<hbm>>
      %dma_start3A_566 = tpu.memref_slice %arg4[%add3A_146] : memref<655360xi32, #tpu.memory_space<hbm>> -> memref<2048xi32, #tpu.memory_space<hbm>>
      tpu.enqueue_dma source(%dma_start3A_566 : memref<2048xi32, #tpu.memory_space<hbm>>) target(%arg8 : memref<2048xi32, #tpu.memory_space<vmem>>) target_semaphore(%run_scoped3A_565 : memref<!tpu.dma_semaphore, #tpu.memory_space<semaphore_mem>>)
      %dma_wait3A = tpu.memref_slice %arg4[%add3A_146] : memref<655360xi32, #tpu.memory_space<hbm>> -> memref<2048xi32, #tpu.memory_space<hbm>>
      %dma_wait3A_567 = tpu.memref_slice %arg4[%add3A_146] : memref<655360xi32, #tpu.memory_space<hbm>> -> memref<2048xi32, #tpu.memory_space<hbm>>
      tpu.wait_dma2 semaphore(%run_scoped3A_565 : memref<!tpu.dma_semaphore, #tpu.memory_space<semaphore_mem>>) src(%dma_wait3A_567 : memref<2048xi32, #tpu.memory_space<hbm>>) dst(%arg8 : memref<2048xi32, #tpu.memory_space<vmem>>)
      tpu.yield
    }) : () -> ()
    %scan3A_147 = arith.constant 0 : i32
    %scan3A_148 = arith.constant 0 : i32
    %scan3A_149 = arith.constant 128 : i32
    %scan3A_150 = arith.addi %scan3A_148, %scan3A_149 : i32
    %scan3A_151 = arith.constant 1 : i32
    %scan3A_152 = scf.for %scan3A_565 = %scan3A_148 to %scan3A_150 step %scan3A_151 iter_args(%scan3A_566 = %scan3A_147) -> (i32)  : i32 {
      %mul3A_567 = arith.constant 16 : i32
      %mul3A_568 = arith.muli %scan3A_565, %mul3A_567 : i32
      %get3A = arith.index_cast %mul3A_568 : i32 to index
      %get3A_569 = tpu.vector_load %arg7[%get3A] {strides = array<i32>} : memref<2048xi32, #tpu.memory_space<vmem>>, vector<16xi32>,
      %add3A_570 = arith.constant 0 : i32
      %add3A_571 = vector.broadcast %add3A_570 : i32 to vector<16xi32>
      %add3A_572 = arith.addi %get3A_569, %add3A_571 : vector<16xi32>
      %gather3A = tpu.vector_load_idx %arg6[%add3A_572] : memref<10240xf32, #tpu.memory_space<vmem>>[vector<16xi32>], vector<16xf32>,
      %mul3A_573 = arith.constant 16 : i32
      %mul3A_574 = arith.muli %scan3A_565, %mul3A_573 : i32
      %get3A_575 = arith.index_cast %mul3A_574 : i32 to index
      %get3A_576 = tpu.vector_load %arg8[%get3A_575] {strides = array<i32>} : memref<2048xi32, #tpu.memory_space<vmem>>, vector<16xi32>,
      %add3A_577 = arith.constant 0 : i32
      %add3A_578 = vector.broadcast %add3A_577 : i32 to vector<16xi32>
      %add3A_579 = arith.addi %get3A_576, %add3A_578 : vector<16xi32>
      %gather3A_580 = tpu.vector_load_idx %arg6[%add3A_579] : memref<10240xf32, #tpu.memory_space<vmem>>[vector<16xi32>], vector<16xf32>,
      %sub3A = arith.subf %gather3A, %gather3A_580 : vector<16xf32>
      %mul3A_581 = arith.constant 16 : i32
      %mul3A_582 = arith.muli %scan3A_565, %mul3A_581 : i32
      %swap3A = arith.constant 0 : i32
      %swap3A_583 = arith.index_cast %swap3A : i32 to index
      %swap3A_584 = arith.index_cast %mul3A_582 : i32 to index
      %swap3A_585 = tpu.vector_load %arg9[%swap3A_583, %swap3A_584] {strides = array<i32>} : memref<1x2048xf32, #tpu.memory_space<vmem>>, vector<16xf32>,
      tpu.vector_store %arg9[%swap3A_583, %swap3A_584], %sub3A {strides = array<i32>} : memref<1x2048xf32, #tpu.memory_space<vmem>>, vector<16xf32>,
      %scan3A_586 = arith.constant 0 : i32
      scf.yield %scan3A_586 : i32
    }
    %scan3A_153 = arith.constant 128 : i32
    %add3A_154 = arith.constant 0 : i32
    %add3A_155 = arith.addi %mul3A_2, %add3A_154 : i32
    %run_scoped3A_156 = arith.constant 1 : i32
    "tpu.region"() ({
      %run_scoped3A_565 = tpu.sem_alloc : memref<!tpu.dma_semaphore, #tpu.memory_space<semaphore_mem>>
      %dma_start3A = arith.constant 0 : i32
      %dma_start3A_566 = tpu.memref_slice %arg5[%run_scoped3A_156, %dma_start3A, %add3A_155] : memref<4x1x655360xf32, #tpu.memory_space<hbm>> -> memref<1x1x2048xf32, #tpu.memory_space<hbm>>
      %dma_start3A_567 = tpu.memref_squeeze %dma_start3A_566 : memref<1x1x2048xf32, #tpu.memory_space<hbm>> -> memref<1x2048xf32, #tpu.memory_space<hbm>>
      %dma_start3A_568 = arith.constant 0 : i32
      %dma_start3A_569 = tpu.memref_slice %arg5[%run_scoped3A_156, %dma_start3A_568, %add3A_155] : memref<4x1x655360xf32, #tpu.memory_space<hbm>> -> memref<1x1x2048xf32, #tpu.memory_space<hbm>>
      %dma_start3A_570 = tpu.memref_squeeze %dma_start3A_569 : memref<1x1x2048xf32, #tpu.memory_space<hbm>> -> memref<1x2048xf32, #tpu.memory_space<hbm>>
      tpu.enqueue_dma source(%arg9 : memref<1x2048xf32, #tpu.memory_space<vmem>>) target(%dma_start3A_570 : memref<1x2048xf32, #tpu.memory_space<hbm>>) target_semaphore(%run_scoped3A_565 : memref<!tpu.dma_semaphore, #tpu.memory_space<semaphore_mem>>)
      %dma_wait3A = arith.constant 0 : i32
      %dma_wait3A_571 = tpu.memref_slice %arg5[%run_scoped3A_156, %dma_wait3A, %add3A_155] : memref<4x1x655360xf32, #tpu.memory_space<hbm>> -> memref<1x1x2048xf32, #tpu.memory_space<hbm>>
      %dma_wait3A_572 = tpu.memref_squeeze %dma_wait3A_571 : memref<1x1x2048xf32, #tpu.memory_space<hbm>> -> memref<1x2048xf32, #tpu.memory_space<hbm>>
      %dma_wait3A_573 = arith.constant 0 : i32
      %dma_wait3A_574 = tpu.memref_slice %arg5[%run_scoped3A_156, %dma_wait3A_573, %add3A_155] : memref<4x1x655360xf32, #tpu.memory_space<hbm>> -> memref<1x1x2048xf32, #tpu.memory_space<hbm>>
      %dma_wait3A_575 = tpu.memref_squeeze %dma_wait3A_574 : memref<1x1x2048xf32, #tpu.memory_space<hbm>> -> memref<1x2048xf32, #tpu.memory_space<hbm>>
      tpu.wait_dma2 semaphore(%run_scoped3A_565 : memref<!tpu.dma_semaphore, #tpu.memory_space<semaphore_mem>>) src(%arg9 : memref<1x2048xf32, #tpu.memory_space<vmem>>) dst(%dma_wait3A_575 : memref<1x2048xf32, #tpu.memory_space<hbm>>)
      tpu.yield
    }) : () -> ()
    %add3A_157 = arith.constant 2048 : i32
    %add3A_158 = arith.addi %mul3A_2, %add3A_157 : i32
    "tpu.region"() ({
      %run_scoped3A_565 = tpu.sem_alloc : memref<!tpu.dma_semaphore, #tpu.memory_space<semaphore_mem>>
      %dma_start3A = tpu.memref_slice %arg3[%add3A_158] : memref<655360xi32, #tpu.memory_space<hbm>> -> memref<2048xi32, #tpu.memory_space<hbm>>
      %dma_start3A_566 = tpu.memref_slice %arg3[%add3A_158] : memref<655360xi32, #tpu.memory_space<hbm>> -> memref<2048xi32, #tpu.memory_space<hbm>>
      tpu.enqueue_dma source(%dma_start3A_566 : memref<2048xi32, #tpu.memory_space<hbm>>) target(%arg7 : memref<2048xi32, #tpu.memory_space<vmem>>) target_semaphore(%run_scoped3A_565 : memref<!tpu.dma_semaphore, #tpu.memory_space<semaphore_mem>>)
      %dma_wait3A = tpu.memref_slice %arg3[%add3A_158] : memref<655360xi32, #tpu.memory_space<hbm>> -> memref<2048xi32, #tpu.memory_space<hbm>>
      %dma_wait3A_567 = tpu.memref_slice %arg3[%add3A_158] : memref<655360xi32, #tpu.memory_space<hbm>> -> memref<2048xi32, #tpu.memory_space<hbm>>
      tpu.wait_dma2 semaphore(%run_scoped3A_565 : memref<!tpu.dma_semaphore, #tpu.memory_space<semaphore_mem>>) src(%dma_wait3A_567 : memref<2048xi32, #tpu.memory_space<hbm>>) dst(%arg7 : memref<2048xi32, #tpu.memory_space<vmem>>)
      tpu.yield
    }) : () -> ()
    %add3A_159 = arith.constant 2048 : i32
    %add3A_160 = arith.addi %mul3A_2, %add3A_159 : i32
    "tpu.region"() ({
      %run_scoped3A_565 = tpu.sem_alloc : memref<!tpu.dma_semaphore, #tpu.memory_space<semaphore_mem>>
      %dma_start3A = tpu.memref_slice %arg4[%add3A_160] : memref<655360xi32, #tpu.memory_space<hbm>> -> memref<2048xi32, #tpu.memory_space<hbm>>
      %dma_start3A_566 = tpu.memref_slice %arg4[%add3A_160] : memref<655360xi32, #tpu.memory_space<hbm>> -> memref<2048xi32, #tpu.memory_space<hbm>>
      tpu.enqueue_dma source(%dma_start3A_566 : memref<2048xi32, #tpu.memory_space<hbm>>) target(%arg8 : memref<2048xi32, #tpu.memory_space<vmem>>) target_semaphore(%run_scoped3A_565 : memref<!tpu.dma_semaphore, #tpu.memory_space<semaphore_mem>>)
      %dma_wait3A = tpu.memref_slice %arg4[%add3A_160] : memref<655360xi32, #tpu.memory_space<hbm>> -> memref<2048xi32, #tpu.memory_space<hbm>>
      %dma_wait3A_567 = tpu.memref_slice %arg4[%add3A_160] : memref<655360xi32, #tpu.memory_space<hbm>> -> memref<2048xi32, #tpu.memory_space<hbm>>
      tpu.wait_dma2 semaphore(%run_scoped3A_565 : memref<!tpu.dma_semaphore, #tpu.memory_space<semaphore_mem>>) src(%dma_wait3A_567 : memref<2048xi32, #tpu.memory_space<hbm>>) dst(%arg8 : memref<2048xi32, #tpu.memory_space<vmem>>)
      tpu.yield
    }) : () -> ()
    %scan3A_161 = arith.constant 0 : i32
    %scan3A_162 = arith.constant 0 : i32
    %scan3A_163 = arith.constant 128 : i32
    %scan3A_164 = arith.addi %scan3A_162, %scan3A_163 : i32
    %scan3A_165 = arith.constant 1 : i32
    %scan3A_166 = scf.for %scan3A_565 = %scan3A_162 to %scan3A_164 step %scan3A_165 iter_args(%scan3A_566 = %scan3A_161) -> (i32)  : i32 {
      %mul3A_567 = arith.constant 16 : i32
      %mul3A_568 = arith.muli %scan3A_565, %mul3A_567 : i32
      %get3A = arith.index_cast %mul3A_568 : i32 to index
      %get3A_569 = tpu.vector_load %arg7[%get3A] {strides = array<i32>} : memref<2048xi32, #tpu.memory_space<vmem>>, vector<16xi32>,
      %add3A_570 = arith.constant 0 : i32
      %add3A_571 = vector.broadcast %add3A_570 : i32 to vector<16xi32>
      %add3A_572 = arith.addi %get3A_569, %add3A_571 : vector<16xi32>
      %gather3A = tpu.vector_load_idx %arg6[%add3A_572] : memref<10240xf32, #tpu.memory_space<vmem>>[vector<16xi32>], vector<16xf32>,
      %mul3A_573 = arith.constant 16 : i32
      %mul3A_574 = arith.muli %scan3A_565, %mul3A_573 : i32
      %get3A_575 = arith.index_cast %mul3A_574 : i32 to index
      %get3A_576 = tpu.vector_load %arg8[%get3A_575] {strides = array<i32>} : memref<2048xi32, #tpu.memory_space<vmem>>, vector<16xi32>,
      %add3A_577 = arith.constant 0 : i32
      %add3A_578 = vector.broadcast %add3A_577 : i32 to vector<16xi32>
      %add3A_579 = arith.addi %get3A_576, %add3A_578 : vector<16xi32>
      %gather3A_580 = tpu.vector_load_idx %arg6[%add3A_579] : memref<10240xf32, #tpu.memory_space<vmem>>[vector<16xi32>], vector<16xf32>,
      %sub3A = arith.subf %gather3A, %gather3A_580 : vector<16xf32>
      %mul3A_581 = arith.constant 16 : i32
      %mul3A_582 = arith.muli %scan3A_565, %mul3A_581 : i32
      %swap3A = arith.constant 0 : i32
      %swap3A_583 = arith.index_cast %swap3A : i32 to index
      %swap3A_584 = arith.index_cast %mul3A_582 : i32 to index
      %swap3A_585 = tpu.vector_load %arg9[%swap3A_583, %swap3A_584] {strides = array<i32>} : memref<1x2048xf32, #tpu.memory_space<vmem>>, vector<16xf32>,
      tpu.vector_store %arg9[%swap3A_583, %swap3A_584], %sub3A {strides = array<i32>} : memref<1x2048xf32, #tpu.memory_space<vmem>>, vector<16xf32>,
      %scan3A_586 = arith.constant 0 : i32
      scf.yield %scan3A_586 : i32
    }
    %scan3A_167 = arith.constant 128 : i32
    %add3A_168 = arith.constant 2048 : i32
    %add3A_169 = arith.addi %mul3A_2, %add3A_168 : i32
    %run_scoped3A_170 = arith.constant 1 : i32
    "tpu.region"() ({
      %run_scoped3A_565 = tpu.sem_alloc : memref<!tpu.dma_semaphore, #tpu.memory_space<semaphore_mem>>
      %dma_start3A = arith.constant 0 : i32
      %dma_start3A_566 = tpu.memref_slice %arg5[%run_scoped3A_170, %dma_start3A, %add3A_169] : memref<4x1x655360xf32, #tpu.memory_space<hbm>> -> memref<1x1x2048xf32, #tpu.memory_space<hbm>>
      %dma_start3A_567 = tpu.memref_squeeze %dma_start3A_566 : memref<1x1x2048xf32, #tpu.memory_space<hbm>> -> memref<1x2048xf32, #tpu.memory_space<hbm>>
      %dma_start3A_568 = arith.constant 0 : i32
      %dma_start3A_569 = tpu.memref_slice %arg5[%run_scoped3A_170, %dma_start3A_568, %add3A_169] : memref<4x1x655360xf32, #tpu.memory_space<hbm>> -> memref<1x1x2048xf32, #tpu.memory_space<hbm>>
      %dma_start3A_570 = tpu.memref_squeeze %dma_start3A_569 : memref<1x1x2048xf32, #tpu.memory_space<hbm>> -> memref<1x2048xf32, #tpu.memory_space<hbm>>
      tpu.enqueue_dma source(%arg9 : memref<1x2048xf32, #tpu.memory_space<vmem>>) target(%dma_start3A_570 : memref<1x2048xf32, #tpu.memory_space<hbm>>) target_semaphore(%run_scoped3A_565 : memref<!tpu.dma_semaphore, #tpu.memory_space<semaphore_mem>>)
      %dma_wait3A = arith.constant 0 : i32
      %dma_wait3A_571 = tpu.memref_slice %arg5[%run_scoped3A_170, %dma_wait3A, %add3A_169] : memref<4x1x655360xf32, #tpu.memory_space<hbm>> -> memref<1x1x2048xf32, #tpu.memory_space<hbm>>
      %dma_wait3A_572 = tpu.memref_squeeze %dma_wait3A_571 : memref<1x1x2048xf32, #tpu.memory_space<hbm>> -> memref<1x2048xf32, #tpu.memory_space<hbm>>
      %dma_wait3A_573 = arith.constant 0 : i32
      %dma_wait3A_574 = tpu.memref_slice %arg5[%run_scoped3A_170, %dma_wait3A_573, %add3A_169] : memref<4x1x655360xf32, #tpu.memory_space<hbm>> -> memref<1x1x2048xf32, #tpu.memory_space<hbm>>
      %dma_wait3A_575 = tpu.memref_squeeze %dma_wait3A_574 : memref<1x1x2048xf32, #tpu.memory_space<hbm>> -> memref<1x2048xf32, #tpu.memory_space<hbm>>
      tpu.wait_dma2 semaphore(%run_scoped3A_565 : memref<!tpu.dma_semaphore, #tpu.memory_space<semaphore_mem>>) src(%arg9 : memref<1x2048xf32, #tpu.memory_space<vmem>>) dst(%dma_wait3A_575 : memref<1x2048xf32, #tpu.memory_space<hbm>>)
      tpu.yield
    }) : () -> ()
    %add3A_171 = arith.constant 4096 : i32
    %add3A_172 = arith.addi %mul3A_2, %add3A_171 : i32
    "tpu.region"() ({
      %run_scoped3A_565 = tpu.sem_alloc : memref<!tpu.dma_semaphore, #tpu.memory_space<semaphore_mem>>
      %dma_start3A = tpu.memref_slice %arg3[%add3A_172] : memref<655360xi32, #tpu.memory_space<hbm>> -> memref<2048xi32, #tpu.memory_space<hbm>>
      %dma_start3A_566 = tpu.memref_slice %arg3[%add3A_172] : memref<655360xi32, #tpu.memory_space<hbm>> -> memref<2048xi32, #tpu.memory_space<hbm>>
      tpu.enqueue_dma source(%dma_start3A_566 : memref<2048xi32, #tpu.memory_space<hbm>>) target(%arg7 : memref<2048xi32, #tpu.memory_space<vmem>>) target_semaphore(%run_scoped3A_565 : memref<!tpu.dma_semaphore, #tpu.memory_space<semaphore_mem>>)
      %dma_wait3A = tpu.memref_slice %arg3[%add3A_172] : memref<655360xi32, #tpu.memory_space<hbm>> -> memref<2048xi32, #tpu.memory_space<hbm>>
      %dma_wait3A_567 = tpu.memref_slice %arg3[%add3A_172] : memref<655360xi32, #tpu.memory_space<hbm>> -> memref<2048xi32, #tpu.memory_space<hbm>>
      tpu.wait_dma2 semaphore(%run_scoped3A_565 : memref<!tpu.dma_semaphore, #tpu.memory_space<semaphore_mem>>) src(%dma_wait3A_567 : memref<2048xi32, #tpu.memory_space<hbm>>) dst(%arg7 : memref<2048xi32, #tpu.memory_space<vmem>>)
      tpu.yield
    }) : () -> ()
    %add3A_173 = arith.constant 4096 : i32
    %add3A_174 = arith.addi %mul3A_2, %add3A_173 : i32
    "tpu.region"() ({
      %run_scoped3A_565 = tpu.sem_alloc : memref<!tpu.dma_semaphore, #tpu.memory_space<semaphore_mem>>
      %dma_start3A = tpu.memref_slice %arg4[%add3A_174] : memref<655360xi32, #tpu.memory_space<hbm>> -> memref<2048xi32, #tpu.memory_space<hbm>>
      %dma_start3A_566 = tpu.memref_slice %arg4[%add3A_174] : memref<655360xi32, #tpu.memory_space<hbm>> -> memref<2048xi32, #tpu.memory_space<hbm>>
      tpu.enqueue_dma source(%dma_start3A_566 : memref<2048xi32, #tpu.memory_space<hbm>>) target(%arg8 : memref<2048xi32, #tpu.memory_space<vmem>>) target_semaphore(%run_scoped3A_565 : memref<!tpu.dma_semaphore, #tpu.memory_space<semaphore_mem>>)
      %dma_wait3A = tpu.memref_slice %arg4[%add3A_174] : memref<655360xi32, #tpu.memory_space<hbm>> -> memref<2048xi32, #tpu.memory_space<hbm>>
      %dma_wait3A_567 = tpu.memref_slice %arg4[%add3A_174] : memref<655360xi32, #tpu.memory_space<hbm>> -> memref<2048xi32, #tpu.memory_space<hbm>>
      tpu.wait_dma2 semaphore(%run_scoped3A_565 : memref<!tpu.dma_semaphore, #tpu.memory_space<semaphore_mem>>) src(%dma_wait3A_567 : memref<2048xi32, #tpu.memory_space<hbm>>) dst(%arg8 : memref<2048xi32, #tpu.memory_space<vmem>>)
      tpu.yield
    }) : () -> ()
    %scan3A_175 = arith.constant 0 : i32
    %scan3A_176 = arith.constant 0 : i32
    %scan3A_177 = arith.constant 128 : i32
    %scan3A_178 = arith.addi %scan3A_176, %scan3A_177 : i32
    %scan3A_179 = arith.constant 1 : i32
    %scan3A_180 = scf.for %scan3A_565 = %scan3A_176 to %scan3A_178 step %scan3A_179 iter_args(%scan3A_566 = %scan3A_175) -> (i32)  : i32 {
      %mul3A_567 = arith.constant 16 : i32
      %mul3A_568 = arith.muli %scan3A_565, %mul3A_567 : i32
      %get3A = arith.index_cast %mul3A_568 : i32 to index
      %get3A_569 = tpu.vector_load %arg7[%get3A] {strides = array<i32>} : memref<2048xi32, #tpu.memory_space<vmem>>, vector<16xi32>,
      %add3A_570 = arith.constant 0 : i32
      %add3A_571 = vector.broadcast %add3A_570 : i32 to vector<16xi32>
      %add3A_572 = arith.addi %get3A_569, %add3A_571 : vector<16xi32>
      %gather3A = tpu.vector_load_idx %arg6[%add3A_572] : memref<10240xf32, #tpu.memory_space<vmem>>[vector<16xi32>], vector<16xf32>,
      %mul3A_573 = arith.constant 16 : i32
      %mul3A_574 = arith.muli %scan3A_565, %mul3A_573 : i32
      %get3A_575 = arith.index_cast %mul3A_574 : i32 to index
      %get3A_576 = tpu.vector_load %arg8[%get3A_575] {strides = array<i32>} : memref<2048xi32, #tpu.memory_space<vmem>>, vector<16xi32>,
      %add3A_577 = arith.constant 0 : i32
      %add3A_578 = vector.broadcast %add3A_577 : i32 to vector<16xi32>
      %add3A_579 = arith.addi %get3A_576, %add3A_578 : vector<16xi32>
      %gather3A_580 = tpu.vector_load_idx %arg6[%add3A_579] : memref<10240xf32, #tpu.memory_space<vmem>>[vector<16xi32>], vector<16xf32>,
      %sub3A = arith.subf %gather3A, %gather3A_580 : vector<16xf32>
      %mul3A_581 = arith.constant 16 : i32
      %mul3A_582 = arith.muli %scan3A_565, %mul3A_581 : i32
      %swap3A = arith.constant 0 : i32
      %swap3A_583 = arith.index_cast %swap3A : i32 to index
      %swap3A_584 = arith.index_cast %mul3A_582 : i32 to index
      %swap3A_585 = tpu.vector_load %arg9[%swap3A_583, %swap3A_584] {strides = array<i32>} : memref<1x2048xf32, #tpu.memory_space<vmem>>, vector<16xf32>,
      tpu.vector_store %arg9[%swap3A_583, %swap3A_584], %sub3A {strides = array<i32>} : memref<1x2048xf32, #tpu.memory_space<vmem>>, vector<16xf32>,
      %scan3A_586 = arith.constant 0 : i32
      scf.yield %scan3A_586 : i32
    }
    %scan3A_181 = arith.constant 128 : i32
    %add3A_182 = arith.constant 4096 : i32
    %add3A_183 = arith.addi %mul3A_2, %add3A_182 : i32
    %run_scoped3A_184 = arith.constant 1 : i32
    "tpu.region"() ({
      %run_scoped3A_565 = tpu.sem_alloc : memref<!tpu.dma_semaphore, #tpu.memory_space<semaphore_mem>>
      %dma_start3A = arith.constant 0 : i32
      %dma_start3A_566 = tpu.memref_slice %arg5[%run_scoped3A_184, %dma_start3A, %add3A_183] : memref<4x1x655360xf32, #tpu.memory_space<hbm>> -> memref<1x1x2048xf32, #tpu.memory_space<hbm>>
      %dma_start3A_567 = tpu.memref_squeeze %dma_start3A_566 : memref<1x1x2048xf32, #tpu.memory_space<hbm>> -> memref<1x2048xf32, #tpu.memory_space<hbm>>
      %dma_start3A_568 = arith.constant 0 : i32
      %dma_start3A_569 = tpu.memref_slice %arg5[%run_scoped3A_184, %dma_start3A_568, %add3A_183] : memref<4x1x655360xf32, #tpu.memory_space<hbm>> -> memref<1x1x2048xf32, #tpu.memory_space<hbm>>
      %dma_start3A_570 = tpu.memref_squeeze %dma_start3A_569 : memref<1x1x2048xf32, #tpu.memory_space<hbm>> -> memref<1x2048xf32, #tpu.memory_space<hbm>>
      tpu.enqueue_dma source(%arg9 : memref<1x2048xf32, #tpu.memory_space<vmem>>) target(%dma_start3A_570 : memref<1x2048xf32, #tpu.memory_space<hbm>>) target_semaphore(%run_scoped3A_565 : memref<!tpu.dma_semaphore, #tpu.memory_space<semaphore_mem>>)
      %dma_wait3A = arith.constant 0 : i32
      %dma_wait3A_571 = tpu.memref_slice %arg5[%run_scoped3A_184, %dma_wait3A, %add3A_183] : memref<4x1x655360xf32, #tpu.memory_space<hbm>> -> memref<1x1x2048xf32, #tpu.memory_space<hbm>>
      %dma_wait3A_572 = tpu.memref_squeeze %dma_wait3A_571 : memref<1x1x2048xf32, #tpu.memory_space<hbm>> -> memref<1x2048xf32, #tpu.memory_space<hbm>>
      %dma_wait3A_573 = arith.constant 0 : i32
      %dma_wait3A_574 = tpu.memref_slice %arg5[%run_scoped3A_184, %dma_wait3A_573, %add3A_183] : memref<4x1x655360xf32, #tpu.memory_space<hbm>> -> memref<1x1x2048xf32, #tpu.memory_space<hbm>>
      %dma_wait3A_575 = tpu.memref_squeeze %dma_wait3A_574 : memref<1x1x2048xf32, #tpu.memory_space<hbm>> -> memref<1x2048xf32, #tpu.memory_space<hbm>>
      tpu.wait_dma2 semaphore(%run_scoped3A_565 : memref<!tpu.dma_semaphore, #tpu.memory_space<semaphore_mem>>) src(%arg9 : memref<1x2048xf32, #tpu.memory_space<vmem>>) dst(%dma_wait3A_575 : memref<1x2048xf32, #tpu.memory_space<hbm>>)
      tpu.yield
    }) : () -> ()
    %add3A_185 = arith.constant 6144 : i32
    %add3A_186 = arith.addi %mul3A_2, %add3A_185 : i32
    "tpu.region"() ({
      %run_scoped3A_565 = tpu.sem_alloc : memref<!tpu.dma_semaphore, #tpu.memory_space<semaphore_mem>>
      %dma_start3A = tpu.memref_slice %arg3[%add3A_186] : memref<655360xi32, #tpu.memory_space<hbm>> -> memref<2048xi32, #tpu.memory_space<hbm>>
      %dma_start3A_566 = tpu.memref_slice %arg3[%add3A_186] : memref<655360xi32, #tpu.memory_space<hbm>> -> memref<2048xi32, #tpu.memory_space<hbm>>
      tpu.enqueue_dma source(%dma_start3A_566 : memref<2048xi32, #tpu.memory_space<hbm>>) target(%arg7 : memref<2048xi32, #tpu.memory_space<vmem>>) target_semaphore(%run_scoped3A_565 : memref<!tpu.dma_semaphore, #tpu.memory_space<semaphore_mem>>)
      %dma_wait3A = tpu.memref_slice %arg3[%add3A_186] : memref<655360xi32, #tpu.memory_space<hbm>> -> memref<2048xi32, #tpu.memory_space<hbm>>
      %dma_wait3A_567 = tpu.memref_slice %arg3[%add3A_186] : memref<655360xi32, #tpu.memory_space<hbm>> -> memref<2048xi32, #tpu.memory_space<hbm>>
      tpu.wait_dma2 semaphore(%run_scoped3A_565 : memref<!tpu.dma_semaphore, #tpu.memory_space<semaphore_mem>>) src(%dma_wait3A_567 : memref<2048xi32, #tpu.memory_space<hbm>>) dst(%arg7 : memref<2048xi32, #tpu.memory_space<vmem>>)
      tpu.yield
    }) : () -> ()
    %add3A_187 = arith.constant 6144 : i32
    %add3A_188 = arith.addi %mul3A_2, %add3A_187 : i32
    "tpu.region"() ({
      %run_scoped3A_565 = tpu.sem_alloc : memref<!tpu.dma_semaphore, #tpu.memory_space<semaphore_mem>>
      %dma_start3A = tpu.memref_slice %arg4[%add3A_188] : memref<655360xi32, #tpu.memory_space<hbm>> -> memref<2048xi32, #tpu.memory_space<hbm>>
      %dma_start3A_566 = tpu.memref_slice %arg4[%add3A_188] : memref<655360xi32, #tpu.memory_space<hbm>> -> memref<2048xi32, #tpu.memory_space<hbm>>
      tpu.enqueue_dma source(%dma_start3A_566 : memref<2048xi32, #tpu.memory_space<hbm>>) target(%arg8 : memref<2048xi32, #tpu.memory_space<vmem>>) target_semaphore(%run_scoped3A_565 : memref<!tpu.dma_semaphore, #tpu.memory_space<semaphore_mem>>)
      %dma_wait3A = tpu.memref_slice %arg4[%add3A_188] : memref<655360xi32, #tpu.memory_space<hbm>> -> memref<2048xi32, #tpu.memory_space<hbm>>
      %dma_wait3A_567 = tpu.memref_slice %arg4[%add3A_188] : memref<655360xi32, #tpu.memory_space<hbm>> -> memref<2048xi32, #tpu.memory_space<hbm>>
      tpu.wait_dma2 semaphore(%run_scoped3A_565 : memref<!tpu.dma_semaphore, #tpu.memory_space<semaphore_mem>>) src(%dma_wait3A_567 : memref<2048xi32, #tpu.memory_space<hbm>>) dst(%arg8 : memref<2048xi32, #tpu.memory_space<vmem>>)
      tpu.yield
    }) : () -> ()
    %scan3A_189 = arith.constant 0 : i32
    %scan3A_190 = arith.constant 0 : i32
    %scan3A_191 = arith.constant 128 : i32
    %scan3A_192 = arith.addi %scan3A_190, %scan3A_191 : i32
    %scan3A_193 = arith.constant 1 : i32
    %scan3A_194 = scf.for %scan3A_565 = %scan3A_190 to %scan3A_192 step %scan3A_193 iter_args(%scan3A_566 = %scan3A_189) -> (i32)  : i32 {
      %mul3A_567 = arith.constant 16 : i32
      %mul3A_568 = arith.muli %scan3A_565, %mul3A_567 : i32
      %get3A = arith.index_cast %mul3A_568 : i32 to index
      %get3A_569 = tpu.vector_load %arg7[%get3A] {strides = array<i32>} : memref<2048xi32, #tpu.memory_space<vmem>>, vector<16xi32>,
      %add3A_570 = arith.constant 0 : i32
      %add3A_571 = vector.broadcast %add3A_570 : i32 to vector<16xi32>
      %add3A_572 = arith.addi %get3A_569, %add3A_571 : vector<16xi32>
      %gather3A = tpu.vector_load_idx %arg6[%add3A_572] : memref<10240xf32, #tpu.memory_space<vmem>>[vector<16xi32>], vector<16xf32>,
      %mul3A_573 = arith.constant 16 : i32
      %mul3A_574 = arith.muli %scan3A_565, %mul3A_573 : i32
      %get3A_575 = arith.index_cast %mul3A_574 : i32 to index
      %get3A_576 = tpu.vector_load %arg8[%get3A_575] {strides = array<i32>} : memref<2048xi32, #tpu.memory_space<vmem>>, vector<16xi32>,
      %add3A_577 = arith.constant 0 : i32
      %add3A_578 = vector.broadcast %add3A_577 : i32 to vector<16xi32>
      %add3A_579 = arith.addi %get3A_576, %add3A_578 : vector<16xi32>
      %gather3A_580 = tpu.vector_load_idx %arg6[%add3A_579] : memref<10240xf32, #tpu.memory_space<vmem>>[vector<16xi32>], vector<16xf32>,
      %sub3A = arith.subf %gather3A, %gather3A_580 : vector<16xf32>
      %mul3A_581 = arith.constant 16 : i32
      %mul3A_582 = arith.muli %scan3A_565, %mul3A_581 : i32
      %swap3A = arith.constant 0 : i32
      %swap3A_583 = arith.index_cast %swap3A : i32 to index
      %swap3A_584 = arith.index_cast %mul3A_582 : i32 to index
      %swap3A_585 = tpu.vector_load %arg9[%swap3A_583, %swap3A_584] {strides = array<i32>} : memref<1x2048xf32, #tpu.memory_space<vmem>>, vector<16xf32>,
      tpu.vector_store %arg9[%swap3A_583, %swap3A_584], %sub3A {strides = array<i32>} : memref<1x2048xf32, #tpu.memory_space<vmem>>, vector<16xf32>,
      %scan3A_586 = arith.constant 0 : i32
      scf.yield %scan3A_586 : i32
    }
    %scan3A_195 = arith.constant 128 : i32
    %add3A_196 = arith.constant 6144 : i32
    %add3A_197 = arith.addi %mul3A_2, %add3A_196 : i32
    %run_scoped3A_198 = arith.constant 1 : i32
    "tpu.region"() ({
      %run_scoped3A_565 = tpu.sem_alloc : memref<!tpu.dma_semaphore, #tpu.memory_space<semaphore_mem>>
      %dma_start3A = arith.constant 0 : i32
      %dma_start3A_566 = tpu.memref_slice %arg5[%run_scoped3A_198, %dma_start3A, %add3A_197] : memref<4x1x655360xf32, #tpu.memory_space<hbm>> -> memref<1x1x2048xf32, #tpu.memory_space<hbm>>
      %dma_start3A_567 = tpu.memref_squeeze %dma_start3A_566 : memref<1x1x2048xf32, #tpu.memory_space<hbm>> -> memref<1x2048xf32, #tpu.memory_space<hbm>>
      %dma_start3A_568 = arith.constant 0 : i32
      %dma_start3A_569 = tpu.memref_slice %arg5[%run_scoped3A_198, %dma_start3A_568, %add3A_197] : memref<4x1x655360xf32, #tpu.memory_space<hbm>> -> memref<1x1x2048xf32, #tpu.memory_space<hbm>>
      %dma_start3A_570 = tpu.memref_squeeze %dma_start3A_569 : memref<1x1x2048xf32, #tpu.memory_space<hbm>> -> memref<1x2048xf32, #tpu.memory_space<hbm>>
      tpu.enqueue_dma source(%arg9 : memref<1x2048xf32, #tpu.memory_space<vmem>>) target(%dma_start3A_570 : memref<1x2048xf32, #tpu.memory_space<hbm>>) target_semaphore(%run_scoped3A_565 : memref<!tpu.dma_semaphore, #tpu.memory_space<semaphore_mem>>)
      %dma_wait3A = arith.constant 0 : i32
      %dma_wait3A_571 = tpu.memref_slice %arg5[%run_scoped3A_198, %dma_wait3A, %add3A_197] : memref<4x1x655360xf32, #tpu.memory_space<hbm>> -> memref<1x1x2048xf32, #tpu.memory_space<hbm>>
      %dma_wait3A_572 = tpu.memref_squeeze %dma_wait3A_571 : memref<1x1x2048xf32, #tpu.memory_space<hbm>> -> memref<1x2048xf32, #tpu.memory_space<hbm>>
      %dma_wait3A_573 = arith.constant 0 : i32
      %dma_wait3A_574 = tpu.memref_slice %arg5[%run_scoped3A_198, %dma_wait3A_573, %add3A_197] : memref<4x1x655360xf32, #tpu.memory_space<hbm>> -> memref<1x1x2048xf32, #tpu.memory_space<hbm>>
      %dma_wait3A_575 = tpu.memref_squeeze %dma_wait3A_574 : memref<1x1x2048xf32, #tpu.memory_space<hbm>> -> memref<1x2048xf32, #tpu.memory_space<hbm>>
      tpu.wait_dma2 semaphore(%run_scoped3A_565 : memref<!tpu.dma_semaphore, #tpu.memory_space<semaphore_mem>>) src(%arg9 : memref<1x2048xf32, #tpu.memory_space<vmem>>) dst(%dma_wait3A_575 : memref<1x2048xf32, #tpu.memory_space<hbm>>)
      tpu.yield
    }) : () -> ()
    %add3A_199 = arith.constant 8192 : i32
    %add3A_200 = arith.addi %mul3A_2, %add3A_199 : i32
    "tpu.region"() ({
      %run_scoped3A_565 = tpu.sem_alloc : memref<!tpu.dma_semaphore, #tpu.memory_space<semaphore_mem>>
      %dma_start3A = tpu.memref_slice %arg3[%add3A_200] : memref<655360xi32, #tpu.memory_space<hbm>> -> memref<2048xi32, #tpu.memory_space<hbm>>
      %dma_start3A_566 = tpu.memref_slice %arg3[%add3A_200] : memref<655360xi32, #tpu.memory_space<hbm>> -> memref<2048xi32, #tpu.memory_space<hbm>>
      tpu.enqueue_dma source(%dma_start3A_566 : memref<2048xi32, #tpu.memory_space<hbm>>) target(%arg7 : memref<2048xi32, #tpu.memory_space<vmem>>) target_semaphore(%run_scoped3A_565 : memref<!tpu.dma_semaphore, #tpu.memory_space<semaphore_mem>>)
      %dma_wait3A = tpu.memref_slice %arg3[%add3A_200] : memref<655360xi32, #tpu.memory_space<hbm>> -> memref<2048xi32, #tpu.memory_space<hbm>>
      %dma_wait3A_567 = tpu.memref_slice %arg3[%add3A_200] : memref<655360xi32, #tpu.memory_space<hbm>> -> memref<2048xi32, #tpu.memory_space<hbm>>
      tpu.wait_dma2 semaphore(%run_scoped3A_565 : memref<!tpu.dma_semaphore, #tpu.memory_space<semaphore_mem>>) src(%dma_wait3A_567 : memref<2048xi32, #tpu.memory_space<hbm>>) dst(%arg7 : memref<2048xi32, #tpu.memory_space<vmem>>)
      tpu.yield
    }) : () -> ()
    %add3A_201 = arith.constant 8192 : i32
    %add3A_202 = arith.addi %mul3A_2, %add3A_201 : i32
    "tpu.region"() ({
      %run_scoped3A_565 = tpu.sem_alloc : memref<!tpu.dma_semaphore, #tpu.memory_space<semaphore_mem>>
      %dma_start3A = tpu.memref_slice %arg4[%add3A_202] : memref<655360xi32, #tpu.memory_space<hbm>> -> memref<2048xi32, #tpu.memory_space<hbm>>
      %dma_start3A_566 = tpu.memref_slice %arg4[%add3A_202] : memref<655360xi32, #tpu.memory_space<hbm>> -> memref<2048xi32, #tpu.memory_space<hbm>>
      tpu.enqueue_dma source(%dma_start3A_566 : memref<2048xi32, #tpu.memory_space<hbm>>) target(%arg8 : memref<2048xi32, #tpu.memory_space<vmem>>) target_semaphore(%run_scoped3A_565 : memref<!tpu.dma_semaphore, #tpu.memory_space<semaphore_mem>>)
      %dma_wait3A = tpu.memref_slice %arg4[%add3A_202] : memref<655360xi32, #tpu.memory_space<hbm>> -> memref<2048xi32, #tpu.memory_space<hbm>>
      %dma_wait3A_567 = tpu.memref_slice %arg4[%add3A_202] : memref<655360xi32, #tpu.memory_space<hbm>> -> memref<2048xi32, #tpu.memory_space<hbm>>
      tpu.wait_dma2 semaphore(%run_scoped3A_565 : memref<!tpu.dma_semaphore, #tpu.memory_space<semaphore_mem>>) src(%dma_wait3A_567 : memref<2048xi32, #tpu.memory_space<hbm>>) dst(%arg8 : memref<2048xi32, #tpu.memory_space<vmem>>)
      tpu.yield
    }) : () -> ()
    %scan3A_203 = arith.constant 0 : i32
    %scan3A_204 = arith.constant 0 : i32
    %scan3A_205 = arith.constant 128 : i32
    %scan3A_206 = arith.addi %scan3A_204, %scan3A_205 : i32
    %scan3A_207 = arith.constant 1 : i32
    %scan3A_208 = scf.for %scan3A_565 = %scan3A_204 to %scan3A_206 step %scan3A_207 iter_args(%scan3A_566 = %scan3A_203) -> (i32)  : i32 {
      %mul3A_567 = arith.constant 16 : i32
      %mul3A_568 = arith.muli %scan3A_565, %mul3A_567 : i32
      %get3A = arith.index_cast %mul3A_568 : i32 to index
      %get3A_569 = tpu.vector_load %arg7[%get3A] {strides = array<i32>} : memref<2048xi32, #tpu.memory_space<vmem>>, vector<16xi32>,
      %add3A_570 = arith.constant 0 : i32
      %add3A_571 = vector.broadcast %add3A_570 : i32 to vector<16xi32>
      %add3A_572 = arith.addi %get3A_569, %add3A_571 : vector<16xi32>
      %gather3A = tpu.vector_load_idx %arg6[%add3A_572] : memref<10240xf32, #tpu.memory_space<vmem>>[vector<16xi32>], vector<16xf32>,
      %mul3A_573 = arith.constant 16 : i32
      %mul3A_574 = arith.muli %scan3A_565, %mul3A_573 : i32
      %get3A_575 = arith.index_cast %mul3A_574 : i32 to index
      %get3A_576 = tpu.vector_load %arg8[%get3A_575] {strides = array<i32>} : memref<2048xi32, #tpu.memory_space<vmem>>, vector<16xi32>,
      %add3A_577 = arith.constant 0 : i32
      %add3A_578 = vector.broadcast %add3A_577 : i32 to vector<16xi32>
      %add3A_579 = arith.addi %get3A_576, %add3A_578 : vector<16xi32>
      %gather3A_580 = tpu.vector_load_idx %arg6[%add3A_579] : memref<10240xf32, #tpu.memory_space<vmem>>[vector<16xi32>], vector<16xf32>,
      %sub3A = arith.subf %gather3A, %gather3A_580 : vector<16xf32>
      %mul3A_581 = arith.constant 16 : i32
      %mul3A_582 = arith.muli %scan3A_565, %mul3A_581 : i32
      %swap3A = arith.constant 0 : i32
      %swap3A_583 = arith.index_cast %swap3A : i32 to index
      %swap3A_584 = arith.index_cast %mul3A_582 : i32 to index
      %swap3A_585 = tpu.vector_load %arg9[%swap3A_583, %swap3A_584] {strides = array<i32>} : memref<1x2048xf32, #tpu.memory_space<vmem>>, vector<16xf32>,
      tpu.vector_store %arg9[%swap3A_583, %swap3A_584], %sub3A {strides = array<i32>} : memref<1x2048xf32, #tpu.memory_space<vmem>>, vector<16xf32>,
      %scan3A_586 = arith.constant 0 : i32
      scf.yield %scan3A_586 : i32
    }
    %scan3A_209 = arith.constant 128 : i32
    %add3A_210 = arith.constant 8192 : i32
    %add3A_211 = arith.addi %mul3A_2, %add3A_210 : i32
    %run_scoped3A_212 = arith.constant 1 : i32
    "tpu.region"() ({
      %run_scoped3A_565 = tpu.sem_alloc : memref<!tpu.dma_semaphore, #tpu.memory_space<semaphore_mem>>
      %dma_start3A = arith.constant 0 : i32
      %dma_start3A_566 = tpu.memref_slice %arg5[%run_scoped3A_212, %dma_start3A, %add3A_211] : memref<4x1x655360xf32, #tpu.memory_space<hbm>> -> memref<1x1x2048xf32, #tpu.memory_space<hbm>>
      %dma_start3A_567 = tpu.memref_squeeze %dma_start3A_566 : memref<1x1x2048xf32, #tpu.memory_space<hbm>> -> memref<1x2048xf32, #tpu.memory_space<hbm>>
      %dma_start3A_568 = arith.constant 0 : i32
      %dma_start3A_569 = tpu.memref_slice %arg5[%run_scoped3A_212, %dma_start3A_568, %add3A_211] : memref<4x1x655360xf32, #tpu.memory_space<hbm>> -> memref<1x1x2048xf32, #tpu.memory_space<hbm>>
      %dma_start3A_570 = tpu.memref_squeeze %dma_start3A_569 : memref<1x1x2048xf32, #tpu.memory_space<hbm>> -> memref<1x2048xf32, #tpu.memory_space<hbm>>
      tpu.enqueue_dma source(%arg9 : memref<1x2048xf32, #tpu.memory_space<vmem>>) target(%dma_start3A_570 : memref<1x2048xf32, #tpu.memory_space<hbm>>) target_semaphore(%run_scoped3A_565 : memref<!tpu.dma_semaphore, #tpu.memory_space<semaphore_mem>>)
      %dma_wait3A = arith.constant 0 : i32
      %dma_wait3A_571 = tpu.memref_slice %arg5[%run_scoped3A_212, %dma_wait3A, %add3A_211] : memref<4x1x655360xf32, #tpu.memory_space<hbm>> -> memref<1x1x2048xf32, #tpu.memory_space<hbm>>
      %dma_wait3A_572 = tpu.memref_squeeze %dma_wait3A_571 : memref<1x1x2048xf32, #tpu.memory_space<hbm>> -> memref<1x2048xf32, #tpu.memory_space<hbm>>
      %dma_wait3A_573 = arith.constant 0 : i32
      %dma_wait3A_574 = tpu.memref_slice %arg5[%run_scoped3A_212, %dma_wait3A_573, %add3A_211] : memref<4x1x655360xf32, #tpu.memory_space<hbm>> -> memref<1x1x2048xf32, #tpu.memory_space<hbm>>
      %dma_wait3A_575 = tpu.memref_squeeze %dma_wait3A_574 : memref<1x1x2048xf32, #tpu.memory_space<hbm>> -> memref<1x2048xf32, #tpu.memory_space<hbm>>
      tpu.wait_dma2 semaphore(%run_scoped3A_565 : memref<!tpu.dma_semaphore, #tpu.memory_space<semaphore_mem>>) src(%arg9 : memref<1x2048xf32, #tpu.memory_space<vmem>>) dst(%dma_wait3A_575 : memref<1x2048xf32, #tpu.memory_space<hbm>>)
      tpu.yield
    }) : () -> ()
    %add3A_213 = arith.constant 10240 : i32
    %add3A_214 = arith.addi %mul3A_2, %add3A_213 : i32
    "tpu.region"() ({
      %run_scoped3A_565 = tpu.sem_alloc : memref<!tpu.dma_semaphore, #tpu.memory_space<semaphore_mem>>
      %dma_start3A = tpu.memref_slice %arg3[%add3A_214] : memref<655360xi32, #tpu.memory_space<hbm>> -> memref<2048xi32, #tpu.memory_space<hbm>>
      %dma_start3A_566 = tpu.memref_slice %arg3[%add3A_214] : memref<655360xi32, #tpu.memory_space<hbm>> -> memref<2048xi32, #tpu.memory_space<hbm>>
      tpu.enqueue_dma source(%dma_start3A_566 : memref<2048xi32, #tpu.memory_space<hbm>>) target(%arg7 : memref<2048xi32, #tpu.memory_space<vmem>>) target_semaphore(%run_scoped3A_565 : memref<!tpu.dma_semaphore, #tpu.memory_space<semaphore_mem>>)
      %dma_wait3A = tpu.memref_slice %arg3[%add3A_214] : memref<655360xi32, #tpu.memory_space<hbm>> -> memref<2048xi32, #tpu.memory_space<hbm>>
      %dma_wait3A_567 = tpu.memref_slice %arg3[%add3A_214] : memref<655360xi32, #tpu.memory_space<hbm>> -> memref<2048xi32, #tpu.memory_space<hbm>>
      tpu.wait_dma2 semaphore(%run_scoped3A_565 : memref<!tpu.dma_semaphore, #tpu.memory_space<semaphore_mem>>) src(%dma_wait3A_567 : memref<2048xi32, #tpu.memory_space<hbm>>) dst(%arg7 : memref<2048xi32, #tpu.memory_space<vmem>>)
      tpu.yield
    }) : () -> ()
    %add3A_215 = arith.constant 10240 : i32
    %add3A_216 = arith.addi %mul3A_2, %add3A_215 : i32
    "tpu.region"() ({
      %run_scoped3A_565 = tpu.sem_alloc : memref<!tpu.dma_semaphore, #tpu.memory_space<semaphore_mem>>
      %dma_start3A = tpu.memref_slice %arg4[%add3A_216] : memref<655360xi32, #tpu.memory_space<hbm>> -> memref<2048xi32, #tpu.memory_space<hbm>>
      %dma_start3A_566 = tpu.memref_slice %arg4[%add3A_216] : memref<655360xi32, #tpu.memory_space<hbm>> -> memref<2048xi32, #tpu.memory_space<hbm>>
      tpu.enqueue_dma source(%dma_start3A_566 : memref<2048xi32, #tpu.memory_space<hbm>>) target(%arg8 : memref<2048xi32, #tpu.memory_space<vmem>>) target_semaphore(%run_scoped3A_565 : memref<!tpu.dma_semaphore, #tpu.memory_space<semaphore_mem>>)
      %dma_wait3A = tpu.memref_slice %arg4[%add3A_216] : memref<655360xi32, #tpu.memory_space<hbm>> -> memref<2048xi32, #tpu.memory_space<hbm>>
      %dma_wait3A_567 = tpu.memref_slice %arg4[%add3A_216] : memref<655360xi32, #tpu.memory_space<hbm>> -> memref<2048xi32, #tpu.memory_space<hbm>>
      tpu.wait_dma2 semaphore(%run_scoped3A_565 : memref<!tpu.dma_semaphore, #tpu.memory_space<semaphore_mem>>) src(%dma_wait3A_567 : memref<2048xi32, #tpu.memory_space<hbm>>) dst(%arg8 : memref<2048xi32, #tpu.memory_space<vmem>>)
      tpu.yield
    }) : () -> ()
    %scan3A_217 = arith.constant 0 : i32
    %scan3A_218 = arith.constant 0 : i32
    %scan3A_219 = arith.constant 128 : i32
    %scan3A_220 = arith.addi %scan3A_218, %scan3A_219 : i32
    %scan3A_221 = arith.constant 1 : i32
    %scan3A_222 = scf.for %scan3A_565 = %scan3A_218 to %scan3A_220 step %scan3A_221 iter_args(%scan3A_566 = %scan3A_217) -> (i32)  : i32 {
      %mul3A_567 = arith.constant 16 : i32
      %mul3A_568 = arith.muli %scan3A_565, %mul3A_567 : i32
      %get3A = arith.index_cast %mul3A_568 : i32 to index
      %get3A_569 = tpu.vector_load %arg7[%get3A] {strides = array<i32>} : memref<2048xi32, #tpu.memory_space<vmem>>, vector<16xi32>,
      %add3A_570 = arith.constant 0 : i32
      %add3A_571 = vector.broadcast %add3A_570 : i32 to vector<16xi32>
      %add3A_572 = arith.addi %get3A_569, %add3A_571 : vector<16xi32>
      %gather3A = tpu.vector_load_idx %arg6[%add3A_572] : memref<10240xf32, #tpu.memory_space<vmem>>[vector<16xi32>], vector<16xf32>,
      %mul3A_573 = arith.constant 16 : i32
      %mul3A_574 = arith.muli %scan3A_565, %mul3A_573 : i32
      %get3A_575 = arith.index_cast %mul3A_574 : i32 to index
      %get3A_576 = tpu.vector_load %arg8[%get3A_575] {strides = array<i32>} : memref<2048xi32, #tpu.memory_space<vmem>>, vector<16xi32>,
      %add3A_577 = arith.constant 0 : i32
      %add3A_578 = vector.broadcast %add3A_577 : i32 to vector<16xi32>
      %add3A_579 = arith.addi %get3A_576, %add3A_578 : vector<16xi32>
      %gather3A_580 = tpu.vector_load_idx %arg6[%add3A_579] : memref<10240xf32, #tpu.memory_space<vmem>>[vector<16xi32>], vector<16xf32>,
      %sub3A = arith.subf %gather3A, %gather3A_580 : vector<16xf32>
      %mul3A_581 = arith.constant 16 : i32
      %mul3A_582 = arith.muli %scan3A_565, %mul3A_581 : i32
      %swap3A = arith.constant 0 : i32
      %swap3A_583 = arith.index_cast %swap3A : i32 to index
      %swap3A_584 = arith.index_cast %mul3A_582 : i32 to index
      %swap3A_585 = tpu.vector_load %arg9[%swap3A_583, %swap3A_584] {strides = array<i32>} : memref<1x2048xf32, #tpu.memory_space<vmem>>, vector<16xf32>,
      tpu.vector_store %arg9[%swap3A_583, %swap3A_584], %sub3A {strides = array<i32>} : memref<1x2048xf32, #tpu.memory_space<vmem>>, vector<16xf32>,
      %scan3A_586 = arith.constant 0 : i32
      scf.yield %scan3A_586 : i32
    }
    %scan3A_223 = arith.constant 128 : i32
    %add3A_224 = arith.constant 10240 : i32
    %add3A_225 = arith.addi %mul3A_2, %add3A_224 : i32
    %run_scoped3A_226 = arith.constant 1 : i32
    "tpu.region"() ({
      %run_scoped3A_565 = tpu.sem_alloc : memref<!tpu.dma_semaphore, #tpu.memory_space<semaphore_mem>>
      %dma_start3A = arith.constant 0 : i32
      %dma_start3A_566 = tpu.memref_slice %arg5[%run_scoped3A_226, %dma_start3A, %add3A_225] : memref<4x1x655360xf32, #tpu.memory_space<hbm>> -> memref<1x1x2048xf32, #tpu.memory_space<hbm>>
      %dma_start3A_567 = tpu.memref_squeeze %dma_start3A_566 : memref<1x1x2048xf32, #tpu.memory_space<hbm>> -> memref<1x2048xf32, #tpu.memory_space<hbm>>
      %dma_start3A_568 = arith.constant 0 : i32
      %dma_start3A_569 = tpu.memref_slice %arg5[%run_scoped3A_226, %dma_start3A_568, %add3A_225] : memref<4x1x655360xf32, #tpu.memory_space<hbm>> -> memref<1x1x2048xf32, #tpu.memory_space<hbm>>
      %dma_start3A_570 = tpu.memref_squeeze %dma_start3A_569 : memref<1x1x2048xf32, #tpu.memory_space<hbm>> -> memref<1x2048xf32, #tpu.memory_space<hbm>>
      tpu.enqueue_dma source(%arg9 : memref<1x2048xf32, #tpu.memory_space<vmem>>) target(%dma_start3A_570 : memref<1x2048xf32, #tpu.memory_space<hbm>>) target_semaphore(%run_scoped3A_565 : memref<!tpu.dma_semaphore, #tpu.memory_space<semaphore_mem>>)
      %dma_wait3A = arith.constant 0 : i32
      %dma_wait3A_571 = tpu.memref_slice %arg5[%run_scoped3A_226, %dma_wait3A, %add3A_225] : memref<4x1x655360xf32, #tpu.memory_space<hbm>> -> memref<1x1x2048xf32, #tpu.memory_space<hbm>>
      %dma_wait3A_572 = tpu.memref_squeeze %dma_wait3A_571 : memref<1x1x2048xf32, #tpu.memory_space<hbm>> -> memref<1x2048xf32, #tpu.memory_space<hbm>>
      %dma_wait3A_573 = arith.constant 0 : i32
      %dma_wait3A_574 = tpu.memref_slice %arg5[%run_scoped3A_226, %dma_wait3A_573, %add3A_225] : memref<4x1x655360xf32, #tpu.memory_space<hbm>> -> memref<1x1x2048xf32, #tpu.memory_space<hbm>>
      %dma_wait3A_575 = tpu.memref_squeeze %dma_wait3A_574 : memref<1x1x2048xf32, #tpu.memory_space<hbm>> -> memref<1x2048xf32, #tpu.memory_space<hbm>>
      tpu.wait_dma2 semaphore(%run_scoped3A_565 : memref<!tpu.dma_semaphore, #tpu.memory_space<semaphore_mem>>) src(%arg9 : memref<1x2048xf32, #tpu.memory_space<vmem>>) dst(%dma_wait3A_575 : memref<1x2048xf32, #tpu.memory_space<hbm>>)
      tpu.yield
    }) : () -> ()
    %add3A_227 = arith.constant 12288 : i32
    %add3A_228 = arith.addi %mul3A_2, %add3A_227 : i32
    "tpu.region"() ({
      %run_scoped3A_565 = tpu.sem_alloc : memref<!tpu.dma_semaphore, #tpu.memory_space<semaphore_mem>>
      %dma_start3A = tpu.memref_slice %arg3[%add3A_228] : memref<655360xi32, #tpu.memory_space<hbm>> -> memref<2048xi32, #tpu.memory_space<hbm>>
      %dma_start3A_566 = tpu.memref_slice %arg3[%add3A_228] : memref<655360xi32, #tpu.memory_space<hbm>> -> memref<2048xi32, #tpu.memory_space<hbm>>
      tpu.enqueue_dma source(%dma_start3A_566 : memref<2048xi32, #tpu.memory_space<hbm>>) target(%arg7 : memref<2048xi32, #tpu.memory_space<vmem>>) target_semaphore(%run_scoped3A_565 : memref<!tpu.dma_semaphore, #tpu.memory_space<semaphore_mem>>)
      %dma_wait3A = tpu.memref_slice %arg3[%add3A_228] : memref<655360xi32, #tpu.memory_space<hbm>> -> memref<2048xi32, #tpu.memory_space<hbm>>
      %dma_wait3A_567 = tpu.memref_slice %arg3[%add3A_228] : memref<655360xi32, #tpu.memory_space<hbm>> -> memref<2048xi32, #tpu.memory_space<hbm>>
      tpu.wait_dma2 semaphore(%run_scoped3A_565 : memref<!tpu.dma_semaphore, #tpu.memory_space<semaphore_mem>>) src(%dma_wait3A_567 : memref<2048xi32, #tpu.memory_space<hbm>>) dst(%arg7 : memref<2048xi32, #tpu.memory_space<vmem>>)
      tpu.yield
    }) : () -> ()
    %add3A_229 = arith.constant 12288 : i32
    %add3A_230 = arith.addi %mul3A_2, %add3A_229 : i32
    "tpu.region"() ({
      %run_scoped3A_565 = tpu.sem_alloc : memref<!tpu.dma_semaphore, #tpu.memory_space<semaphore_mem>>
      %dma_start3A = tpu.memref_slice %arg4[%add3A_230] : memref<655360xi32, #tpu.memory_space<hbm>> -> memref<2048xi32, #tpu.memory_space<hbm>>
      %dma_start3A_566 = tpu.memref_slice %arg4[%add3A_230] : memref<655360xi32, #tpu.memory_space<hbm>> -> memref<2048xi32, #tpu.memory_space<hbm>>
      tpu.enqueue_dma source(%dma_start3A_566 : memref<2048xi32, #tpu.memory_space<hbm>>) target(%arg8 : memref<2048xi32, #tpu.memory_space<vmem>>) target_semaphore(%run_scoped3A_565 : memref<!tpu.dma_semaphore, #tpu.memory_space<semaphore_mem>>)
      %dma_wait3A = tpu.memref_slice %arg4[%add3A_230] : memref<655360xi32, #tpu.memory_space<hbm>> -> memref<2048xi32, #tpu.memory_space<hbm>>
      %dma_wait3A_567 = tpu.memref_slice %arg4[%add3A_230] : memref<655360xi32, #tpu.memory_space<hbm>> -> memref<2048xi32, #tpu.memory_space<hbm>>
      tpu.wait_dma2 semaphore(%run_scoped3A_565 : memref<!tpu.dma_semaphore, #tpu.memory_space<semaphore_mem>>) src(%dma_wait3A_567 : memref<2048xi32, #tpu.memory_space<hbm>>) dst(%arg8 : memref<2048xi32, #tpu.memory_space<vmem>>)
      tpu.yield
    }) : () -> ()
    %scan3A_231 = arith.constant 0 : i32
    %scan3A_232 = arith.constant 0 : i32
    %scan3A_233 = arith.constant 128 : i32
    %scan3A_234 = arith.addi %scan3A_232, %scan3A_233 : i32
    %scan3A_235 = arith.constant 1 : i32
    %scan3A_236 = scf.for %scan3A_565 = %scan3A_232 to %scan3A_234 step %scan3A_235 iter_args(%scan3A_566 = %scan3A_231) -> (i32)  : i32 {
      %mul3A_567 = arith.constant 16 : i32
      %mul3A_568 = arith.muli %scan3A_565, %mul3A_567 : i32
      %get3A = arith.index_cast %mul3A_568 : i32 to index
      %get3A_569 = tpu.vector_load %arg7[%get3A] {strides = array<i32>} : memref<2048xi32, #tpu.memory_space<vmem>>, vector<16xi32>,
      %add3A_570 = arith.constant 0 : i32
      %add3A_571 = vector.broadcast %add3A_570 : i32 to vector<16xi32>
      %add3A_572 = arith.addi %get3A_569, %add3A_571 : vector<16xi32>
      %gather3A = tpu.vector_load_idx %arg6[%add3A_572] : memref<10240xf32, #tpu.memory_space<vmem>>[vector<16xi32>], vector<16xf32>,
      %mul3A_573 = arith.constant 16 : i32
      %mul3A_574 = arith.muli %scan3A_565, %mul3A_573 : i32
      %get3A_575 = arith.index_cast %mul3A_574 : i32 to index
      %get3A_576 = tpu.vector_load %arg8[%get3A_575] {strides = array<i32>} : memref<2048xi32, #tpu.memory_space<vmem>>, vector<16xi32>,
      %add3A_577 = arith.constant 0 : i32
      %add3A_578 = vector.broadcast %add3A_577 : i32 to vector<16xi32>
      %add3A_579 = arith.addi %get3A_576, %add3A_578 : vector<16xi32>
      %gather3A_580 = tpu.vector_load_idx %arg6[%add3A_579] : memref<10240xf32, #tpu.memory_space<vmem>>[vector<16xi32>], vector<16xf32>,
      %sub3A = arith.subf %gather3A, %gather3A_580 : vector<16xf32>
      %mul3A_581 = arith.constant 16 : i32
      %mul3A_582 = arith.muli %scan3A_565, %mul3A_581 : i32
      %swap3A = arith.constant 0 : i32
      %swap3A_583 = arith.index_cast %swap3A : i32 to index
      %swap3A_584 = arith.index_cast %mul3A_582 : i32 to index
      %swap3A_585 = tpu.vector_load %arg9[%swap3A_583, %swap3A_584] {strides = array<i32>} : memref<1x2048xf32, #tpu.memory_space<vmem>>, vector<16xf32>,
      tpu.vector_store %arg9[%swap3A_583, %swap3A_584], %sub3A {strides = array<i32>} : memref<1x2048xf32, #tpu.memory_space<vmem>>, vector<16xf32>,
      %scan3A_586 = arith.constant 0 : i32
      scf.yield %scan3A_586 : i32
    }
    %scan3A_237 = arith.constant 128 : i32
    %add3A_238 = arith.constant 12288 : i32
    %add3A_239 = arith.addi %mul3A_2, %add3A_238 : i32
    %run_scoped3A_240 = arith.constant 1 : i32
    "tpu.region"() ({
      %run_scoped3A_565 = tpu.sem_alloc : memref<!tpu.dma_semaphore, #tpu.memory_space<semaphore_mem>>
      %dma_start3A = arith.constant 0 : i32
      %dma_start3A_566 = tpu.memref_slice %arg5[%run_scoped3A_240, %dma_start3A, %add3A_239] : memref<4x1x655360xf32, #tpu.memory_space<hbm>> -> memref<1x1x2048xf32, #tpu.memory_space<hbm>>
      %dma_start3A_567 = tpu.memref_squeeze %dma_start3A_566 : memref<1x1x2048xf32, #tpu.memory_space<hbm>> -> memref<1x2048xf32, #tpu.memory_space<hbm>>
      %dma_start3A_568 = arith.constant 0 : i32
      %dma_start3A_569 = tpu.memref_slice %arg5[%run_scoped3A_240, %dma_start3A_568, %add3A_239] : memref<4x1x655360xf32, #tpu.memory_space<hbm>> -> memref<1x1x2048xf32, #tpu.memory_space<hbm>>
      %dma_start3A_570 = tpu.memref_squeeze %dma_start3A_569 : memref<1x1x2048xf32, #tpu.memory_space<hbm>> -> memref<1x2048xf32, #tpu.memory_space<hbm>>
      tpu.enqueue_dma source(%arg9 : memref<1x2048xf32, #tpu.memory_space<vmem>>) target(%dma_start3A_570 : memref<1x2048xf32, #tpu.memory_space<hbm>>) target_semaphore(%run_scoped3A_565 : memref<!tpu.dma_semaphore, #tpu.memory_space<semaphore_mem>>)
      %dma_wait3A = arith.constant 0 : i32
      %dma_wait3A_571 = tpu.memref_slice %arg5[%run_scoped3A_240, %dma_wait3A, %add3A_239] : memref<4x1x655360xf32, #tpu.memory_space<hbm>> -> memref<1x1x2048xf32, #tpu.memory_space<hbm>>
      %dma_wait3A_572 = tpu.memref_squeeze %dma_wait3A_571 : memref<1x1x2048xf32, #tpu.memory_space<hbm>> -> memref<1x2048xf32, #tpu.memory_space<hbm>>
      %dma_wait3A_573 = arith.constant 0 : i32
      %dma_wait3A_574 = tpu.memref_slice %arg5[%run_scoped3A_240, %dma_wait3A_573, %add3A_239] : memref<4x1x655360xf32, #tpu.memory_space<hbm>> -> memref<1x1x2048xf32, #tpu.memory_space<hbm>>
      %dma_wait3A_575 = tpu.memref_squeeze %dma_wait3A_574 : memref<1x1x2048xf32, #tpu.memory_space<hbm>> -> memref<1x2048xf32, #tpu.memory_space<hbm>>
      tpu.wait_dma2 semaphore(%run_scoped3A_565 : memref<!tpu.dma_semaphore, #tpu.memory_space<semaphore_mem>>) src(%arg9 : memref<1x2048xf32, #tpu.memory_space<vmem>>) dst(%dma_wait3A_575 : memref<1x2048xf32, #tpu.memory_space<hbm>>)
      tpu.yield
    }) : () -> ()
    %add3A_241 = arith.constant 14336 : i32
    %add3A_242 = arith.addi %mul3A_2, %add3A_241 : i32
    "tpu.region"() ({
      %run_scoped3A_565 = tpu.sem_alloc : memref<!tpu.dma_semaphore, #tpu.memory_space<semaphore_mem>>
      %dma_start3A = tpu.memref_slice %arg3[%add3A_242] : memref<655360xi32, #tpu.memory_space<hbm>> -> memref<2048xi32, #tpu.memory_space<hbm>>
      %dma_start3A_566 = tpu.memref_slice %arg3[%add3A_242] : memref<655360xi32, #tpu.memory_space<hbm>> -> memref<2048xi32, #tpu.memory_space<hbm>>
      tpu.enqueue_dma source(%dma_start3A_566 : memref<2048xi32, #tpu.memory_space<hbm>>) target(%arg7 : memref<2048xi32, #tpu.memory_space<vmem>>) target_semaphore(%run_scoped3A_565 : memref<!tpu.dma_semaphore, #tpu.memory_space<semaphore_mem>>)
      %dma_wait3A = tpu.memref_slice %arg3[%add3A_242] : memref<655360xi32, #tpu.memory_space<hbm>> -> memref<2048xi32, #tpu.memory_space<hbm>>
      %dma_wait3A_567 = tpu.memref_slice %arg3[%add3A_242] : memref<655360xi32, #tpu.memory_space<hbm>> -> memref<2048xi32, #tpu.memory_space<hbm>>
      tpu.wait_dma2 semaphore(%run_scoped3A_565 : memref<!tpu.dma_semaphore, #tpu.memory_space<semaphore_mem>>) src(%dma_wait3A_567 : memref<2048xi32, #tpu.memory_space<hbm>>) dst(%arg7 : memref<2048xi32, #tpu.memory_space<vmem>>)
      tpu.yield
    }) : () -> ()
    %add3A_243 = arith.constant 14336 : i32
    %add3A_244 = arith.addi %mul3A_2, %add3A_243 : i32
    "tpu.region"() ({
      %run_scoped3A_565 = tpu.sem_alloc : memref<!tpu.dma_semaphore, #tpu.memory_space<semaphore_mem>>
      %dma_start3A = tpu.memref_slice %arg4[%add3A_244] : memref<655360xi32, #tpu.memory_space<hbm>> -> memref<2048xi32, #tpu.memory_space<hbm>>
      %dma_start3A_566 = tpu.memref_slice %arg4[%add3A_244] : memref<655360xi32, #tpu.memory_space<hbm>> -> memref<2048xi32, #tpu.memory_space<hbm>>
      tpu.enqueue_dma source(%dma_start3A_566 : memref<2048xi32, #tpu.memory_space<hbm>>) target(%arg8 : memref<2048xi32, #tpu.memory_space<vmem>>) target_semaphore(%run_scoped3A_565 : memref<!tpu.dma_semaphore, #tpu.memory_space<semaphore_mem>>)
      %dma_wait3A = tpu.memref_slice %arg4[%add3A_244] : memref<655360xi32, #tpu.memory_space<hbm>> -> memref<2048xi32, #tpu.memory_space<hbm>>
      %dma_wait3A_567 = tpu.memref_slice %arg4[%add3A_244] : memref<655360xi32, #tpu.memory_space<hbm>> -> memref<2048xi32, #tpu.memory_space<hbm>>
      tpu.wait_dma2 semaphore(%run_scoped3A_565 : memref<!tpu.dma_semaphore, #tpu.memory_space<semaphore_mem>>) src(%dma_wait3A_567 : memref<2048xi32, #tpu.memory_space<hbm>>) dst(%arg8 : memref<2048xi32, #tpu.memory_space<vmem>>)
      tpu.yield
    }) : () -> ()
    %scan3A_245 = arith.constant 0 : i32
    %scan3A_246 = arith.constant 0 : i32
    %scan3A_247 = arith.constant 128 : i32
    %scan3A_248 = arith.addi %scan3A_246, %scan3A_247 : i32
    %scan3A_249 = arith.constant 1 : i32
    %scan3A_250 = scf.for %scan3A_565 = %scan3A_246 to %scan3A_248 step %scan3A_249 iter_args(%scan3A_566 = %scan3A_245) -> (i32)  : i32 {
      %mul3A_567 = arith.constant 16 : i32
      %mul3A_568 = arith.muli %scan3A_565, %mul3A_567 : i32
      %get3A = arith.index_cast %mul3A_568 : i32 to index
      %get3A_569 = tpu.vector_load %arg7[%get3A] {strides = array<i32>} : memref<2048xi32, #tpu.memory_space<vmem>>, vector<16xi32>,
      %add3A_570 = arith.constant 0 : i32
      %add3A_571 = vector.broadcast %add3A_570 : i32 to vector<16xi32>
      %add3A_572 = arith.addi %get3A_569, %add3A_571 : vector<16xi32>
      %gather3A = tpu.vector_load_idx %arg6[%add3A_572] : memref<10240xf32, #tpu.memory_space<vmem>>[vector<16xi32>], vector<16xf32>,
      %mul3A_573 = arith.constant 16 : i32
      %mul3A_574 = arith.muli %scan3A_565, %mul3A_573 : i32
      %get3A_575 = arith.index_cast %mul3A_574 : i32 to index
      %get3A_576 = tpu.vector_load %arg8[%get3A_575] {strides = array<i32>} : memref<2048xi32, #tpu.memory_space<vmem>>, vector<16xi32>,
      %add3A_577 = arith.constant 0 : i32
      %add3A_578 = vector.broadcast %add3A_577 : i32 to vector<16xi32>
      %add3A_579 = arith.addi %get3A_576, %add3A_578 : vector<16xi32>
      %gather3A_580 = tpu.vector_load_idx %arg6[%add3A_579] : memref<10240xf32, #tpu.memory_space<vmem>>[vector<16xi32>], vector<16xf32>,
      %sub3A = arith.subf %gather3A, %gather3A_580 : vector<16xf32>
      %mul3A_581 = arith.constant 16 : i32
      %mul3A_582 = arith.muli %scan3A_565, %mul3A_581 : i32
      %swap3A = arith.constant 0 : i32
      %swap3A_583 = arith.index_cast %swap3A : i32 to index
      %swap3A_584 = arith.index_cast %mul3A_582 : i32 to index
      %swap3A_585 = tpu.vector_load %arg9[%swap3A_583, %swap3A_584] {strides = array<i32>} : memref<1x2048xf32, #tpu.memory_space<vmem>>, vector<16xf32>,
      tpu.vector_store %arg9[%swap3A_583, %swap3A_584], %sub3A {strides = array<i32>} : memref<1x2048xf32, #tpu.memory_space<vmem>>, vector<16xf32>,
      %scan3A_586 = arith.constant 0 : i32
      scf.yield %scan3A_586 : i32
    }
    %scan3A_251 = arith.constant 128 : i32
    %add3A_252 = arith.constant 14336 : i32
    %add3A_253 = arith.addi %mul3A_2, %add3A_252 : i32
    %run_scoped3A_254 = arith.constant 1 : i32
    "tpu.region"() ({
      %run_scoped3A_565 = tpu.sem_alloc : memref<!tpu.dma_semaphore, #tpu.memory_space<semaphore_mem>>
      %dma_start3A = arith.constant 0 : i32
      %dma_start3A_566 = tpu.memref_slice %arg5[%run_scoped3A_254, %dma_start3A, %add3A_253] : memref<4x1x655360xf32, #tpu.memory_space<hbm>> -> memref<1x1x2048xf32, #tpu.memory_space<hbm>>
      %dma_start3A_567 = tpu.memref_squeeze %dma_start3A_566 : memref<1x1x2048xf32, #tpu.memory_space<hbm>> -> memref<1x2048xf32, #tpu.memory_space<hbm>>
      %dma_start3A_568 = arith.constant 0 : i32
      %dma_start3A_569 = tpu.memref_slice %arg5[%run_scoped3A_254, %dma_start3A_568, %add3A_253] : memref<4x1x655360xf32, #tpu.memory_space<hbm>> -> memref<1x1x2048xf32, #tpu.memory_space<hbm>>
      %dma_start3A_570 = tpu.memref_squeeze %dma_start3A_569 : memref<1x1x2048xf32, #tpu.memory_space<hbm>> -> memref<1x2048xf32, #tpu.memory_space<hbm>>
      tpu.enqueue_dma source(%arg9 : memref<1x2048xf32, #tpu.memory_space<vmem>>) target(%dma_start3A_570 : memref<1x2048xf32, #tpu.memory_space<hbm>>) target_semaphore(%run_scoped3A_565 : memref<!tpu.dma_semaphore, #tpu.memory_space<semaphore_mem>>)
      %dma_wait3A = arith.constant 0 : i32
      %dma_wait3A_571 = tpu.memref_slice %arg5[%run_scoped3A_254, %dma_wait3A, %add3A_253] : memref<4x1x655360xf32, #tpu.memory_space<hbm>> -> memref<1x1x2048xf32, #tpu.memory_space<hbm>>
      %dma_wait3A_572 = tpu.memref_squeeze %dma_wait3A_571 : memref<1x1x2048xf32, #tpu.memory_space<hbm>> -> memref<1x2048xf32, #tpu.memory_space<hbm>>
      %dma_wait3A_573 = arith.constant 0 : i32
      %dma_wait3A_574 = tpu.memref_slice %arg5[%run_scoped3A_254, %dma_wait3A_573, %add3A_253] : memref<4x1x655360xf32, #tpu.memory_space<hbm>> -> memref<1x1x2048xf32, #tpu.memory_space<hbm>>
      %dma_wait3A_575 = tpu.memref_squeeze %dma_wait3A_574 : memref<1x1x2048xf32, #tpu.memory_space<hbm>> -> memref<1x2048xf32, #tpu.memory_space<hbm>>
      tpu.wait_dma2 semaphore(%run_scoped3A_565 : memref<!tpu.dma_semaphore, #tpu.memory_space<semaphore_mem>>) src(%arg9 : memref<1x2048xf32, #tpu.memory_space<vmem>>) dst(%dma_wait3A_575 : memref<1x2048xf32, #tpu.memory_space<hbm>>)
      tpu.yield
    }) : () -> ()
    %add3A_255 = arith.constant 16384 : i32
    %add3A_256 = arith.addi %mul3A_2, %add3A_255 : i32
    "tpu.region"() ({
      %run_scoped3A_565 = tpu.sem_alloc : memref<!tpu.dma_semaphore, #tpu.memory_space<semaphore_mem>>
      %dma_start3A = tpu.memref_slice %arg3[%add3A_256] : memref<655360xi32, #tpu.memory_space<hbm>> -> memref<2048xi32, #tpu.memory_space<hbm>>
      %dma_start3A_566 = tpu.memref_slice %arg3[%add3A_256] : memref<655360xi32, #tpu.memory_space<hbm>> -> memref<2048xi32, #tpu.memory_space<hbm>>
      tpu.enqueue_dma source(%dma_start3A_566 : memref<2048xi32, #tpu.memory_space<hbm>>) target(%arg7 : memref<2048xi32, #tpu.memory_space<vmem>>) target_semaphore(%run_scoped3A_565 : memref<!tpu.dma_semaphore, #tpu.memory_space<semaphore_mem>>)
      %dma_wait3A = tpu.memref_slice %arg3[%add3A_256] : memref<655360xi32, #tpu.memory_space<hbm>> -> memref<2048xi32, #tpu.memory_space<hbm>>
      %dma_wait3A_567 = tpu.memref_slice %arg3[%add3A_256] : memref<655360xi32, #tpu.memory_space<hbm>> -> memref<2048xi32, #tpu.memory_space<hbm>>
      tpu.wait_dma2 semaphore(%run_scoped3A_565 : memref<!tpu.dma_semaphore, #tpu.memory_space<semaphore_mem>>) src(%dma_wait3A_567 : memref<2048xi32, #tpu.memory_space<hbm>>) dst(%arg7 : memref<2048xi32, #tpu.memory_space<vmem>>)
      tpu.yield
    }) : () -> ()
    %add3A_257 = arith.constant 16384 : i32
    %add3A_258 = arith.addi %mul3A_2, %add3A_257 : i32
    "tpu.region"() ({
      %run_scoped3A_565 = tpu.sem_alloc : memref<!tpu.dma_semaphore, #tpu.memory_space<semaphore_mem>>
      %dma_start3A = tpu.memref_slice %arg4[%add3A_258] : memref<655360xi32, #tpu.memory_space<hbm>> -> memref<2048xi32, #tpu.memory_space<hbm>>
      %dma_start3A_566 = tpu.memref_slice %arg4[%add3A_258] : memref<655360xi32, #tpu.memory_space<hbm>> -> memref<2048xi32, #tpu.memory_space<hbm>>
      tpu.enqueue_dma source(%dma_start3A_566 : memref<2048xi32, #tpu.memory_space<hbm>>) target(%arg8 : memref<2048xi32, #tpu.memory_space<vmem>>) target_semaphore(%run_scoped3A_565 : memref<!tpu.dma_semaphore, #tpu.memory_space<semaphore_mem>>)
      %dma_wait3A = tpu.memref_slice %arg4[%add3A_258] : memref<655360xi32, #tpu.memory_space<hbm>> -> memref<2048xi32, #tpu.memory_space<hbm>>
      %dma_wait3A_567 = tpu.memref_slice %arg4[%add3A_258] : memref<655360xi32, #tpu.memory_space<hbm>> -> memref<2048xi32, #tpu.memory_space<hbm>>
      tpu.wait_dma2 semaphore(%run_scoped3A_565 : memref<!tpu.dma_semaphore, #tpu.memory_space<semaphore_mem>>) src(%dma_wait3A_567 : memref<2048xi32, #tpu.memory_space<hbm>>) dst(%arg8 : memref<2048xi32, #tpu.memory_space<vmem>>)
      tpu.yield
    }) : () -> ()
    %scan3A_259 = arith.constant 0 : i32
    %scan3A_260 = arith.constant 0 : i32
    %scan3A_261 = arith.constant 128 : i32
    %scan3A_262 = arith.addi %scan3A_260, %scan3A_261 : i32
    %scan3A_263 = arith.constant 1 : i32
    %scan3A_264 = scf.for %scan3A_565 = %scan3A_260 to %scan3A_262 step %scan3A_263 iter_args(%scan3A_566 = %scan3A_259) -> (i32)  : i32 {
      %mul3A_567 = arith.constant 16 : i32
      %mul3A_568 = arith.muli %scan3A_565, %mul3A_567 : i32
      %get3A = arith.index_cast %mul3A_568 : i32 to index
      %get3A_569 = tpu.vector_load %arg7[%get3A] {strides = array<i32>} : memref<2048xi32, #tpu.memory_space<vmem>>, vector<16xi32>,
      %add3A_570 = arith.constant 0 : i32
      %add3A_571 = vector.broadcast %add3A_570 : i32 to vector<16xi32>
      %add3A_572 = arith.addi %get3A_569, %add3A_571 : vector<16xi32>
      %gather3A = tpu.vector_load_idx %arg6[%add3A_572] : memref<10240xf32, #tpu.memory_space<vmem>>[vector<16xi32>], vector<16xf32>,
      %mul3A_573 = arith.constant 16 : i32
      %mul3A_574 = arith.muli %scan3A_565, %mul3A_573 : i32
      %get3A_575 = arith.index_cast %mul3A_574 : i32 to index
      %get3A_576 = tpu.vector_load %arg8[%get3A_575] {strides = array<i32>} : memref<2048xi32, #tpu.memory_space<vmem>>, vector<16xi32>,
      %add3A_577 = arith.constant 0 : i32
      %add3A_578 = vector.broadcast %add3A_577 : i32 to vector<16xi32>
      %add3A_579 = arith.addi %get3A_576, %add3A_578 : vector<16xi32>
      %gather3A_580 = tpu.vector_load_idx %arg6[%add3A_579] : memref<10240xf32, #tpu.memory_space<vmem>>[vector<16xi32>], vector<16xf32>,
      %sub3A = arith.subf %gather3A, %gather3A_580 : vector<16xf32>
      %mul3A_581 = arith.constant 16 : i32
      %mul3A_582 = arith.muli %scan3A_565, %mul3A_581 : i32
      %swap3A = arith.constant 0 : i32
      %swap3A_583 = arith.index_cast %swap3A : i32 to index
      %swap3A_584 = arith.index_cast %mul3A_582 : i32 to index
      %swap3A_585 = tpu.vector_load %arg9[%swap3A_583, %swap3A_584] {strides = array<i32>} : memref<1x2048xf32, #tpu.memory_space<vmem>>, vector<16xf32>,
      tpu.vector_store %arg9[%swap3A_583, %swap3A_584], %sub3A {strides = array<i32>} : memref<1x2048xf32, #tpu.memory_space<vmem>>, vector<16xf32>,
      %scan3A_586 = arith.constant 0 : i32
      scf.yield %scan3A_586 : i32
    }
    %scan3A_265 = arith.constant 128 : i32
    %add3A_266 = arith.constant 16384 : i32
    %add3A_267 = arith.addi %mul3A_2, %add3A_266 : i32
    %run_scoped3A_268 = arith.constant 1 : i32
    "tpu.region"() ({
      %run_scoped3A_565 = tpu.sem_alloc : memref<!tpu.dma_semaphore, #tpu.memory_space<semaphore_mem>>
      %dma_start3A = arith.constant 0 : i32
      %dma_start3A_566 = tpu.memref_slice %arg5[%run_scoped3A_268, %dma_start3A, %add3A_267] : memref<4x1x655360xf32, #tpu.memory_space<hbm>> -> memref<1x1x2048xf32, #tpu.memory_space<hbm>>
      %dma_start3A_567 = tpu.memref_squeeze %dma_start3A_566 : memref<1x1x2048xf32, #tpu.memory_space<hbm>> -> memref<1x2048xf32, #tpu.memory_space<hbm>>
      %dma_start3A_568 = arith.constant 0 : i32
      %dma_start3A_569 = tpu.memref_slice %arg5[%run_scoped3A_268, %dma_start3A_568, %add3A_267] : memref<4x1x655360xf32, #tpu.memory_space<hbm>> -> memref<1x1x2048xf32, #tpu.memory_space<hbm>>
      %dma_start3A_570 = tpu.memref_squeeze %dma_start3A_569 : memref<1x1x2048xf32, #tpu.memory_space<hbm>> -> memref<1x2048xf32, #tpu.memory_space<hbm>>
      tpu.enqueue_dma source(%arg9 : memref<1x2048xf32, #tpu.memory_space<vmem>>) target(%dma_start3A_570 : memref<1x2048xf32, #tpu.memory_space<hbm>>) target_semaphore(%run_scoped3A_565 : memref<!tpu.dma_semaphore, #tpu.memory_space<semaphore_mem>>)
      %dma_wait3A = arith.constant 0 : i32
      %dma_wait3A_571 = tpu.memref_slice %arg5[%run_scoped3A_268, %dma_wait3A, %add3A_267] : memref<4x1x655360xf32, #tpu.memory_space<hbm>> -> memref<1x1x2048xf32, #tpu.memory_space<hbm>>
      %dma_wait3A_572 = tpu.memref_squeeze %dma_wait3A_571 : memref<1x1x2048xf32, #tpu.memory_space<hbm>> -> memref<1x2048xf32, #tpu.memory_space<hbm>>
      %dma_wait3A_573 = arith.constant 0 : i32
      %dma_wait3A_574 = tpu.memref_slice %arg5[%run_scoped3A_268, %dma_wait3A_573, %add3A_267] : memref<4x1x655360xf32, #tpu.memory_space<hbm>> -> memref<1x1x2048xf32, #tpu.memory_space<hbm>>
      %dma_wait3A_575 = tpu.memref_squeeze %dma_wait3A_574 : memref<1x1x2048xf32, #tpu.memory_space<hbm>> -> memref<1x2048xf32, #tpu.memory_space<hbm>>
      tpu.wait_dma2 semaphore(%run_scoped3A_565 : memref<!tpu.dma_semaphore, #tpu.memory_space<semaphore_mem>>) src(%arg9 : memref<1x2048xf32, #tpu.memory_space<vmem>>) dst(%dma_wait3A_575 : memref<1x2048xf32, #tpu.memory_space<hbm>>)
      tpu.yield
    }) : () -> ()
    %add3A_269 = arith.constant 18432 : i32
    %add3A_270 = arith.addi %mul3A_2, %add3A_269 : i32
    "tpu.region"() ({
      %run_scoped3A_565 = tpu.sem_alloc : memref<!tpu.dma_semaphore, #tpu.memory_space<semaphore_mem>>
      %dma_start3A = tpu.memref_slice %arg3[%add3A_270] : memref<655360xi32, #tpu.memory_space<hbm>> -> memref<2048xi32, #tpu.memory_space<hbm>>
      %dma_start3A_566 = tpu.memref_slice %arg3[%add3A_270] : memref<655360xi32, #tpu.memory_space<hbm>> -> memref<2048xi32, #tpu.memory_space<hbm>>
      tpu.enqueue_dma source(%dma_start3A_566 : memref<2048xi32, #tpu.memory_space<hbm>>) target(%arg7 : memref<2048xi32, #tpu.memory_space<vmem>>) target_semaphore(%run_scoped3A_565 : memref<!tpu.dma_semaphore, #tpu.memory_space<semaphore_mem>>)
      %dma_wait3A = tpu.memref_slice %arg3[%add3A_270] : memref<655360xi32, #tpu.memory_space<hbm>> -> memref<2048xi32, #tpu.memory_space<hbm>>
      %dma_wait3A_567 = tpu.memref_slice %arg3[%add3A_270] : memref<655360xi32, #tpu.memory_space<hbm>> -> memref<2048xi32, #tpu.memory_space<hbm>>
      tpu.wait_dma2 semaphore(%run_scoped3A_565 : memref<!tpu.dma_semaphore, #tpu.memory_space<semaphore_mem>>) src(%dma_wait3A_567 : memref<2048xi32, #tpu.memory_space<hbm>>) dst(%arg7 : memref<2048xi32, #tpu.memory_space<vmem>>)
      tpu.yield
    }) : () -> ()
    %add3A_271 = arith.constant 18432 : i32
    %add3A_272 = arith.addi %mul3A_2, %add3A_271 : i32
    "tpu.region"() ({
      %run_scoped3A_565 = tpu.sem_alloc : memref<!tpu.dma_semaphore, #tpu.memory_space<semaphore_mem>>
      %dma_start3A = tpu.memref_slice %arg4[%add3A_272] : memref<655360xi32, #tpu.memory_space<hbm>> -> memref<2048xi32, #tpu.memory_space<hbm>>
      %dma_start3A_566 = tpu.memref_slice %arg4[%add3A_272] : memref<655360xi32, #tpu.memory_space<hbm>> -> memref<2048xi32, #tpu.memory_space<hbm>>
      tpu.enqueue_dma source(%dma_start3A_566 : memref<2048xi32, #tpu.memory_space<hbm>>) target(%arg8 : memref<2048xi32, #tpu.memory_space<vmem>>) target_semaphore(%run_scoped3A_565 : memref<!tpu.dma_semaphore, #tpu.memory_space<semaphore_mem>>)
      %dma_wait3A = tpu.memref_slice %arg4[%add3A_272] : memref<655360xi32, #tpu.memory_space<hbm>> -> memref<2048xi32, #tpu.memory_space<hbm>>
      %dma_wait3A_567 = tpu.memref_slice %arg4[%add3A_272] : memref<655360xi32, #tpu.memory_space<hbm>> -> memref<2048xi32, #tpu.memory_space<hbm>>
      tpu.wait_dma2 semaphore(%run_scoped3A_565 : memref<!tpu.dma_semaphore, #tpu.memory_space<semaphore_mem>>) src(%dma_wait3A_567 : memref<2048xi32, #tpu.memory_space<hbm>>) dst(%arg8 : memref<2048xi32, #tpu.memory_space<vmem>>)
      tpu.yield
    }) : () -> ()
    %scan3A_273 = arith.constant 0 : i32
    %scan3A_274 = arith.constant 0 : i32
    %scan3A_275 = arith.constant 128 : i32
    %scan3A_276 = arith.addi %scan3A_274, %scan3A_275 : i32
    %scan3A_277 = arith.constant 1 : i32
    %scan3A_278 = scf.for %scan3A_565 = %scan3A_274 to %scan3A_276 step %scan3A_277 iter_args(%scan3A_566 = %scan3A_273) -> (i32)  : i32 {
      %mul3A_567 = arith.constant 16 : i32
      %mul3A_568 = arith.muli %scan3A_565, %mul3A_567 : i32
      %get3A = arith.index_cast %mul3A_568 : i32 to index
      %get3A_569 = tpu.vector_load %arg7[%get3A] {strides = array<i32>} : memref<2048xi32, #tpu.memory_space<vmem>>, vector<16xi32>,
      %add3A_570 = arith.constant 0 : i32
      %add3A_571 = vector.broadcast %add3A_570 : i32 to vector<16xi32>
      %add3A_572 = arith.addi %get3A_569, %add3A_571 : vector<16xi32>
      %gather3A = tpu.vector_load_idx %arg6[%add3A_572] : memref<10240xf32, #tpu.memory_space<vmem>>[vector<16xi32>], vector<16xf32>,
      %mul3A_573 = arith.constant 16 : i32
      %mul3A_574 = arith.muli %scan3A_565, %mul3A_573 : i32
      %get3A_575 = arith.index_cast %mul3A_574 : i32 to index
      %get3A_576 = tpu.vector_load %arg8[%get3A_575] {strides = array<i32>} : memref<2048xi32, #tpu.memory_space<vmem>>, vector<16xi32>,
      %add3A_577 = arith.constant 0 : i32
      %add3A_578 = vector.broadcast %add3A_577 : i32 to vector<16xi32>
      %add3A_579 = arith.addi %get3A_576, %add3A_578 : vector<16xi32>
      %gather3A_580 = tpu.vector_load_idx %arg6[%add3A_579] : memref<10240xf32, #tpu.memory_space<vmem>>[vector<16xi32>], vector<16xf32>,
      %sub3A = arith.subf %gather3A, %gather3A_580 : vector<16xf32>
      %mul3A_581 = arith.constant 16 : i32
      %mul3A_582 = arith.muli %scan3A_565, %mul3A_581 : i32
      %swap3A = arith.constant 0 : i32
      %swap3A_583 = arith.index_cast %swap3A : i32 to index
      %swap3A_584 = arith.index_cast %mul3A_582 : i32 to index
      %swap3A_585 = tpu.vector_load %arg9[%swap3A_583, %swap3A_584] {strides = array<i32>} : memref<1x2048xf32, #tpu.memory_space<vmem>>, vector<16xf32>,
      tpu.vector_store %arg9[%swap3A_583, %swap3A_584], %sub3A {strides = array<i32>} : memref<1x2048xf32, #tpu.memory_space<vmem>>, vector<16xf32>,
      %scan3A_586 = arith.constant 0 : i32
      scf.yield %scan3A_586 : i32
    }
    %scan3A_279 = arith.constant 128 : i32
    %add3A_280 = arith.constant 18432 : i32
    %add3A_281 = arith.addi %mul3A_2, %add3A_280 : i32
    %run_scoped3A_282 = arith.constant 1 : i32
    "tpu.region"() ({
      %run_scoped3A_565 = tpu.sem_alloc : memref<!tpu.dma_semaphore, #tpu.memory_space<semaphore_mem>>
      %dma_start3A = arith.constant 0 : i32
      %dma_start3A_566 = tpu.memref_slice %arg5[%run_scoped3A_282, %dma_start3A, %add3A_281] : memref<4x1x655360xf32, #tpu.memory_space<hbm>> -> memref<1x1x2048xf32, #tpu.memory_space<hbm>>
      %dma_start3A_567 = tpu.memref_squeeze %dma_start3A_566 : memref<1x1x2048xf32, #tpu.memory_space<hbm>> -> memref<1x2048xf32, #tpu.memory_space<hbm>>
      %dma_start3A_568 = arith.constant 0 : i32
      %dma_start3A_569 = tpu.memref_slice %arg5[%run_scoped3A_282, %dma_start3A_568, %add3A_281] : memref<4x1x655360xf32, #tpu.memory_space<hbm>> -> memref<1x1x2048xf32, #tpu.memory_space<hbm>>
      %dma_start3A_570 = tpu.memref_squeeze %dma_start3A_569 : memref<1x1x2048xf32, #tpu.memory_space<hbm>> -> memref<1x2048xf32, #tpu.memory_space<hbm>>
      tpu.enqueue_dma source(%arg9 : memref<1x2048xf32, #tpu.memory_space<vmem>>) target(%dma_start3A_570 : memref<1x2048xf32, #tpu.memory_space<hbm>>) target_semaphore(%run_scoped3A_565 : memref<!tpu.dma_semaphore, #tpu.memory_space<semaphore_mem>>)
      %dma_wait3A = arith.constant 0 : i32
      %dma_wait3A_571 = tpu.memref_slice %arg5[%run_scoped3A_282, %dma_wait3A, %add3A_281] : memref<4x1x655360xf32, #tpu.memory_space<hbm>> -> memref<1x1x2048xf32, #tpu.memory_space<hbm>>
      %dma_wait3A_572 = tpu.memref_squeeze %dma_wait3A_571 : memref<1x1x2048xf32, #tpu.memory_space<hbm>> -> memref<1x2048xf32, #tpu.memory_space<hbm>>
      %dma_wait3A_573 = arith.constant 0 : i32
      %dma_wait3A_574 = tpu.memref_slice %arg5[%run_scoped3A_282, %dma_wait3A_573, %add3A_281] : memref<4x1x655360xf32, #tpu.memory_space<hbm>> -> memref<1x1x2048xf32, #tpu.memory_space<hbm>>
      %dma_wait3A_575 = tpu.memref_squeeze %dma_wait3A_574 : memref<1x1x2048xf32, #tpu.memory_space<hbm>> -> memref<1x2048xf32, #tpu.memory_space<hbm>>
      tpu.wait_dma2 semaphore(%run_scoped3A_565 : memref<!tpu.dma_semaphore, #tpu.memory_space<semaphore_mem>>) src(%arg9 : memref<1x2048xf32, #tpu.memory_space<vmem>>) dst(%dma_wait3A_575 : memref<1x2048xf32, #tpu.memory_space<hbm>>)
      tpu.yield
    }) : () -> ()
    %run_scoped3A_283 = arith.constant 2 : i32
    "tpu.region"() ({
      %run_scoped3A_565 = tpu.sem_alloc : memref<!tpu.dma_semaphore, #tpu.memory_space<semaphore_mem>>
      %dma_start3A = arith.constant 0 : i32
      %dma_start3A_566 = tpu.memref_slice %arg2[%run_scoped3A_283, %dma_start3A] : memref<4x10240xf32, #tpu.memory_space<hbm>> -> memref<1x10240xf32, #tpu.memory_space<hbm>>
      %dma_start3A_567 = tpu.memref_squeeze %dma_start3A_566 : memref<1x10240xf32, #tpu.memory_space<hbm>> -> memref<10240xf32, #tpu.memory_space<hbm>>
      %dma_start3A_568 = arith.constant 0 : i32
      %dma_start3A_569 = tpu.memref_slice %arg2[%run_scoped3A_283, %dma_start3A_568] : memref<4x10240xf32, #tpu.memory_space<hbm>> -> memref<1x10240xf32, #tpu.memory_space<hbm>>
      %dma_start3A_570 = tpu.memref_squeeze %dma_start3A_569 : memref<1x10240xf32, #tpu.memory_space<hbm>> -> memref<10240xf32, #tpu.memory_space<hbm>>
      tpu.enqueue_dma source(%dma_start3A_570 : memref<10240xf32, #tpu.memory_space<hbm>>) target(%arg6 : memref<10240xf32, #tpu.memory_space<vmem>>) target_semaphore(%run_scoped3A_565 : memref<!tpu.dma_semaphore, #tpu.memory_space<semaphore_mem>>)
      %dma_wait3A = arith.constant 0 : i32
      %dma_wait3A_571 = tpu.memref_slice %arg2[%run_scoped3A_283, %dma_wait3A] : memref<4x10240xf32, #tpu.memory_space<hbm>> -> memref<1x10240xf32, #tpu.memory_space<hbm>>
      %dma_wait3A_572 = tpu.memref_squeeze %dma_wait3A_571 : memref<1x10240xf32, #tpu.memory_space<hbm>> -> memref<10240xf32, #tpu.memory_space<hbm>>
      %dma_wait3A_573 = arith.constant 0 : i32
      %dma_wait3A_574 = tpu.memref_slice %arg2[%run_scoped3A_283, %dma_wait3A_573] : memref<4x10240xf32, #tpu.memory_space<hbm>> -> memref<1x10240xf32, #tpu.memory_space<hbm>>
      %dma_wait3A_575 = tpu.memref_squeeze %dma_wait3A_574 : memref<1x10240xf32, #tpu.memory_space<hbm>> -> memref<10240xf32, #tpu.memory_space<hbm>>
      tpu.wait_dma2 semaphore(%run_scoped3A_565 : memref<!tpu.dma_semaphore, #tpu.memory_space<semaphore_mem>>) src(%dma_wait3A_575 : memref<10240xf32, #tpu.memory_space<hbm>>) dst(%arg6 : memref<10240xf32, #tpu.memory_space<vmem>>)
      tpu.yield
    }) : () -> ()
    %add3A_284 = arith.constant 0 : i32
    %add3A_285 = arith.addi %mul3A_2, %add3A_284 : i32
    "tpu.region"() ({
      %run_scoped3A_565 = tpu.sem_alloc : memref<!tpu.dma_semaphore, #tpu.memory_space<semaphore_mem>>
      %dma_start3A = tpu.memref_slice %arg3[%add3A_285] : memref<655360xi32, #tpu.memory_space<hbm>> -> memref<2048xi32, #tpu.memory_space<hbm>>
      %dma_start3A_566 = tpu.memref_slice %arg3[%add3A_285] : memref<655360xi32, #tpu.memory_space<hbm>> -> memref<2048xi32, #tpu.memory_space<hbm>>
      tpu.enqueue_dma source(%dma_start3A_566 : memref<2048xi32, #tpu.memory_space<hbm>>) target(%arg7 : memref<2048xi32, #tpu.memory_space<vmem>>) target_semaphore(%run_scoped3A_565 : memref<!tpu.dma_semaphore, #tpu.memory_space<semaphore_mem>>)
      %dma_wait3A = tpu.memref_slice %arg3[%add3A_285] : memref<655360xi32, #tpu.memory_space<hbm>> -> memref<2048xi32, #tpu.memory_space<hbm>>
      %dma_wait3A_567 = tpu.memref_slice %arg3[%add3A_285] : memref<655360xi32, #tpu.memory_space<hbm>> -> memref<2048xi32, #tpu.memory_space<hbm>>
      tpu.wait_dma2 semaphore(%run_scoped3A_565 : memref<!tpu.dma_semaphore, #tpu.memory_space<semaphore_mem>>) src(%dma_wait3A_567 : memref<2048xi32, #tpu.memory_space<hbm>>) dst(%arg7 : memref<2048xi32, #tpu.memory_space<vmem>>)
      tpu.yield
    }) : () -> ()
    %add3A_286 = arith.constant 0 : i32
    %add3A_287 = arith.addi %mul3A_2, %add3A_286 : i32
    "tpu.region"() ({
      %run_scoped3A_565 = tpu.sem_alloc : memref<!tpu.dma_semaphore, #tpu.memory_space<semaphore_mem>>
      %dma_start3A = tpu.memref_slice %arg4[%add3A_287] : memref<655360xi32, #tpu.memory_space<hbm>> -> memref<2048xi32, #tpu.memory_space<hbm>>
      %dma_start3A_566 = tpu.memref_slice %arg4[%add3A_287] : memref<655360xi32, #tpu.memory_space<hbm>> -> memref<2048xi32, #tpu.memory_space<hbm>>
      tpu.enqueue_dma source(%dma_start3A_566 : memref<2048xi32, #tpu.memory_space<hbm>>) target(%arg8 : memref<2048xi32, #tpu.memory_space<vmem>>) target_semaphore(%run_scoped3A_565 : memref<!tpu.dma_semaphore, #tpu.memory_space<semaphore_mem>>)
      %dma_wait3A = tpu.memref_slice %arg4[%add3A_287] : memref<655360xi32, #tpu.memory_space<hbm>> -> memref<2048xi32, #tpu.memory_space<hbm>>
      %dma_wait3A_567 = tpu.memref_slice %arg4[%add3A_287] : memref<655360xi32, #tpu.memory_space<hbm>> -> memref<2048xi32, #tpu.memory_space<hbm>>
      tpu.wait_dma2 semaphore(%run_scoped3A_565 : memref<!tpu.dma_semaphore, #tpu.memory_space<semaphore_mem>>) src(%dma_wait3A_567 : memref<2048xi32, #tpu.memory_space<hbm>>) dst(%arg8 : memref<2048xi32, #tpu.memory_space<vmem>>)
      tpu.yield
    }) : () -> ()
    %scan3A_288 = arith.constant 0 : i32
    %scan3A_289 = arith.constant 0 : i32
    %scan3A_290 = arith.constant 128 : i32
    %scan3A_291 = arith.addi %scan3A_289, %scan3A_290 : i32
    %scan3A_292 = arith.constant 1 : i32
    %scan3A_293 = scf.for %scan3A_565 = %scan3A_289 to %scan3A_291 step %scan3A_292 iter_args(%scan3A_566 = %scan3A_288) -> (i32)  : i32 {
      %mul3A_567 = arith.constant 16 : i32
      %mul3A_568 = arith.muli %scan3A_565, %mul3A_567 : i32
      %get3A = arith.index_cast %mul3A_568 : i32 to index
      %get3A_569 = tpu.vector_load %arg7[%get3A] {strides = array<i32>} : memref<2048xi32, #tpu.memory_space<vmem>>, vector<16xi32>,
      %add3A_570 = arith.constant 0 : i32
      %add3A_571 = vector.broadcast %add3A_570 : i32 to vector<16xi32>
      %add3A_572 = arith.addi %get3A_569, %add3A_571 : vector<16xi32>
      %gather3A = tpu.vector_load_idx %arg6[%add3A_572] : memref<10240xf32, #tpu.memory_space<vmem>>[vector<16xi32>], vector<16xf32>,
      %mul3A_573 = arith.constant 16 : i32
      %mul3A_574 = arith.muli %scan3A_565, %mul3A_573 : i32
      %get3A_575 = arith.index_cast %mul3A_574 : i32 to index
      %get3A_576 = tpu.vector_load %arg8[%get3A_575] {strides = array<i32>} : memref<2048xi32, #tpu.memory_space<vmem>>, vector<16xi32>,
      %add3A_577 = arith.constant 0 : i32
      %add3A_578 = vector.broadcast %add3A_577 : i32 to vector<16xi32>
      %add3A_579 = arith.addi %get3A_576, %add3A_578 : vector<16xi32>
      %gather3A_580 = tpu.vector_load_idx %arg6[%add3A_579] : memref<10240xf32, #tpu.memory_space<vmem>>[vector<16xi32>], vector<16xf32>,
      %sub3A = arith.subf %gather3A, %gather3A_580 : vector<16xf32>
      %mul3A_581 = arith.constant 16 : i32
      %mul3A_582 = arith.muli %scan3A_565, %mul3A_581 : i32
      %swap3A = arith.constant 0 : i32
      %swap3A_583 = arith.index_cast %swap3A : i32 to index
      %swap3A_584 = arith.index_cast %mul3A_582 : i32 to index
      %swap3A_585 = tpu.vector_load %arg9[%swap3A_583, %swap3A_584] {strides = array<i32>} : memref<1x2048xf32, #tpu.memory_space<vmem>>, vector<16xf32>,
      tpu.vector_store %arg9[%swap3A_583, %swap3A_584], %sub3A {strides = array<i32>} : memref<1x2048xf32, #tpu.memory_space<vmem>>, vector<16xf32>,
      %scan3A_586 = arith.constant 0 : i32
      scf.yield %scan3A_586 : i32
    }
    %scan3A_294 = arith.constant 128 : i32
    %add3A_295 = arith.constant 0 : i32
    %add3A_296 = arith.addi %mul3A_2, %add3A_295 : i32
    %run_scoped3A_297 = arith.constant 2 : i32
    "tpu.region"() ({
      %run_scoped3A_565 = tpu.sem_alloc : memref<!tpu.dma_semaphore, #tpu.memory_space<semaphore_mem>>
      %dma_start3A = arith.constant 0 : i32
      %dma_start3A_566 = tpu.memref_slice %arg5[%run_scoped3A_297, %dma_start3A, %add3A_296] : memref<4x1x655360xf32, #tpu.memory_space<hbm>> -> memref<1x1x2048xf32, #tpu.memory_space<hbm>>
      %dma_start3A_567 = tpu.memref_squeeze %dma_start3A_566 : memref<1x1x2048xf32, #tpu.memory_space<hbm>> -> memref<1x2048xf32, #tpu.memory_space<hbm>>
      %dma_start3A_568 = arith.constant 0 : i32
      %dma_start3A_569 = tpu.memref_slice %arg5[%run_scoped3A_297, %dma_start3A_568, %add3A_296] : memref<4x1x655360xf32, #tpu.memory_space<hbm>> -> memref<1x1x2048xf32, #tpu.memory_space<hbm>>
      %dma_start3A_570 = tpu.memref_squeeze %dma_start3A_569 : memref<1x1x2048xf32, #tpu.memory_space<hbm>> -> memref<1x2048xf32, #tpu.memory_space<hbm>>
      tpu.enqueue_dma source(%arg9 : memref<1x2048xf32, #tpu.memory_space<vmem>>) target(%dma_start3A_570 : memref<1x2048xf32, #tpu.memory_space<hbm>>) target_semaphore(%run_scoped3A_565 : memref<!tpu.dma_semaphore, #tpu.memory_space<semaphore_mem>>)
      %dma_wait3A = arith.constant 0 : i32
      %dma_wait3A_571 = tpu.memref_slice %arg5[%run_scoped3A_297, %dma_wait3A, %add3A_296] : memref<4x1x655360xf32, #tpu.memory_space<hbm>> -> memref<1x1x2048xf32, #tpu.memory_space<hbm>>
      %dma_wait3A_572 = tpu.memref_squeeze %dma_wait3A_571 : memref<1x1x2048xf32, #tpu.memory_space<hbm>> -> memref<1x2048xf32, #tpu.memory_space<hbm>>
      %dma_wait3A_573 = arith.constant 0 : i32
      %dma_wait3A_574 = tpu.memref_slice %arg5[%run_scoped3A_297, %dma_wait3A_573, %add3A_296] : memref<4x1x655360xf32, #tpu.memory_space<hbm>> -> memref<1x1x2048xf32, #tpu.memory_space<hbm>>
      %dma_wait3A_575 = tpu.memref_squeeze %dma_wait3A_574 : memref<1x1x2048xf32, #tpu.memory_space<hbm>> -> memref<1x2048xf32, #tpu.memory_space<hbm>>
      tpu.wait_dma2 semaphore(%run_scoped3A_565 : memref<!tpu.dma_semaphore, #tpu.memory_space<semaphore_mem>>) src(%arg9 : memref<1x2048xf32, #tpu.memory_space<vmem>>) dst(%dma_wait3A_575 : memref<1x2048xf32, #tpu.memory_space<hbm>>)
      tpu.yield
    }) : () -> ()
    %add3A_298 = arith.constant 2048 : i32
    %add3A_299 = arith.addi %mul3A_2, %add3A_298 : i32
    "tpu.region"() ({
      %run_scoped3A_565 = tpu.sem_alloc : memref<!tpu.dma_semaphore, #tpu.memory_space<semaphore_mem>>
      %dma_start3A = tpu.memref_slice %arg3[%add3A_299] : memref<655360xi32, #tpu.memory_space<hbm>> -> memref<2048xi32, #tpu.memory_space<hbm>>
      %dma_start3A_566 = tpu.memref_slice %arg3[%add3A_299] : memref<655360xi32, #tpu.memory_space<hbm>> -> memref<2048xi32, #tpu.memory_space<hbm>>
      tpu.enqueue_dma source(%dma_start3A_566 : memref<2048xi32, #tpu.memory_space<hbm>>) target(%arg7 : memref<2048xi32, #tpu.memory_space<vmem>>) target_semaphore(%run_scoped3A_565 : memref<!tpu.dma_semaphore, #tpu.memory_space<semaphore_mem>>)
      %dma_wait3A = tpu.memref_slice %arg3[%add3A_299] : memref<655360xi32, #tpu.memory_space<hbm>> -> memref<2048xi32, #tpu.memory_space<hbm>>
      %dma_wait3A_567 = tpu.memref_slice %arg3[%add3A_299] : memref<655360xi32, #tpu.memory_space<hbm>> -> memref<2048xi32, #tpu.memory_space<hbm>>
      tpu.wait_dma2 semaphore(%run_scoped3A_565 : memref<!tpu.dma_semaphore, #tpu.memory_space<semaphore_mem>>) src(%dma_wait3A_567 : memref<2048xi32, #tpu.memory_space<hbm>>) dst(%arg7 : memref<2048xi32, #tpu.memory_space<vmem>>)
      tpu.yield
    }) : () -> ()
    %add3A_300 = arith.constant 2048 : i32
    %add3A_301 = arith.addi %mul3A_2, %add3A_300 : i32
    "tpu.region"() ({
      %run_scoped3A_565 = tpu.sem_alloc : memref<!tpu.dma_semaphore, #tpu.memory_space<semaphore_mem>>
      %dma_start3A = tpu.memref_slice %arg4[%add3A_301] : memref<655360xi32, #tpu.memory_space<hbm>> -> memref<2048xi32, #tpu.memory_space<hbm>>
      %dma_start3A_566 = tpu.memref_slice %arg4[%add3A_301] : memref<655360xi32, #tpu.memory_space<hbm>> -> memref<2048xi32, #tpu.memory_space<hbm>>
      tpu.enqueue_dma source(%dma_start3A_566 : memref<2048xi32, #tpu.memory_space<hbm>>) target(%arg8 : memref<2048xi32, #tpu.memory_space<vmem>>) target_semaphore(%run_scoped3A_565 : memref<!tpu.dma_semaphore, #tpu.memory_space<semaphore_mem>>)
      %dma_wait3A = tpu.memref_slice %arg4[%add3A_301] : memref<655360xi32, #tpu.memory_space<hbm>> -> memref<2048xi32, #tpu.memory_space<hbm>>
      %dma_wait3A_567 = tpu.memref_slice %arg4[%add3A_301] : memref<655360xi32, #tpu.memory_space<hbm>> -> memref<2048xi32, #tpu.memory_space<hbm>>
      tpu.wait_dma2 semaphore(%run_scoped3A_565 : memref<!tpu.dma_semaphore, #tpu.memory_space<semaphore_mem>>) src(%dma_wait3A_567 : memref<2048xi32, #tpu.memory_space<hbm>>) dst(%arg8 : memref<2048xi32, #tpu.memory_space<vmem>>)
      tpu.yield
    }) : () -> ()
    %scan3A_302 = arith.constant 0 : i32
    %scan3A_303 = arith.constant 0 : i32
    %scan3A_304 = arith.constant 128 : i32
    %scan3A_305 = arith.addi %scan3A_303, %scan3A_304 : i32
    %scan3A_306 = arith.constant 1 : i32
    %scan3A_307 = scf.for %scan3A_565 = %scan3A_303 to %scan3A_305 step %scan3A_306 iter_args(%scan3A_566 = %scan3A_302) -> (i32)  : i32 {
      %mul3A_567 = arith.constant 16 : i32
      %mul3A_568 = arith.muli %scan3A_565, %mul3A_567 : i32
      %get3A = arith.index_cast %mul3A_568 : i32 to index
      %get3A_569 = tpu.vector_load %arg7[%get3A] {strides = array<i32>} : memref<2048xi32, #tpu.memory_space<vmem>>, vector<16xi32>,
      %add3A_570 = arith.constant 0 : i32
      %add3A_571 = vector.broadcast %add3A_570 : i32 to vector<16xi32>
      %add3A_572 = arith.addi %get3A_569, %add3A_571 : vector<16xi32>
      %gather3A = tpu.vector_load_idx %arg6[%add3A_572] : memref<10240xf32, #tpu.memory_space<vmem>>[vector<16xi32>], vector<16xf32>,
      %mul3A_573 = arith.constant 16 : i32
      %mul3A_574 = arith.muli %scan3A_565, %mul3A_573 : i32
      %get3A_575 = arith.index_cast %mul3A_574 : i32 to index
      %get3A_576 = tpu.vector_load %arg8[%get3A_575] {strides = array<i32>} : memref<2048xi32, #tpu.memory_space<vmem>>, vector<16xi32>,
      %add3A_577 = arith.constant 0 : i32
      %add3A_578 = vector.broadcast %add3A_577 : i32 to vector<16xi32>
      %add3A_579 = arith.addi %get3A_576, %add3A_578 : vector<16xi32>
      %gather3A_580 = tpu.vector_load_idx %arg6[%add3A_579] : memref<10240xf32, #tpu.memory_space<vmem>>[vector<16xi32>], vector<16xf32>,
      %sub3A = arith.subf %gather3A, %gather3A_580 : vector<16xf32>
      %mul3A_581 = arith.constant 16 : i32
      %mul3A_582 = arith.muli %scan3A_565, %mul3A_581 : i32
      %swap3A = arith.constant 0 : i32
      %swap3A_583 = arith.index_cast %swap3A : i32 to index
      %swap3A_584 = arith.index_cast %mul3A_582 : i32 to index
      %swap3A_585 = tpu.vector_load %arg9[%swap3A_583, %swap3A_584] {strides = array<i32>} : memref<1x2048xf32, #tpu.memory_space<vmem>>, vector<16xf32>,
      tpu.vector_store %arg9[%swap3A_583, %swap3A_584], %sub3A {strides = array<i32>} : memref<1x2048xf32, #tpu.memory_space<vmem>>, vector<16xf32>,
      %scan3A_586 = arith.constant 0 : i32
      scf.yield %scan3A_586 : i32
    }
    %scan3A_308 = arith.constant 128 : i32
    %add3A_309 = arith.constant 2048 : i32
    %add3A_310 = arith.addi %mul3A_2, %add3A_309 : i32
    %run_scoped3A_311 = arith.constant 2 : i32
    "tpu.region"() ({
      %run_scoped3A_565 = tpu.sem_alloc : memref<!tpu.dma_semaphore, #tpu.memory_space<semaphore_mem>>
      %dma_start3A = arith.constant 0 : i32
      %dma_start3A_566 = tpu.memref_slice %arg5[%run_scoped3A_311, %dma_start3A, %add3A_310] : memref<4x1x655360xf32, #tpu.memory_space<hbm>> -> memref<1x1x2048xf32, #tpu.memory_space<hbm>>
      %dma_start3A_567 = tpu.memref_squeeze %dma_start3A_566 : memref<1x1x2048xf32, #tpu.memory_space<hbm>> -> memref<1x2048xf32, #tpu.memory_space<hbm>>
      %dma_start3A_568 = arith.constant 0 : i32
      %dma_start3A_569 = tpu.memref_slice %arg5[%run_scoped3A_311, %dma_start3A_568, %add3A_310] : memref<4x1x655360xf32, #tpu.memory_space<hbm>> -> memref<1x1x2048xf32, #tpu.memory_space<hbm>>
      %dma_start3A_570 = tpu.memref_squeeze %dma_start3A_569 : memref<1x1x2048xf32, #tpu.memory_space<hbm>> -> memref<1x2048xf32, #tpu.memory_space<hbm>>
      tpu.enqueue_dma source(%arg9 : memref<1x2048xf32, #tpu.memory_space<vmem>>) target(%dma_start3A_570 : memref<1x2048xf32, #tpu.memory_space<hbm>>) target_semaphore(%run_scoped3A_565 : memref<!tpu.dma_semaphore, #tpu.memory_space<semaphore_mem>>)
      %dma_wait3A = arith.constant 0 : i32
      %dma_wait3A_571 = tpu.memref_slice %arg5[%run_scoped3A_311, %dma_wait3A, %add3A_310] : memref<4x1x655360xf32, #tpu.memory_space<hbm>> -> memref<1x1x2048xf32, #tpu.memory_space<hbm>>
      %dma_wait3A_572 = tpu.memref_squeeze %dma_wait3A_571 : memref<1x1x2048xf32, #tpu.memory_space<hbm>> -> memref<1x2048xf32, #tpu.memory_space<hbm>>
      %dma_wait3A_573 = arith.constant 0 : i32
      %dma_wait3A_574 = tpu.memref_slice %arg5[%run_scoped3A_311, %dma_wait3A_573, %add3A_310] : memref<4x1x655360xf32, #tpu.memory_space<hbm>> -> memref<1x1x2048xf32, #tpu.memory_space<hbm>>
      %dma_wait3A_575 = tpu.memref_squeeze %dma_wait3A_574 : memref<1x1x2048xf32, #tpu.memory_space<hbm>> -> memref<1x2048xf32, #tpu.memory_space<hbm>>
      tpu.wait_dma2 semaphore(%run_scoped3A_565 : memref<!tpu.dma_semaphore, #tpu.memory_space<semaphore_mem>>) src(%arg9 : memref<1x2048xf32, #tpu.memory_space<vmem>>) dst(%dma_wait3A_575 : memref<1x2048xf32, #tpu.memory_space<hbm>>)
      tpu.yield
    }) : () -> ()
    %add3A_312 = arith.constant 4096 : i32
    %add3A_313 = arith.addi %mul3A_2, %add3A_312 : i32
    "tpu.region"() ({
      %run_scoped3A_565 = tpu.sem_alloc : memref<!tpu.dma_semaphore, #tpu.memory_space<semaphore_mem>>
      %dma_start3A = tpu.memref_slice %arg3[%add3A_313] : memref<655360xi32, #tpu.memory_space<hbm>> -> memref<2048xi32, #tpu.memory_space<hbm>>
      %dma_start3A_566 = tpu.memref_slice %arg3[%add3A_313] : memref<655360xi32, #tpu.memory_space<hbm>> -> memref<2048xi32, #tpu.memory_space<hbm>>
      tpu.enqueue_dma source(%dma_start3A_566 : memref<2048xi32, #tpu.memory_space<hbm>>) target(%arg7 : memref<2048xi32, #tpu.memory_space<vmem>>) target_semaphore(%run_scoped3A_565 : memref<!tpu.dma_semaphore, #tpu.memory_space<semaphore_mem>>)
      %dma_wait3A = tpu.memref_slice %arg3[%add3A_313] : memref<655360xi32, #tpu.memory_space<hbm>> -> memref<2048xi32, #tpu.memory_space<hbm>>
      %dma_wait3A_567 = tpu.memref_slice %arg3[%add3A_313] : memref<655360xi32, #tpu.memory_space<hbm>> -> memref<2048xi32, #tpu.memory_space<hbm>>
      tpu.wait_dma2 semaphore(%run_scoped3A_565 : memref<!tpu.dma_semaphore, #tpu.memory_space<semaphore_mem>>) src(%dma_wait3A_567 : memref<2048xi32, #tpu.memory_space<hbm>>) dst(%arg7 : memref<2048xi32, #tpu.memory_space<vmem>>)
      tpu.yield
    }) : () -> ()
    %add3A_314 = arith.constant 4096 : i32
    %add3A_315 = arith.addi %mul3A_2, %add3A_314 : i32
    "tpu.region"() ({
      %run_scoped3A_565 = tpu.sem_alloc : memref<!tpu.dma_semaphore, #tpu.memory_space<semaphore_mem>>
      %dma_start3A = tpu.memref_slice %arg4[%add3A_315] : memref<655360xi32, #tpu.memory_space<hbm>> -> memref<2048xi32, #tpu.memory_space<hbm>>
      %dma_start3A_566 = tpu.memref_slice %arg4[%add3A_315] : memref<655360xi32, #tpu.memory_space<hbm>> -> memref<2048xi32, #tpu.memory_space<hbm>>
      tpu.enqueue_dma source(%dma_start3A_566 : memref<2048xi32, #tpu.memory_space<hbm>>) target(%arg8 : memref<2048xi32, #tpu.memory_space<vmem>>) target_semaphore(%run_scoped3A_565 : memref<!tpu.dma_semaphore, #tpu.memory_space<semaphore_mem>>)
      %dma_wait3A = tpu.memref_slice %arg4[%add3A_315] : memref<655360xi32, #tpu.memory_space<hbm>> -> memref<2048xi32, #tpu.memory_space<hbm>>
      %dma_wait3A_567 = tpu.memref_slice %arg4[%add3A_315] : memref<655360xi32, #tpu.memory_space<hbm>> -> memref<2048xi32, #tpu.memory_space<hbm>>
      tpu.wait_dma2 semaphore(%run_scoped3A_565 : memref<!tpu.dma_semaphore, #tpu.memory_space<semaphore_mem>>) src(%dma_wait3A_567 : memref<2048xi32, #tpu.memory_space<hbm>>) dst(%arg8 : memref<2048xi32, #tpu.memory_space<vmem>>)
      tpu.yield
    }) : () -> ()
    %scan3A_316 = arith.constant 0 : i32
    %scan3A_317 = arith.constant 0 : i32
    %scan3A_318 = arith.constant 128 : i32
    %scan3A_319 = arith.addi %scan3A_317, %scan3A_318 : i32
    %scan3A_320 = arith.constant 1 : i32
    %scan3A_321 = scf.for %scan3A_565 = %scan3A_317 to %scan3A_319 step %scan3A_320 iter_args(%scan3A_566 = %scan3A_316) -> (i32)  : i32 {
      %mul3A_567 = arith.constant 16 : i32
      %mul3A_568 = arith.muli %scan3A_565, %mul3A_567 : i32
      %get3A = arith.index_cast %mul3A_568 : i32 to index
      %get3A_569 = tpu.vector_load %arg7[%get3A] {strides = array<i32>} : memref<2048xi32, #tpu.memory_space<vmem>>, vector<16xi32>,
      %add3A_570 = arith.constant 0 : i32
      %add3A_571 = vector.broadcast %add3A_570 : i32 to vector<16xi32>
      %add3A_572 = arith.addi %get3A_569, %add3A_571 : vector<16xi32>
      %gather3A = tpu.vector_load_idx %arg6[%add3A_572] : memref<10240xf32, #tpu.memory_space<vmem>>[vector<16xi32>], vector<16xf32>,
      %mul3A_573 = arith.constant 16 : i32
      %mul3A_574 = arith.muli %scan3A_565, %mul3A_573 : i32
      %get3A_575 = arith.index_cast %mul3A_574 : i32 to index
      %get3A_576 = tpu.vector_load %arg8[%get3A_575] {strides = array<i32>} : memref<2048xi32, #tpu.memory_space<vmem>>, vector<16xi32>,
      %add3A_577 = arith.constant 0 : i32
      %add3A_578 = vector.broadcast %add3A_577 : i32 to vector<16xi32>
      %add3A_579 = arith.addi %get3A_576, %add3A_578 : vector<16xi32>
      %gather3A_580 = tpu.vector_load_idx %arg6[%add3A_579] : memref<10240xf32, #tpu.memory_space<vmem>>[vector<16xi32>], vector<16xf32>,
      %sub3A = arith.subf %gather3A, %gather3A_580 : vector<16xf32>
      %mul3A_581 = arith.constant 16 : i32
      %mul3A_582 = arith.muli %scan3A_565, %mul3A_581 : i32
      %swap3A = arith.constant 0 : i32
      %swap3A_583 = arith.index_cast %swap3A : i32 to index
      %swap3A_584 = arith.index_cast %mul3A_582 : i32 to index
      %swap3A_585 = tpu.vector_load %arg9[%swap3A_583, %swap3A_584] {strides = array<i32>} : memref<1x2048xf32, #tpu.memory_space<vmem>>, vector<16xf32>,
      tpu.vector_store %arg9[%swap3A_583, %swap3A_584], %sub3A {strides = array<i32>} : memref<1x2048xf32, #tpu.memory_space<vmem>>, vector<16xf32>,
      %scan3A_586 = arith.constant 0 : i32
      scf.yield %scan3A_586 : i32
    }
    %scan3A_322 = arith.constant 128 : i32
    %add3A_323 = arith.constant 4096 : i32
    %add3A_324 = arith.addi %mul3A_2, %add3A_323 : i32
    %run_scoped3A_325 = arith.constant 2 : i32
    "tpu.region"() ({
      %run_scoped3A_565 = tpu.sem_alloc : memref<!tpu.dma_semaphore, #tpu.memory_space<semaphore_mem>>
      %dma_start3A = arith.constant 0 : i32
      %dma_start3A_566 = tpu.memref_slice %arg5[%run_scoped3A_325, %dma_start3A, %add3A_324] : memref<4x1x655360xf32, #tpu.memory_space<hbm>> -> memref<1x1x2048xf32, #tpu.memory_space<hbm>>
      %dma_start3A_567 = tpu.memref_squeeze %dma_start3A_566 : memref<1x1x2048xf32, #tpu.memory_space<hbm>> -> memref<1x2048xf32, #tpu.memory_space<hbm>>
      %dma_start3A_568 = arith.constant 0 : i32
      %dma_start3A_569 = tpu.memref_slice %arg5[%run_scoped3A_325, %dma_start3A_568, %add3A_324] : memref<4x1x655360xf32, #tpu.memory_space<hbm>> -> memref<1x1x2048xf32, #tpu.memory_space<hbm>>
      %dma_start3A_570 = tpu.memref_squeeze %dma_start3A_569 : memref<1x1x2048xf32, #tpu.memory_space<hbm>> -> memref<1x2048xf32, #tpu.memory_space<hbm>>
      tpu.enqueue_dma source(%arg9 : memref<1x2048xf32, #tpu.memory_space<vmem>>) target(%dma_start3A_570 : memref<1x2048xf32, #tpu.memory_space<hbm>>) target_semaphore(%run_scoped3A_565 : memref<!tpu.dma_semaphore, #tpu.memory_space<semaphore_mem>>)
      %dma_wait3A = arith.constant 0 : i32
      %dma_wait3A_571 = tpu.memref_slice %arg5[%run_scoped3A_325, %dma_wait3A, %add3A_324] : memref<4x1x655360xf32, #tpu.memory_space<hbm>> -> memref<1x1x2048xf32, #tpu.memory_space<hbm>>
      %dma_wait3A_572 = tpu.memref_squeeze %dma_wait3A_571 : memref<1x1x2048xf32, #tpu.memory_space<hbm>> -> memref<1x2048xf32, #tpu.memory_space<hbm>>
      %dma_wait3A_573 = arith.constant 0 : i32
      %dma_wait3A_574 = tpu.memref_slice %arg5[%run_scoped3A_325, %dma_wait3A_573, %add3A_324] : memref<4x1x655360xf32, #tpu.memory_space<hbm>> -> memref<1x1x2048xf32, #tpu.memory_space<hbm>>
      %dma_wait3A_575 = tpu.memref_squeeze %dma_wait3A_574 : memref<1x1x2048xf32, #tpu.memory_space<hbm>> -> memref<1x2048xf32, #tpu.memory_space<hbm>>
      tpu.wait_dma2 semaphore(%run_scoped3A_565 : memref<!tpu.dma_semaphore, #tpu.memory_space<semaphore_mem>>) src(%arg9 : memref<1x2048xf32, #tpu.memory_space<vmem>>) dst(%dma_wait3A_575 : memref<1x2048xf32, #tpu.memory_space<hbm>>)
      tpu.yield
    }) : () -> ()
    %add3A_326 = arith.constant 6144 : i32
    %add3A_327 = arith.addi %mul3A_2, %add3A_326 : i32
    "tpu.region"() ({
      %run_scoped3A_565 = tpu.sem_alloc : memref<!tpu.dma_semaphore, #tpu.memory_space<semaphore_mem>>
      %dma_start3A = tpu.memref_slice %arg3[%add3A_327] : memref<655360xi32, #tpu.memory_space<hbm>> -> memref<2048xi32, #tpu.memory_space<hbm>>
      %dma_start3A_566 = tpu.memref_slice %arg3[%add3A_327] : memref<655360xi32, #tpu.memory_space<hbm>> -> memref<2048xi32, #tpu.memory_space<hbm>>
      tpu.enqueue_dma source(%dma_start3A_566 : memref<2048xi32, #tpu.memory_space<hbm>>) target(%arg7 : memref<2048xi32, #tpu.memory_space<vmem>>) target_semaphore(%run_scoped3A_565 : memref<!tpu.dma_semaphore, #tpu.memory_space<semaphore_mem>>)
      %dma_wait3A = tpu.memref_slice %arg3[%add3A_327] : memref<655360xi32, #tpu.memory_space<hbm>> -> memref<2048xi32, #tpu.memory_space<hbm>>
      %dma_wait3A_567 = tpu.memref_slice %arg3[%add3A_327] : memref<655360xi32, #tpu.memory_space<hbm>> -> memref<2048xi32, #tpu.memory_space<hbm>>
      tpu.wait_dma2 semaphore(%run_scoped3A_565 : memref<!tpu.dma_semaphore, #tpu.memory_space<semaphore_mem>>) src(%dma_wait3A_567 : memref<2048xi32, #tpu.memory_space<hbm>>) dst(%arg7 : memref<2048xi32, #tpu.memory_space<vmem>>)
      tpu.yield
    }) : () -> ()
    %add3A_328 = arith.constant 6144 : i32
    %add3A_329 = arith.addi %mul3A_2, %add3A_328 : i32
    "tpu.region"() ({
      %run_scoped3A_565 = tpu.sem_alloc : memref<!tpu.dma_semaphore, #tpu.memory_space<semaphore_mem>>
      %dma_start3A = tpu.memref_slice %arg4[%add3A_329] : memref<655360xi32, #tpu.memory_space<hbm>> -> memref<2048xi32, #tpu.memory_space<hbm>>
      %dma_start3A_566 = tpu.memref_slice %arg4[%add3A_329] : memref<655360xi32, #tpu.memory_space<hbm>> -> memref<2048xi32, #tpu.memory_space<hbm>>
      tpu.enqueue_dma source(%dma_start3A_566 : memref<2048xi32, #tpu.memory_space<hbm>>) target(%arg8 : memref<2048xi32, #tpu.memory_space<vmem>>) target_semaphore(%run_scoped3A_565 : memref<!tpu.dma_semaphore, #tpu.memory_space<semaphore_mem>>)
      %dma_wait3A = tpu.memref_slice %arg4[%add3A_329] : memref<655360xi32, #tpu.memory_space<hbm>> -> memref<2048xi32, #tpu.memory_space<hbm>>
      %dma_wait3A_567 = tpu.memref_slice %arg4[%add3A_329] : memref<655360xi32, #tpu.memory_space<hbm>> -> memref<2048xi32, #tpu.memory_space<hbm>>
      tpu.wait_dma2 semaphore(%run_scoped3A_565 : memref<!tpu.dma_semaphore, #tpu.memory_space<semaphore_mem>>) src(%dma_wait3A_567 : memref<2048xi32, #tpu.memory_space<hbm>>) dst(%arg8 : memref<2048xi32, #tpu.memory_space<vmem>>)
      tpu.yield
    }) : () -> ()
    %scan3A_330 = arith.constant 0 : i32
    %scan3A_331 = arith.constant 0 : i32
    %scan3A_332 = arith.constant 128 : i32
    %scan3A_333 = arith.addi %scan3A_331, %scan3A_332 : i32
    %scan3A_334 = arith.constant 1 : i32
    %scan3A_335 = scf.for %scan3A_565 = %scan3A_331 to %scan3A_333 step %scan3A_334 iter_args(%scan3A_566 = %scan3A_330) -> (i32)  : i32 {
      %mul3A_567 = arith.constant 16 : i32
      %mul3A_568 = arith.muli %scan3A_565, %mul3A_567 : i32
      %get3A = arith.index_cast %mul3A_568 : i32 to index
      %get3A_569 = tpu.vector_load %arg7[%get3A] {strides = array<i32>} : memref<2048xi32, #tpu.memory_space<vmem>>, vector<16xi32>,
      %add3A_570 = arith.constant 0 : i32
      %add3A_571 = vector.broadcast %add3A_570 : i32 to vector<16xi32>
      %add3A_572 = arith.addi %get3A_569, %add3A_571 : vector<16xi32>
      %gather3A = tpu.vector_load_idx %arg6[%add3A_572] : memref<10240xf32, #tpu.memory_space<vmem>>[vector<16xi32>], vector<16xf32>,
      %mul3A_573 = arith.constant 16 : i32
      %mul3A_574 = arith.muli %scan3A_565, %mul3A_573 : i32
      %get3A_575 = arith.index_cast %mul3A_574 : i32 to index
      %get3A_576 = tpu.vector_load %arg8[%get3A_575] {strides = array<i32>} : memref<2048xi32, #tpu.memory_space<vmem>>, vector<16xi32>,
      %add3A_577 = arith.constant 0 : i32
      %add3A_578 = vector.broadcast %add3A_577 : i32 to vector<16xi32>
      %add3A_579 = arith.addi %get3A_576, %add3A_578 : vector<16xi32>
      %gather3A_580 = tpu.vector_load_idx %arg6[%add3A_579] : memref<10240xf32, #tpu.memory_space<vmem>>[vector<16xi32>], vector<16xf32>,
      %sub3A = arith.subf %gather3A, %gather3A_580 : vector<16xf32>
      %mul3A_581 = arith.constant 16 : i32
      %mul3A_582 = arith.muli %scan3A_565, %mul3A_581 : i32
      %swap3A = arith.constant 0 : i32
      %swap3A_583 = arith.index_cast %swap3A : i32 to index
      %swap3A_584 = arith.index_cast %mul3A_582 : i32 to index
      %swap3A_585 = tpu.vector_load %arg9[%swap3A_583, %swap3A_584] {strides = array<i32>} : memref<1x2048xf32, #tpu.memory_space<vmem>>, vector<16xf32>,
      tpu.vector_store %arg9[%swap3A_583, %swap3A_584], %sub3A {strides = array<i32>} : memref<1x2048xf32, #tpu.memory_space<vmem>>, vector<16xf32>,
      %scan3A_586 = arith.constant 0 : i32
      scf.yield %scan3A_586 : i32
    }
    %scan3A_336 = arith.constant 128 : i32
    %add3A_337 = arith.constant 6144 : i32
    %add3A_338 = arith.addi %mul3A_2, %add3A_337 : i32
    %run_scoped3A_339 = arith.constant 2 : i32
    "tpu.region"() ({
      %run_scoped3A_565 = tpu.sem_alloc : memref<!tpu.dma_semaphore, #tpu.memory_space<semaphore_mem>>
      %dma_start3A = arith.constant 0 : i32
      %dma_start3A_566 = tpu.memref_slice %arg5[%run_scoped3A_339, %dma_start3A, %add3A_338] : memref<4x1x655360xf32, #tpu.memory_space<hbm>> -> memref<1x1x2048xf32, #tpu.memory_space<hbm>>
      %dma_start3A_567 = tpu.memref_squeeze %dma_start3A_566 : memref<1x1x2048xf32, #tpu.memory_space<hbm>> -> memref<1x2048xf32, #tpu.memory_space<hbm>>
      %dma_start3A_568 = arith.constant 0 : i32
      %dma_start3A_569 = tpu.memref_slice %arg5[%run_scoped3A_339, %dma_start3A_568, %add3A_338] : memref<4x1x655360xf32, #tpu.memory_space<hbm>> -> memref<1x1x2048xf32, #tpu.memory_space<hbm>>
      %dma_start3A_570 = tpu.memref_squeeze %dma_start3A_569 : memref<1x1x2048xf32, #tpu.memory_space<hbm>> -> memref<1x2048xf32, #tpu.memory_space<hbm>>
      tpu.enqueue_dma source(%arg9 : memref<1x2048xf32, #tpu.memory_space<vmem>>) target(%dma_start3A_570 : memref<1x2048xf32, #tpu.memory_space<hbm>>) target_semaphore(%run_scoped3A_565 : memref<!tpu.dma_semaphore, #tpu.memory_space<semaphore_mem>>)
      %dma_wait3A = arith.constant 0 : i32
      %dma_wait3A_571 = tpu.memref_slice %arg5[%run_scoped3A_339, %dma_wait3A, %add3A_338] : memref<4x1x655360xf32, #tpu.memory_space<hbm>> -> memref<1x1x2048xf32, #tpu.memory_space<hbm>>
      %dma_wait3A_572 = tpu.memref_squeeze %dma_wait3A_571 : memref<1x1x2048xf32, #tpu.memory_space<hbm>> -> memref<1x2048xf32, #tpu.memory_space<hbm>>
      %dma_wait3A_573 = arith.constant 0 : i32
      %dma_wait3A_574 = tpu.memref_slice %arg5[%run_scoped3A_339, %dma_wait3A_573, %add3A_338] : memref<4x1x655360xf32, #tpu.memory_space<hbm>> -> memref<1x1x2048xf32, #tpu.memory_space<hbm>>
      %dma_wait3A_575 = tpu.memref_squeeze %dma_wait3A_574 : memref<1x1x2048xf32, #tpu.memory_space<hbm>> -> memref<1x2048xf32, #tpu.memory_space<hbm>>
      tpu.wait_dma2 semaphore(%run_scoped3A_565 : memref<!tpu.dma_semaphore, #tpu.memory_space<semaphore_mem>>) src(%arg9 : memref<1x2048xf32, #tpu.memory_space<vmem>>) dst(%dma_wait3A_575 : memref<1x2048xf32, #tpu.memory_space<hbm>>)
      tpu.yield
    }) : () -> ()
    %add3A_340 = arith.constant 8192 : i32
    %add3A_341 = arith.addi %mul3A_2, %add3A_340 : i32
    "tpu.region"() ({
      %run_scoped3A_565 = tpu.sem_alloc : memref<!tpu.dma_semaphore, #tpu.memory_space<semaphore_mem>>
      %dma_start3A = tpu.memref_slice %arg3[%add3A_341] : memref<655360xi32, #tpu.memory_space<hbm>> -> memref<2048xi32, #tpu.memory_space<hbm>>
      %dma_start3A_566 = tpu.memref_slice %arg3[%add3A_341] : memref<655360xi32, #tpu.memory_space<hbm>> -> memref<2048xi32, #tpu.memory_space<hbm>>
      tpu.enqueue_dma source(%dma_start3A_566 : memref<2048xi32, #tpu.memory_space<hbm>>) target(%arg7 : memref<2048xi32, #tpu.memory_space<vmem>>) target_semaphore(%run_scoped3A_565 : memref<!tpu.dma_semaphore, #tpu.memory_space<semaphore_mem>>)
      %dma_wait3A = tpu.memref_slice %arg3[%add3A_341] : memref<655360xi32, #tpu.memory_space<hbm>> -> memref<2048xi32, #tpu.memory_space<hbm>>
      %dma_wait3A_567 = tpu.memref_slice %arg3[%add3A_341] : memref<655360xi32, #tpu.memory_space<hbm>> -> memref<2048xi32, #tpu.memory_space<hbm>>
      tpu.wait_dma2 semaphore(%run_scoped3A_565 : memref<!tpu.dma_semaphore, #tpu.memory_space<semaphore_mem>>) src(%dma_wait3A_567 : memref<2048xi32, #tpu.memory_space<hbm>>) dst(%arg7 : memref<2048xi32, #tpu.memory_space<vmem>>)
      tpu.yield
    }) : () -> ()
    %add3A_342 = arith.constant 8192 : i32
    %add3A_343 = arith.addi %mul3A_2, %add3A_342 : i32
    "tpu.region"() ({
      %run_scoped3A_565 = tpu.sem_alloc : memref<!tpu.dma_semaphore, #tpu.memory_space<semaphore_mem>>
      %dma_start3A = tpu.memref_slice %arg4[%add3A_343] : memref<655360xi32, #tpu.memory_space<hbm>> -> memref<2048xi32, #tpu.memory_space<hbm>>
      %dma_start3A_566 = tpu.memref_slice %arg4[%add3A_343] : memref<655360xi32, #tpu.memory_space<hbm>> -> memref<2048xi32, #tpu.memory_space<hbm>>
      tpu.enqueue_dma source(%dma_start3A_566 : memref<2048xi32, #tpu.memory_space<hbm>>) target(%arg8 : memref<2048xi32, #tpu.memory_space<vmem>>) target_semaphore(%run_scoped3A_565 : memref<!tpu.dma_semaphore, #tpu.memory_space<semaphore_mem>>)
      %dma_wait3A = tpu.memref_slice %arg4[%add3A_343] : memref<655360xi32, #tpu.memory_space<hbm>> -> memref<2048xi32, #tpu.memory_space<hbm>>
      %dma_wait3A_567 = tpu.memref_slice %arg4[%add3A_343] : memref<655360xi32, #tpu.memory_space<hbm>> -> memref<2048xi32, #tpu.memory_space<hbm>>
      tpu.wait_dma2 semaphore(%run_scoped3A_565 : memref<!tpu.dma_semaphore, #tpu.memory_space<semaphore_mem>>) src(%dma_wait3A_567 : memref<2048xi32, #tpu.memory_space<hbm>>) dst(%arg8 : memref<2048xi32, #tpu.memory_space<vmem>>)
      tpu.yield
    }) : () -> ()
    %scan3A_344 = arith.constant 0 : i32
    %scan3A_345 = arith.constant 0 : i32
    %scan3A_346 = arith.constant 128 : i32
    %scan3A_347 = arith.addi %scan3A_345, %scan3A_346 : i32
    %scan3A_348 = arith.constant 1 : i32
    %scan3A_349 = scf.for %scan3A_565 = %scan3A_345 to %scan3A_347 step %scan3A_348 iter_args(%scan3A_566 = %scan3A_344) -> (i32)  : i32 {
      %mul3A_567 = arith.constant 16 : i32
      %mul3A_568 = arith.muli %scan3A_565, %mul3A_567 : i32
      %get3A = arith.index_cast %mul3A_568 : i32 to index
      %get3A_569 = tpu.vector_load %arg7[%get3A] {strides = array<i32>} : memref<2048xi32, #tpu.memory_space<vmem>>, vector<16xi32>,
      %add3A_570 = arith.constant 0 : i32
      %add3A_571 = vector.broadcast %add3A_570 : i32 to vector<16xi32>
      %add3A_572 = arith.addi %get3A_569, %add3A_571 : vector<16xi32>
      %gather3A = tpu.vector_load_idx %arg6[%add3A_572] : memref<10240xf32, #tpu.memory_space<vmem>>[vector<16xi32>], vector<16xf32>,
      %mul3A_573 = arith.constant 16 : i32
      %mul3A_574 = arith.muli %scan3A_565, %mul3A_573 : i32
      %get3A_575 = arith.index_cast %mul3A_574 : i32 to index
      %get3A_576 = tpu.vector_load %arg8[%get3A_575] {strides = array<i32>} : memref<2048xi32, #tpu.memory_space<vmem>>, vector<16xi32>,
      %add3A_577 = arith.constant 0 : i32
      %add3A_578 = vector.broadcast %add3A_577 : i32 to vector<16xi32>
      %add3A_579 = arith.addi %get3A_576, %add3A_578 : vector<16xi32>
      %gather3A_580 = tpu.vector_load_idx %arg6[%add3A_579] : memref<10240xf32, #tpu.memory_space<vmem>>[vector<16xi32>], vector<16xf32>,
      %sub3A = arith.subf %gather3A, %gather3A_580 : vector<16xf32>
      %mul3A_581 = arith.constant 16 : i32
      %mul3A_582 = arith.muli %scan3A_565, %mul3A_581 : i32
      %swap3A = arith.constant 0 : i32
      %swap3A_583 = arith.index_cast %swap3A : i32 to index
      %swap3A_584 = arith.index_cast %mul3A_582 : i32 to index
      %swap3A_585 = tpu.vector_load %arg9[%swap3A_583, %swap3A_584] {strides = array<i32>} : memref<1x2048xf32, #tpu.memory_space<vmem>>, vector<16xf32>,
      tpu.vector_store %arg9[%swap3A_583, %swap3A_584], %sub3A {strides = array<i32>} : memref<1x2048xf32, #tpu.memory_space<vmem>>, vector<16xf32>,
      %scan3A_586 = arith.constant 0 : i32
      scf.yield %scan3A_586 : i32
    }
    %scan3A_350 = arith.constant 128 : i32
    %add3A_351 = arith.constant 8192 : i32
    %add3A_352 = arith.addi %mul3A_2, %add3A_351 : i32
    %run_scoped3A_353 = arith.constant 2 : i32
    "tpu.region"() ({
      %run_scoped3A_565 = tpu.sem_alloc : memref<!tpu.dma_semaphore, #tpu.memory_space<semaphore_mem>>
      %dma_start3A = arith.constant 0 : i32
      %dma_start3A_566 = tpu.memref_slice %arg5[%run_scoped3A_353, %dma_start3A, %add3A_352] : memref<4x1x655360xf32, #tpu.memory_space<hbm>> -> memref<1x1x2048xf32, #tpu.memory_space<hbm>>
      %dma_start3A_567 = tpu.memref_squeeze %dma_start3A_566 : memref<1x1x2048xf32, #tpu.memory_space<hbm>> -> memref<1x2048xf32, #tpu.memory_space<hbm>>
      %dma_start3A_568 = arith.constant 0 : i32
      %dma_start3A_569 = tpu.memref_slice %arg5[%run_scoped3A_353, %dma_start3A_568, %add3A_352] : memref<4x1x655360xf32, #tpu.memory_space<hbm>> -> memref<1x1x2048xf32, #tpu.memory_space<hbm>>
      %dma_start3A_570 = tpu.memref_squeeze %dma_start3A_569 : memref<1x1x2048xf32, #tpu.memory_space<hbm>> -> memref<1x2048xf32, #tpu.memory_space<hbm>>
      tpu.enqueue_dma source(%arg9 : memref<1x2048xf32, #tpu.memory_space<vmem>>) target(%dma_start3A_570 : memref<1x2048xf32, #tpu.memory_space<hbm>>) target_semaphore(%run_scoped3A_565 : memref<!tpu.dma_semaphore, #tpu.memory_space<semaphore_mem>>)
      %dma_wait3A = arith.constant 0 : i32
      %dma_wait3A_571 = tpu.memref_slice %arg5[%run_scoped3A_353, %dma_wait3A, %add3A_352] : memref<4x1x655360xf32, #tpu.memory_space<hbm>> -> memref<1x1x2048xf32, #tpu.memory_space<hbm>>
      %dma_wait3A_572 = tpu.memref_squeeze %dma_wait3A_571 : memref<1x1x2048xf32, #tpu.memory_space<hbm>> -> memref<1x2048xf32, #tpu.memory_space<hbm>>
      %dma_wait3A_573 = arith.constant 0 : i32
      %dma_wait3A_574 = tpu.memref_slice %arg5[%run_scoped3A_353, %dma_wait3A_573, %add3A_352] : memref<4x1x655360xf32, #tpu.memory_space<hbm>> -> memref<1x1x2048xf32, #tpu.memory_space<hbm>>
      %dma_wait3A_575 = tpu.memref_squeeze %dma_wait3A_574 : memref<1x1x2048xf32, #tpu.memory_space<hbm>> -> memref<1x2048xf32, #tpu.memory_space<hbm>>
      tpu.wait_dma2 semaphore(%run_scoped3A_565 : memref<!tpu.dma_semaphore, #tpu.memory_space<semaphore_mem>>) src(%arg9 : memref<1x2048xf32, #tpu.memory_space<vmem>>) dst(%dma_wait3A_575 : memref<1x2048xf32, #tpu.memory_space<hbm>>)
      tpu.yield
    }) : () -> ()
    %add3A_354 = arith.constant 10240 : i32
    %add3A_355 = arith.addi %mul3A_2, %add3A_354 : i32
    "tpu.region"() ({
      %run_scoped3A_565 = tpu.sem_alloc : memref<!tpu.dma_semaphore, #tpu.memory_space<semaphore_mem>>
      %dma_start3A = tpu.memref_slice %arg3[%add3A_355] : memref<655360xi32, #tpu.memory_space<hbm>> -> memref<2048xi32, #tpu.memory_space<hbm>>
      %dma_start3A_566 = tpu.memref_slice %arg3[%add3A_355] : memref<655360xi32, #tpu.memory_space<hbm>> -> memref<2048xi32, #tpu.memory_space<hbm>>
      tpu.enqueue_dma source(%dma_start3A_566 : memref<2048xi32, #tpu.memory_space<hbm>>) target(%arg7 : memref<2048xi32, #tpu.memory_space<vmem>>) target_semaphore(%run_scoped3A_565 : memref<!tpu.dma_semaphore, #tpu.memory_space<semaphore_mem>>)
      %dma_wait3A = tpu.memref_slice %arg3[%add3A_355] : memref<655360xi32, #tpu.memory_space<hbm>> -> memref<2048xi32, #tpu.memory_space<hbm>>
      %dma_wait3A_567 = tpu.memref_slice %arg3[%add3A_355] : memref<655360xi32, #tpu.memory_space<hbm>> -> memref<2048xi32, #tpu.memory_space<hbm>>
      tpu.wait_dma2 semaphore(%run_scoped3A_565 : memref<!tpu.dma_semaphore, #tpu.memory_space<semaphore_mem>>) src(%dma_wait3A_567 : memref<2048xi32, #tpu.memory_space<hbm>>) dst(%arg7 : memref<2048xi32, #tpu.memory_space<vmem>>)
      tpu.yield
    }) : () -> ()
    %add3A_356 = arith.constant 10240 : i32
    %add3A_357 = arith.addi %mul3A_2, %add3A_356 : i32
    "tpu.region"() ({
      %run_scoped3A_565 = tpu.sem_alloc : memref<!tpu.dma_semaphore, #tpu.memory_space<semaphore_mem>>
      %dma_start3A = tpu.memref_slice %arg4[%add3A_357] : memref<655360xi32, #tpu.memory_space<hbm>> -> memref<2048xi32, #tpu.memory_space<hbm>>
      %dma_start3A_566 = tpu.memref_slice %arg4[%add3A_357] : memref<655360xi32, #tpu.memory_space<hbm>> -> memref<2048xi32, #tpu.memory_space<hbm>>
      tpu.enqueue_dma source(%dma_start3A_566 : memref<2048xi32, #tpu.memory_space<hbm>>) target(%arg8 : memref<2048xi32, #tpu.memory_space<vmem>>) target_semaphore(%run_scoped3A_565 : memref<!tpu.dma_semaphore, #tpu.memory_space<semaphore_mem>>)
      %dma_wait3A = tpu.memref_slice %arg4[%add3A_357] : memref<655360xi32, #tpu.memory_space<hbm>> -> memref<2048xi32, #tpu.memory_space<hbm>>
      %dma_wait3A_567 = tpu.memref_slice %arg4[%add3A_357] : memref<655360xi32, #tpu.memory_space<hbm>> -> memref<2048xi32, #tpu.memory_space<hbm>>
      tpu.wait_dma2 semaphore(%run_scoped3A_565 : memref<!tpu.dma_semaphore, #tpu.memory_space<semaphore_mem>>) src(%dma_wait3A_567 : memref<2048xi32, #tpu.memory_space<hbm>>) dst(%arg8 : memref<2048xi32, #tpu.memory_space<vmem>>)
      tpu.yield
    }) : () -> ()
    %scan3A_358 = arith.constant 0 : i32
    %scan3A_359 = arith.constant 0 : i32
    %scan3A_360 = arith.constant 128 : i32
    %scan3A_361 = arith.addi %scan3A_359, %scan3A_360 : i32
    %scan3A_362 = arith.constant 1 : i32
    %scan3A_363 = scf.for %scan3A_565 = %scan3A_359 to %scan3A_361 step %scan3A_362 iter_args(%scan3A_566 = %scan3A_358) -> (i32)  : i32 {
      %mul3A_567 = arith.constant 16 : i32
      %mul3A_568 = arith.muli %scan3A_565, %mul3A_567 : i32
      %get3A = arith.index_cast %mul3A_568 : i32 to index
      %get3A_569 = tpu.vector_load %arg7[%get3A] {strides = array<i32>} : memref<2048xi32, #tpu.memory_space<vmem>>, vector<16xi32>,
      %add3A_570 = arith.constant 0 : i32
      %add3A_571 = vector.broadcast %add3A_570 : i32 to vector<16xi32>
      %add3A_572 = arith.addi %get3A_569, %add3A_571 : vector<16xi32>
      %gather3A = tpu.vector_load_idx %arg6[%add3A_572] : memref<10240xf32, #tpu.memory_space<vmem>>[vector<16xi32>], vector<16xf32>,
      %mul3A_573 = arith.constant 16 : i32
      %mul3A_574 = arith.muli %scan3A_565, %mul3A_573 : i32
      %get3A_575 = arith.index_cast %mul3A_574 : i32 to index
      %get3A_576 = tpu.vector_load %arg8[%get3A_575] {strides = array<i32>} : memref<2048xi32, #tpu.memory_space<vmem>>, vector<16xi32>,
      %add3A_577 = arith.constant 0 : i32
      %add3A_578 = vector.broadcast %add3A_577 : i32 to vector<16xi32>
      %add3A_579 = arith.addi %get3A_576, %add3A_578 : vector<16xi32>
      %gather3A_580 = tpu.vector_load_idx %arg6[%add3A_579] : memref<10240xf32, #tpu.memory_space<vmem>>[vector<16xi32>], vector<16xf32>,
      %sub3A = arith.subf %gather3A, %gather3A_580 : vector<16xf32>
      %mul3A_581 = arith.constant 16 : i32
      %mul3A_582 = arith.muli %scan3A_565, %mul3A_581 : i32
      %swap3A = arith.constant 0 : i32
      %swap3A_583 = arith.index_cast %swap3A : i32 to index
      %swap3A_584 = arith.index_cast %mul3A_582 : i32 to index
      %swap3A_585 = tpu.vector_load %arg9[%swap3A_583, %swap3A_584] {strides = array<i32>} : memref<1x2048xf32, #tpu.memory_space<vmem>>, vector<16xf32>,
      tpu.vector_store %arg9[%swap3A_583, %swap3A_584], %sub3A {strides = array<i32>} : memref<1x2048xf32, #tpu.memory_space<vmem>>, vector<16xf32>,
      %scan3A_586 = arith.constant 0 : i32
      scf.yield %scan3A_586 : i32
    }
    %scan3A_364 = arith.constant 128 : i32
    %add3A_365 = arith.constant 10240 : i32
    %add3A_366 = arith.addi %mul3A_2, %add3A_365 : i32
    %run_scoped3A_367 = arith.constant 2 : i32
    "tpu.region"() ({
      %run_scoped3A_565 = tpu.sem_alloc : memref<!tpu.dma_semaphore, #tpu.memory_space<semaphore_mem>>
      %dma_start3A = arith.constant 0 : i32
      %dma_start3A_566 = tpu.memref_slice %arg5[%run_scoped3A_367, %dma_start3A, %add3A_366] : memref<4x1x655360xf32, #tpu.memory_space<hbm>> -> memref<1x1x2048xf32, #tpu.memory_space<hbm>>
      %dma_start3A_567 = tpu.memref_squeeze %dma_start3A_566 : memref<1x1x2048xf32, #tpu.memory_space<hbm>> -> memref<1x2048xf32, #tpu.memory_space<hbm>>
      %dma_start3A_568 = arith.constant 0 : i32
      %dma_start3A_569 = tpu.memref_slice %arg5[%run_scoped3A_367, %dma_start3A_568, %add3A_366] : memref<4x1x655360xf32, #tpu.memory_space<hbm>> -> memref<1x1x2048xf32, #tpu.memory_space<hbm>>
      %dma_start3A_570 = tpu.memref_squeeze %dma_start3A_569 : memref<1x1x2048xf32, #tpu.memory_space<hbm>> -> memref<1x2048xf32, #tpu.memory_space<hbm>>
      tpu.enqueue_dma source(%arg9 : memref<1x2048xf32, #tpu.memory_space<vmem>>) target(%dma_start3A_570 : memref<1x2048xf32, #tpu.memory_space<hbm>>) target_semaphore(%run_scoped3A_565 : memref<!tpu.dma_semaphore, #tpu.memory_space<semaphore_mem>>)
      %dma_wait3A = arith.constant 0 : i32
      %dma_wait3A_571 = tpu.memref_slice %arg5[%run_scoped3A_367, %dma_wait3A, %add3A_366] : memref<4x1x655360xf32, #tpu.memory_space<hbm>> -> memref<1x1x2048xf32, #tpu.memory_space<hbm>>
      %dma_wait3A_572 = tpu.memref_squeeze %dma_wait3A_571 : memref<1x1x2048xf32, #tpu.memory_space<hbm>> -> memref<1x2048xf32, #tpu.memory_space<hbm>>
      %dma_wait3A_573 = arith.constant 0 : i32
      %dma_wait3A_574 = tpu.memref_slice %arg5[%run_scoped3A_367, %dma_wait3A_573, %add3A_366] : memref<4x1x655360xf32, #tpu.memory_space<hbm>> -> memref<1x1x2048xf32, #tpu.memory_space<hbm>>
      %dma_wait3A_575 = tpu.memref_squeeze %dma_wait3A_574 : memref<1x1x2048xf32, #tpu.memory_space<hbm>> -> memref<1x2048xf32, #tpu.memory_space<hbm>>
      tpu.wait_dma2 semaphore(%run_scoped3A_565 : memref<!tpu.dma_semaphore, #tpu.memory_space<semaphore_mem>>) src(%arg9 : memref<1x2048xf32, #tpu.memory_space<vmem>>) dst(%dma_wait3A_575 : memref<1x2048xf32, #tpu.memory_space<hbm>>)
      tpu.yield
    }) : () -> ()
    %add3A_368 = arith.constant 12288 : i32
    %add3A_369 = arith.addi %mul3A_2, %add3A_368 : i32
    "tpu.region"() ({
      %run_scoped3A_565 = tpu.sem_alloc : memref<!tpu.dma_semaphore, #tpu.memory_space<semaphore_mem>>
      %dma_start3A = tpu.memref_slice %arg3[%add3A_369] : memref<655360xi32, #tpu.memory_space<hbm>> -> memref<2048xi32, #tpu.memory_space<hbm>>
      %dma_start3A_566 = tpu.memref_slice %arg3[%add3A_369] : memref<655360xi32, #tpu.memory_space<hbm>> -> memref<2048xi32, #tpu.memory_space<hbm>>
      tpu.enqueue_dma source(%dma_start3A_566 : memref<2048xi32, #tpu.memory_space<hbm>>) target(%arg7 : memref<2048xi32, #tpu.memory_space<vmem>>) target_semaphore(%run_scoped3A_565 : memref<!tpu.dma_semaphore, #tpu.memory_space<semaphore_mem>>)
      %dma_wait3A = tpu.memref_slice %arg3[%add3A_369] : memref<655360xi32, #tpu.memory_space<hbm>> -> memref<2048xi32, #tpu.memory_space<hbm>>
      %dma_wait3A_567 = tpu.memref_slice %arg3[%add3A_369] : memref<655360xi32, #tpu.memory_space<hbm>> -> memref<2048xi32, #tpu.memory_space<hbm>>
      tpu.wait_dma2 semaphore(%run_scoped3A_565 : memref<!tpu.dma_semaphore, #tpu.memory_space<semaphore_mem>>) src(%dma_wait3A_567 : memref<2048xi32, #tpu.memory_space<hbm>>) dst(%arg7 : memref<2048xi32, #tpu.memory_space<vmem>>)
      tpu.yield
    }) : () -> ()
    %add3A_370 = arith.constant 12288 : i32
    %add3A_371 = arith.addi %mul3A_2, %add3A_370 : i32
    "tpu.region"() ({
      %run_scoped3A_565 = tpu.sem_alloc : memref<!tpu.dma_semaphore, #tpu.memory_space<semaphore_mem>>
      %dma_start3A = tpu.memref_slice %arg4[%add3A_371] : memref<655360xi32, #tpu.memory_space<hbm>> -> memref<2048xi32, #tpu.memory_space<hbm>>
      %dma_start3A_566 = tpu.memref_slice %arg4[%add3A_371] : memref<655360xi32, #tpu.memory_space<hbm>> -> memref<2048xi32, #tpu.memory_space<hbm>>
      tpu.enqueue_dma source(%dma_start3A_566 : memref<2048xi32, #tpu.memory_space<hbm>>) target(%arg8 : memref<2048xi32, #tpu.memory_space<vmem>>) target_semaphore(%run_scoped3A_565 : memref<!tpu.dma_semaphore, #tpu.memory_space<semaphore_mem>>)
      %dma_wait3A = tpu.memref_slice %arg4[%add3A_371] : memref<655360xi32, #tpu.memory_space<hbm>> -> memref<2048xi32, #tpu.memory_space<hbm>>
      %dma_wait3A_567 = tpu.memref_slice %arg4[%add3A_371] : memref<655360xi32, #tpu.memory_space<hbm>> -> memref<2048xi32, #tpu.memory_space<hbm>>
      tpu.wait_dma2 semaphore(%run_scoped3A_565 : memref<!tpu.dma_semaphore, #tpu.memory_space<semaphore_mem>>) src(%dma_wait3A_567 : memref<2048xi32, #tpu.memory_space<hbm>>) dst(%arg8 : memref<2048xi32, #tpu.memory_space<vmem>>)
      tpu.yield
    }) : () -> ()
    %scan3A_372 = arith.constant 0 : i32
    %scan3A_373 = arith.constant 0 : i32
    %scan3A_374 = arith.constant 128 : i32
    %scan3A_375 = arith.addi %scan3A_373, %scan3A_374 : i32
    %scan3A_376 = arith.constant 1 : i32
    %scan3A_377 = scf.for %scan3A_565 = %scan3A_373 to %scan3A_375 step %scan3A_376 iter_args(%scan3A_566 = %scan3A_372) -> (i32)  : i32 {
      %mul3A_567 = arith.constant 16 : i32
      %mul3A_568 = arith.muli %scan3A_565, %mul3A_567 : i32
      %get3A = arith.index_cast %mul3A_568 : i32 to index
      %get3A_569 = tpu.vector_load %arg7[%get3A] {strides = array<i32>} : memref<2048xi32, #tpu.memory_space<vmem>>, vector<16xi32>,
      %add3A_570 = arith.constant 0 : i32
      %add3A_571 = vector.broadcast %add3A_570 : i32 to vector<16xi32>
      %add3A_572 = arith.addi %get3A_569, %add3A_571 : vector<16xi32>
      %gather3A = tpu.vector_load_idx %arg6[%add3A_572] : memref<10240xf32, #tpu.memory_space<vmem>>[vector<16xi32>], vector<16xf32>,
      %mul3A_573 = arith.constant 16 : i32
      %mul3A_574 = arith.muli %scan3A_565, %mul3A_573 : i32
      %get3A_575 = arith.index_cast %mul3A_574 : i32 to index
      %get3A_576 = tpu.vector_load %arg8[%get3A_575] {strides = array<i32>} : memref<2048xi32, #tpu.memory_space<vmem>>, vector<16xi32>,
      %add3A_577 = arith.constant 0 : i32
      %add3A_578 = vector.broadcast %add3A_577 : i32 to vector<16xi32>
      %add3A_579 = arith.addi %get3A_576, %add3A_578 : vector<16xi32>
      %gather3A_580 = tpu.vector_load_idx %arg6[%add3A_579] : memref<10240xf32, #tpu.memory_space<vmem>>[vector<16xi32>], vector<16xf32>,
      %sub3A = arith.subf %gather3A, %gather3A_580 : vector<16xf32>
      %mul3A_581 = arith.constant 16 : i32
      %mul3A_582 = arith.muli %scan3A_565, %mul3A_581 : i32
      %swap3A = arith.constant 0 : i32
      %swap3A_583 = arith.index_cast %swap3A : i32 to index
      %swap3A_584 = arith.index_cast %mul3A_582 : i32 to index
      %swap3A_585 = tpu.vector_load %arg9[%swap3A_583, %swap3A_584] {strides = array<i32>} : memref<1x2048xf32, #tpu.memory_space<vmem>>, vector<16xf32>,
      tpu.vector_store %arg9[%swap3A_583, %swap3A_584], %sub3A {strides = array<i32>} : memref<1x2048xf32, #tpu.memory_space<vmem>>, vector<16xf32>,
      %scan3A_586 = arith.constant 0 : i32
      scf.yield %scan3A_586 : i32
    }
    %scan3A_378 = arith.constant 128 : i32
    %add3A_379 = arith.constant 12288 : i32
    %add3A_380 = arith.addi %mul3A_2, %add3A_379 : i32
    %run_scoped3A_381 = arith.constant 2 : i32
    "tpu.region"() ({
      %run_scoped3A_565 = tpu.sem_alloc : memref<!tpu.dma_semaphore, #tpu.memory_space<semaphore_mem>>
      %dma_start3A = arith.constant 0 : i32
      %dma_start3A_566 = tpu.memref_slice %arg5[%run_scoped3A_381, %dma_start3A, %add3A_380] : memref<4x1x655360xf32, #tpu.memory_space<hbm>> -> memref<1x1x2048xf32, #tpu.memory_space<hbm>>
      %dma_start3A_567 = tpu.memref_squeeze %dma_start3A_566 : memref<1x1x2048xf32, #tpu.memory_space<hbm>> -> memref<1x2048xf32, #tpu.memory_space<hbm>>
      %dma_start3A_568 = arith.constant 0 : i32
      %dma_start3A_569 = tpu.memref_slice %arg5[%run_scoped3A_381, %dma_start3A_568, %add3A_380] : memref<4x1x655360xf32, #tpu.memory_space<hbm>> -> memref<1x1x2048xf32, #tpu.memory_space<hbm>>
      %dma_start3A_570 = tpu.memref_squeeze %dma_start3A_569 : memref<1x1x2048xf32, #tpu.memory_space<hbm>> -> memref<1x2048xf32, #tpu.memory_space<hbm>>
      tpu.enqueue_dma source(%arg9 : memref<1x2048xf32, #tpu.memory_space<vmem>>) target(%dma_start3A_570 : memref<1x2048xf32, #tpu.memory_space<hbm>>) target_semaphore(%run_scoped3A_565 : memref<!tpu.dma_semaphore, #tpu.memory_space<semaphore_mem>>)
      %dma_wait3A = arith.constant 0 : i32
      %dma_wait3A_571 = tpu.memref_slice %arg5[%run_scoped3A_381, %dma_wait3A, %add3A_380] : memref<4x1x655360xf32, #tpu.memory_space<hbm>> -> memref<1x1x2048xf32, #tpu.memory_space<hbm>>
      %dma_wait3A_572 = tpu.memref_squeeze %dma_wait3A_571 : memref<1x1x2048xf32, #tpu.memory_space<hbm>> -> memref<1x2048xf32, #tpu.memory_space<hbm>>
      %dma_wait3A_573 = arith.constant 0 : i32
      %dma_wait3A_574 = tpu.memref_slice %arg5[%run_scoped3A_381, %dma_wait3A_573, %add3A_380] : memref<4x1x655360xf32, #tpu.memory_space<hbm>> -> memref<1x1x2048xf32, #tpu.memory_space<hbm>>
      %dma_wait3A_575 = tpu.memref_squeeze %dma_wait3A_574 : memref<1x1x2048xf32, #tpu.memory_space<hbm>> -> memref<1x2048xf32, #tpu.memory_space<hbm>>
      tpu.wait_dma2 semaphore(%run_scoped3A_565 : memref<!tpu.dma_semaphore, #tpu.memory_space<semaphore_mem>>) src(%arg9 : memref<1x2048xf32, #tpu.memory_space<vmem>>) dst(%dma_wait3A_575 : memref<1x2048xf32, #tpu.memory_space<hbm>>)
      tpu.yield
    }) : () -> ()
    %add3A_382 = arith.constant 14336 : i32
    %add3A_383 = arith.addi %mul3A_2, %add3A_382 : i32
    "tpu.region"() ({
      %run_scoped3A_565 = tpu.sem_alloc : memref<!tpu.dma_semaphore, #tpu.memory_space<semaphore_mem>>
      %dma_start3A = tpu.memref_slice %arg3[%add3A_383] : memref<655360xi32, #tpu.memory_space<hbm>> -> memref<2048xi32, #tpu.memory_space<hbm>>
      %dma_start3A_566 = tpu.memref_slice %arg3[%add3A_383] : memref<655360xi32, #tpu.memory_space<hbm>> -> memref<2048xi32, #tpu.memory_space<hbm>>
      tpu.enqueue_dma source(%dma_start3A_566 : memref<2048xi32, #tpu.memory_space<hbm>>) target(%arg7 : memref<2048xi32, #tpu.memory_space<vmem>>) target_semaphore(%run_scoped3A_565 : memref<!tpu.dma_semaphore, #tpu.memory_space<semaphore_mem>>)
      %dma_wait3A = tpu.memref_slice %arg3[%add3A_383] : memref<655360xi32, #tpu.memory_space<hbm>> -> memref<2048xi32, #tpu.memory_space<hbm>>
      %dma_wait3A_567 = tpu.memref_slice %arg3[%add3A_383] : memref<655360xi32, #tpu.memory_space<hbm>> -> memref<2048xi32, #tpu.memory_space<hbm>>
      tpu.wait_dma2 semaphore(%run_scoped3A_565 : memref<!tpu.dma_semaphore, #tpu.memory_space<semaphore_mem>>) src(%dma_wait3A_567 : memref<2048xi32, #tpu.memory_space<hbm>>) dst(%arg7 : memref<2048xi32, #tpu.memory_space<vmem>>)
      tpu.yield
    }) : () -> ()
    %add3A_384 = arith.constant 14336 : i32
    %add3A_385 = arith.addi %mul3A_2, %add3A_384 : i32
    "tpu.region"() ({
      %run_scoped3A_565 = tpu.sem_alloc : memref<!tpu.dma_semaphore, #tpu.memory_space<semaphore_mem>>
      %dma_start3A = tpu.memref_slice %arg4[%add3A_385] : memref<655360xi32, #tpu.memory_space<hbm>> -> memref<2048xi32, #tpu.memory_space<hbm>>
      %dma_start3A_566 = tpu.memref_slice %arg4[%add3A_385] : memref<655360xi32, #tpu.memory_space<hbm>> -> memref<2048xi32, #tpu.memory_space<hbm>>
      tpu.enqueue_dma source(%dma_start3A_566 : memref<2048xi32, #tpu.memory_space<hbm>>) target(%arg8 : memref<2048xi32, #tpu.memory_space<vmem>>) target_semaphore(%run_scoped3A_565 : memref<!tpu.dma_semaphore, #tpu.memory_space<semaphore_mem>>)
      %dma_wait3A = tpu.memref_slice %arg4[%add3A_385] : memref<655360xi32, #tpu.memory_space<hbm>> -> memref<2048xi32, #tpu.memory_space<hbm>>
      %dma_wait3A_567 = tpu.memref_slice %arg4[%add3A_385] : memref<655360xi32, #tpu.memory_space<hbm>> -> memref<2048xi32, #tpu.memory_space<hbm>>
      tpu.wait_dma2 semaphore(%run_scoped3A_565 : memref<!tpu.dma_semaphore, #tpu.memory_space<semaphore_mem>>) src(%dma_wait3A_567 : memref<2048xi32, #tpu.memory_space<hbm>>) dst(%arg8 : memref<2048xi32, #tpu.memory_space<vmem>>)
      tpu.yield
    }) : () -> ()
    %scan3A_386 = arith.constant 0 : i32
    %scan3A_387 = arith.constant 0 : i32
    %scan3A_388 = arith.constant 128 : i32
    %scan3A_389 = arith.addi %scan3A_387, %scan3A_388 : i32
    %scan3A_390 = arith.constant 1 : i32
    %scan3A_391 = scf.for %scan3A_565 = %scan3A_387 to %scan3A_389 step %scan3A_390 iter_args(%scan3A_566 = %scan3A_386) -> (i32)  : i32 {
      %mul3A_567 = arith.constant 16 : i32
      %mul3A_568 = arith.muli %scan3A_565, %mul3A_567 : i32
      %get3A = arith.index_cast %mul3A_568 : i32 to index
      %get3A_569 = tpu.vector_load %arg7[%get3A] {strides = array<i32>} : memref<2048xi32, #tpu.memory_space<vmem>>, vector<16xi32>,
      %add3A_570 = arith.constant 0 : i32
      %add3A_571 = vector.broadcast %add3A_570 : i32 to vector<16xi32>
      %add3A_572 = arith.addi %get3A_569, %add3A_571 : vector<16xi32>
      %gather3A = tpu.vector_load_idx %arg6[%add3A_572] : memref<10240xf32, #tpu.memory_space<vmem>>[vector<16xi32>], vector<16xf32>,
      %mul3A_573 = arith.constant 16 : i32
      %mul3A_574 = arith.muli %scan3A_565, %mul3A_573 : i32
      %get3A_575 = arith.index_cast %mul3A_574 : i32 to index
      %get3A_576 = tpu.vector_load %arg8[%get3A_575] {strides = array<i32>} : memref<2048xi32, #tpu.memory_space<vmem>>, vector<16xi32>,
      %add3A_577 = arith.constant 0 : i32
      %add3A_578 = vector.broadcast %add3A_577 : i32 to vector<16xi32>
      %add3A_579 = arith.addi %get3A_576, %add3A_578 : vector<16xi32>
      %gather3A_580 = tpu.vector_load_idx %arg6[%add3A_579] : memref<10240xf32, #tpu.memory_space<vmem>>[vector<16xi32>], vector<16xf32>,
      %sub3A = arith.subf %gather3A, %gather3A_580 : vector<16xf32>
      %mul3A_581 = arith.constant 16 : i32
      %mul3A_582 = arith.muli %scan3A_565, %mul3A_581 : i32
      %swap3A = arith.constant 0 : i32
      %swap3A_583 = arith.index_cast %swap3A : i32 to index
      %swap3A_584 = arith.index_cast %mul3A_582 : i32 to index
      %swap3A_585 = tpu.vector_load %arg9[%swap3A_583, %swap3A_584] {strides = array<i32>} : memref<1x2048xf32, #tpu.memory_space<vmem>>, vector<16xf32>,
      tpu.vector_store %arg9[%swap3A_583, %swap3A_584], %sub3A {strides = array<i32>} : memref<1x2048xf32, #tpu.memory_space<vmem>>, vector<16xf32>,
      %scan3A_586 = arith.constant 0 : i32
      scf.yield %scan3A_586 : i32
    }
    %scan3A_392 = arith.constant 128 : i32
    %add3A_393 = arith.constant 14336 : i32
    %add3A_394 = arith.addi %mul3A_2, %add3A_393 : i32
    %run_scoped3A_395 = arith.constant 2 : i32
    "tpu.region"() ({
      %run_scoped3A_565 = tpu.sem_alloc : memref<!tpu.dma_semaphore, #tpu.memory_space<semaphore_mem>>
      %dma_start3A = arith.constant 0 : i32
      %dma_start3A_566 = tpu.memref_slice %arg5[%run_scoped3A_395, %dma_start3A, %add3A_394] : memref<4x1x655360xf32, #tpu.memory_space<hbm>> -> memref<1x1x2048xf32, #tpu.memory_space<hbm>>
      %dma_start3A_567 = tpu.memref_squeeze %dma_start3A_566 : memref<1x1x2048xf32, #tpu.memory_space<hbm>> -> memref<1x2048xf32, #tpu.memory_space<hbm>>
      %dma_start3A_568 = arith.constant 0 : i32
      %dma_start3A_569 = tpu.memref_slice %arg5[%run_scoped3A_395, %dma_start3A_568, %add3A_394] : memref<4x1x655360xf32, #tpu.memory_space<hbm>> -> memref<1x1x2048xf32, #tpu.memory_space<hbm>>
      %dma_start3A_570 = tpu.memref_squeeze %dma_start3A_569 : memref<1x1x2048xf32, #tpu.memory_space<hbm>> -> memref<1x2048xf32, #tpu.memory_space<hbm>>
      tpu.enqueue_dma source(%arg9 : memref<1x2048xf32, #tpu.memory_space<vmem>>) target(%dma_start3A_570 : memref<1x2048xf32, #tpu.memory_space<hbm>>) target_semaphore(%run_scoped3A_565 : memref<!tpu.dma_semaphore, #tpu.memory_space<semaphore_mem>>)
      %dma_wait3A = arith.constant 0 : i32
      %dma_wait3A_571 = tpu.memref_slice %arg5[%run_scoped3A_395, %dma_wait3A, %add3A_394] : memref<4x1x655360xf32, #tpu.memory_space<hbm>> -> memref<1x1x2048xf32, #tpu.memory_space<hbm>>
      %dma_wait3A_572 = tpu.memref_squeeze %dma_wait3A_571 : memref<1x1x2048xf32, #tpu.memory_space<hbm>> -> memref<1x2048xf32, #tpu.memory_space<hbm>>
      %dma_wait3A_573 = arith.constant 0 : i32
      %dma_wait3A_574 = tpu.memref_slice %arg5[%run_scoped3A_395, %dma_wait3A_573, %add3A_394] : memref<4x1x655360xf32, #tpu.memory_space<hbm>> -> memref<1x1x2048xf32, #tpu.memory_space<hbm>>
      %dma_wait3A_575 = tpu.memref_squeeze %dma_wait3A_574 : memref<1x1x2048xf32, #tpu.memory_space<hbm>> -> memref<1x2048xf32, #tpu.memory_space<hbm>>
      tpu.wait_dma2 semaphore(%run_scoped3A_565 : memref<!tpu.dma_semaphore, #tpu.memory_space<semaphore_mem>>) src(%arg9 : memref<1x2048xf32, #tpu.memory_space<vmem>>) dst(%dma_wait3A_575 : memref<1x2048xf32, #tpu.memory_space<hbm>>)
      tpu.yield
    }) : () -> ()
    %add3A_396 = arith.constant 16384 : i32
    %add3A_397 = arith.addi %mul3A_2, %add3A_396 : i32
    "tpu.region"() ({
      %run_scoped3A_565 = tpu.sem_alloc : memref<!tpu.dma_semaphore, #tpu.memory_space<semaphore_mem>>
      %dma_start3A = tpu.memref_slice %arg3[%add3A_397] : memref<655360xi32, #tpu.memory_space<hbm>> -> memref<2048xi32, #tpu.memory_space<hbm>>
      %dma_start3A_566 = tpu.memref_slice %arg3[%add3A_397] : memref<655360xi32, #tpu.memory_space<hbm>> -> memref<2048xi32, #tpu.memory_space<hbm>>
      tpu.enqueue_dma source(%dma_start3A_566 : memref<2048xi32, #tpu.memory_space<hbm>>) target(%arg7 : memref<2048xi32, #tpu.memory_space<vmem>>) target_semaphore(%run_scoped3A_565 : memref<!tpu.dma_semaphore, #tpu.memory_space<semaphore_mem>>)
      %dma_wait3A = tpu.memref_slice %arg3[%add3A_397] : memref<655360xi32, #tpu.memory_space<hbm>> -> memref<2048xi32, #tpu.memory_space<hbm>>
      %dma_wait3A_567 = tpu.memref_slice %arg3[%add3A_397] : memref<655360xi32, #tpu.memory_space<hbm>> -> memref<2048xi32, #tpu.memory_space<hbm>>
      tpu.wait_dma2 semaphore(%run_scoped3A_565 : memref<!tpu.dma_semaphore, #tpu.memory_space<semaphore_mem>>) src(%dma_wait3A_567 : memref<2048xi32, #tpu.memory_space<hbm>>) dst(%arg7 : memref<2048xi32, #tpu.memory_space<vmem>>)
      tpu.yield
    }) : () -> ()
    %add3A_398 = arith.constant 16384 : i32
    %add3A_399 = arith.addi %mul3A_2, %add3A_398 : i32
    "tpu.region"() ({
      %run_scoped3A_565 = tpu.sem_alloc : memref<!tpu.dma_semaphore, #tpu.memory_space<semaphore_mem>>
      %dma_start3A = tpu.memref_slice %arg4[%add3A_399] : memref<655360xi32, #tpu.memory_space<hbm>> -> memref<2048xi32, #tpu.memory_space<hbm>>
      %dma_start3A_566 = tpu.memref_slice %arg4[%add3A_399] : memref<655360xi32, #tpu.memory_space<hbm>> -> memref<2048xi32, #tpu.memory_space<hbm>>
      tpu.enqueue_dma source(%dma_start3A_566 : memref<2048xi32, #tpu.memory_space<hbm>>) target(%arg8 : memref<2048xi32, #tpu.memory_space<vmem>>) target_semaphore(%run_scoped3A_565 : memref<!tpu.dma_semaphore, #tpu.memory_space<semaphore_mem>>)
      %dma_wait3A = tpu.memref_slice %arg4[%add3A_399] : memref<655360xi32, #tpu.memory_space<hbm>> -> memref<2048xi32, #tpu.memory_space<hbm>>
      %dma_wait3A_567 = tpu.memref_slice %arg4[%add3A_399] : memref<655360xi32, #tpu.memory_space<hbm>> -> memref<2048xi32, #tpu.memory_space<hbm>>
      tpu.wait_dma2 semaphore(%run_scoped3A_565 : memref<!tpu.dma_semaphore, #tpu.memory_space<semaphore_mem>>) src(%dma_wait3A_567 : memref<2048xi32, #tpu.memory_space<hbm>>) dst(%arg8 : memref<2048xi32, #tpu.memory_space<vmem>>)
      tpu.yield
    }) : () -> ()
    %scan3A_400 = arith.constant 0 : i32
    %scan3A_401 = arith.constant 0 : i32
    %scan3A_402 = arith.constant 128 : i32
    %scan3A_403 = arith.addi %scan3A_401, %scan3A_402 : i32
    %scan3A_404 = arith.constant 1 : i32
    %scan3A_405 = scf.for %scan3A_565 = %scan3A_401 to %scan3A_403 step %scan3A_404 iter_args(%scan3A_566 = %scan3A_400) -> (i32)  : i32 {
      %mul3A_567 = arith.constant 16 : i32
      %mul3A_568 = arith.muli %scan3A_565, %mul3A_567 : i32
      %get3A = arith.index_cast %mul3A_568 : i32 to index
      %get3A_569 = tpu.vector_load %arg7[%get3A] {strides = array<i32>} : memref<2048xi32, #tpu.memory_space<vmem>>, vector<16xi32>,
      %add3A_570 = arith.constant 0 : i32
      %add3A_571 = vector.broadcast %add3A_570 : i32 to vector<16xi32>
      %add3A_572 = arith.addi %get3A_569, %add3A_571 : vector<16xi32>
      %gather3A = tpu.vector_load_idx %arg6[%add3A_572] : memref<10240xf32, #tpu.memory_space<vmem>>[vector<16xi32>], vector<16xf32>,
      %mul3A_573 = arith.constant 16 : i32
      %mul3A_574 = arith.muli %scan3A_565, %mul3A_573 : i32
      %get3A_575 = arith.index_cast %mul3A_574 : i32 to index
      %get3A_576 = tpu.vector_load %arg8[%get3A_575] {strides = array<i32>} : memref<2048xi32, #tpu.memory_space<vmem>>, vector<16xi32>,
      %add3A_577 = arith.constant 0 : i32
      %add3A_578 = vector.broadcast %add3A_577 : i32 to vector<16xi32>
      %add3A_579 = arith.addi %get3A_576, %add3A_578 : vector<16xi32>
      %gather3A_580 = tpu.vector_load_idx %arg6[%add3A_579] : memref<10240xf32, #tpu.memory_space<vmem>>[vector<16xi32>], vector<16xf32>,
      %sub3A = arith.subf %gather3A, %gather3A_580 : vector<16xf32>
      %mul3A_581 = arith.constant 16 : i32
      %mul3A_582 = arith.muli %scan3A_565, %mul3A_581 : i32
      %swap3A = arith.constant 0 : i32
      %swap3A_583 = arith.index_cast %swap3A : i32 to index
      %swap3A_584 = arith.index_cast %mul3A_582 : i32 to index
      %swap3A_585 = tpu.vector_load %arg9[%swap3A_583, %swap3A_584] {strides = array<i32>} : memref<1x2048xf32, #tpu.memory_space<vmem>>, vector<16xf32>,
      tpu.vector_store %arg9[%swap3A_583, %swap3A_584], %sub3A {strides = array<i32>} : memref<1x2048xf32, #tpu.memory_space<vmem>>, vector<16xf32>,
      %scan3A_586 = arith.constant 0 : i32
      scf.yield %scan3A_586 : i32
    }
    %scan3A_406 = arith.constant 128 : i32
    %add3A_407 = arith.constant 16384 : i32
    %add3A_408 = arith.addi %mul3A_2, %add3A_407 : i32
    %run_scoped3A_409 = arith.constant 2 : i32
    "tpu.region"() ({
      %run_scoped3A_565 = tpu.sem_alloc : memref<!tpu.dma_semaphore, #tpu.memory_space<semaphore_mem>>
      %dma_start3A = arith.constant 0 : i32
      %dma_start3A_566 = tpu.memref_slice %arg5[%run_scoped3A_409, %dma_start3A, %add3A_408] : memref<4x1x655360xf32, #tpu.memory_space<hbm>> -> memref<1x1x2048xf32, #tpu.memory_space<hbm>>
      %dma_start3A_567 = tpu.memref_squeeze %dma_start3A_566 : memref<1x1x2048xf32, #tpu.memory_space<hbm>> -> memref<1x2048xf32, #tpu.memory_space<hbm>>
      %dma_start3A_568 = arith.constant 0 : i32
      %dma_start3A_569 = tpu.memref_slice %arg5[%run_scoped3A_409, %dma_start3A_568, %add3A_408] : memref<4x1x655360xf32, #tpu.memory_space<hbm>> -> memref<1x1x2048xf32, #tpu.memory_space<hbm>>
      %dma_start3A_570 = tpu.memref_squeeze %dma_start3A_569 : memref<1x1x2048xf32, #tpu.memory_space<hbm>> -> memref<1x2048xf32, #tpu.memory_space<hbm>>
      tpu.enqueue_dma source(%arg9 : memref<1x2048xf32, #tpu.memory_space<vmem>>) target(%dma_start3A_570 : memref<1x2048xf32, #tpu.memory_space<hbm>>) target_semaphore(%run_scoped3A_565 : memref<!tpu.dma_semaphore, #tpu.memory_space<semaphore_mem>>)
      %dma_wait3A = arith.constant 0 : i32
      %dma_wait3A_571 = tpu.memref_slice %arg5[%run_scoped3A_409, %dma_wait3A, %add3A_408] : memref<4x1x655360xf32, #tpu.memory_space<hbm>> -> memref<1x1x2048xf32, #tpu.memory_space<hbm>>
      %dma_wait3A_572 = tpu.memref_squeeze %dma_wait3A_571 : memref<1x1x2048xf32, #tpu.memory_space<hbm>> -> memref<1x2048xf32, #tpu.memory_space<hbm>>
      %dma_wait3A_573 = arith.constant 0 : i32
      %dma_wait3A_574 = tpu.memref_slice %arg5[%run_scoped3A_409, %dma_wait3A_573, %add3A_408] : memref<4x1x655360xf32, #tpu.memory_space<hbm>> -> memref<1x1x2048xf32, #tpu.memory_space<hbm>>
      %dma_wait3A_575 = tpu.memref_squeeze %dma_wait3A_574 : memref<1x1x2048xf32, #tpu.memory_space<hbm>> -> memref<1x2048xf32, #tpu.memory_space<hbm>>
      tpu.wait_dma2 semaphore(%run_scoped3A_565 : memref<!tpu.dma_semaphore, #tpu.memory_space<semaphore_mem>>) src(%arg9 : memref<1x2048xf32, #tpu.memory_space<vmem>>) dst(%dma_wait3A_575 : memref<1x2048xf32, #tpu.memory_space<hbm>>)
      tpu.yield
    }) : () -> ()
    %add3A_410 = arith.constant 18432 : i32
    %add3A_411 = arith.addi %mul3A_2, %add3A_410 : i32
    "tpu.region"() ({
      %run_scoped3A_565 = tpu.sem_alloc : memref<!tpu.dma_semaphore, #tpu.memory_space<semaphore_mem>>
      %dma_start3A = tpu.memref_slice %arg3[%add3A_411] : memref<655360xi32, #tpu.memory_space<hbm>> -> memref<2048xi32, #tpu.memory_space<hbm>>
      %dma_start3A_566 = tpu.memref_slice %arg3[%add3A_411] : memref<655360xi32, #tpu.memory_space<hbm>> -> memref<2048xi32, #tpu.memory_space<hbm>>
      tpu.enqueue_dma source(%dma_start3A_566 : memref<2048xi32, #tpu.memory_space<hbm>>) target(%arg7 : memref<2048xi32, #tpu.memory_space<vmem>>) target_semaphore(%run_scoped3A_565 : memref<!tpu.dma_semaphore, #tpu.memory_space<semaphore_mem>>)
      %dma_wait3A = tpu.memref_slice %arg3[%add3A_411] : memref<655360xi32, #tpu.memory_space<hbm>> -> memref<2048xi32, #tpu.memory_space<hbm>>
      %dma_wait3A_567 = tpu.memref_slice %arg3[%add3A_411] : memref<655360xi32, #tpu.memory_space<hbm>> -> memref<2048xi32, #tpu.memory_space<hbm>>
      tpu.wait_dma2 semaphore(%run_scoped3A_565 : memref<!tpu.dma_semaphore, #tpu.memory_space<semaphore_mem>>) src(%dma_wait3A_567 : memref<2048xi32, #tpu.memory_space<hbm>>) dst(%arg7 : memref<2048xi32, #tpu.memory_space<vmem>>)
      tpu.yield
    }) : () -> ()
    %add3A_412 = arith.constant 18432 : i32
    %add3A_413 = arith.addi %mul3A_2, %add3A_412 : i32
    "tpu.region"() ({
      %run_scoped3A_565 = tpu.sem_alloc : memref<!tpu.dma_semaphore, #tpu.memory_space<semaphore_mem>>
      %dma_start3A = tpu.memref_slice %arg4[%add3A_413] : memref<655360xi32, #tpu.memory_space<hbm>> -> memref<2048xi32, #tpu.memory_space<hbm>>
      %dma_start3A_566 = tpu.memref_slice %arg4[%add3A_413] : memref<655360xi32, #tpu.memory_space<hbm>> -> memref<2048xi32, #tpu.memory_space<hbm>>
      tpu.enqueue_dma source(%dma_start3A_566 : memref<2048xi32, #tpu.memory_space<hbm>>) target(%arg8 : memref<2048xi32, #tpu.memory_space<vmem>>) target_semaphore(%run_scoped3A_565 : memref<!tpu.dma_semaphore, #tpu.memory_space<semaphore_mem>>)
      %dma_wait3A = tpu.memref_slice %arg4[%add3A_413] : memref<655360xi32, #tpu.memory_space<hbm>> -> memref<2048xi32, #tpu.memory_space<hbm>>
      %dma_wait3A_567 = tpu.memref_slice %arg4[%add3A_413] : memref<655360xi32, #tpu.memory_space<hbm>> -> memref<2048xi32, #tpu.memory_space<hbm>>
      tpu.wait_dma2 semaphore(%run_scoped3A_565 : memref<!tpu.dma_semaphore, #tpu.memory_space<semaphore_mem>>) src(%dma_wait3A_567 : memref<2048xi32, #tpu.memory_space<hbm>>) dst(%arg8 : memref<2048xi32, #tpu.memory_space<vmem>>)
      tpu.yield
    }) : () -> ()
    %scan3A_414 = arith.constant 0 : i32
    %scan3A_415 = arith.constant 0 : i32
    %scan3A_416 = arith.constant 128 : i32
    %scan3A_417 = arith.addi %scan3A_415, %scan3A_416 : i32
    %scan3A_418 = arith.constant 1 : i32
    %scan3A_419 = scf.for %scan3A_565 = %scan3A_415 to %scan3A_417 step %scan3A_418 iter_args(%scan3A_566 = %scan3A_414) -> (i32)  : i32 {
      %mul3A_567 = arith.constant 16 : i32
      %mul3A_568 = arith.muli %scan3A_565, %mul3A_567 : i32
      %get3A = arith.index_cast %mul3A_568 : i32 to index
      %get3A_569 = tpu.vector_load %arg7[%get3A] {strides = array<i32>} : memref<2048xi32, #tpu.memory_space<vmem>>, vector<16xi32>,
      %add3A_570 = arith.constant 0 : i32
      %add3A_571 = vector.broadcast %add3A_570 : i32 to vector<16xi32>
      %add3A_572 = arith.addi %get3A_569, %add3A_571 : vector<16xi32>
      %gather3A = tpu.vector_load_idx %arg6[%add3A_572] : memref<10240xf32, #tpu.memory_space<vmem>>[vector<16xi32>], vector<16xf32>,
      %mul3A_573 = arith.constant 16 : i32
      %mul3A_574 = arith.muli %scan3A_565, %mul3A_573 : i32
      %get3A_575 = arith.index_cast %mul3A_574 : i32 to index
      %get3A_576 = tpu.vector_load %arg8[%get3A_575] {strides = array<i32>} : memref<2048xi32, #tpu.memory_space<vmem>>, vector<16xi32>,
      %add3A_577 = arith.constant 0 : i32
      %add3A_578 = vector.broadcast %add3A_577 : i32 to vector<16xi32>
      %add3A_579 = arith.addi %get3A_576, %add3A_578 : vector<16xi32>
      %gather3A_580 = tpu.vector_load_idx %arg6[%add3A_579] : memref<10240xf32, #tpu.memory_space<vmem>>[vector<16xi32>], vector<16xf32>,
      %sub3A = arith.subf %gather3A, %gather3A_580 : vector<16xf32>
      %mul3A_581 = arith.constant 16 : i32
      %mul3A_582 = arith.muli %scan3A_565, %mul3A_581 : i32
      %swap3A = arith.constant 0 : i32
      %swap3A_583 = arith.index_cast %swap3A : i32 to index
      %swap3A_584 = arith.index_cast %mul3A_582 : i32 to index
      %swap3A_585 = tpu.vector_load %arg9[%swap3A_583, %swap3A_584] {strides = array<i32>} : memref<1x2048xf32, #tpu.memory_space<vmem>>, vector<16xf32>,
      tpu.vector_store %arg9[%swap3A_583, %swap3A_584], %sub3A {strides = array<i32>} : memref<1x2048xf32, #tpu.memory_space<vmem>>, vector<16xf32>,
      %scan3A_586 = arith.constant 0 : i32
      scf.yield %scan3A_586 : i32
    }
    %scan3A_420 = arith.constant 128 : i32
    %add3A_421 = arith.constant 18432 : i32
    %add3A_422 = arith.addi %mul3A_2, %add3A_421 : i32
    %run_scoped3A_423 = arith.constant 2 : i32
    "tpu.region"() ({
      %run_scoped3A_565 = tpu.sem_alloc : memref<!tpu.dma_semaphore, #tpu.memory_space<semaphore_mem>>
      %dma_start3A = arith.constant 0 : i32
      %dma_start3A_566 = tpu.memref_slice %arg5[%run_scoped3A_423, %dma_start3A, %add3A_422] : memref<4x1x655360xf32, #tpu.memory_space<hbm>> -> memref<1x1x2048xf32, #tpu.memory_space<hbm>>
      %dma_start3A_567 = tpu.memref_squeeze %dma_start3A_566 : memref<1x1x2048xf32, #tpu.memory_space<hbm>> -> memref<1x2048xf32, #tpu.memory_space<hbm>>
      %dma_start3A_568 = arith.constant 0 : i32
      %dma_start3A_569 = tpu.memref_slice %arg5[%run_scoped3A_423, %dma_start3A_568, %add3A_422] : memref<4x1x655360xf32, #tpu.memory_space<hbm>> -> memref<1x1x2048xf32, #tpu.memory_space<hbm>>
      %dma_start3A_570 = tpu.memref_squeeze %dma_start3A_569 : memref<1x1x2048xf32, #tpu.memory_space<hbm>> -> memref<1x2048xf32, #tpu.memory_space<hbm>>
      tpu.enqueue_dma source(%arg9 : memref<1x2048xf32, #tpu.memory_space<vmem>>) target(%dma_start3A_570 : memref<1x2048xf32, #tpu.memory_space<hbm>>) target_semaphore(%run_scoped3A_565 : memref<!tpu.dma_semaphore, #tpu.memory_space<semaphore_mem>>)
      %dma_wait3A = arith.constant 0 : i32
      %dma_wait3A_571 = tpu.memref_slice %arg5[%run_scoped3A_423, %dma_wait3A, %add3A_422] : memref<4x1x655360xf32, #tpu.memory_space<hbm>> -> memref<1x1x2048xf32, #tpu.memory_space<hbm>>
      %dma_wait3A_572 = tpu.memref_squeeze %dma_wait3A_571 : memref<1x1x2048xf32, #tpu.memory_space<hbm>> -> memref<1x2048xf32, #tpu.memory_space<hbm>>
      %dma_wait3A_573 = arith.constant 0 : i32
      %dma_wait3A_574 = tpu.memref_slice %arg5[%run_scoped3A_423, %dma_wait3A_573, %add3A_422] : memref<4x1x655360xf32, #tpu.memory_space<hbm>> -> memref<1x1x2048xf32, #tpu.memory_space<hbm>>
      %dma_wait3A_575 = tpu.memref_squeeze %dma_wait3A_574 : memref<1x1x2048xf32, #tpu.memory_space<hbm>> -> memref<1x2048xf32, #tpu.memory_space<hbm>>
      tpu.wait_dma2 semaphore(%run_scoped3A_565 : memref<!tpu.dma_semaphore, #tpu.memory_space<semaphore_mem>>) src(%arg9 : memref<1x2048xf32, #tpu.memory_space<vmem>>) dst(%dma_wait3A_575 : memref<1x2048xf32, #tpu.memory_space<hbm>>)
      tpu.yield
    }) : () -> ()
    %run_scoped3A_424 = arith.constant 3 : i32
    "tpu.region"() ({
      %run_scoped3A_565 = tpu.sem_alloc : memref<!tpu.dma_semaphore, #tpu.memory_space<semaphore_mem>>
      %dma_start3A = arith.constant 0 : i32
      %dma_start3A_566 = tpu.memref_slice %arg2[%run_scoped3A_424, %dma_start3A] : memref<4x10240xf32, #tpu.memory_space<hbm>> -> memref<1x10240xf32, #tpu.memory_space<hbm>>
      %dma_start3A_567 = tpu.memref_squeeze %dma_start3A_566 : memref<1x10240xf32, #tpu.memory_space<hbm>> -> memref<10240xf32, #tpu.memory_space<hbm>>
      %dma_start3A_568 = arith.constant 0 : i32
      %dma_start3A_569 = tpu.memref_slice %arg2[%run_scoped3A_424, %dma_start3A_568] : memref<4x10240xf32, #tpu.memory_space<hbm>> -> memref<1x10240xf32, #tpu.memory_space<hbm>>
      %dma_start3A_570 = tpu.memref_squeeze %dma_start3A_569 : memref<1x10240xf32, #tpu.memory_space<hbm>> -> memref<10240xf32, #tpu.memory_space<hbm>>
      tpu.enqueue_dma source(%dma_start3A_570 : memref<10240xf32, #tpu.memory_space<hbm>>) target(%arg6 : memref<10240xf32, #tpu.memory_space<vmem>>) target_semaphore(%run_scoped3A_565 : memref<!tpu.dma_semaphore, #tpu.memory_space<semaphore_mem>>)
      %dma_wait3A = arith.constant 0 : i32
      %dma_wait3A_571 = tpu.memref_slice %arg2[%run_scoped3A_424, %dma_wait3A] : memref<4x10240xf32, #tpu.memory_space<hbm>> -> memref<1x10240xf32, #tpu.memory_space<hbm>>
      %dma_wait3A_572 = tpu.memref_squeeze %dma_wait3A_571 : memref<1x10240xf32, #tpu.memory_space<hbm>> -> memref<10240xf32, #tpu.memory_space<hbm>>
      %dma_wait3A_573 = arith.constant 0 : i32
      %dma_wait3A_574 = tpu.memref_slice %arg2[%run_scoped3A_424, %dma_wait3A_573] : memref<4x10240xf32, #tpu.memory_space<hbm>> -> memref<1x10240xf32, #tpu.memory_space<hbm>>
      %dma_wait3A_575 = tpu.memref_squeeze %dma_wait3A_574 : memref<1x10240xf32, #tpu.memory_space<hbm>> -> memref<10240xf32, #tpu.memory_space<hbm>>
      tpu.wait_dma2 semaphore(%run_scoped3A_565 : memref<!tpu.dma_semaphore, #tpu.memory_space<semaphore_mem>>) src(%dma_wait3A_575 : memref<10240xf32, #tpu.memory_space<hbm>>) dst(%arg6 : memref<10240xf32, #tpu.memory_space<vmem>>)
      tpu.yield
    }) : () -> ()
    %add3A_425 = arith.constant 0 : i32
    %add3A_426 = arith.addi %mul3A_2, %add3A_425 : i32
    "tpu.region"() ({
      %run_scoped3A_565 = tpu.sem_alloc : memref<!tpu.dma_semaphore, #tpu.memory_space<semaphore_mem>>
      %dma_start3A = tpu.memref_slice %arg3[%add3A_426] : memref<655360xi32, #tpu.memory_space<hbm>> -> memref<2048xi32, #tpu.memory_space<hbm>>
      %dma_start3A_566 = tpu.memref_slice %arg3[%add3A_426] : memref<655360xi32, #tpu.memory_space<hbm>> -> memref<2048xi32, #tpu.memory_space<hbm>>
      tpu.enqueue_dma source(%dma_start3A_566 : memref<2048xi32, #tpu.memory_space<hbm>>) target(%arg7 : memref<2048xi32, #tpu.memory_space<vmem>>) target_semaphore(%run_scoped3A_565 : memref<!tpu.dma_semaphore, #tpu.memory_space<semaphore_mem>>)
      %dma_wait3A = tpu.memref_slice %arg3[%add3A_426] : memref<655360xi32, #tpu.memory_space<hbm>> -> memref<2048xi32, #tpu.memory_space<hbm>>
      %dma_wait3A_567 = tpu.memref_slice %arg3[%add3A_426] : memref<655360xi32, #tpu.memory_space<hbm>> -> memref<2048xi32, #tpu.memory_space<hbm>>
      tpu.wait_dma2 semaphore(%run_scoped3A_565 : memref<!tpu.dma_semaphore, #tpu.memory_space<semaphore_mem>>) src(%dma_wait3A_567 : memref<2048xi32, #tpu.memory_space<hbm>>) dst(%arg7 : memref<2048xi32, #tpu.memory_space<vmem>>)
      tpu.yield
    }) : () -> ()
    %add3A_427 = arith.constant 0 : i32
    %add3A_428 = arith.addi %mul3A_2, %add3A_427 : i32
    "tpu.region"() ({
      %run_scoped3A_565 = tpu.sem_alloc : memref<!tpu.dma_semaphore, #tpu.memory_space<semaphore_mem>>
      %dma_start3A = tpu.memref_slice %arg4[%add3A_428] : memref<655360xi32, #tpu.memory_space<hbm>> -> memref<2048xi32, #tpu.memory_space<hbm>>
      %dma_start3A_566 = tpu.memref_slice %arg4[%add3A_428] : memref<655360xi32, #tpu.memory_space<hbm>> -> memref<2048xi32, #tpu.memory_space<hbm>>
      tpu.enqueue_dma source(%dma_start3A_566 : memref<2048xi32, #tpu.memory_space<hbm>>) target(%arg8 : memref<2048xi32, #tpu.memory_space<vmem>>) target_semaphore(%run_scoped3A_565 : memref<!tpu.dma_semaphore, #tpu.memory_space<semaphore_mem>>)
      %dma_wait3A = tpu.memref_slice %arg4[%add3A_428] : memref<655360xi32, #tpu.memory_space<hbm>> -> memref<2048xi32, #tpu.memory_space<hbm>>
      %dma_wait3A_567 = tpu.memref_slice %arg4[%add3A_428] : memref<655360xi32, #tpu.memory_space<hbm>> -> memref<2048xi32, #tpu.memory_space<hbm>>
      tpu.wait_dma2 semaphore(%run_scoped3A_565 : memref<!tpu.dma_semaphore, #tpu.memory_space<semaphore_mem>>) src(%dma_wait3A_567 : memref<2048xi32, #tpu.memory_space<hbm>>) dst(%arg8 : memref<2048xi32, #tpu.memory_space<vmem>>)
      tpu.yield
    }) : () -> ()
    %scan3A_429 = arith.constant 0 : i32
    %scan3A_430 = arith.constant 0 : i32
    %scan3A_431 = arith.constant 128 : i32
    %scan3A_432 = arith.addi %scan3A_430, %scan3A_431 : i32
    %scan3A_433 = arith.constant 1 : i32
    %scan3A_434 = scf.for %scan3A_565 = %scan3A_430 to %scan3A_432 step %scan3A_433 iter_args(%scan3A_566 = %scan3A_429) -> (i32)  : i32 {
      %mul3A_567 = arith.constant 16 : i32
      %mul3A_568 = arith.muli %scan3A_565, %mul3A_567 : i32
      %get3A = arith.index_cast %mul3A_568 : i32 to index
      %get3A_569 = tpu.vector_load %arg7[%get3A] {strides = array<i32>} : memref<2048xi32, #tpu.memory_space<vmem>>, vector<16xi32>,
      %add3A_570 = arith.constant 0 : i32
      %add3A_571 = vector.broadcast %add3A_570 : i32 to vector<16xi32>
      %add3A_572 = arith.addi %get3A_569, %add3A_571 : vector<16xi32>
      %gather3A = tpu.vector_load_idx %arg6[%add3A_572] : memref<10240xf32, #tpu.memory_space<vmem>>[vector<16xi32>], vector<16xf32>,
      %mul3A_573 = arith.constant 16 : i32
      %mul3A_574 = arith.muli %scan3A_565, %mul3A_573 : i32
      %get3A_575 = arith.index_cast %mul3A_574 : i32 to index
      %get3A_576 = tpu.vector_load %arg8[%get3A_575] {strides = array<i32>} : memref<2048xi32, #tpu.memory_space<vmem>>, vector<16xi32>,
      %add3A_577 = arith.constant 0 : i32
      %add3A_578 = vector.broadcast %add3A_577 : i32 to vector<16xi32>
      %add3A_579 = arith.addi %get3A_576, %add3A_578 : vector<16xi32>
      %gather3A_580 = tpu.vector_load_idx %arg6[%add3A_579] : memref<10240xf32, #tpu.memory_space<vmem>>[vector<16xi32>], vector<16xf32>,
      %sub3A = arith.subf %gather3A, %gather3A_580 : vector<16xf32>
      %mul3A_581 = arith.constant 16 : i32
      %mul3A_582 = arith.muli %scan3A_565, %mul3A_581 : i32
      %swap3A = arith.constant 0 : i32
      %swap3A_583 = arith.index_cast %swap3A : i32 to index
      %swap3A_584 = arith.index_cast %mul3A_582 : i32 to index
      %swap3A_585 = tpu.vector_load %arg9[%swap3A_583, %swap3A_584] {strides = array<i32>} : memref<1x2048xf32, #tpu.memory_space<vmem>>, vector<16xf32>,
      tpu.vector_store %arg9[%swap3A_583, %swap3A_584], %sub3A {strides = array<i32>} : memref<1x2048xf32, #tpu.memory_space<vmem>>, vector<16xf32>,
      %scan3A_586 = arith.constant 0 : i32
      scf.yield %scan3A_586 : i32
    }
    %scan3A_435 = arith.constant 128 : i32
    %add3A_436 = arith.constant 0 : i32
    %add3A_437 = arith.addi %mul3A_2, %add3A_436 : i32
    %run_scoped3A_438 = arith.constant 3 : i32
    "tpu.region"() ({
      %run_scoped3A_565 = tpu.sem_alloc : memref<!tpu.dma_semaphore, #tpu.memory_space<semaphore_mem>>
      %dma_start3A = arith.constant 0 : i32
      %dma_start3A_566 = tpu.memref_slice %arg5[%run_scoped3A_438, %dma_start3A, %add3A_437] : memref<4x1x655360xf32, #tpu.memory_space<hbm>> -> memref<1x1x2048xf32, #tpu.memory_space<hbm>>
      %dma_start3A_567 = tpu.memref_squeeze %dma_start3A_566 : memref<1x1x2048xf32, #tpu.memory_space<hbm>> -> memref<1x2048xf32, #tpu.memory_space<hbm>>
      %dma_start3A_568 = arith.constant 0 : i32
      %dma_start3A_569 = tpu.memref_slice %arg5[%run_scoped3A_438, %dma_start3A_568, %add3A_437] : memref<4x1x655360xf32, #tpu.memory_space<hbm>> -> memref<1x1x2048xf32, #tpu.memory_space<hbm>>
      %dma_start3A_570 = tpu.memref_squeeze %dma_start3A_569 : memref<1x1x2048xf32, #tpu.memory_space<hbm>> -> memref<1x2048xf32, #tpu.memory_space<hbm>>
      tpu.enqueue_dma source(%arg9 : memref<1x2048xf32, #tpu.memory_space<vmem>>) target(%dma_start3A_570 : memref<1x2048xf32, #tpu.memory_space<hbm>>) target_semaphore(%run_scoped3A_565 : memref<!tpu.dma_semaphore, #tpu.memory_space<semaphore_mem>>)
      %dma_wait3A = arith.constant 0 : i32
      %dma_wait3A_571 = tpu.memref_slice %arg5[%run_scoped3A_438, %dma_wait3A, %add3A_437] : memref<4x1x655360xf32, #tpu.memory_space<hbm>> -> memref<1x1x2048xf32, #tpu.memory_space<hbm>>
      %dma_wait3A_572 = tpu.memref_squeeze %dma_wait3A_571 : memref<1x1x2048xf32, #tpu.memory_space<hbm>> -> memref<1x2048xf32, #tpu.memory_space<hbm>>
      %dma_wait3A_573 = arith.constant 0 : i32
      %dma_wait3A_574 = tpu.memref_slice %arg5[%run_scoped3A_438, %dma_wait3A_573, %add3A_437] : memref<4x1x655360xf32, #tpu.memory_space<hbm>> -> memref<1x1x2048xf32, #tpu.memory_space<hbm>>
      %dma_wait3A_575 = tpu.memref_squeeze %dma_wait3A_574 : memref<1x1x2048xf32, #tpu.memory_space<hbm>> -> memref<1x2048xf32, #tpu.memory_space<hbm>>
      tpu.wait_dma2 semaphore(%run_scoped3A_565 : memref<!tpu.dma_semaphore, #tpu.memory_space<semaphore_mem>>) src(%arg9 : memref<1x2048xf32, #tpu.memory_space<vmem>>) dst(%dma_wait3A_575 : memref<1x2048xf32, #tpu.memory_space<hbm>>)
      tpu.yield
    }) : () -> ()
    %add3A_439 = arith.constant 2048 : i32
    %add3A_440 = arith.addi %mul3A_2, %add3A_439 : i32
    "tpu.region"() ({
      %run_scoped3A_565 = tpu.sem_alloc : memref<!tpu.dma_semaphore, #tpu.memory_space<semaphore_mem>>
      %dma_start3A = tpu.memref_slice %arg3[%add3A_440] : memref<655360xi32, #tpu.memory_space<hbm>> -> memref<2048xi32, #tpu.memory_space<hbm>>
      %dma_start3A_566 = tpu.memref_slice %arg3[%add3A_440] : memref<655360xi32, #tpu.memory_space<hbm>> -> memref<2048xi32, #tpu.memory_space<hbm>>
      tpu.enqueue_dma source(%dma_start3A_566 : memref<2048xi32, #tpu.memory_space<hbm>>) target(%arg7 : memref<2048xi32, #tpu.memory_space<vmem>>) target_semaphore(%run_scoped3A_565 : memref<!tpu.dma_semaphore, #tpu.memory_space<semaphore_mem>>)
      %dma_wait3A = tpu.memref_slice %arg3[%add3A_440] : memref<655360xi32, #tpu.memory_space<hbm>> -> memref<2048xi32, #tpu.memory_space<hbm>>
      %dma_wait3A_567 = tpu.memref_slice %arg3[%add3A_440] : memref<655360xi32, #tpu.memory_space<hbm>> -> memref<2048xi32, #tpu.memory_space<hbm>>
      tpu.wait_dma2 semaphore(%run_scoped3A_565 : memref<!tpu.dma_semaphore, #tpu.memory_space<semaphore_mem>>) src(%dma_wait3A_567 : memref<2048xi32, #tpu.memory_space<hbm>>) dst(%arg7 : memref<2048xi32, #tpu.memory_space<vmem>>)
      tpu.yield
    }) : () -> ()
    %add3A_441 = arith.constant 2048 : i32
    %add3A_442 = arith.addi %mul3A_2, %add3A_441 : i32
    "tpu.region"() ({
      %run_scoped3A_565 = tpu.sem_alloc : memref<!tpu.dma_semaphore, #tpu.memory_space<semaphore_mem>>
      %dma_start3A = tpu.memref_slice %arg4[%add3A_442] : memref<655360xi32, #tpu.memory_space<hbm>> -> memref<2048xi32, #tpu.memory_space<hbm>>
      %dma_start3A_566 = tpu.memref_slice %arg4[%add3A_442] : memref<655360xi32, #tpu.memory_space<hbm>> -> memref<2048xi32, #tpu.memory_space<hbm>>
      tpu.enqueue_dma source(%dma_start3A_566 : memref<2048xi32, #tpu.memory_space<hbm>>) target(%arg8 : memref<2048xi32, #tpu.memory_space<vmem>>) target_semaphore(%run_scoped3A_565 : memref<!tpu.dma_semaphore, #tpu.memory_space<semaphore_mem>>)
      %dma_wait3A = tpu.memref_slice %arg4[%add3A_442] : memref<655360xi32, #tpu.memory_space<hbm>> -> memref<2048xi32, #tpu.memory_space<hbm>>
      %dma_wait3A_567 = tpu.memref_slice %arg4[%add3A_442] : memref<655360xi32, #tpu.memory_space<hbm>> -> memref<2048xi32, #tpu.memory_space<hbm>>
      tpu.wait_dma2 semaphore(%run_scoped3A_565 : memref<!tpu.dma_semaphore, #tpu.memory_space<semaphore_mem>>) src(%dma_wait3A_567 : memref<2048xi32, #tpu.memory_space<hbm>>) dst(%arg8 : memref<2048xi32, #tpu.memory_space<vmem>>)
      tpu.yield
    }) : () -> ()
    %scan3A_443 = arith.constant 0 : i32
    %scan3A_444 = arith.constant 0 : i32
    %scan3A_445 = arith.constant 128 : i32
    %scan3A_446 = arith.addi %scan3A_444, %scan3A_445 : i32
    %scan3A_447 = arith.constant 1 : i32
    %scan3A_448 = scf.for %scan3A_565 = %scan3A_444 to %scan3A_446 step %scan3A_447 iter_args(%scan3A_566 = %scan3A_443) -> (i32)  : i32 {
      %mul3A_567 = arith.constant 16 : i32
      %mul3A_568 = arith.muli %scan3A_565, %mul3A_567 : i32
      %get3A = arith.index_cast %mul3A_568 : i32 to index
      %get3A_569 = tpu.vector_load %arg7[%get3A] {strides = array<i32>} : memref<2048xi32, #tpu.memory_space<vmem>>, vector<16xi32>,
      %add3A_570 = arith.constant 0 : i32
      %add3A_571 = vector.broadcast %add3A_570 : i32 to vector<16xi32>
      %add3A_572 = arith.addi %get3A_569, %add3A_571 : vector<16xi32>
      %gather3A = tpu.vector_load_idx %arg6[%add3A_572] : memref<10240xf32, #tpu.memory_space<vmem>>[vector<16xi32>], vector<16xf32>,
      %mul3A_573 = arith.constant 16 : i32
      %mul3A_574 = arith.muli %scan3A_565, %mul3A_573 : i32
      %get3A_575 = arith.index_cast %mul3A_574 : i32 to index
      %get3A_576 = tpu.vector_load %arg8[%get3A_575] {strides = array<i32>} : memref<2048xi32, #tpu.memory_space<vmem>>, vector<16xi32>,
      %add3A_577 = arith.constant 0 : i32
      %add3A_578 = vector.broadcast %add3A_577 : i32 to vector<16xi32>
      %add3A_579 = arith.addi %get3A_576, %add3A_578 : vector<16xi32>
      %gather3A_580 = tpu.vector_load_idx %arg6[%add3A_579] : memref<10240xf32, #tpu.memory_space<vmem>>[vector<16xi32>], vector<16xf32>,
      %sub3A = arith.subf %gather3A, %gather3A_580 : vector<16xf32>
      %mul3A_581 = arith.constant 16 : i32
      %mul3A_582 = arith.muli %scan3A_565, %mul3A_581 : i32
      %swap3A = arith.constant 0 : i32
      %swap3A_583 = arith.index_cast %swap3A : i32 to index
      %swap3A_584 = arith.index_cast %mul3A_582 : i32 to index
      %swap3A_585 = tpu.vector_load %arg9[%swap3A_583, %swap3A_584] {strides = array<i32>} : memref<1x2048xf32, #tpu.memory_space<vmem>>, vector<16xf32>,
      tpu.vector_store %arg9[%swap3A_583, %swap3A_584], %sub3A {strides = array<i32>} : memref<1x2048xf32, #tpu.memory_space<vmem>>, vector<16xf32>,
      %scan3A_586 = arith.constant 0 : i32
      scf.yield %scan3A_586 : i32
    }
    %scan3A_449 = arith.constant 128 : i32
    %add3A_450 = arith.constant 2048 : i32
    %add3A_451 = arith.addi %mul3A_2, %add3A_450 : i32
    %run_scoped3A_452 = arith.constant 3 : i32
    "tpu.region"() ({
      %run_scoped3A_565 = tpu.sem_alloc : memref<!tpu.dma_semaphore, #tpu.memory_space<semaphore_mem>>
      %dma_start3A = arith.constant 0 : i32
      %dma_start3A_566 = tpu.memref_slice %arg5[%run_scoped3A_452, %dma_start3A, %add3A_451] : memref<4x1x655360xf32, #tpu.memory_space<hbm>> -> memref<1x1x2048xf32, #tpu.memory_space<hbm>>
      %dma_start3A_567 = tpu.memref_squeeze %dma_start3A_566 : memref<1x1x2048xf32, #tpu.memory_space<hbm>> -> memref<1x2048xf32, #tpu.memory_space<hbm>>
      %dma_start3A_568 = arith.constant 0 : i32
      %dma_start3A_569 = tpu.memref_slice %arg5[%run_scoped3A_452, %dma_start3A_568, %add3A_451] : memref<4x1x655360xf32, #tpu.memory_space<hbm>> -> memref<1x1x2048xf32, #tpu.memory_space<hbm>>
      %dma_start3A_570 = tpu.memref_squeeze %dma_start3A_569 : memref<1x1x2048xf32, #tpu.memory_space<hbm>> -> memref<1x2048xf32, #tpu.memory_space<hbm>>
      tpu.enqueue_dma source(%arg9 : memref<1x2048xf32, #tpu.memory_space<vmem>>) target(%dma_start3A_570 : memref<1x2048xf32, #tpu.memory_space<hbm>>) target_semaphore(%run_scoped3A_565 : memref<!tpu.dma_semaphore, #tpu.memory_space<semaphore_mem>>)
      %dma_wait3A = arith.constant 0 : i32
      %dma_wait3A_571 = tpu.memref_slice %arg5[%run_scoped3A_452, %dma_wait3A, %add3A_451] : memref<4x1x655360xf32, #tpu.memory_space<hbm>> -> memref<1x1x2048xf32, #tpu.memory_space<hbm>>
      %dma_wait3A_572 = tpu.memref_squeeze %dma_wait3A_571 : memref<1x1x2048xf32, #tpu.memory_space<hbm>> -> memref<1x2048xf32, #tpu.memory_space<hbm>>
      %dma_wait3A_573 = arith.constant 0 : i32
      %dma_wait3A_574 = tpu.memref_slice %arg5[%run_scoped3A_452, %dma_wait3A_573, %add3A_451] : memref<4x1x655360xf32, #tpu.memory_space<hbm>> -> memref<1x1x2048xf32, #tpu.memory_space<hbm>>
      %dma_wait3A_575 = tpu.memref_squeeze %dma_wait3A_574 : memref<1x1x2048xf32, #tpu.memory_space<hbm>> -> memref<1x2048xf32, #tpu.memory_space<hbm>>
      tpu.wait_dma2 semaphore(%run_scoped3A_565 : memref<!tpu.dma_semaphore, #tpu.memory_space<semaphore_mem>>) src(%arg9 : memref<1x2048xf32, #tpu.memory_space<vmem>>) dst(%dma_wait3A_575 : memref<1x2048xf32, #tpu.memory_space<hbm>>)
      tpu.yield
    }) : () -> ()
    %add3A_453 = arith.constant 4096 : i32
    %add3A_454 = arith.addi %mul3A_2, %add3A_453 : i32
    "tpu.region"() ({
      %run_scoped3A_565 = tpu.sem_alloc : memref<!tpu.dma_semaphore, #tpu.memory_space<semaphore_mem>>
      %dma_start3A = tpu.memref_slice %arg3[%add3A_454] : memref<655360xi32, #tpu.memory_space<hbm>> -> memref<2048xi32, #tpu.memory_space<hbm>>
      %dma_start3A_566 = tpu.memref_slice %arg3[%add3A_454] : memref<655360xi32, #tpu.memory_space<hbm>> -> memref<2048xi32, #tpu.memory_space<hbm>>
      tpu.enqueue_dma source(%dma_start3A_566 : memref<2048xi32, #tpu.memory_space<hbm>>) target(%arg7 : memref<2048xi32, #tpu.memory_space<vmem>>) target_semaphore(%run_scoped3A_565 : memref<!tpu.dma_semaphore, #tpu.memory_space<semaphore_mem>>)
      %dma_wait3A = tpu.memref_slice %arg3[%add3A_454] : memref<655360xi32, #tpu.memory_space<hbm>> -> memref<2048xi32, #tpu.memory_space<hbm>>
      %dma_wait3A_567 = tpu.memref_slice %arg3[%add3A_454] : memref<655360xi32, #tpu.memory_space<hbm>> -> memref<2048xi32, #tpu.memory_space<hbm>>
      tpu.wait_dma2 semaphore(%run_scoped3A_565 : memref<!tpu.dma_semaphore, #tpu.memory_space<semaphore_mem>>) src(%dma_wait3A_567 : memref<2048xi32, #tpu.memory_space<hbm>>) dst(%arg7 : memref<2048xi32, #tpu.memory_space<vmem>>)
      tpu.yield
    }) : () -> ()
    %add3A_455 = arith.constant 4096 : i32
    %add3A_456 = arith.addi %mul3A_2, %add3A_455 : i32
    "tpu.region"() ({
      %run_scoped3A_565 = tpu.sem_alloc : memref<!tpu.dma_semaphore, #tpu.memory_space<semaphore_mem>>
      %dma_start3A = tpu.memref_slice %arg4[%add3A_456] : memref<655360xi32, #tpu.memory_space<hbm>> -> memref<2048xi32, #tpu.memory_space<hbm>>
      %dma_start3A_566 = tpu.memref_slice %arg4[%add3A_456] : memref<655360xi32, #tpu.memory_space<hbm>> -> memref<2048xi32, #tpu.memory_space<hbm>>
      tpu.enqueue_dma source(%dma_start3A_566 : memref<2048xi32, #tpu.memory_space<hbm>>) target(%arg8 : memref<2048xi32, #tpu.memory_space<vmem>>) target_semaphore(%run_scoped3A_565 : memref<!tpu.dma_semaphore, #tpu.memory_space<semaphore_mem>>)
      %dma_wait3A = tpu.memref_slice %arg4[%add3A_456] : memref<655360xi32, #tpu.memory_space<hbm>> -> memref<2048xi32, #tpu.memory_space<hbm>>
      %dma_wait3A_567 = tpu.memref_slice %arg4[%add3A_456] : memref<655360xi32, #tpu.memory_space<hbm>> -> memref<2048xi32, #tpu.memory_space<hbm>>
      tpu.wait_dma2 semaphore(%run_scoped3A_565 : memref<!tpu.dma_semaphore, #tpu.memory_space<semaphore_mem>>) src(%dma_wait3A_567 : memref<2048xi32, #tpu.memory_space<hbm>>) dst(%arg8 : memref<2048xi32, #tpu.memory_space<vmem>>)
      tpu.yield
    }) : () -> ()
    %scan3A_457 = arith.constant 0 : i32
    %scan3A_458 = arith.constant 0 : i32
    %scan3A_459 = arith.constant 128 : i32
    %scan3A_460 = arith.addi %scan3A_458, %scan3A_459 : i32
    %scan3A_461 = arith.constant 1 : i32
    %scan3A_462 = scf.for %scan3A_565 = %scan3A_458 to %scan3A_460 step %scan3A_461 iter_args(%scan3A_566 = %scan3A_457) -> (i32)  : i32 {
      %mul3A_567 = arith.constant 16 : i32
      %mul3A_568 = arith.muli %scan3A_565, %mul3A_567 : i32
      %get3A = arith.index_cast %mul3A_568 : i32 to index
      %get3A_569 = tpu.vector_load %arg7[%get3A] {strides = array<i32>} : memref<2048xi32, #tpu.memory_space<vmem>>, vector<16xi32>,
      %add3A_570 = arith.constant 0 : i32
      %add3A_571 = vector.broadcast %add3A_570 : i32 to vector<16xi32>
      %add3A_572 = arith.addi %get3A_569, %add3A_571 : vector<16xi32>
      %gather3A = tpu.vector_load_idx %arg6[%add3A_572] : memref<10240xf32, #tpu.memory_space<vmem>>[vector<16xi32>], vector<16xf32>,
      %mul3A_573 = arith.constant 16 : i32
      %mul3A_574 = arith.muli %scan3A_565, %mul3A_573 : i32
      %get3A_575 = arith.index_cast %mul3A_574 : i32 to index
      %get3A_576 = tpu.vector_load %arg8[%get3A_575] {strides = array<i32>} : memref<2048xi32, #tpu.memory_space<vmem>>, vector<16xi32>,
      %add3A_577 = arith.constant 0 : i32
      %add3A_578 = vector.broadcast %add3A_577 : i32 to vector<16xi32>
      %add3A_579 = arith.addi %get3A_576, %add3A_578 : vector<16xi32>
      %gather3A_580 = tpu.vector_load_idx %arg6[%add3A_579] : memref<10240xf32, #tpu.memory_space<vmem>>[vector<16xi32>], vector<16xf32>,
      %sub3A = arith.subf %gather3A, %gather3A_580 : vector<16xf32>
      %mul3A_581 = arith.constant 16 : i32
      %mul3A_582 = arith.muli %scan3A_565, %mul3A_581 : i32
      %swap3A = arith.constant 0 : i32
      %swap3A_583 = arith.index_cast %swap3A : i32 to index
      %swap3A_584 = arith.index_cast %mul3A_582 : i32 to index
      %swap3A_585 = tpu.vector_load %arg9[%swap3A_583, %swap3A_584] {strides = array<i32>} : memref<1x2048xf32, #tpu.memory_space<vmem>>, vector<16xf32>,
      tpu.vector_store %arg9[%swap3A_583, %swap3A_584], %sub3A {strides = array<i32>} : memref<1x2048xf32, #tpu.memory_space<vmem>>, vector<16xf32>,
      %scan3A_586 = arith.constant 0 : i32
      scf.yield %scan3A_586 : i32
    }
    %scan3A_463 = arith.constant 128 : i32
    %add3A_464 = arith.constant 4096 : i32
    %add3A_465 = arith.addi %mul3A_2, %add3A_464 : i32
    %run_scoped3A_466 = arith.constant 3 : i32
    "tpu.region"() ({
      %run_scoped3A_565 = tpu.sem_alloc : memref<!tpu.dma_semaphore, #tpu.memory_space<semaphore_mem>>
      %dma_start3A = arith.constant 0 : i32
      %dma_start3A_566 = tpu.memref_slice %arg5[%run_scoped3A_466, %dma_start3A, %add3A_465] : memref<4x1x655360xf32, #tpu.memory_space<hbm>> -> memref<1x1x2048xf32, #tpu.memory_space<hbm>>
      %dma_start3A_567 = tpu.memref_squeeze %dma_start3A_566 : memref<1x1x2048xf32, #tpu.memory_space<hbm>> -> memref<1x2048xf32, #tpu.memory_space<hbm>>
      %dma_start3A_568 = arith.constant 0 : i32
      %dma_start3A_569 = tpu.memref_slice %arg5[%run_scoped3A_466, %dma_start3A_568, %add3A_465] : memref<4x1x655360xf32, #tpu.memory_space<hbm>> -> memref<1x1x2048xf32, #tpu.memory_space<hbm>>
      %dma_start3A_570 = tpu.memref_squeeze %dma_start3A_569 : memref<1x1x2048xf32, #tpu.memory_space<hbm>> -> memref<1x2048xf32, #tpu.memory_space<hbm>>
      tpu.enqueue_dma source(%arg9 : memref<1x2048xf32, #tpu.memory_space<vmem>>) target(%dma_start3A_570 : memref<1x2048xf32, #tpu.memory_space<hbm>>) target_semaphore(%run_scoped3A_565 : memref<!tpu.dma_semaphore, #tpu.memory_space<semaphore_mem>>)
      %dma_wait3A = arith.constant 0 : i32
      %dma_wait3A_571 = tpu.memref_slice %arg5[%run_scoped3A_466, %dma_wait3A, %add3A_465] : memref<4x1x655360xf32, #tpu.memory_space<hbm>> -> memref<1x1x2048xf32, #tpu.memory_space<hbm>>
      %dma_wait3A_572 = tpu.memref_squeeze %dma_wait3A_571 : memref<1x1x2048xf32, #tpu.memory_space<hbm>> -> memref<1x2048xf32, #tpu.memory_space<hbm>>
      %dma_wait3A_573 = arith.constant 0 : i32
      %dma_wait3A_574 = tpu.memref_slice %arg5[%run_scoped3A_466, %dma_wait3A_573, %add3A_465] : memref<4x1x655360xf32, #tpu.memory_space<hbm>> -> memref<1x1x2048xf32, #tpu.memory_space<hbm>>
      %dma_wait3A_575 = tpu.memref_squeeze %dma_wait3A_574 : memref<1x1x2048xf32, #tpu.memory_space<hbm>> -> memref<1x2048xf32, #tpu.memory_space<hbm>>
      tpu.wait_dma2 semaphore(%run_scoped3A_565 : memref<!tpu.dma_semaphore, #tpu.memory_space<semaphore_mem>>) src(%arg9 : memref<1x2048xf32, #tpu.memory_space<vmem>>) dst(%dma_wait3A_575 : memref<1x2048xf32, #tpu.memory_space<hbm>>)
      tpu.yield
    }) : () -> ()
    %add3A_467 = arith.constant 6144 : i32
    %add3A_468 = arith.addi %mul3A_2, %add3A_467 : i32
    "tpu.region"() ({
      %run_scoped3A_565 = tpu.sem_alloc : memref<!tpu.dma_semaphore, #tpu.memory_space<semaphore_mem>>
      %dma_start3A = tpu.memref_slice %arg3[%add3A_468] : memref<655360xi32, #tpu.memory_space<hbm>> -> memref<2048xi32, #tpu.memory_space<hbm>>
      %dma_start3A_566 = tpu.memref_slice %arg3[%add3A_468] : memref<655360xi32, #tpu.memory_space<hbm>> -> memref<2048xi32, #tpu.memory_space<hbm>>
      tpu.enqueue_dma source(%dma_start3A_566 : memref<2048xi32, #tpu.memory_space<hbm>>) target(%arg7 : memref<2048xi32, #tpu.memory_space<vmem>>) target_semaphore(%run_scoped3A_565 : memref<!tpu.dma_semaphore, #tpu.memory_space<semaphore_mem>>)
      %dma_wait3A = tpu.memref_slice %arg3[%add3A_468] : memref<655360xi32, #tpu.memory_space<hbm>> -> memref<2048xi32, #tpu.memory_space<hbm>>
      %dma_wait3A_567 = tpu.memref_slice %arg3[%add3A_468] : memref<655360xi32, #tpu.memory_space<hbm>> -> memref<2048xi32, #tpu.memory_space<hbm>>
      tpu.wait_dma2 semaphore(%run_scoped3A_565 : memref<!tpu.dma_semaphore, #tpu.memory_space<semaphore_mem>>) src(%dma_wait3A_567 : memref<2048xi32, #tpu.memory_space<hbm>>) dst(%arg7 : memref<2048xi32, #tpu.memory_space<vmem>>)
      tpu.yield
    }) : () -> ()
    %add3A_469 = arith.constant 6144 : i32
    %add3A_470 = arith.addi %mul3A_2, %add3A_469 : i32
    "tpu.region"() ({
      %run_scoped3A_565 = tpu.sem_alloc : memref<!tpu.dma_semaphore, #tpu.memory_space<semaphore_mem>>
      %dma_start3A = tpu.memref_slice %arg4[%add3A_470] : memref<655360xi32, #tpu.memory_space<hbm>> -> memref<2048xi32, #tpu.memory_space<hbm>>
      %dma_start3A_566 = tpu.memref_slice %arg4[%add3A_470] : memref<655360xi32, #tpu.memory_space<hbm>> -> memref<2048xi32, #tpu.memory_space<hbm>>
      tpu.enqueue_dma source(%dma_start3A_566 : memref<2048xi32, #tpu.memory_space<hbm>>) target(%arg8 : memref<2048xi32, #tpu.memory_space<vmem>>) target_semaphore(%run_scoped3A_565 : memref<!tpu.dma_semaphore, #tpu.memory_space<semaphore_mem>>)
      %dma_wait3A = tpu.memref_slice %arg4[%add3A_470] : memref<655360xi32, #tpu.memory_space<hbm>> -> memref<2048xi32, #tpu.memory_space<hbm>>
      %dma_wait3A_567 = tpu.memref_slice %arg4[%add3A_470] : memref<655360xi32, #tpu.memory_space<hbm>> -> memref<2048xi32, #tpu.memory_space<hbm>>
      tpu.wait_dma2 semaphore(%run_scoped3A_565 : memref<!tpu.dma_semaphore, #tpu.memory_space<semaphore_mem>>) src(%dma_wait3A_567 : memref<2048xi32, #tpu.memory_space<hbm>>) dst(%arg8 : memref<2048xi32, #tpu.memory_space<vmem>>)
      tpu.yield
    }) : () -> ()
    %scan3A_471 = arith.constant 0 : i32
    %scan3A_472 = arith.constant 0 : i32
    %scan3A_473 = arith.constant 128 : i32
    %scan3A_474 = arith.addi %scan3A_472, %scan3A_473 : i32
    %scan3A_475 = arith.constant 1 : i32
    %scan3A_476 = scf.for %scan3A_565 = %scan3A_472 to %scan3A_474 step %scan3A_475 iter_args(%scan3A_566 = %scan3A_471) -> (i32)  : i32 {
      %mul3A_567 = arith.constant 16 : i32
      %mul3A_568 = arith.muli %scan3A_565, %mul3A_567 : i32
      %get3A = arith.index_cast %mul3A_568 : i32 to index
      %get3A_569 = tpu.vector_load %arg7[%get3A] {strides = array<i32>} : memref<2048xi32, #tpu.memory_space<vmem>>, vector<16xi32>,
      %add3A_570 = arith.constant 0 : i32
      %add3A_571 = vector.broadcast %add3A_570 : i32 to vector<16xi32>
      %add3A_572 = arith.addi %get3A_569, %add3A_571 : vector<16xi32>
      %gather3A = tpu.vector_load_idx %arg6[%add3A_572] : memref<10240xf32, #tpu.memory_space<vmem>>[vector<16xi32>], vector<16xf32>,
      %mul3A_573 = arith.constant 16 : i32
      %mul3A_574 = arith.muli %scan3A_565, %mul3A_573 : i32
      %get3A_575 = arith.index_cast %mul3A_574 : i32 to index
      %get3A_576 = tpu.vector_load %arg8[%get3A_575] {strides = array<i32>} : memref<2048xi32, #tpu.memory_space<vmem>>, vector<16xi32>,
      %add3A_577 = arith.constant 0 : i32
      %add3A_578 = vector.broadcast %add3A_577 : i32 to vector<16xi32>
      %add3A_579 = arith.addi %get3A_576, %add3A_578 : vector<16xi32>
      %gather3A_580 = tpu.vector_load_idx %arg6[%add3A_579] : memref<10240xf32, #tpu.memory_space<vmem>>[vector<16xi32>], vector<16xf32>,
      %sub3A = arith.subf %gather3A, %gather3A_580 : vector<16xf32>
      %mul3A_581 = arith.constant 16 : i32
      %mul3A_582 = arith.muli %scan3A_565, %mul3A_581 : i32
      %swap3A = arith.constant 0 : i32
      %swap3A_583 = arith.index_cast %swap3A : i32 to index
      %swap3A_584 = arith.index_cast %mul3A_582 : i32 to index
      %swap3A_585 = tpu.vector_load %arg9[%swap3A_583, %swap3A_584] {strides = array<i32>} : memref<1x2048xf32, #tpu.memory_space<vmem>>, vector<16xf32>,
      tpu.vector_store %arg9[%swap3A_583, %swap3A_584], %sub3A {strides = array<i32>} : memref<1x2048xf32, #tpu.memory_space<vmem>>, vector<16xf32>,
      %scan3A_586 = arith.constant 0 : i32
      scf.yield %scan3A_586 : i32
    }
    %scan3A_477 = arith.constant 128 : i32
    %add3A_478 = arith.constant 6144 : i32
    %add3A_479 = arith.addi %mul3A_2, %add3A_478 : i32
    %run_scoped3A_480 = arith.constant 3 : i32
    "tpu.region"() ({
      %run_scoped3A_565 = tpu.sem_alloc : memref<!tpu.dma_semaphore, #tpu.memory_space<semaphore_mem>>
      %dma_start3A = arith.constant 0 : i32
      %dma_start3A_566 = tpu.memref_slice %arg5[%run_scoped3A_480, %dma_start3A, %add3A_479] : memref<4x1x655360xf32, #tpu.memory_space<hbm>> -> memref<1x1x2048xf32, #tpu.memory_space<hbm>>
      %dma_start3A_567 = tpu.memref_squeeze %dma_start3A_566 : memref<1x1x2048xf32, #tpu.memory_space<hbm>> -> memref<1x2048xf32, #tpu.memory_space<hbm>>
      %dma_start3A_568 = arith.constant 0 : i32
      %dma_start3A_569 = tpu.memref_slice %arg5[%run_scoped3A_480, %dma_start3A_568, %add3A_479] : memref<4x1x655360xf32, #tpu.memory_space<hbm>> -> memref<1x1x2048xf32, #tpu.memory_space<hbm>>
      %dma_start3A_570 = tpu.memref_squeeze %dma_start3A_569 : memref<1x1x2048xf32, #tpu.memory_space<hbm>> -> memref<1x2048xf32, #tpu.memory_space<hbm>>
      tpu.enqueue_dma source(%arg9 : memref<1x2048xf32, #tpu.memory_space<vmem>>) target(%dma_start3A_570 : memref<1x2048xf32, #tpu.memory_space<hbm>>) target_semaphore(%run_scoped3A_565 : memref<!tpu.dma_semaphore, #tpu.memory_space<semaphore_mem>>)
      %dma_wait3A = arith.constant 0 : i32
      %dma_wait3A_571 = tpu.memref_slice %arg5[%run_scoped3A_480, %dma_wait3A, %add3A_479] : memref<4x1x655360xf32, #tpu.memory_space<hbm>> -> memref<1x1x2048xf32, #tpu.memory_space<hbm>>
      %dma_wait3A_572 = tpu.memref_squeeze %dma_wait3A_571 : memref<1x1x2048xf32, #tpu.memory_space<hbm>> -> memref<1x2048xf32, #tpu.memory_space<hbm>>
      %dma_wait3A_573 = arith.constant 0 : i32
      %dma_wait3A_574 = tpu.memref_slice %arg5[%run_scoped3A_480, %dma_wait3A_573, %add3A_479] : memref<4x1x655360xf32, #tpu.memory_space<hbm>> -> memref<1x1x2048xf32, #tpu.memory_space<hbm>>
      %dma_wait3A_575 = tpu.memref_squeeze %dma_wait3A_574 : memref<1x1x2048xf32, #tpu.memory_space<hbm>> -> memref<1x2048xf32, #tpu.memory_space<hbm>>
      tpu.wait_dma2 semaphore(%run_scoped3A_565 : memref<!tpu.dma_semaphore, #tpu.memory_space<semaphore_mem>>) src(%arg9 : memref<1x2048xf32, #tpu.memory_space<vmem>>) dst(%dma_wait3A_575 : memref<1x2048xf32, #tpu.memory_space<hbm>>)
      tpu.yield
    }) : () -> ()
    %add3A_481 = arith.constant 8192 : i32
    %add3A_482 = arith.addi %mul3A_2, %add3A_481 : i32
    "tpu.region"() ({
      %run_scoped3A_565 = tpu.sem_alloc : memref<!tpu.dma_semaphore, #tpu.memory_space<semaphore_mem>>
      %dma_start3A = tpu.memref_slice %arg3[%add3A_482] : memref<655360xi32, #tpu.memory_space<hbm>> -> memref<2048xi32, #tpu.memory_space<hbm>>
      %dma_start3A_566 = tpu.memref_slice %arg3[%add3A_482] : memref<655360xi32, #tpu.memory_space<hbm>> -> memref<2048xi32, #tpu.memory_space<hbm>>
      tpu.enqueue_dma source(%dma_start3A_566 : memref<2048xi32, #tpu.memory_space<hbm>>) target(%arg7 : memref<2048xi32, #tpu.memory_space<vmem>>) target_semaphore(%run_scoped3A_565 : memref<!tpu.dma_semaphore, #tpu.memory_space<semaphore_mem>>)
      %dma_wait3A = tpu.memref_slice %arg3[%add3A_482] : memref<655360xi32, #tpu.memory_space<hbm>> -> memref<2048xi32, #tpu.memory_space<hbm>>
      %dma_wait3A_567 = tpu.memref_slice %arg3[%add3A_482] : memref<655360xi32, #tpu.memory_space<hbm>> -> memref<2048xi32, #tpu.memory_space<hbm>>
      tpu.wait_dma2 semaphore(%run_scoped3A_565 : memref<!tpu.dma_semaphore, #tpu.memory_space<semaphore_mem>>) src(%dma_wait3A_567 : memref<2048xi32, #tpu.memory_space<hbm>>) dst(%arg7 : memref<2048xi32, #tpu.memory_space<vmem>>)
      tpu.yield
    }) : () -> ()
    %add3A_483 = arith.constant 8192 : i32
    %add3A_484 = arith.addi %mul3A_2, %add3A_483 : i32
    "tpu.region"() ({
      %run_scoped3A_565 = tpu.sem_alloc : memref<!tpu.dma_semaphore, #tpu.memory_space<semaphore_mem>>
      %dma_start3A = tpu.memref_slice %arg4[%add3A_484] : memref<655360xi32, #tpu.memory_space<hbm>> -> memref<2048xi32, #tpu.memory_space<hbm>>
      %dma_start3A_566 = tpu.memref_slice %arg4[%add3A_484] : memref<655360xi32, #tpu.memory_space<hbm>> -> memref<2048xi32, #tpu.memory_space<hbm>>
      tpu.enqueue_dma source(%dma_start3A_566 : memref<2048xi32, #tpu.memory_space<hbm>>) target(%arg8 : memref<2048xi32, #tpu.memory_space<vmem>>) target_semaphore(%run_scoped3A_565 : memref<!tpu.dma_semaphore, #tpu.memory_space<semaphore_mem>>)
      %dma_wait3A = tpu.memref_slice %arg4[%add3A_484] : memref<655360xi32, #tpu.memory_space<hbm>> -> memref<2048xi32, #tpu.memory_space<hbm>>
      %dma_wait3A_567 = tpu.memref_slice %arg4[%add3A_484] : memref<655360xi32, #tpu.memory_space<hbm>> -> memref<2048xi32, #tpu.memory_space<hbm>>
      tpu.wait_dma2 semaphore(%run_scoped3A_565 : memref<!tpu.dma_semaphore, #tpu.memory_space<semaphore_mem>>) src(%dma_wait3A_567 : memref<2048xi32, #tpu.memory_space<hbm>>) dst(%arg8 : memref<2048xi32, #tpu.memory_space<vmem>>)
      tpu.yield
    }) : () -> ()
    %scan3A_485 = arith.constant 0 : i32
    %scan3A_486 = arith.constant 0 : i32
    %scan3A_487 = arith.constant 128 : i32
    %scan3A_488 = arith.addi %scan3A_486, %scan3A_487 : i32
    %scan3A_489 = arith.constant 1 : i32
    %scan3A_490 = scf.for %scan3A_565 = %scan3A_486 to %scan3A_488 step %scan3A_489 iter_args(%scan3A_566 = %scan3A_485) -> (i32)  : i32 {
      %mul3A_567 = arith.constant 16 : i32
      %mul3A_568 = arith.muli %scan3A_565, %mul3A_567 : i32
      %get3A = arith.index_cast %mul3A_568 : i32 to index
      %get3A_569 = tpu.vector_load %arg7[%get3A] {strides = array<i32>} : memref<2048xi32, #tpu.memory_space<vmem>>, vector<16xi32>,
      %add3A_570 = arith.constant 0 : i32
      %add3A_571 = vector.broadcast %add3A_570 : i32 to vector<16xi32>
      %add3A_572 = arith.addi %get3A_569, %add3A_571 : vector<16xi32>
      %gather3A = tpu.vector_load_idx %arg6[%add3A_572] : memref<10240xf32, #tpu.memory_space<vmem>>[vector<16xi32>], vector<16xf32>,
      %mul3A_573 = arith.constant 16 : i32
      %mul3A_574 = arith.muli %scan3A_565, %mul3A_573 : i32
      %get3A_575 = arith.index_cast %mul3A_574 : i32 to index
      %get3A_576 = tpu.vector_load %arg8[%get3A_575] {strides = array<i32>} : memref<2048xi32, #tpu.memory_space<vmem>>, vector<16xi32>,
      %add3A_577 = arith.constant 0 : i32
      %add3A_578 = vector.broadcast %add3A_577 : i32 to vector<16xi32>
      %add3A_579 = arith.addi %get3A_576, %add3A_578 : vector<16xi32>
      %gather3A_580 = tpu.vector_load_idx %arg6[%add3A_579] : memref<10240xf32, #tpu.memory_space<vmem>>[vector<16xi32>], vector<16xf32>,
      %sub3A = arith.subf %gather3A, %gather3A_580 : vector<16xf32>
      %mul3A_581 = arith.constant 16 : i32
      %mul3A_582 = arith.muli %scan3A_565, %mul3A_581 : i32
      %swap3A = arith.constant 0 : i32
      %swap3A_583 = arith.index_cast %swap3A : i32 to index
      %swap3A_584 = arith.index_cast %mul3A_582 : i32 to index
      %swap3A_585 = tpu.vector_load %arg9[%swap3A_583, %swap3A_584] {strides = array<i32>} : memref<1x2048xf32, #tpu.memory_space<vmem>>, vector<16xf32>,
      tpu.vector_store %arg9[%swap3A_583, %swap3A_584], %sub3A {strides = array<i32>} : memref<1x2048xf32, #tpu.memory_space<vmem>>, vector<16xf32>,
      %scan3A_586 = arith.constant 0 : i32
      scf.yield %scan3A_586 : i32
    }
    %scan3A_491 = arith.constant 128 : i32
    %add3A_492 = arith.constant 8192 : i32
    %add3A_493 = arith.addi %mul3A_2, %add3A_492 : i32
    %run_scoped3A_494 = arith.constant 3 : i32
    "tpu.region"() ({
      %run_scoped3A_565 = tpu.sem_alloc : memref<!tpu.dma_semaphore, #tpu.memory_space<semaphore_mem>>
      %dma_start3A = arith.constant 0 : i32
      %dma_start3A_566 = tpu.memref_slice %arg5[%run_scoped3A_494, %dma_start3A, %add3A_493] : memref<4x1x655360xf32, #tpu.memory_space<hbm>> -> memref<1x1x2048xf32, #tpu.memory_space<hbm>>
      %dma_start3A_567 = tpu.memref_squeeze %dma_start3A_566 : memref<1x1x2048xf32, #tpu.memory_space<hbm>> -> memref<1x2048xf32, #tpu.memory_space<hbm>>
      %dma_start3A_568 = arith.constant 0 : i32
      %dma_start3A_569 = tpu.memref_slice %arg5[%run_scoped3A_494, %dma_start3A_568, %add3A_493] : memref<4x1x655360xf32, #tpu.memory_space<hbm>> -> memref<1x1x2048xf32, #tpu.memory_space<hbm>>
      %dma_start3A_570 = tpu.memref_squeeze %dma_start3A_569 : memref<1x1x2048xf32, #tpu.memory_space<hbm>> -> memref<1x2048xf32, #tpu.memory_space<hbm>>
      tpu.enqueue_dma source(%arg9 : memref<1x2048xf32, #tpu.memory_space<vmem>>) target(%dma_start3A_570 : memref<1x2048xf32, #tpu.memory_space<hbm>>) target_semaphore(%run_scoped3A_565 : memref<!tpu.dma_semaphore, #tpu.memory_space<semaphore_mem>>)
      %dma_wait3A = arith.constant 0 : i32
      %dma_wait3A_571 = tpu.memref_slice %arg5[%run_scoped3A_494, %dma_wait3A, %add3A_493] : memref<4x1x655360xf32, #tpu.memory_space<hbm>> -> memref<1x1x2048xf32, #tpu.memory_space<hbm>>
      %dma_wait3A_572 = tpu.memref_squeeze %dma_wait3A_571 : memref<1x1x2048xf32, #tpu.memory_space<hbm>> -> memref<1x2048xf32, #tpu.memory_space<hbm>>
      %dma_wait3A_573 = arith.constant 0 : i32
      %dma_wait3A_574 = tpu.memref_slice %arg5[%run_scoped3A_494, %dma_wait3A_573, %add3A_493] : memref<4x1x655360xf32, #tpu.memory_space<hbm>> -> memref<1x1x2048xf32, #tpu.memory_space<hbm>>
      %dma_wait3A_575 = tpu.memref_squeeze %dma_wait3A_574 : memref<1x1x2048xf32, #tpu.memory_space<hbm>> -> memref<1x2048xf32, #tpu.memory_space<hbm>>
      tpu.wait_dma2 semaphore(%run_scoped3A_565 : memref<!tpu.dma_semaphore, #tpu.memory_space<semaphore_mem>>) src(%arg9 : memref<1x2048xf32, #tpu.memory_space<vmem>>) dst(%dma_wait3A_575 : memref<1x2048xf32, #tpu.memory_space<hbm>>)
      tpu.yield
    }) : () -> ()
    %add3A_495 = arith.constant 10240 : i32
    %add3A_496 = arith.addi %mul3A_2, %add3A_495 : i32
    "tpu.region"() ({
      %run_scoped3A_565 = tpu.sem_alloc : memref<!tpu.dma_semaphore, #tpu.memory_space<semaphore_mem>>
      %dma_start3A = tpu.memref_slice %arg3[%add3A_496] : memref<655360xi32, #tpu.memory_space<hbm>> -> memref<2048xi32, #tpu.memory_space<hbm>>
      %dma_start3A_566 = tpu.memref_slice %arg3[%add3A_496] : memref<655360xi32, #tpu.memory_space<hbm>> -> memref<2048xi32, #tpu.memory_space<hbm>>
      tpu.enqueue_dma source(%dma_start3A_566 : memref<2048xi32, #tpu.memory_space<hbm>>) target(%arg7 : memref<2048xi32, #tpu.memory_space<vmem>>) target_semaphore(%run_scoped3A_565 : memref<!tpu.dma_semaphore, #tpu.memory_space<semaphore_mem>>)
      %dma_wait3A = tpu.memref_slice %arg3[%add3A_496] : memref<655360xi32, #tpu.memory_space<hbm>> -> memref<2048xi32, #tpu.memory_space<hbm>>
      %dma_wait3A_567 = tpu.memref_slice %arg3[%add3A_496] : memref<655360xi32, #tpu.memory_space<hbm>> -> memref<2048xi32, #tpu.memory_space<hbm>>
      tpu.wait_dma2 semaphore(%run_scoped3A_565 : memref<!tpu.dma_semaphore, #tpu.memory_space<semaphore_mem>>) src(%dma_wait3A_567 : memref<2048xi32, #tpu.memory_space<hbm>>) dst(%arg7 : memref<2048xi32, #tpu.memory_space<vmem>>)
      tpu.yield
    }) : () -> ()
    %add3A_497 = arith.constant 10240 : i32
    %add3A_498 = arith.addi %mul3A_2, %add3A_497 : i32
    "tpu.region"() ({
      %run_scoped3A_565 = tpu.sem_alloc : memref<!tpu.dma_semaphore, #tpu.memory_space<semaphore_mem>>
      %dma_start3A = tpu.memref_slice %arg4[%add3A_498] : memref<655360xi32, #tpu.memory_space<hbm>> -> memref<2048xi32, #tpu.memory_space<hbm>>
      %dma_start3A_566 = tpu.memref_slice %arg4[%add3A_498] : memref<655360xi32, #tpu.memory_space<hbm>> -> memref<2048xi32, #tpu.memory_space<hbm>>
      tpu.enqueue_dma source(%dma_start3A_566 : memref<2048xi32, #tpu.memory_space<hbm>>) target(%arg8 : memref<2048xi32, #tpu.memory_space<vmem>>) target_semaphore(%run_scoped3A_565 : memref<!tpu.dma_semaphore, #tpu.memory_space<semaphore_mem>>)
      %dma_wait3A = tpu.memref_slice %arg4[%add3A_498] : memref<655360xi32, #tpu.memory_space<hbm>> -> memref<2048xi32, #tpu.memory_space<hbm>>
      %dma_wait3A_567 = tpu.memref_slice %arg4[%add3A_498] : memref<655360xi32, #tpu.memory_space<hbm>> -> memref<2048xi32, #tpu.memory_space<hbm>>
      tpu.wait_dma2 semaphore(%run_scoped3A_565 : memref<!tpu.dma_semaphore, #tpu.memory_space<semaphore_mem>>) src(%dma_wait3A_567 : memref<2048xi32, #tpu.memory_space<hbm>>) dst(%arg8 : memref<2048xi32, #tpu.memory_space<vmem>>)
      tpu.yield
    }) : () -> ()
    %scan3A_499 = arith.constant 0 : i32
    %scan3A_500 = arith.constant 0 : i32
    %scan3A_501 = arith.constant 128 : i32
    %scan3A_502 = arith.addi %scan3A_500, %scan3A_501 : i32
    %scan3A_503 = arith.constant 1 : i32
    %scan3A_504 = scf.for %scan3A_565 = %scan3A_500 to %scan3A_502 step %scan3A_503 iter_args(%scan3A_566 = %scan3A_499) -> (i32)  : i32 {
      %mul3A_567 = arith.constant 16 : i32
      %mul3A_568 = arith.muli %scan3A_565, %mul3A_567 : i32
      %get3A = arith.index_cast %mul3A_568 : i32 to index
      %get3A_569 = tpu.vector_load %arg7[%get3A] {strides = array<i32>} : memref<2048xi32, #tpu.memory_space<vmem>>, vector<16xi32>,
      %add3A_570 = arith.constant 0 : i32
      %add3A_571 = vector.broadcast %add3A_570 : i32 to vector<16xi32>
      %add3A_572 = arith.addi %get3A_569, %add3A_571 : vector<16xi32>
      %gather3A = tpu.vector_load_idx %arg6[%add3A_572] : memref<10240xf32, #tpu.memory_space<vmem>>[vector<16xi32>], vector<16xf32>,
      %mul3A_573 = arith.constant 16 : i32
      %mul3A_574 = arith.muli %scan3A_565, %mul3A_573 : i32
      %get3A_575 = arith.index_cast %mul3A_574 : i32 to index
      %get3A_576 = tpu.vector_load %arg8[%get3A_575] {strides = array<i32>} : memref<2048xi32, #tpu.memory_space<vmem>>, vector<16xi32>,
      %add3A_577 = arith.constant 0 : i32
      %add3A_578 = vector.broadcast %add3A_577 : i32 to vector<16xi32>
      %add3A_579 = arith.addi %get3A_576, %add3A_578 : vector<16xi32>
      %gather3A_580 = tpu.vector_load_idx %arg6[%add3A_579] : memref<10240xf32, #tpu.memory_space<vmem>>[vector<16xi32>], vector<16xf32>,
      %sub3A = arith.subf %gather3A, %gather3A_580 : vector<16xf32>
      %mul3A_581 = arith.constant 16 : i32
      %mul3A_582 = arith.muli %scan3A_565, %mul3A_581 : i32
      %swap3A = arith.constant 0 : i32
      %swap3A_583 = arith.index_cast %swap3A : i32 to index
      %swap3A_584 = arith.index_cast %mul3A_582 : i32 to index
      %swap3A_585 = tpu.vector_load %arg9[%swap3A_583, %swap3A_584] {strides = array<i32>} : memref<1x2048xf32, #tpu.memory_space<vmem>>, vector<16xf32>,
      tpu.vector_store %arg9[%swap3A_583, %swap3A_584], %sub3A {strides = array<i32>} : memref<1x2048xf32, #tpu.memory_space<vmem>>, vector<16xf32>,
      %scan3A_586 = arith.constant 0 : i32
      scf.yield %scan3A_586 : i32
    }
    %scan3A_505 = arith.constant 128 : i32
    %add3A_506 = arith.constant 10240 : i32
    %add3A_507 = arith.addi %mul3A_2, %add3A_506 : i32
    %run_scoped3A_508 = arith.constant 3 : i32
    "tpu.region"() ({
      %run_scoped3A_565 = tpu.sem_alloc : memref<!tpu.dma_semaphore, #tpu.memory_space<semaphore_mem>>
      %dma_start3A = arith.constant 0 : i32
      %dma_start3A_566 = tpu.memref_slice %arg5[%run_scoped3A_508, %dma_start3A, %add3A_507] : memref<4x1x655360xf32, #tpu.memory_space<hbm>> -> memref<1x1x2048xf32, #tpu.memory_space<hbm>>
      %dma_start3A_567 = tpu.memref_squeeze %dma_start3A_566 : memref<1x1x2048xf32, #tpu.memory_space<hbm>> -> memref<1x2048xf32, #tpu.memory_space<hbm>>
      %dma_start3A_568 = arith.constant 0 : i32
      %dma_start3A_569 = tpu.memref_slice %arg5[%run_scoped3A_508, %dma_start3A_568, %add3A_507] : memref<4x1x655360xf32, #tpu.memory_space<hbm>> -> memref<1x1x2048xf32, #tpu.memory_space<hbm>>
      %dma_start3A_570 = tpu.memref_squeeze %dma_start3A_569 : memref<1x1x2048xf32, #tpu.memory_space<hbm>> -> memref<1x2048xf32, #tpu.memory_space<hbm>>
      tpu.enqueue_dma source(%arg9 : memref<1x2048xf32, #tpu.memory_space<vmem>>) target(%dma_start3A_570 : memref<1x2048xf32, #tpu.memory_space<hbm>>) target_semaphore(%run_scoped3A_565 : memref<!tpu.dma_semaphore, #tpu.memory_space<semaphore_mem>>)
      %dma_wait3A = arith.constant 0 : i32
      %dma_wait3A_571 = tpu.memref_slice %arg5[%run_scoped3A_508, %dma_wait3A, %add3A_507] : memref<4x1x655360xf32, #tpu.memory_space<hbm>> -> memref<1x1x2048xf32, #tpu.memory_space<hbm>>
      %dma_wait3A_572 = tpu.memref_squeeze %dma_wait3A_571 : memref<1x1x2048xf32, #tpu.memory_space<hbm>> -> memref<1x2048xf32, #tpu.memory_space<hbm>>
      %dma_wait3A_573 = arith.constant 0 : i32
      %dma_wait3A_574 = tpu.memref_slice %arg5[%run_scoped3A_508, %dma_wait3A_573, %add3A_507] : memref<4x1x655360xf32, #tpu.memory_space<hbm>> -> memref<1x1x2048xf32, #tpu.memory_space<hbm>>
      %dma_wait3A_575 = tpu.memref_squeeze %dma_wait3A_574 : memref<1x1x2048xf32, #tpu.memory_space<hbm>> -> memref<1x2048xf32, #tpu.memory_space<hbm>>
      tpu.wait_dma2 semaphore(%run_scoped3A_565 : memref<!tpu.dma_semaphore, #tpu.memory_space<semaphore_mem>>) src(%arg9 : memref<1x2048xf32, #tpu.memory_space<vmem>>) dst(%dma_wait3A_575 : memref<1x2048xf32, #tpu.memory_space<hbm>>)
      tpu.yield
    }) : () -> ()
    %add3A_509 = arith.constant 12288 : i32
    %add3A_510 = arith.addi %mul3A_2, %add3A_509 : i32
    "tpu.region"() ({
      %run_scoped3A_565 = tpu.sem_alloc : memref<!tpu.dma_semaphore, #tpu.memory_space<semaphore_mem>>
      %dma_start3A = tpu.memref_slice %arg3[%add3A_510] : memref<655360xi32, #tpu.memory_space<hbm>> -> memref<2048xi32, #tpu.memory_space<hbm>>
      %dma_start3A_566 = tpu.memref_slice %arg3[%add3A_510] : memref<655360xi32, #tpu.memory_space<hbm>> -> memref<2048xi32, #tpu.memory_space<hbm>>
      tpu.enqueue_dma source(%dma_start3A_566 : memref<2048xi32, #tpu.memory_space<hbm>>) target(%arg7 : memref<2048xi32, #tpu.memory_space<vmem>>) target_semaphore(%run_scoped3A_565 : memref<!tpu.dma_semaphore, #tpu.memory_space<semaphore_mem>>)
      %dma_wait3A = tpu.memref_slice %arg3[%add3A_510] : memref<655360xi32, #tpu.memory_space<hbm>> -> memref<2048xi32, #tpu.memory_space<hbm>>
      %dma_wait3A_567 = tpu.memref_slice %arg3[%add3A_510] : memref<655360xi32, #tpu.memory_space<hbm>> -> memref<2048xi32, #tpu.memory_space<hbm>>
      tpu.wait_dma2 semaphore(%run_scoped3A_565 : memref<!tpu.dma_semaphore, #tpu.memory_space<semaphore_mem>>) src(%dma_wait3A_567 : memref<2048xi32, #tpu.memory_space<hbm>>) dst(%arg7 : memref<2048xi32, #tpu.memory_space<vmem>>)
      tpu.yield
    }) : () -> ()
    %add3A_511 = arith.constant 12288 : i32
    %add3A_512 = arith.addi %mul3A_2, %add3A_511 : i32
    "tpu.region"() ({
      %run_scoped3A_565 = tpu.sem_alloc : memref<!tpu.dma_semaphore, #tpu.memory_space<semaphore_mem>>
      %dma_start3A = tpu.memref_slice %arg4[%add3A_512] : memref<655360xi32, #tpu.memory_space<hbm>> -> memref<2048xi32, #tpu.memory_space<hbm>>
      %dma_start3A_566 = tpu.memref_slice %arg4[%add3A_512] : memref<655360xi32, #tpu.memory_space<hbm>> -> memref<2048xi32, #tpu.memory_space<hbm>>
      tpu.enqueue_dma source(%dma_start3A_566 : memref<2048xi32, #tpu.memory_space<hbm>>) target(%arg8 : memref<2048xi32, #tpu.memory_space<vmem>>) target_semaphore(%run_scoped3A_565 : memref<!tpu.dma_semaphore, #tpu.memory_space<semaphore_mem>>)
      %dma_wait3A = tpu.memref_slice %arg4[%add3A_512] : memref<655360xi32, #tpu.memory_space<hbm>> -> memref<2048xi32, #tpu.memory_space<hbm>>
      %dma_wait3A_567 = tpu.memref_slice %arg4[%add3A_512] : memref<655360xi32, #tpu.memory_space<hbm>> -> memref<2048xi32, #tpu.memory_space<hbm>>
      tpu.wait_dma2 semaphore(%run_scoped3A_565 : memref<!tpu.dma_semaphore, #tpu.memory_space<semaphore_mem>>) src(%dma_wait3A_567 : memref<2048xi32, #tpu.memory_space<hbm>>) dst(%arg8 : memref<2048xi32, #tpu.memory_space<vmem>>)
      tpu.yield
    }) : () -> ()
    %scan3A_513 = arith.constant 0 : i32
    %scan3A_514 = arith.constant 0 : i32
    %scan3A_515 = arith.constant 128 : i32
    %scan3A_516 = arith.addi %scan3A_514, %scan3A_515 : i32
    %scan3A_517 = arith.constant 1 : i32
    %scan3A_518 = scf.for %scan3A_565 = %scan3A_514 to %scan3A_516 step %scan3A_517 iter_args(%scan3A_566 = %scan3A_513) -> (i32)  : i32 {
      %mul3A_567 = arith.constant 16 : i32
      %mul3A_568 = arith.muli %scan3A_565, %mul3A_567 : i32
      %get3A = arith.index_cast %mul3A_568 : i32 to index
      %get3A_569 = tpu.vector_load %arg7[%get3A] {strides = array<i32>} : memref<2048xi32, #tpu.memory_space<vmem>>, vector<16xi32>,
      %add3A_570 = arith.constant 0 : i32
      %add3A_571 = vector.broadcast %add3A_570 : i32 to vector<16xi32>
      %add3A_572 = arith.addi %get3A_569, %add3A_571 : vector<16xi32>
      %gather3A = tpu.vector_load_idx %arg6[%add3A_572] : memref<10240xf32, #tpu.memory_space<vmem>>[vector<16xi32>], vector<16xf32>,
      %mul3A_573 = arith.constant 16 : i32
      %mul3A_574 = arith.muli %scan3A_565, %mul3A_573 : i32
      %get3A_575 = arith.index_cast %mul3A_574 : i32 to index
      %get3A_576 = tpu.vector_load %arg8[%get3A_575] {strides = array<i32>} : memref<2048xi32, #tpu.memory_space<vmem>>, vector<16xi32>,
      %add3A_577 = arith.constant 0 : i32
      %add3A_578 = vector.broadcast %add3A_577 : i32 to vector<16xi32>
      %add3A_579 = arith.addi %get3A_576, %add3A_578 : vector<16xi32>
      %gather3A_580 = tpu.vector_load_idx %arg6[%add3A_579] : memref<10240xf32, #tpu.memory_space<vmem>>[vector<16xi32>], vector<16xf32>,
      %sub3A = arith.subf %gather3A, %gather3A_580 : vector<16xf32>
      %mul3A_581 = arith.constant 16 : i32
      %mul3A_582 = arith.muli %scan3A_565, %mul3A_581 : i32
      %swap3A = arith.constant 0 : i32
      %swap3A_583 = arith.index_cast %swap3A : i32 to index
      %swap3A_584 = arith.index_cast %mul3A_582 : i32 to index
      %swap3A_585 = tpu.vector_load %arg9[%swap3A_583, %swap3A_584] {strides = array<i32>} : memref<1x2048xf32, #tpu.memory_space<vmem>>, vector<16xf32>,
      tpu.vector_store %arg9[%swap3A_583, %swap3A_584], %sub3A {strides = array<i32>} : memref<1x2048xf32, #tpu.memory_space<vmem>>, vector<16xf32>,
      %scan3A_586 = arith.constant 0 : i32
      scf.yield %scan3A_586 : i32
    }
    %scan3A_519 = arith.constant 128 : i32
    %add3A_520 = arith.constant 12288 : i32
    %add3A_521 = arith.addi %mul3A_2, %add3A_520 : i32
    %run_scoped3A_522 = arith.constant 3 : i32
    "tpu.region"() ({
      %run_scoped3A_565 = tpu.sem_alloc : memref<!tpu.dma_semaphore, #tpu.memory_space<semaphore_mem>>
      %dma_start3A = arith.constant 0 : i32
      %dma_start3A_566 = tpu.memref_slice %arg5[%run_scoped3A_522, %dma_start3A, %add3A_521] : memref<4x1x655360xf32, #tpu.memory_space<hbm>> -> memref<1x1x2048xf32, #tpu.memory_space<hbm>>
      %dma_start3A_567 = tpu.memref_squeeze %dma_start3A_566 : memref<1x1x2048xf32, #tpu.memory_space<hbm>> -> memref<1x2048xf32, #tpu.memory_space<hbm>>
      %dma_start3A_568 = arith.constant 0 : i32
      %dma_start3A_569 = tpu.memref_slice %arg5[%run_scoped3A_522, %dma_start3A_568, %add3A_521] : memref<4x1x655360xf32, #tpu.memory_space<hbm>> -> memref<1x1x2048xf32, #tpu.memory_space<hbm>>
      %dma_start3A_570 = tpu.memref_squeeze %dma_start3A_569 : memref<1x1x2048xf32, #tpu.memory_space<hbm>> -> memref<1x2048xf32, #tpu.memory_space<hbm>>
      tpu.enqueue_dma source(%arg9 : memref<1x2048xf32, #tpu.memory_space<vmem>>) target(%dma_start3A_570 : memref<1x2048xf32, #tpu.memory_space<hbm>>) target_semaphore(%run_scoped3A_565 : memref<!tpu.dma_semaphore, #tpu.memory_space<semaphore_mem>>)
      %dma_wait3A = arith.constant 0 : i32
      %dma_wait3A_571 = tpu.memref_slice %arg5[%run_scoped3A_522, %dma_wait3A, %add3A_521] : memref<4x1x655360xf32, #tpu.memory_space<hbm>> -> memref<1x1x2048xf32, #tpu.memory_space<hbm>>
      %dma_wait3A_572 = tpu.memref_squeeze %dma_wait3A_571 : memref<1x1x2048xf32, #tpu.memory_space<hbm>> -> memref<1x2048xf32, #tpu.memory_space<hbm>>
      %dma_wait3A_573 = arith.constant 0 : i32
      %dma_wait3A_574 = tpu.memref_slice %arg5[%run_scoped3A_522, %dma_wait3A_573, %add3A_521] : memref<4x1x655360xf32, #tpu.memory_space<hbm>> -> memref<1x1x2048xf32, #tpu.memory_space<hbm>>
      %dma_wait3A_575 = tpu.memref_squeeze %dma_wait3A_574 : memref<1x1x2048xf32, #tpu.memory_space<hbm>> -> memref<1x2048xf32, #tpu.memory_space<hbm>>
      tpu.wait_dma2 semaphore(%run_scoped3A_565 : memref<!tpu.dma_semaphore, #tpu.memory_space<semaphore_mem>>) src(%arg9 : memref<1x2048xf32, #tpu.memory_space<vmem>>) dst(%dma_wait3A_575 : memref<1x2048xf32, #tpu.memory_space<hbm>>)
      tpu.yield
    }) : () -> ()
    %add3A_523 = arith.constant 14336 : i32
    %add3A_524 = arith.addi %mul3A_2, %add3A_523 : i32
    "tpu.region"() ({
      %run_scoped3A_565 = tpu.sem_alloc : memref<!tpu.dma_semaphore, #tpu.memory_space<semaphore_mem>>
      %dma_start3A = tpu.memref_slice %arg3[%add3A_524] : memref<655360xi32, #tpu.memory_space<hbm>> -> memref<2048xi32, #tpu.memory_space<hbm>>
      %dma_start3A_566 = tpu.memref_slice %arg3[%add3A_524] : memref<655360xi32, #tpu.memory_space<hbm>> -> memref<2048xi32, #tpu.memory_space<hbm>>
      tpu.enqueue_dma source(%dma_start3A_566 : memref<2048xi32, #tpu.memory_space<hbm>>) target(%arg7 : memref<2048xi32, #tpu.memory_space<vmem>>) target_semaphore(%run_scoped3A_565 : memref<!tpu.dma_semaphore, #tpu.memory_space<semaphore_mem>>)
      %dma_wait3A = tpu.memref_slice %arg3[%add3A_524] : memref<655360xi32, #tpu.memory_space<hbm>> -> memref<2048xi32, #tpu.memory_space<hbm>>
      %dma_wait3A_567 = tpu.memref_slice %arg3[%add3A_524] : memref<655360xi32, #tpu.memory_space<hbm>> -> memref<2048xi32, #tpu.memory_space<hbm>>
      tpu.wait_dma2 semaphore(%run_scoped3A_565 : memref<!tpu.dma_semaphore, #tpu.memory_space<semaphore_mem>>) src(%dma_wait3A_567 : memref<2048xi32, #tpu.memory_space<hbm>>) dst(%arg7 : memref<2048xi32, #tpu.memory_space<vmem>>)
      tpu.yield
    }) : () -> ()
    %add3A_525 = arith.constant 14336 : i32
    %add3A_526 = arith.addi %mul3A_2, %add3A_525 : i32
    "tpu.region"() ({
      %run_scoped3A_565 = tpu.sem_alloc : memref<!tpu.dma_semaphore, #tpu.memory_space<semaphore_mem>>
      %dma_start3A = tpu.memref_slice %arg4[%add3A_526] : memref<655360xi32, #tpu.memory_space<hbm>> -> memref<2048xi32, #tpu.memory_space<hbm>>
      %dma_start3A_566 = tpu.memref_slice %arg4[%add3A_526] : memref<655360xi32, #tpu.memory_space<hbm>> -> memref<2048xi32, #tpu.memory_space<hbm>>
      tpu.enqueue_dma source(%dma_start3A_566 : memref<2048xi32, #tpu.memory_space<hbm>>) target(%arg8 : memref<2048xi32, #tpu.memory_space<vmem>>) target_semaphore(%run_scoped3A_565 : memref<!tpu.dma_semaphore, #tpu.memory_space<semaphore_mem>>)
      %dma_wait3A = tpu.memref_slice %arg4[%add3A_526] : memref<655360xi32, #tpu.memory_space<hbm>> -> memref<2048xi32, #tpu.memory_space<hbm>>
      %dma_wait3A_567 = tpu.memref_slice %arg4[%add3A_526] : memref<655360xi32, #tpu.memory_space<hbm>> -> memref<2048xi32, #tpu.memory_space<hbm>>
      tpu.wait_dma2 semaphore(%run_scoped3A_565 : memref<!tpu.dma_semaphore, #tpu.memory_space<semaphore_mem>>) src(%dma_wait3A_567 : memref<2048xi32, #tpu.memory_space<hbm>>) dst(%arg8 : memref<2048xi32, #tpu.memory_space<vmem>>)
      tpu.yield
    }) : () -> ()
    %scan3A_527 = arith.constant 0 : i32
    %scan3A_528 = arith.constant 0 : i32
    %scan3A_529 = arith.constant 128 : i32
    %scan3A_530 = arith.addi %scan3A_528, %scan3A_529 : i32
    %scan3A_531 = arith.constant 1 : i32
    %scan3A_532 = scf.for %scan3A_565 = %scan3A_528 to %scan3A_530 step %scan3A_531 iter_args(%scan3A_566 = %scan3A_527) -> (i32)  : i32 {
      %mul3A_567 = arith.constant 16 : i32
      %mul3A_568 = arith.muli %scan3A_565, %mul3A_567 : i32
      %get3A = arith.index_cast %mul3A_568 : i32 to index
      %get3A_569 = tpu.vector_load %arg7[%get3A] {strides = array<i32>} : memref<2048xi32, #tpu.memory_space<vmem>>, vector<16xi32>,
      %add3A_570 = arith.constant 0 : i32
      %add3A_571 = vector.broadcast %add3A_570 : i32 to vector<16xi32>
      %add3A_572 = arith.addi %get3A_569, %add3A_571 : vector<16xi32>
      %gather3A = tpu.vector_load_idx %arg6[%add3A_572] : memref<10240xf32, #tpu.memory_space<vmem>>[vector<16xi32>], vector<16xf32>,
      %mul3A_573 = arith.constant 16 : i32
      %mul3A_574 = arith.muli %scan3A_565, %mul3A_573 : i32
      %get3A_575 = arith.index_cast %mul3A_574 : i32 to index
      %get3A_576 = tpu.vector_load %arg8[%get3A_575] {strides = array<i32>} : memref<2048xi32, #tpu.memory_space<vmem>>, vector<16xi32>,
      %add3A_577 = arith.constant 0 : i32
      %add3A_578 = vector.broadcast %add3A_577 : i32 to vector<16xi32>
      %add3A_579 = arith.addi %get3A_576, %add3A_578 : vector<16xi32>
      %gather3A_580 = tpu.vector_load_idx %arg6[%add3A_579] : memref<10240xf32, #tpu.memory_space<vmem>>[vector<16xi32>], vector<16xf32>,
      %sub3A = arith.subf %gather3A, %gather3A_580 : vector<16xf32>
      %mul3A_581 = arith.constant 16 : i32
      %mul3A_582 = arith.muli %scan3A_565, %mul3A_581 : i32
      %swap3A = arith.constant 0 : i32
      %swap3A_583 = arith.index_cast %swap3A : i32 to index
      %swap3A_584 = arith.index_cast %mul3A_582 : i32 to index
      %swap3A_585 = tpu.vector_load %arg9[%swap3A_583, %swap3A_584] {strides = array<i32>} : memref<1x2048xf32, #tpu.memory_space<vmem>>, vector<16xf32>,
      tpu.vector_store %arg9[%swap3A_583, %swap3A_584], %sub3A {strides = array<i32>} : memref<1x2048xf32, #tpu.memory_space<vmem>>, vector<16xf32>,
      %scan3A_586 = arith.constant 0 : i32
      scf.yield %scan3A_586 : i32
    }
    %scan3A_533 = arith.constant 128 : i32
    %add3A_534 = arith.constant 14336 : i32
    %add3A_535 = arith.addi %mul3A_2, %add3A_534 : i32
    %run_scoped3A_536 = arith.constant 3 : i32
    "tpu.region"() ({
      %run_scoped3A_565 = tpu.sem_alloc : memref<!tpu.dma_semaphore, #tpu.memory_space<semaphore_mem>>
      %dma_start3A = arith.constant 0 : i32
      %dma_start3A_566 = tpu.memref_slice %arg5[%run_scoped3A_536, %dma_start3A, %add3A_535] : memref<4x1x655360xf32, #tpu.memory_space<hbm>> -> memref<1x1x2048xf32, #tpu.memory_space<hbm>>
      %dma_start3A_567 = tpu.memref_squeeze %dma_start3A_566 : memref<1x1x2048xf32, #tpu.memory_space<hbm>> -> memref<1x2048xf32, #tpu.memory_space<hbm>>
      %dma_start3A_568 = arith.constant 0 : i32
      %dma_start3A_569 = tpu.memref_slice %arg5[%run_scoped3A_536, %dma_start3A_568, %add3A_535] : memref<4x1x655360xf32, #tpu.memory_space<hbm>> -> memref<1x1x2048xf32, #tpu.memory_space<hbm>>
      %dma_start3A_570 = tpu.memref_squeeze %dma_start3A_569 : memref<1x1x2048xf32, #tpu.memory_space<hbm>> -> memref<1x2048xf32, #tpu.memory_space<hbm>>
      tpu.enqueue_dma source(%arg9 : memref<1x2048xf32, #tpu.memory_space<vmem>>) target(%dma_start3A_570 : memref<1x2048xf32, #tpu.memory_space<hbm>>) target_semaphore(%run_scoped3A_565 : memref<!tpu.dma_semaphore, #tpu.memory_space<semaphore_mem>>)
      %dma_wait3A = arith.constant 0 : i32
      %dma_wait3A_571 = tpu.memref_slice %arg5[%run_scoped3A_536, %dma_wait3A, %add3A_535] : memref<4x1x655360xf32, #tpu.memory_space<hbm>> -> memref<1x1x2048xf32, #tpu.memory_space<hbm>>
      %dma_wait3A_572 = tpu.memref_squeeze %dma_wait3A_571 : memref<1x1x2048xf32, #tpu.memory_space<hbm>> -> memref<1x2048xf32, #tpu.memory_space<hbm>>
      %dma_wait3A_573 = arith.constant 0 : i32
      %dma_wait3A_574 = tpu.memref_slice %arg5[%run_scoped3A_536, %dma_wait3A_573, %add3A_535] : memref<4x1x655360xf32, #tpu.memory_space<hbm>> -> memref<1x1x2048xf32, #tpu.memory_space<hbm>>
      %dma_wait3A_575 = tpu.memref_squeeze %dma_wait3A_574 : memref<1x1x2048xf32, #tpu.memory_space<hbm>> -> memref<1x2048xf32, #tpu.memory_space<hbm>>
      tpu.wait_dma2 semaphore(%run_scoped3A_565 : memref<!tpu.dma_semaphore, #tpu.memory_space<semaphore_mem>>) src(%arg9 : memref<1x2048xf32, #tpu.memory_space<vmem>>) dst(%dma_wait3A_575 : memref<1x2048xf32, #tpu.memory_space<hbm>>)
      tpu.yield
    }) : () -> ()
    %add3A_537 = arith.constant 16384 : i32
    %add3A_538 = arith.addi %mul3A_2, %add3A_537 : i32
    "tpu.region"() ({
      %run_scoped3A_565 = tpu.sem_alloc : memref<!tpu.dma_semaphore, #tpu.memory_space<semaphore_mem>>
      %dma_start3A = tpu.memref_slice %arg3[%add3A_538] : memref<655360xi32, #tpu.memory_space<hbm>> -> memref<2048xi32, #tpu.memory_space<hbm>>
      %dma_start3A_566 = tpu.memref_slice %arg3[%add3A_538] : memref<655360xi32, #tpu.memory_space<hbm>> -> memref<2048xi32, #tpu.memory_space<hbm>>
      tpu.enqueue_dma source(%dma_start3A_566 : memref<2048xi32, #tpu.memory_space<hbm>>) target(%arg7 : memref<2048xi32, #tpu.memory_space<vmem>>) target_semaphore(%run_scoped3A_565 : memref<!tpu.dma_semaphore, #tpu.memory_space<semaphore_mem>>)
      %dma_wait3A = tpu.memref_slice %arg3[%add3A_538] : memref<655360xi32, #tpu.memory_space<hbm>> -> memref<2048xi32, #tpu.memory_space<hbm>>
      %dma_wait3A_567 = tpu.memref_slice %arg3[%add3A_538] : memref<655360xi32, #tpu.memory_space<hbm>> -> memref<2048xi32, #tpu.memory_space<hbm>>
      tpu.wait_dma2 semaphore(%run_scoped3A_565 : memref<!tpu.dma_semaphore, #tpu.memory_space<semaphore_mem>>) src(%dma_wait3A_567 : memref<2048xi32, #tpu.memory_space<hbm>>) dst(%arg7 : memref<2048xi32, #tpu.memory_space<vmem>>)
      tpu.yield
    }) : () -> ()
    %add3A_539 = arith.constant 16384 : i32
    %add3A_540 = arith.addi %mul3A_2, %add3A_539 : i32
    "tpu.region"() ({
      %run_scoped3A_565 = tpu.sem_alloc : memref<!tpu.dma_semaphore, #tpu.memory_space<semaphore_mem>>
      %dma_start3A = tpu.memref_slice %arg4[%add3A_540] : memref<655360xi32, #tpu.memory_space<hbm>> -> memref<2048xi32, #tpu.memory_space<hbm>>
      %dma_start3A_566 = tpu.memref_slice %arg4[%add3A_540] : memref<655360xi32, #tpu.memory_space<hbm>> -> memref<2048xi32, #tpu.memory_space<hbm>>
      tpu.enqueue_dma source(%dma_start3A_566 : memref<2048xi32, #tpu.memory_space<hbm>>) target(%arg8 : memref<2048xi32, #tpu.memory_space<vmem>>) target_semaphore(%run_scoped3A_565 : memref<!tpu.dma_semaphore, #tpu.memory_space<semaphore_mem>>)
      %dma_wait3A = tpu.memref_slice %arg4[%add3A_540] : memref<655360xi32, #tpu.memory_space<hbm>> -> memref<2048xi32, #tpu.memory_space<hbm>>
      %dma_wait3A_567 = tpu.memref_slice %arg4[%add3A_540] : memref<655360xi32, #tpu.memory_space<hbm>> -> memref<2048xi32, #tpu.memory_space<hbm>>
      tpu.wait_dma2 semaphore(%run_scoped3A_565 : memref<!tpu.dma_semaphore, #tpu.memory_space<semaphore_mem>>) src(%dma_wait3A_567 : memref<2048xi32, #tpu.memory_space<hbm>>) dst(%arg8 : memref<2048xi32, #tpu.memory_space<vmem>>)
      tpu.yield
    }) : () -> ()
    %scan3A_541 = arith.constant 0 : i32
    %scan3A_542 = arith.constant 0 : i32
    %scan3A_543 = arith.constant 128 : i32
    %scan3A_544 = arith.addi %scan3A_542, %scan3A_543 : i32
    %scan3A_545 = arith.constant 1 : i32
    %scan3A_546 = scf.for %scan3A_565 = %scan3A_542 to %scan3A_544 step %scan3A_545 iter_args(%scan3A_566 = %scan3A_541) -> (i32)  : i32 {
      %mul3A_567 = arith.constant 16 : i32
      %mul3A_568 = arith.muli %scan3A_565, %mul3A_567 : i32
      %get3A = arith.index_cast %mul3A_568 : i32 to index
      %get3A_569 = tpu.vector_load %arg7[%get3A] {strides = array<i32>} : memref<2048xi32, #tpu.memory_space<vmem>>, vector<16xi32>,
      %add3A_570 = arith.constant 0 : i32
      %add3A_571 = vector.broadcast %add3A_570 : i32 to vector<16xi32>
      %add3A_572 = arith.addi %get3A_569, %add3A_571 : vector<16xi32>
      %gather3A = tpu.vector_load_idx %arg6[%add3A_572] : memref<10240xf32, #tpu.memory_space<vmem>>[vector<16xi32>], vector<16xf32>,
      %mul3A_573 = arith.constant 16 : i32
      %mul3A_574 = arith.muli %scan3A_565, %mul3A_573 : i32
      %get3A_575 = arith.index_cast %mul3A_574 : i32 to index
      %get3A_576 = tpu.vector_load %arg8[%get3A_575] {strides = array<i32>} : memref<2048xi32, #tpu.memory_space<vmem>>, vector<16xi32>,
      %add3A_577 = arith.constant 0 : i32
      %add3A_578 = vector.broadcast %add3A_577 : i32 to vector<16xi32>
      %add3A_579 = arith.addi %get3A_576, %add3A_578 : vector<16xi32>
      %gather3A_580 = tpu.vector_load_idx %arg6[%add3A_579] : memref<10240xf32, #tpu.memory_space<vmem>>[vector<16xi32>], vector<16xf32>,
      %sub3A = arith.subf %gather3A, %gather3A_580 : vector<16xf32>
      %mul3A_581 = arith.constant 16 : i32
      %mul3A_582 = arith.muli %scan3A_565, %mul3A_581 : i32
      %swap3A = arith.constant 0 : i32
      %swap3A_583 = arith.index_cast %swap3A : i32 to index
      %swap3A_584 = arith.index_cast %mul3A_582 : i32 to index
      %swap3A_585 = tpu.vector_load %arg9[%swap3A_583, %swap3A_584] {strides = array<i32>} : memref<1x2048xf32, #tpu.memory_space<vmem>>, vector<16xf32>,
      tpu.vector_store %arg9[%swap3A_583, %swap3A_584], %sub3A {strides = array<i32>} : memref<1x2048xf32, #tpu.memory_space<vmem>>, vector<16xf32>,
      %scan3A_586 = arith.constant 0 : i32
      scf.yield %scan3A_586 : i32
    }
    %scan3A_547 = arith.constant 128 : i32
    %add3A_548 = arith.constant 16384 : i32
    %add3A_549 = arith.addi %mul3A_2, %add3A_548 : i32
    %run_scoped3A_550 = arith.constant 3 : i32
    "tpu.region"() ({
      %run_scoped3A_565 = tpu.sem_alloc : memref<!tpu.dma_semaphore, #tpu.memory_space<semaphore_mem>>
      %dma_start3A = arith.constant 0 : i32
      %dma_start3A_566 = tpu.memref_slice %arg5[%run_scoped3A_550, %dma_start3A, %add3A_549] : memref<4x1x655360xf32, #tpu.memory_space<hbm>> -> memref<1x1x2048xf32, #tpu.memory_space<hbm>>
      %dma_start3A_567 = tpu.memref_squeeze %dma_start3A_566 : memref<1x1x2048xf32, #tpu.memory_space<hbm>> -> memref<1x2048xf32, #tpu.memory_space<hbm>>
      %dma_start3A_568 = arith.constant 0 : i32
      %dma_start3A_569 = tpu.memref_slice %arg5[%run_scoped3A_550, %dma_start3A_568, %add3A_549] : memref<4x1x655360xf32, #tpu.memory_space<hbm>> -> memref<1x1x2048xf32, #tpu.memory_space<hbm>>
      %dma_start3A_570 = tpu.memref_squeeze %dma_start3A_569 : memref<1x1x2048xf32, #tpu.memory_space<hbm>> -> memref<1x2048xf32, #tpu.memory_space<hbm>>
      tpu.enqueue_dma source(%arg9 : memref<1x2048xf32, #tpu.memory_space<vmem>>) target(%dma_start3A_570 : memref<1x2048xf32, #tpu.memory_space<hbm>>) target_semaphore(%run_scoped3A_565 : memref<!tpu.dma_semaphore, #tpu.memory_space<semaphore_mem>>)
      %dma_wait3A = arith.constant 0 : i32
      %dma_wait3A_571 = tpu.memref_slice %arg5[%run_scoped3A_550, %dma_wait3A, %add3A_549] : memref<4x1x655360xf32, #tpu.memory_space<hbm>> -> memref<1x1x2048xf32, #tpu.memory_space<hbm>>
      %dma_wait3A_572 = tpu.memref_squeeze %dma_wait3A_571 : memref<1x1x2048xf32, #tpu.memory_space<hbm>> -> memref<1x2048xf32, #tpu.memory_space<hbm>>
      %dma_wait3A_573 = arith.constant 0 : i32
      %dma_wait3A_574 = tpu.memref_slice %arg5[%run_scoped3A_550, %dma_wait3A_573, %add3A_549] : memref<4x1x655360xf32, #tpu.memory_space<hbm>> -> memref<1x1x2048xf32, #tpu.memory_space<hbm>>
      %dma_wait3A_575 = tpu.memref_squeeze %dma_wait3A_574 : memref<1x1x2048xf32, #tpu.memory_space<hbm>> -> memref<1x2048xf32, #tpu.memory_space<hbm>>
      tpu.wait_dma2 semaphore(%run_scoped3A_565 : memref<!tpu.dma_semaphore, #tpu.memory_space<semaphore_mem>>) src(%arg9 : memref<1x2048xf32, #tpu.memory_space<vmem>>) dst(%dma_wait3A_575 : memref<1x2048xf32, #tpu.memory_space<hbm>>)
      tpu.yield
    }) : () -> ()
    %add3A_551 = arith.constant 18432 : i32
    %add3A_552 = arith.addi %mul3A_2, %add3A_551 : i32
    "tpu.region"() ({
      %run_scoped3A_565 = tpu.sem_alloc : memref<!tpu.dma_semaphore, #tpu.memory_space<semaphore_mem>>
      %dma_start3A = tpu.memref_slice %arg3[%add3A_552] : memref<655360xi32, #tpu.memory_space<hbm>> -> memref<2048xi32, #tpu.memory_space<hbm>>
      %dma_start3A_566 = tpu.memref_slice %arg3[%add3A_552] : memref<655360xi32, #tpu.memory_space<hbm>> -> memref<2048xi32, #tpu.memory_space<hbm>>
      tpu.enqueue_dma source(%dma_start3A_566 : memref<2048xi32, #tpu.memory_space<hbm>>) target(%arg7 : memref<2048xi32, #tpu.memory_space<vmem>>) target_semaphore(%run_scoped3A_565 : memref<!tpu.dma_semaphore, #tpu.memory_space<semaphore_mem>>)
      %dma_wait3A = tpu.memref_slice %arg3[%add3A_552] : memref<655360xi32, #tpu.memory_space<hbm>> -> memref<2048xi32, #tpu.memory_space<hbm>>
      %dma_wait3A_567 = tpu.memref_slice %arg3[%add3A_552] : memref<655360xi32, #tpu.memory_space<hbm>> -> memref<2048xi32, #tpu.memory_space<hbm>>
      tpu.wait_dma2 semaphore(%run_scoped3A_565 : memref<!tpu.dma_semaphore, #tpu.memory_space<semaphore_mem>>) src(%dma_wait3A_567 : memref<2048xi32, #tpu.memory_space<hbm>>) dst(%arg7 : memref<2048xi32, #tpu.memory_space<vmem>>)
      tpu.yield
    }) : () -> ()
    %add3A_553 = arith.constant 18432 : i32
    %add3A_554 = arith.addi %mul3A_2, %add3A_553 : i32
    "tpu.region"() ({
      %run_scoped3A_565 = tpu.sem_alloc : memref<!tpu.dma_semaphore, #tpu.memory_space<semaphore_mem>>
      %dma_start3A = tpu.memref_slice %arg4[%add3A_554] : memref<655360xi32, #tpu.memory_space<hbm>> -> memref<2048xi32, #tpu.memory_space<hbm>>
      %dma_start3A_566 = tpu.memref_slice %arg4[%add3A_554] : memref<655360xi32, #tpu.memory_space<hbm>> -> memref<2048xi32, #tpu.memory_space<hbm>>
      tpu.enqueue_dma source(%dma_start3A_566 : memref<2048xi32, #tpu.memory_space<hbm>>) target(%arg8 : memref<2048xi32, #tpu.memory_space<vmem>>) target_semaphore(%run_scoped3A_565 : memref<!tpu.dma_semaphore, #tpu.memory_space<semaphore_mem>>)
      %dma_wait3A = tpu.memref_slice %arg4[%add3A_554] : memref<655360xi32, #tpu.memory_space<hbm>> -> memref<2048xi32, #tpu.memory_space<hbm>>
      %dma_wait3A_567 = tpu.memref_slice %arg4[%add3A_554] : memref<655360xi32, #tpu.memory_space<hbm>> -> memref<2048xi32, #tpu.memory_space<hbm>>
      tpu.wait_dma2 semaphore(%run_scoped3A_565 : memref<!tpu.dma_semaphore, #tpu.memory_space<semaphore_mem>>) src(%dma_wait3A_567 : memref<2048xi32, #tpu.memory_space<hbm>>) dst(%arg8 : memref<2048xi32, #tpu.memory_space<vmem>>)
      tpu.yield
    }) : () -> ()
    %scan3A_555 = arith.constant 0 : i32
    %scan3A_556 = arith.constant 0 : i32
    %scan3A_557 = arith.constant 128 : i32
    %scan3A_558 = arith.addi %scan3A_556, %scan3A_557 : i32
    %scan3A_559 = arith.constant 1 : i32
    %scan3A_560 = scf.for %scan3A_565 = %scan3A_556 to %scan3A_558 step %scan3A_559 iter_args(%scan3A_566 = %scan3A_555) -> (i32)  : i32 {
      %mul3A_567 = arith.constant 16 : i32
      %mul3A_568 = arith.muli %scan3A_565, %mul3A_567 : i32
      %get3A = arith.index_cast %mul3A_568 : i32 to index
      %get3A_569 = tpu.vector_load %arg7[%get3A] {strides = array<i32>} : memref<2048xi32, #tpu.memory_space<vmem>>, vector<16xi32>,
      %add3A_570 = arith.constant 0 : i32
      %add3A_571 = vector.broadcast %add3A_570 : i32 to vector<16xi32>
      %add3A_572 = arith.addi %get3A_569, %add3A_571 : vector<16xi32>
      %gather3A = tpu.vector_load_idx %arg6[%add3A_572] : memref<10240xf32, #tpu.memory_space<vmem>>[vector<16xi32>], vector<16xf32>,
      %mul3A_573 = arith.constant 16 : i32
      %mul3A_574 = arith.muli %scan3A_565, %mul3A_573 : i32
      %get3A_575 = arith.index_cast %mul3A_574 : i32 to index
      %get3A_576 = tpu.vector_load %arg8[%get3A_575] {strides = array<i32>} : memref<2048xi32, #tpu.memory_space<vmem>>, vector<16xi32>,
      %add3A_577 = arith.constant 0 : i32
      %add3A_578 = vector.broadcast %add3A_577 : i32 to vector<16xi32>
      %add3A_579 = arith.addi %get3A_576, %add3A_578 : vector<16xi32>
      %gather3A_580 = tpu.vector_load_idx %arg6[%add3A_579] : memref<10240xf32, #tpu.memory_space<vmem>>[vector<16xi32>], vector<16xf32>,
      %sub3A = arith.subf %gather3A, %gather3A_580 : vector<16xf32>
      %mul3A_581 = arith.constant 16 : i32
      %mul3A_582 = arith.muli %scan3A_565, %mul3A_581 : i32
      %swap3A = arith.constant 0 : i32
      %swap3A_583 = arith.index_cast %swap3A : i32 to index
      %swap3A_584 = arith.index_cast %mul3A_582 : i32 to index
      %swap3A_585 = tpu.vector_load %arg9[%swap3A_583, %swap3A_584] {strides = array<i32>} : memref<1x2048xf32, #tpu.memory_space<vmem>>, vector<16xf32>,
      tpu.vector_store %arg9[%swap3A_583, %swap3A_584], %sub3A {strides = array<i32>} : memref<1x2048xf32, #tpu.memory_space<vmem>>, vector<16xf32>,
      %scan3A_586 = arith.constant 0 : i32
      scf.yield %scan3A_586 : i32
    }
    %scan3A_561 = arith.constant 128 : i32
    %add3A_562 = arith.constant 18432 : i32
    %add3A_563 = arith.addi %mul3A_2, %add3A_562 : i32
    %run_scoped3A_564 = arith.constant 3 : i32
    "tpu.region"() ({
      %run_scoped3A_565 = tpu.sem_alloc : memref<!tpu.dma_semaphore, #tpu.memory_space<semaphore_mem>>
      %dma_start3A = arith.constant 0 : i32
      %dma_start3A_566 = tpu.memref_slice %arg5[%run_scoped3A_564, %dma_start3A, %add3A_563] : memref<4x1x655360xf32, #tpu.memory_space<hbm>> -> memref<1x1x2048xf32, #tpu.memory_space<hbm>>
      %dma_start3A_567 = tpu.memref_squeeze %dma_start3A_566 : memref<1x1x2048xf32, #tpu.memory_space<hbm>> -> memref<1x2048xf32, #tpu.memory_space<hbm>>
      %dma_start3A_568 = arith.constant 0 : i32
      %dma_start3A_569 = tpu.memref_slice %arg5[%run_scoped3A_564, %dma_start3A_568, %add3A_563] : memref<4x1x655360xf32, #tpu.memory_space<hbm>> -> memref<1x1x2048xf32, #tpu.memory_space<hbm>>
      %dma_start3A_570 = tpu.memref_squeeze %dma_start3A_569 : memref<1x1x2048xf32, #tpu.memory_space<hbm>> -> memref<1x2048xf32, #tpu.memory_space<hbm>>
      tpu.enqueue_dma source(%arg9 : memref<1x2048xf32, #tpu.memory_space<vmem>>) target(%dma_start3A_570 : memref<1x2048xf32, #tpu.memory_space<hbm>>) target_semaphore(%run_scoped3A_565 : memref<!tpu.dma_semaphore, #tpu.memory_space<semaphore_mem>>)
      %dma_wait3A = arith.constant 0 : i32
      %dma_wait3A_571 = tpu.memref_slice %arg5[%run_scoped3A_564, %dma_wait3A, %add3A_563] : memref<4x1x655360xf32, #tpu.memory_space<hbm>> -> memref<1x1x2048xf32, #tpu.memory_space<hbm>>
      %dma_wait3A_572 = tpu.memref_squeeze %dma_wait3A_571 : memref<1x1x2048xf32, #tpu.memory_space<hbm>> -> memref<1x2048xf32, #tpu.memory_space<hbm>>
      %dma_wait3A_573 = arith.constant 0 : i32
      %dma_wait3A_574 = tpu.memref_slice %arg5[%run_scoped3A_564, %dma_wait3A_573, %add3A_563] : memref<4x1x655360xf32, #tpu.memory_space<hbm>> -> memref<1x1x2048xf32, #tpu.memory_space<hbm>>
      %dma_wait3A_575 = tpu.memref_squeeze %dma_wait3A_574 : memref<1x1x2048xf32, #tpu.memory_space<hbm>> -> memref<1x2048xf32, #tpu.memory_space<hbm>>
      tpu.wait_dma2 semaphore(%run_scoped3A_565 : memref<!tpu.dma_semaphore, #tpu.memory_space<semaphore_mem>>) src(%arg9 : memref<1x2048xf32, #tpu.memory_space<vmem>>) dst(%dma_wait3A_575 : memref<1x2048xf32, #tpu.memory_space<hbm>>)
      tpu.yield
    }) : () -> ()
    return
  }
}

</mosaic_0001>

<sc_bundles>
// kernel: _sc_gather.3.cloned.1.call-start
scs
__scs_entry_jumppad:
0x0: {  	(pc) =	sbr.rel $0x88, $3  }
0x1: {  	(tag) =	ssettag $0x0;
	lr =	simm.s32 $0x1  }
0x2: {  	[smem:$0x3F9E] =	sst lr;
	_ =	strace $0xD0000000  }
0x3: {  	_ = 	snop  }
0x4: {  	_ = 	snop  }
0x5: {  	_ = 	snop  }
0x6: {  	_ = 	snop  }
0x7: {  	_ = 	snop  }
__scs_overlays_trampoline_lowered:
0x8: {  	[smem:$0x3FAD] =	sst s0  }
0x9: {  	[smem:$0x3FAE] =	sst s1  }
0xa: {  	[smem:$0x3FAF] =	sst s2  }
0xb: {  	[smem:$0x3FB0] =	sst s3  }
0xc: {  	[smem:$0x3FB1] =	sst s4  }
0xd: {  	[smem:$0x3FB2] =	sst s5  }
0xe: {  	[smem:$0x3FB3] =	sst s6  }
0xf: {  	[smem:$0x3FB4] =	sst s7  }
0x10: {  	[smem:$0x3FB5] =	sst s8  }
0x11: {  	[smem:$0x3FB6] =	sst s9;
	s0 =	simm.s32 @!p0 $0x0  }
0x12: {  	s1 =	sld [smem:$0x3F9C];
	s0 =	simm.s32 @p0 $0x1  }
0x13: {  	[smem:$0x3FB7] =	sst s0;
	s0 =	simm.s32 @!p1 $0x0  }
0x14: {  	s2 =	sld [smem:$0x3F9B];
	s0 =	simm.s32 @p1 $0x1  }
0x15: {  	[smem:$0x3FB8] =	sst s0;
	s0 =	simm.s32 @!p2 $0x0  }
0x16: {  	s3 =	sld [smem:$0x3FDB];
	s0 =	simm.s32 @p2 $0x1  }
0x17: {  	s4 =	simm.s32 $0x1BF5;
	[smem:$0x3FBA] =	sst s0  }
0x18: {  	s0 =	sld [smem:$0x3F9D];
	_ =	swait.ge [sflag:s4], $0x0  }
0x19: {  	s7 =	sld [smem:$0x3F9E]  }
0x1a: {  	s8 =	sadd.s32 $0xFFFFE003, lr  }
0x1b: {  	s9 =	sadd.s32 $0xFFFFFEF7, lr;
	s5 =	simm.s32 $0xFFFFFFFF;
	p2 =	slt.u32 s8, $0xFFFFF086  }
0x1c: {  	p1 =	slt.u32 s9, $0xF7A;
	s5 =	simm.s32 @!p2 $0x0  }
0x1d: {  	s5 =	simm.s32 @p1 $0x1;
	p0 =	seq.s32 s7, s2  }
0x1e: {  	s7 =	smul.u32 @!p0 $0xF7A, s2;
	p2 =	seq.s32 @!p0 s5, $0x0  }
0x1f: {  	s9 =	smul.u32 $0xF7A, s1;
	s8 =	simm.s32 @!p0 $0x1BF5;
	p2 =	por !p2, p0  }
0x20: {  	[sflag:s8] =	ssyncset.s32 @!p0 $0xFFFFF086;
	s6 =	sadd.s32 @!p0 s3, s7;
	s7 =	simm.s32 @!p0 $0x108  }
0x21: {  	s3 =	sadd.s32 s3, s9;
	s6 =	sadd.s32 @!p0 $0x88, s6;
	s7 =	simm.s32 @p2 $0x1082  }
0x22: {  	[simem:s7], [sflag:s8] =	dma.local @!p0 [hbm:s6], $0xF7A  }
0x23: {  	s9 =	sor.u32 $0xD0000000, s2;
	s6 =	simm.s32 $0x108;
	_ =	swait.ge @!p0 [sflag:s8], $0x0  }
0x24: {  	s3 =	sadd.s32 $0x88, s3;
	s6 =	simm.s32 @!p1 $0x1082;
	[sflag:s4] =	ssyncset.s32 $0xFFFFF086  }
0x25: {  	[simem:s6], [sflag:s4] =	dma.local [hbm:s3], $0xF7A  }
0x26: {  	[smem:$0x3F9E] =	sst s1;
	(tag) =	ssettag s2;
	_ =	strace s9  }
0x27: {  	s1 =	sld [smem:$0x3FAE]  }
0x28: {  	s2 =	sld [smem:$0x3FAF]  }
0x29: {  	s4 =	sld [smem:$0x3FB1]  }
0x2a: {  	p0 =	seq.s32 s5, $0x0;
	s5 =	sld [smem:$0x3FB2]  }
0x2b: {  	s6 =	sld [smem:$0x3FB3]  }
0x2c: {  	s7 =	sld [smem:$0x3FB4]  }
0x2d: {  	s3 =	simm.s32 $0x108;
	s8 =	sld [smem:$0x3FB5]  }
0x2e: {  	s3 =	simm.s32 @!p0 $0x1082;
	s9 =	sld [smem:$0x3FB6]  }
0x2f: {  	lr =	sadd.s32 s0, s3;
	s0 =	sld [smem:$0x3FAD]  }
0x30: {  	s3 =	sld [smem:$0x3FB0]  }
0x31: {  	[smem:$0x3FB9] =	sst s10  }
0x32: {  	s10 =	sld [smem:$0x3FB7];
	_ =	sdelay $0x3  }
0x33: {  	p0 =	seq.s32 s10, $0x1;
	s10 =	sld [smem:$0x3FB9];
	_ =	sdelay $0x3  }
0x34: {  	[smem:$0x3FB9] =	sst s10  }
0x35: {  	s10 =	sld [smem:$0x3FB8];
	_ =	sdelay $0x3  }
0x36: {  	p1 =	seq.s32 s10, $0x1;
	s10 =	sld [smem:$0x3FB9];
	_ =	sdelay $0x3  }
0x37: {  	[smem:$0x3FB9] =	sst s10  }
0x38: {  	s10 =	sld [smem:$0x3FBA]  }
0x39: {  	_ = 	snop;
	(pc) =	sbr.ind lr, $3  }
0x3a: {  	_ = 	snop  }
0x3b: {  	_ = 	snop  }
0x3c: {  	p2 =	seq.s32 s10, $0x1;
	s10 =	sld [smem:$0x3FB9]  }
0x3d: {  	_ =	shalt  }
0x3e: {  	_ =	shalt  }
0x3f: {  	_ =	shalt  }
0x40: {  	_ =	shalt  }
0x41: {  	_ =	shalt  }
0x42: {  	_ =	shalt  }
0x43: {  	_ =	shalt  }
0x44: {  	_ =	shalt  }
0x45: {  	_ =	shalt  }
0x46: {  	_ =	shalt  }
0x47: {  	_ =	shalt  }
0x48: {  	_ =	shalt  }
0x49: {  	_ =	shalt  }
0x4a: {  	_ =	shalt  }
0x4b: {  	_ =	shalt  }
0x4c: {  	_ =	shalt  }
0x4d: {  	_ =	shalt  }
0x4e: {  	_ =	shalt  }
0x4f: {  	_ =	shalt  }
0x50: {  	_ =	shalt  }
0x51: {  	_ =	shalt  }
0x52: {  	_ =	shalt  }
0x53: {  	_ =	shalt  }
0x54: {  	_ =	shalt  }
0x55: {  	_ =	shalt  }
0x56: {  	_ =	shalt  }
0x57: {  	_ =	shalt  }
0x58: {  	_ =	shalt  }
0x59: {  	_ =	shalt  }
0x5a: {  	_ =	shalt  }
0x5b: {  	_ =	shalt  }
0x5c: {  	_ =	shalt  }
0x5d: {  	_ =	shalt  }
0x5e: {  	_ =	shalt  }
0x5f: {  	_ =	shalt  }
0x60: {  	_ =	shalt  }
0x61: {  	_ =	shalt  }
0x62: {  	_ =	shalt  }
0x63: {  	_ =	shalt  }
0x64: {  	_ =	shalt  }
0x65: {  	_ =	shalt  }
0x66: {  	_ =	shalt  }
0x67: {  	_ =	shalt  }
0x68: {  	_ =	shalt  }
0x69: {  	_ =	shalt  }
0x6a: {  	_ =	shalt  }
0x6b: {  	_ =	shalt  }
0x6c: {  	_ =	shalt  }
0x6d: {  	_ =	shalt  }
0x6e: {  	_ =	shalt  }
0x6f: {  	_ =	shalt  }
0x70: {  	_ =	shalt  }
0x71: {  	_ =	shalt  }
0x72: {  	_ =	shalt  }
0x73: {  	_ =	shalt  }
0x74: {  	_ =	shalt  }
0x75: {  	_ =	shalt  }
0x76: {  	_ =	shalt  }
0x77: {  	_ =	shalt  }
0x78: {  	_ =	shalt  }
0x79: {  	_ =	shalt  }
0x7a: {  	_ =	shalt  }
0x7b: {  	_ =	shalt  }
0x7c: {  	_ =	shalt  }
0x7d: {  	_ =	shalt  }
0x7e: {  	_ =	shalt  }
0x7f: {  	_ =	shalt  }
0x80: {  	_ =	shalt  }
0x81: {  	_ =	shalt  }
0x82: {  	_ =	shalt  }
0x83: {  	_ =	shalt  }
0x84: {  	_ =	shalt  }
0x85: {  	_ =	shalt  }
0x86: {  	_ =	shalt  }
0x87: {  	_ =	shalt  }
.Lfunc_end0:
.L_simem_size_0:
called_computation_lowered:
.L_overlay_start_0:
0x88: {  	s2 =	sld [smem:$0x3FD9]  }
0x89: {  	s3 =	sld [smem:$0x3FFE];
	_ =	sdelay $0x1  }
0x8a: {  	s1 =	srdreg.scid  }
0x8b: {  	s0 =	sand.u32 $0x1, s1  }
0x8c: {  	s18 =	sshll.u32 s0, $0xA;
	s2 =	sadd.s32 s3, s2  }
0x8d: {  	s2 =	sadd.s32 s2, s18  }
0x8e: {  	[smem:$0x3FC5] =	sst s2  }
0x8f: {  	_ = 	snop  }
0x90: {  	s2 =	sld [smem:$0x3FC9]  }
0x91: {  	s19 =	sld [smem:$0x3FC8]  }
0x92: {  	s4 =	sld [smem:$0x3FC7]  }
0x93: {  	s5 =	sld [smem:$0x3FD0];
	(tm) =	ssettm $0x1  }
0x94: {  	s6 =	sld [smem:$0x3FFB];
	_ =	sdelay $0x3  }
0x95: {  	_ =	strace s6  }
0x96: {  	s6 =	sld [smem:$0x3FFC];
	_ =	sdelay $0x3  }
0x97: {  	_ =	strace s6  }
0x98: {  	s6 =	sld [smem:$0x3FFD];
	_ =	sdelay $0x3  }
0x99: {  	_ =	strace s6  }
0x9a: {  	_ =	strace $0x8FFFFFFF  }
0x9b: {  	s20 =	sld [smem:$0x3FDB];
	_ =	sdelay $0x1  }
0x9c: {  	s7 =	simm.s32 $_scs_section_size  }
0x9d: {  	s8 =	simm.s32 $_size__tile_overlayer_lowered;
	s9 =	simm.s32 $_tile_overlayer_lowered  }
0x9e: {  	s23 =	simm.s32 $0x1BFF;
	s22 =	sshll.u32 s9, $0x1;
	s6 =	sadd.s32 s7, s20  }
0x9f: {  	s10 =	simm.s32 $0x0;
	s21 =	sshll.u32 s8, $0x1;
	s8 =	sadd.s32 s22, s6  }
0xa0: {  	[timem:s10], [sflag:s23] =	dma.local [hbm:s8], s21  }
0xa1: {  	_ =	swait.ge [sflag:s23], s21  }
0xa2: {  	s7 =	ssub.s32 $0x0, s21;
	[sflag:s23] =	ssyncset.done $0x0  }
0xa3: {  	[sflag:s23] =	ssyncadd.s32 s7;
	_ =	sdelay $0x1  }
0xa4: {  	s24 =	simm.s32 $0x1B8B  }
0xa5: {  	_ =	swait.ge [sflag:s24], $0x1  }
0xa6: {  	[sflag:s24] =	ssyncset.done $0x0  }
0xa7: {  	s25 =	simm.s32 $0x1B8E;
	[sflag:s24] =	ssyncadd.s32 $0xFFFFFFFF  }
0xa8: {  	s26 =	simm.s32 $execute0_lowered;
	[smem:$0x3FD2] =	sst s25  }
0xa9: {  	s7 =	sshll.u32 s26, $0x1;
	_ =	strace $0x80000046;
	[dreg:$0x1] =	wrdreg $0xFFFFFFFF  }
0xaa: {  	s28 =	simm.s32 $_size_execute0_lowered;
	s6 =	sadd.s32 s6, s7;
	[dreg:$0x0] =	wrdreg $0x0  }
0xab: {  	s7 =	sshll.u32 s28, $0x1;
	[dreg:$0x2] =	wrdreg s6  }
0xac: {  	[dreg:$0x3] =	wrdreg s7  }
0xad: {  	[dreg:$0x4] =	wrdreg $0xC0  }
0xae: {  	_ =	task [dreg:s10], $0x5FFFF  }
0xaf: {  	[dreg:$0x1] =	wrdreg $0xFFFFFFFF  }
0xb0: {  	[dreg:$0x0] =	wrdreg $0x60  }
0xb1: {  	[dreg:$0x2] =	wrdreg s2  }
0xb2: {  	[dreg:$0x3] =	wrdreg s19  }
0xb3: {  	[dreg:$0x4] =	wrdreg s4  }
0xb4: {  	[dreg:$0x5] =	wrdreg s5  }
0xb5: {  	[dreg:$0x6] =	wrdreg $0x9  }
0xb6: {  	_ =	task.clear_ibuf [dreg:s10], $0x7FFFF;
	_ =	strace $0x90000046  }
0xb7: {  	s29 =	simm.s32 $0x9;
	_ =	strace $0x80000048  }
0xb8: {  	_ =	swait.ge [sflag:s29], $0x1  }
0xb9: {  	[sflag:s29] =	ssyncadd.s32 $0xFFFFFFFF  }
0xba: {  	_ =	strace $0x90000048  }
0xbb: {  	_ =	sfence  }
0xbc: {  	s30 =	sld [smem:$0x0];
	_ =	sdelay $0x2  }
0xbd: {  	s31 =	sshll.u32 s1, $0xD;
	s1 =	sshrl.u32 s1, $0x2  }
0xbe: {  	s3 =	sand.u32 $0x4000, s31;
	s1 =	sadd.s32 s1, s30  }
0xbf: {  	s0 =	sor.u32 s3, s0;
	s1 =	sshll.u32 s1, $0x11  }
0xc0: {  	s0 =	sor.u32 s1, s0  }
0xc1: {  	s0 =	sadd.s32 $0x8F2B, s0  }
0xc2: {  	[sflag:s0] =	ssyncadd.remote.s32 $0x1  }
0xc3: {  	_ =	sfence.sel $0xFFFF  }
0xc4: {  	[dreg:$0x0] =	wrdreg $0xFFFFFFFF;
	(pc) =	sbr.abs _section_cstart, $3  }
0xc5: {  	[dreg:$0x1] =	wrdreg $0xFFFFFFFF  }
0xc6: {  	_ =	task.clear_ibuf [dreg:s10], $0x2FFFF;
	_ =	strace $0x9FFFFFFF  }
0xc7: {  	(tm) =	ssettm $0x7FFFFFFF  }
tec
execute0_lowered:
.L_overlay_start_1:
0x0: {  	(tag) =	ssettag $0x1  }
0x1: {  	s0 =	srdreg.scid;
	s1 =	stileid.u32  }
0x2: {  	s0 =	sand.u32 $0x1, s0;
	s1 =	sshll.u32 s1, $0x1  }
0x3: {  	s4 =	rddreg [dreg:$0x1];
	s1 =	sor.u32 s0, s1  }
0x4: {  	s7 =	rddreg [dreg:$0x2];
	s0 =	ssub.s32 $0x2, s0;
	s1 =	smul.u32 $0x5000, s1  }
0x5: {  	s10 =	rddreg [dreg:$0x3];
	s2 =	sshrl.u32 s0, $0x1  }
0x6: {  	s16 =	ssub.s32 s0, s2;
	s13 =	sshrl.u32 s1, $0x3;
	s1 =	simm.s32 $0x0  }
0x7: {  	s5 =	sor.u32 $0x100, s13;
	[smem:$0x7FF] =	sst s1;
	s21 =	sadd.s32 $0x200, s13  }
0x8: {  	s11 =	sadd.s32 $0x300, s13;
	s22 =	sadd.s32 $0x400, s13;
	s23 =	sadd.s32 $0x500, s13  }
0x9: {  	s19 =	sadd.s32 $0x600, s13;
	s24 =	sadd.s32 $0x700, s13;
	s25 =	sadd.s32 $0x800, s13  }
0xa: {  	s2 =	sadd.s32 s4, s5;
	s3 =	sadd.s32 s7, s5;
	s20 =	sadd.s32 s10, s5  }
0xb: {  	s5 =	sadd.s32 s4, s21;
	s6 =	sadd.s32 s7, s21;
	s0 =	sadd.s32 s10, s21  }
0xc: {  	s8 =	sadd.s32 s4, s11;
	s9 =	sadd.s32 s7, s11;
	s11 =	sadd.s32 s10, s11  }
0xd: {  	s12 =	sadd.s32 s7, s22;
	s14 =	sadd.s32 s4, s23;
	s15 =	sadd.s32 s7, s23  }
0xe: {  	s17 =	sadd.s32 s4, s19;
	s18 =	sadd.s32 s7, s19;
	[dreg:$0x5] =	wrdreg s20  }
0xf: {  	s19 =	sadd.s32 s10, s19;
	s21 =	sadd.s32 s7, s24;
	[dreg:$0x6] =	wrdreg s0  }
0x10: {  	s26 =	sadd.s32 s4, s25;
	[dreg:$0x7] =	wrdreg s11;
	s11 =	sadd.s32 s4, s22  }
0x11: {  	s0 =	sadd.s32 s10, s22;
	[dreg:$0xa] =	wrdreg s19;
	s20 =	sadd.s32 s4, s24  }
0x12: {  	s19 =	sadd.s32 s10, s13;
	[dreg:$0x8] =	wrdreg s0;
	s0 =	sadd.s32 s10, s23  }
0x13: {  	s23 =	sadd.s32 s4, s13;
	[dreg:$0x9] =	wrdreg s0;
	s0 =	sadd.s32 s10, s24  }
0x14: {  	s24 =	sadd.s32 s7, s13;
	s13 =	sadd.s32 $0x900, s13;
	[dreg:$0xb] =	wrdreg s0  }
0x15: {  	s0 =	sadd.s32 s10, s25;
	s31 =	sadd.s32 s4, s13;
	s4 =	rddreg [dreg:$0x0]  }
0x16: {  	[dreg:$0xd] =	wrdreg s0;
	s0 =	sadd.s32 s7, s13;
	s13 =	sadd.s32 s10, s13  }
0x17: {  	s29 =	sadd.s32 s7, s25;
	s22 =	smax.u32 s16, $0x1;
	[dreg:$0xe] =	wrdreg s13  }
0x18: {  	s25 =	sadd.s32 $0x10, s4;
	_ =	strace $0x80000047;
	[dreg:$0xf] =	wrdreg s22  }
0x19: {  	s10 =	sadd.s32 $0x14000, s19;
	[dreg:$0x10] =	wrdreg s25  }
0x1a: {  	s13 =	sadd.s32 $0x14100, s19;
	[dreg:$0x11] =	wrdreg s10  }
0x1b: {  	s16 =	sadd.s32 $0x14200, s19;
	[dreg:$0x12] =	wrdreg s13  }
0x1c: {  	s7 =	sadd.s32 $0x3C400, s19;
	[dreg:$0x13] =	wrdreg s16  }
0x1d: {  	[smem:$0x7F8] =	sst s7  }
0x1e: {  	s22 =	sadd.s32 $0x14300, s19;
	[dreg:$0xc] =	wrdreg s19  }
0x1f: {  	s25 =	sadd.s32 $0x14400, s19;
	[dreg:$0x14] =	wrdreg s22  }
0x20: {  	s10 =	sadd.s32 $0x14500, s19;
	[dreg:$0x15] =	wrdreg s25  }
0x21: {  	s13 =	sadd.s32 $0x14600, s19;
	[dreg:$0x16] =	wrdreg s10  }
0x22: {  	s16 =	sadd.s32 $0x14700, s19;
	[dreg:$0x17] =	wrdreg s13  }
0x23: {  	[dreg:$0x18] =	wrdreg s16;
	s22 =	sadd.s32 $0x14800, s19  }
0x24: {  	s25 =	sadd.s32 $0x14900, s19;
	[dreg:$0x19] =	wrdreg s22  }
0x25: {  	s10 =	sadd.s32 $0x20, s4;
	[dreg:$0x1a] =	wrdreg s25  }
0x26: {  	s13 =	sadd.s32 $0x28000, s19;
	[dreg:$0x1b] =	wrdreg s10  }
0x27: {  	s16 =	sadd.s32 $0x28100, s19;
	[dreg:$0x1c] =	wrdreg s13  }
0x28: {  	s4 =	sadd.s32 $0x30, s4;
	[dreg:$0x1d] =	wrdreg s16  }
0x29: {  	s22 =	sadd.s32 $0x28200, s19;
	[smem:$0x7F3] =	sst s4  }
0x2a: {  	s25 =	sadd.s32 $0x28300, s19;
	[dreg:$0x1e] =	wrdreg s22  }
0x2b: {  	s10 =	sadd.s32 $0x28400, s19;
	[dreg:$0x1f] =	wrdreg s25  }
0x2c: {  	s13 =	sadd.s32 $0x28500, s19;
	[smem:$0x7ED] =	sst s10  }
0x2d: {  	s16 =	sadd.s32 $0x28600, s19;
	[smem:$0x7EE] =	sst s13  }
0x2e: {  	[smem:$0x7EF] =	sst s16;
	s22 =	sadd.s32 $0x28700, s19  }
0x2f: {  	s25 =	sadd.s32 $0x28800, s19;
	[smem:$0x7F0] =	sst s22  }
0x30: {  	s10 =	sadd.s32 $0x28900, s19;
	[smem:$0x7F1] =	sst s25  }
0x31: {  	s13 =	sadd.s32 $0x3C000, s19;
	[smem:$0x7F2] =	sst s10  }
0x32: {  	s16 =	sadd.s32 $0x3C100, s19;
	[smem:$0x7F4] =	sst s13  }
0x33: {  	[smem:$0x7F5] =	sst s16;
	s22 =	sadd.s32 $0x3C200, s19  }
0x34: {  	s25 =	sadd.s32 $0x3C300, s19;
	[smem:$0x7F6] =	sst s22  }
0x35: {  	s30 =	simm.s32 $0x80;
	s10 =	sadd.s32 $0x3C500, s19;
	[smem:$0x7F7] =	sst s25  }
0x36: {  	s28 =	simm.s32 $0x200;
	s13 =	sadd.s32 $0x3C600, s19;
	[smem:$0x7F9] =	sst s10  }
0x37: {  	s7 =	simm.s32 $0x2800;
	s16 =	sadd.s32 $0x3C700, s19;
	[smem:$0x7FA] =	sst s13  }
0x38: {  	s4 =	simm.s32 $0x1;
	[smem:$0x7FB] =	sst s16;
	s22 =	sadd.s32 $0x3C800, s19  }
0x39: {  	s25 =	sadd.s32 $0x3C900, s19;
	s10 =	simm.s32 $0x3000;
	[smem:$0x7FC] =	sst s22  }
0x3a: {  	s13 =	simm.s32 $0x3800;
	s16 =	simm.s32 $0x0;
	[smem:$0x7FD] =	sst s25  }
.LBB2_1:
0x3b: {  	s19 =	rddreg [dreg:$0x0]  }
0x3c: {  	[tilespmem:s1], [sflag:$0x1] =	stream.strided.gather [hbm4b:s19+s30], $0x2800, s28, s30, $0x38;
	[tilespmem:$0x4000] =	vst v63  }
0x3d: {  	_ =	swait.ge [sflag:s4], $0x2800  }
0x3e: {  	[sflag:s4] =	ssyncset.done $0x0  }
0x3f: {  	[sflag:s4] =	ssyncadd.s32 $0xFFFFD800  }
0x40: {  	[tilespmem:s7], [sflag:$0x1] =	stream.linear.gather [hbm4b:s23+s1], $0x800, $0x38;
	[tilespmem:$0x4000] =	vst v63  }
0x41: {  	_ =	swait.ge [sflag:s4], $0x800  }
0x42: {  	[sflag:s4] =	ssyncset.done $0x0  }
0x43: {  	[sflag:s4] =	ssyncadd.s32 $0xFFFFF800  }
0x44: {  	[tilespmem:s10], [sflag:$0x1] =	stream.linear.gather [hbm4b:s24+s1], $0x800, $0x38;
	[tilespmem:$0x4000] =	vst v63  }
0x45: {  	_ =	swait.ge [sflag:s4], $0x800  }
0x46: {  	[sflag:s4] =	ssyncset.done $0x0  }
0x47: {  	s19 =	simm.s32 $0x0;
	[sflag:s4] =	ssyncadd.s32 $0xFFFFF800  }
0x48: {  	v0 =	vld [tilespmem:s19+$0x3000]  }
0x49: {  	v1 =	vld [tilespmem:s19+$0x2800];
	_ =	sdelay $0x6  }
0x4a: {  	v0 =	vld.idx.msk [tilespmem:v0+s1+$0x0], $0xffff  }
0x4b: {  	s22 =	simm.s32 $0x10;
	v2 =	vld.idx.msk [tilespmem:v1+s1+$0x0], $0xffff  }
0x4c: {  	s25 =	simm.s32 $0x80;
	v1 =	vld [tilespmem:s22+$0x3000]  }
.LBB2_2:
0x4d: {  	p0 =	sne.s32 s25, $0x1FC0;
	v3 =	vld [tilespmem:s22+$0x2800];
	_ =	sdelay $0x3  }
0x4e: {  	v0 =	vsub.f32 v2, v0  }
.Ltmp0:
0x4f: {  	(pc) =	sbr.rel @p0 .LBB2_2-.Ltmp0, $4  }
0x50: {  	[tilespmem:s19+$0x3800] =	vst v0;
	s19 =	smov.u32 s22  }
0x51: {  	v0 =	vld.idx.msk [tilespmem:v1+s1+$0x0], $0xffff  }
0x52: {  	s22 =	sshra.s32 s25, $0x2;
	v2 =	vld.idx.msk [tilespmem:v3+s1+$0x0], $0xffff  }
0x53: {  	s25 =	sadd.s32 $0x40, s25;
	v1 =	vld [tilespmem:s22+$0x3000]  }
0x54: {  	_ = 	snop  }
0x55: {  	v3 =	vld [tilespmem:s22+$0x2800];
	_ =	sdelay $0x3  }
0x56: {  	v0 =	vsub.f32 v2, v0;
	_ =	sdelay $0x1  }
0x57: {  	[tilespmem:s19+$0x3800] =	vst v0  }
0x58: {  	v0 =	vld.idx.msk [tilespmem:v1+s1+$0x0], $0xffff  }
0x59: {  	v1 =	vld.idx.msk [tilespmem:v3+s1+$0x0], $0xffff;
	_ =	sdelay $0x4  }
0x5a: {  	v0 =	vsub.f32 v1, v0;
	_ =	sdelay $0x1  }
0x5b: {  	s25 =	rddreg [dreg:$0xc];
	s19 =	simm.s32 $0x0;
	[tilespmem:s22+$0x3800] =	vst v0  }
0x5c: {  	[hbm4b:s25+s19] =	stream.linear.scatter [tilespmem:s13], [sflag:$0x1], $0x800, $0x38;
	[tilespmem:$0x4000] =	vst v63  }
0x5d: {  	_ =	swait.ge [sflag:s4], $0x800  }
0x5e: {  	[sflag:s4] =	ssyncset.done $0x0  }
0x5f: {  	[sflag:s4] =	ssyncadd.s32 $0xFFFFF800  }
0x60: {  	[tilespmem:s7], [sflag:$0x1] =	stream.linear.gather [hbm4b:s2+s19], $0x800, $0x38;
	[tilespmem:$0x4000] =	vst v63  }
0x61: {  	_ =	swait.ge [sflag:s4], $0x800  }
0x62: {  	[sflag:s4] =	ssyncset.done $0x0  }
0x63: {  	[sflag:s4] =	ssyncadd.s32 $0xFFFFF800  }
0x64: {  	[tilespmem:s10], [sflag:$0x1] =	stream.linear.gather [hbm4b:s3+s19], $0x800, $0x38;
	[tilespmem:$0x4000] =	vst v63  }
0x65: {  	_ =	swait.ge [sflag:s4], $0x800  }
0x66: {  	[sflag:s4] =	ssyncset.done $0x0  }
0x67: {  	s19 =	simm.s32 $0x0;
	[sflag:s4] =	ssyncadd.s32 $0xFFFFF800  }
0x68: {  	v0 =	vld [tilespmem:s19+$0x3000]  }
0x69: {  	v1 =	vld [tilespmem:s19+$0x2800];
	_ =	sdelay $0x6  }
0x6a: {  	v0 =	vld.idx.msk [tilespmem:v0+s1+$0x0], $0xffff  }
0x6b: {  	s22 =	simm.s32 $0x10;
	v2 =	vld.idx.msk [tilespmem:v1+s1+$0x0], $0xffff  }
0x6c: {  	s25 =	simm.s32 $0x80;
	v1 =	vld [tilespmem:s22+$0x3000]  }
.LBB2_4:
0x6d: {  	p0 =	sne.s32 s25, $0x1FC0;
	v3 =	vld [tilespmem:s22+$0x2800];
	_ =	sdelay $0x3  }
0x6e: {  	v0 =	vsub.f32 v2, v0  }
.Ltmp1:
0x6f: {  	(pc) =	sbr.rel @p0 .LBB2_4-.Ltmp1, $4  }
0x70: {  	[tilespmem:s19+$0x3800] =	vst v0;
	s19 =	smov.u32 s22  }
0x71: {  	v0 =	vld.idx.msk [tilespmem:v1+s1+$0x0], $0xffff  }
0x72: {  	s22 =	sshra.s32 s25, $0x2;
	v2 =	vld.idx.msk [tilespmem:v3+s1+$0x0], $0xffff  }
0x73: {  	s25 =	sadd.s32 $0x40, s25;
	v1 =	vld [tilespmem:s22+$0x3000]  }
0x74: {  	_ = 	snop  }
0x75: {  	v3 =	vld [tilespmem:s22+$0x2800];
	_ =	sdelay $0x3  }
0x76: {  	v0 =	vsub.f32 v2, v0;
	_ =	sdelay $0x1  }
0x77: {  	[tilespmem:s19+$0x3800] =	vst v0  }
0x78: {  	v0 =	vld.idx.msk [tilespmem:v1+s1+$0x0], $0xffff  }
0x79: {  	v1 =	vld.idx.msk [tilespmem:v3+s1+$0x0], $0xffff;
	_ =	sdelay $0x4  }
0x7a: {  	v0 =	vsub.f32 v1, v0;
	_ =	sdelay $0x1  }
0x7b: {  	s25 =	rddreg [dreg:$0x5];
	s19 =	simm.s32 $0x0;
	[tilespmem:s22+$0x3800] =	vst v0  }
0x7c: {  	[hbm4b:s25+s19] =	stream.linear.scatter [tilespmem:s13], [sflag:$0x1], $0x800, $0x38;
	[tilespmem:$0x4000] =	vst v63  }
0x7d: {  	_ =	swait.ge [sflag:s4], $0x800  }
0x7e: {  	[sflag:s4] =	ssyncset.done $0x0  }
0x7f: {  	[sflag:s4] =	ssyncadd.s32 $0xFFFFF800  }
0x80: {  	[tilespmem:s7], [sflag:$0x1] =	stream.linear.gather [hbm4b:s5+s19], $0x800, $0x38;
	[tilespmem:$0x4000] =	vst v63  }
0x81: {  	_ =	swait.ge [sflag:s4], $0x800  }
0x82: {  	[sflag:s4] =	ssyncset.done $0x0  }
0x83: {  	[sflag:s4] =	ssyncadd.s32 $0xFFFFF800  }
0x84: {  	[tilespmem:s10], [sflag:$0x1] =	stream.linear.gather [hbm4b:s6+s19], $0x800, $0x38;
	[tilespmem:$0x4000] =	vst v63  }
0x85: {  	_ =	swait.ge [sflag:s4], $0x800  }
0x86: {  	[sflag:s4] =	ssyncset.done $0x0  }
0x87: {  	s19 =	simm.s32 $0x0;
	[sflag:s4] =	ssyncadd.s32 $0xFFFFF800  }
0x88: {  	v0 =	vld [tilespmem:s19+$0x3000]  }
0x89: {  	v1 =	vld [tilespmem:s19+$0x2800];
	_ =	sdelay $0x6  }
0x8a: {  	v0 =	vld.idx.msk [tilespmem:v0+s1+$0x0], $0xffff  }
0x8b: {  	s22 =	simm.s32 $0x10;
	v2 =	vld.idx.msk [tilespmem:v1+s1+$0x0], $0xffff  }
0x8c: {  	s25 =	simm.s32 $0x80;
	v1 =	vld [tilespmem:s22+$0x3000]  }
.LBB2_6:
0x8d: {  	p0 =	sne.s32 s25, $0x1FC0;
	v3 =	vld [tilespmem:s22+$0x2800];
	_ =	sdelay $0x3  }
0x8e: {  	v0 =	vsub.f32 v2, v0  }
.Ltmp2:
0x8f: {  	(pc) =	sbr.rel @p0 .LBB2_6-.Ltmp2, $4  }
0x90: {  	[tilespmem:s19+$0x3800] =	vst v0;
	s19 =	smov.u32 s22  }
0x91: {  	v0 =	vld.idx.msk [tilespmem:v1+s1+$0x0], $0xffff  }
0x92: {  	s22 =	sshra.s32 s25, $0x2;
	v2 =	vld.idx.msk [tilespmem:v3+s1+$0x0], $0xffff  }
0x93: {  	s25 =	sadd.s32 $0x40, s25;
	v1 =	vld [tilespmem:s22+$0x3000]  }
0x94: {  	_ = 	snop  }
0x95: {  	v3 =	vld [tilespmem:s22+$0x2800];
	_ =	sdelay $0x3  }
0x96: {  	v0 =	vsub.f32 v2, v0;
	_ =	sdelay $0x1  }
0x97: {  	[tilespmem:s19+$0x3800] =	vst v0  }
0x98: {  	v0 =	vld.idx.msk [tilespmem:v1+s1+$0x0], $0xffff  }
0x99: {  	v1 =	vld.idx.msk [tilespmem:v3+s1+$0x0], $0xffff;
	_ =	sdelay $0x4  }
0x9a: {  	v0 =	vsub.f32 v1, v0;
	_ =	sdelay $0x1  }
0x9b: {  	s25 =	rddreg [dreg:$0x6];
	s19 =	simm.s32 $0x0;
	[tilespmem:s22+$0x3800] =	vst v0  }
0x9c: {  	[hbm4b:s25+s19] =	stream.linear.scatter [tilespmem:s13], [sflag:$0x1], $0x800, $0x38;
	[tilespmem:$0x4000] =	vst v63  }
0x9d: {  	_ =	swait.ge [sflag:s4], $0x800  }
0x9e: {  	[sflag:s4] =	ssyncset.done $0x0  }
0x9f: {  	[sflag:s4] =	ssyncadd.s32 $0xFFFFF800  }
0xa0: {  	[tilespmem:s7], [sflag:$0x1] =	stream.linear.gather [hbm4b:s8+s19], $0x800, $0x38;
	[tilespmem:$0x4000] =	vst v63  }
0xa1: {  	_ =	swait.ge [sflag:s4], $0x800  }
0xa2: {  	[sflag:s4] =	ssyncset.done $0x0  }
0xa3: {  	[sflag:s4] =	ssyncadd.s32 $0xFFFFF800  }
0xa4: {  	[tilespmem:s10], [sflag:$0x1] =	stream.linear.gather [hbm4b:s9+s19], $0x800, $0x38;
	[tilespmem:$0x4000] =	vst v63  }
0xa5: {  	_ =	swait.ge [sflag:s4], $0x800  }
0xa6: {  	[sflag:s4] =	ssyncset.done $0x0  }
0xa7: {  	s19 =	simm.s32 $0x0;
	[sflag:s4] =	ssyncadd.s32 $0xFFFFF800  }
0xa8: {  	v0 =	vld [tilespmem:s19+$0x3000]  }
0xa9: {  	v1 =	vld [tilespmem:s19+$0x2800];
	_ =	sdelay $0x6  }
0xaa: {  	v0 =	vld.idx.msk [tilespmem:v0+s1+$0x0], $0xffff  }
0xab: {  	s22 =	simm.s32 $0x10;
	v2 =	vld.idx.msk [tilespmem:v1+s1+$0x0], $0xffff  }
0xac: {  	s25 =	simm.s32 $0x80;
	v1 =	vld [tilespmem:s22+$0x3000]  }
.LBB2_8:
0xad: {  	p0 =	sne.s32 s25, $0x1FC0;
	v3 =	vld [tilespmem:s22+$0x2800];
	_ =	sdelay $0x3  }
0xae: {  	v0 =	vsub.f32 v2, v0  }
.Ltmp3:
0xaf: {  	(pc) =	sbr.rel @p0 .LBB2_8-.Ltmp3, $4  }
0xb0: {  	[tilespmem:s19+$0x3800] =	vst v0;
	s19 =	smov.u32 s22  }
0xb1: {  	v0 =	vld.idx.msk [tilespmem:v1+s1+$0x0], $0xffff  }
0xb2: {  	s22 =	sshra.s32 s25, $0x2;
	v2 =	vld.idx.msk [tilespmem:v3+s1+$0x0], $0xffff  }
0xb3: {  	s25 =	sadd.s32 $0x40, s25;
	v1 =	vld [tilespmem:s22+$0x3000]  }
0xb4: {  	_ = 	snop  }
0xb5: {  	v3 =	vld [tilespmem:s22+$0x2800];
	_ =	sdelay $0x3  }
0xb6: {  	v0 =	vsub.f32 v2, v0;
	_ =	sdelay $0x1  }
0xb7: {  	[tilespmem:s19+$0x3800] =	vst v0  }
0xb8: {  	v0 =	vld.idx.msk [tilespmem:v1+s1+$0x0], $0xffff  }
0xb9: {  	v1 =	vld.idx.msk [tilespmem:v3+s1+$0x0], $0xffff;
	_ =	sdelay $0x4  }
0xba: {  	v0 =	vsub.f32 v1, v0;
	_ =	sdelay $0x1  }
0xbb: {  	s25 =	rddreg [dreg:$0x7];
	s19 =	simm.s32 $0x0;
	[tilespmem:s22+$0x3800] =	vst v0  }
0xbc: {  	[hbm4b:s25+s19] =	stream.linear.scatter [tilespmem:s13], [sflag:$0x1], $0x800, $0x38;
	[tilespmem:$0x4000] =	vst v63  }
0xbd: {  	_ =	swait.ge [sflag:s4], $0x800  }
0xbe: {  	[sflag:s4] =	ssyncset.done $0x0  }
0xbf: {  	[sflag:s4] =	ssyncadd.s32 $0xFFFFF800  }
0xc0: {  	[tilespmem:s7], [sflag:$0x1] =	stream.linear.gather [hbm4b:s11+s19], $0x800, $0x38;
	[tilespmem:$0x4000] =	vst v63  }
0xc1: {  	_ =	swait.ge [sflag:s4], $0x800  }
0xc2: {  	[sflag:s4] =	ssyncset.done $0x0  }
0xc3: {  	[sflag:s4] =	ssyncadd.s32 $0xFFFFF800  }
0xc4: {  	[tilespmem:s10], [sflag:$0x1] =	stream.linear.gather [hbm4b:s12+s19], $0x800, $0x38;
	[tilespmem:$0x4000] =	vst v63  }
0xc5: {  	_ =	swait.ge [sflag:s4], $0x800  }
0xc6: {  	[sflag:s4] =	ssyncset.done $0x0  }
0xc7: {  	s19 =	simm.s32 $0x0;
	[sflag:s4] =	ssyncadd.s32 $0xFFFFF800  }
0xc8: {  	v0 =	vld [tilespmem:s19+$0x3000]  }
0xc9: {  	v1 =	vld [tilespmem:s19+$0x2800];
	_ =	sdelay $0x6  }
0xca: {  	v0 =	vld.idx.msk [tilespmem:v0+s1+$0x0], $0xffff  }
0xcb: {  	s22 =	simm.s32 $0x10;
	v2 =	vld.idx.msk [tilespmem:v1+s1+$0x0], $0xffff  }
0xcc: {  	s25 =	simm.s32 $0x80;
	v1 =	vld [tilespmem:s22+$0x3000]  }
.LBB2_10:
0xcd: {  	p0 =	sne.s32 s25, $0x1FC0;
	v3 =	vld [tilespmem:s22+$0x2800];
	_ =	sdelay $0x3  }
0xce: {  	v0 =	vsub.f32 v2, v0  }
.Ltmp4:
0xcf: {  	(pc) =	sbr.rel @p0 .LBB2_10-.Ltmp4, $4  }
0xd0: {  	[tilespmem:s19+$0x3800] =	vst v0;
	s19 =	smov.u32 s22  }
0xd1: {  	v0 =	vld.idx.msk [tilespmem:v1+s1+$0x0], $0xffff  }
0xd2: {  	s22 =	sshra.s32 s25, $0x2;
	v2 =	vld.idx.msk [tilespmem:v3+s1+$0x0], $0xffff  }
0xd3: {  	s25 =	sadd.s32 $0x40, s25;
	v1 =	vld [tilespmem:s22+$0x3000]  }
0xd4: {  	_ = 	snop  }
0xd5: {  	v3 =	vld [tilespmem:s22+$0x2800];
	_ =	sdelay $0x3  }
0xd6: {  	v0 =	vsub.f32 v2, v0;
	_ =	sdelay $0x1  }
0xd7: {  	[tilespmem:s19+$0x3800] =	vst v0  }
0xd8: {  	v0 =	vld.idx.msk [tilespmem:v1+s1+$0x0], $0xffff  }
0xd9: {  	v1 =	vld.idx.msk [tilespmem:v3+s1+$0x0], $0xffff;
	_ =	sdelay $0x4  }
0xda: {  	v0 =	vsub.f32 v1, v0;
	_ =	sdelay $0x1  }
0xdb: {  	s25 =	rddreg [dreg:$0x8];
	s19 =	simm.s32 $0x0;
	[tilespmem:s22+$0x3800] =	vst v0  }
0xdc: {  	[hbm4b:s25+s19] =	stream.linear.scatter [tilespmem:s13], [sflag:$0x1], $0x800, $0x38;
	[tilespmem:$0x4000] =	vst v63  }
0xdd: {  	_ =	swait.ge [sflag:s4], $0x800  }
0xde: {  	[sflag:s4] =	ssyncset.done $0x0  }
0xdf: {  	[sflag:s4] =	ssyncadd.s32 $0xFFFFF800  }
0xe0: {  	[tilespmem:s7], [sflag:$0x1] =	stream.linear.gather [hbm4b:s14+s19], $0x800, $0x38;
	[tilespmem:$0x4000] =	vst v63  }
0xe1: {  	_ =	swait.ge [sflag:s4], $0x800  }
0xe2: {  	[sflag:s4] =	ssyncset.done $0x0  }
0xe3: {  	[sflag:s4] =	ssyncadd.s32 $0xFFFFF800  }
0xe4: {  	[tilespmem:s10], [sflag:$0x1] =	stream.linear.gather [hbm4b:s15+s19], $0x800, $0x38;
	[tilespmem:$0x4000] =	vst v63  }
0xe5: {  	_ =	swait.ge [sflag:s4], $0x800  }
0xe6: {  	[sflag:s4] =	ssyncset.done $0x0  }
0xe7: {  	s19 =	simm.s32 $0x0;
	[sflag:s4] =	ssyncadd.s32 $0xFFFFF800  }
0xe8: {  	v0 =	vld [tilespmem:s19+$0x3000]  }
0xe9: {  	v1 =	vld [tilespmem:s19+$0x2800];
	_ =	sdelay $0x6  }
0xea: {  	v0 =	vld.idx.msk [tilespmem:v0+s1+$0x0], $0xffff  }
0xeb: {  	s22 =	simm.s32 $0x10;
	v2 =	vld.idx.msk [tilespmem:v1+s1+$0x0], $0xffff  }
0xec: {  	s25 =	simm.s32 $0x80;
	v1 =	vld [tilespmem:s22+$0x3000]  }
.LBB2_12:
0xed: {  	p0 =	sne.s32 s25, $0x1FC0;
	v3 =	vld [tilespmem:s22+$0x2800];
	_ =	sdelay $0x3  }
0xee: {  	v0 =	vsub.f32 v2, v0  }
.Ltmp5:
0xef: {  	(pc) =	sbr.rel @p0 .LBB2_12-.Ltmp5, $4  }
0xf0: {  	[tilespmem:s19+$0x3800] =	vst v0;
	s19 =	smov.u32 s22  }
0xf1: {  	v0 =	vld.idx.msk [tilespmem:v1+s1+$0x0], $0xffff  }
0xf2: {  	s22 =	sshra.s32 s25, $0x2;
	v2 =	vld.idx.msk [tilespmem:v3+s1+$0x0], $0xffff  }
0xf3: {  	s25 =	sadd.s32 $0x40, s25;
	v1 =	vld [tilespmem:s22+$0x3000]  }
0xf4: {  	_ = 	snop  }
0xf5: {  	v3 =	vld [tilespmem:s22+$0x2800];
	_ =	sdelay $0x3  }
0xf6: {  	v0 =	vsub.f32 v2, v0;
	_ =	sdelay $0x1  }
0xf7: {  	[tilespmem:s19+$0x3800] =	vst v0  }
0xf8: {  	v0 =	vld.idx.msk [tilespmem:v1+s1+$0x0], $0xffff  }
0xf9: {  	v1 =	vld.idx.msk [tilespmem:v3+s1+$0x0], $0xffff;
	_ =	sdelay $0x4  }
0xfa: {  	v0 =	vsub.f32 v1, v0;
	_ =	sdelay $0x1  }
0xfb: {  	s25 =	rddreg [dreg:$0x9];
	s19 =	simm.s32 $0x0;
	[tilespmem:s22+$0x3800] =	vst v0  }
0xfc: {  	[hbm4b:s25+s19] =	stream.linear.scatter [tilespmem:s13], [sflag:$0x1], $0x800, $0x38;
	[tilespmem:$0x4000] =	vst v63  }
0xfd: {  	_ =	swait.ge [sflag:s4], $0x800  }
0xfe: {  	[sflag:s4] =	ssyncset.done $0x0  }
0xff: {  	[sflag:s4] =	ssyncadd.s32 $0xFFFFF800  }
0x100: {  	[tilespmem:s7], [sflag:$0x1] =	stream.linear.gather [hbm4b:s17+s19], $0x800, $0x38;
	[tilespmem:$0x4000] =	vst v63  }
0x101: {  	_ =	swait.ge [sflag:s4], $0x800  }
0x102: {  	[sflag:s4] =	ssyncset.done $0x0  }
0x103: {  	[sflag:s4] =	ssyncadd.s32 $0xFFFFF800  }
0x104: {  	[tilespmem:s10], [sflag:$0x1] =	stream.linear.gather [hbm4b:s18+s19], $0x800, $0x38;
	[tilespmem:$0x4000] =	vst v63  }
0x105: {  	_ =	swait.ge [sflag:s4], $0x800  }
0x106: {  	[sflag:s4] =	ssyncset.done $0x0  }
0x107: {  	s19 =	simm.s32 $0x0;
	[sflag:s4] =	ssyncadd.s32 $0xFFFFF800  }
0x108: {  	v0 =	vld [tilespmem:s19+$0x3000]  }
0x109: {  	v1 =	vld [tilespmem:s19+$0x2800];
	_ =	sdelay $0x6  }
0x10a: {  	v0 =	vld.idx.msk [tilespmem:v0+s1+$0x0], $0xffff  }
0x10b: {  	s22 =	simm.s32 $0x10;
	v2 =	vld.idx.msk [tilespmem:v1+s1+$0x0], $0xffff  }
0x10c: {  	s25 =	simm.s32 $0x80;
	v1 =	vld [tilespmem:s22+$0x3000]  }
.LBB2_14:
0x10d: {  	p0 =	sne.s32 s25, $0x1FC0;
	v3 =	vld [tilespmem:s22+$0x2800];
	_ =	sdelay $0x3  }
0x10e: {  	v0 =	vsub.f32 v2, v0  }
.Ltmp6:
0x10f: {  	(pc) =	sbr.rel @p0 .LBB2_14-.Ltmp6, $4  }
0x110: {  	[tilespmem:s19+$0x3800] =	vst v0;
	s19 =	smov.u32 s22  }
0x111: {  	v0 =	vld.idx.msk [tilespmem:v1+s1+$0x0], $0xffff  }
0x112: {  	s22 =	sshra.s32 s25, $0x2;
	v2 =	vld.idx.msk [tilespmem:v3+s1+$0x0], $0xffff  }
0x113: {  	s25 =	sadd.s32 $0x40, s25;
	v1 =	vld [tilespmem:s22+$0x3000]  }
0x114: {  	_ = 	snop  }
0x115: {  	v3 =	vld [tilespmem:s22+$0x2800];
	_ =	sdelay $0x3  }
0x116: {  	v0 =	vsub.f32 v2, v0;
	_ =	sdelay $0x1  }
0x117: {  	[tilespmem:s19+$0x3800] =	vst v0  }
0x118: {  	v0 =	vld.idx.msk [tilespmem:v1+s1+$0x0], $0xffff  }
0x119: {  	v1 =	vld.idx.msk [tilespmem:v3+s1+$0x0], $0xffff;
	_ =	sdelay $0x4  }
0x11a: {  	v0 =	vsub.f32 v1, v0;
	_ =	sdelay $0x1  }
0x11b: {  	s25 =	rddreg [dreg:$0xa];
	s19 =	simm.s32 $0x0;
	[tilespmem:s22+$0x3800] =	vst v0  }
0x11c: {  	[hbm4b:s25+s19] =	stream.linear.scatter [tilespmem:s13], [sflag:$0x1], $0x800, $0x38;
	[tilespmem:$0x4000] =	vst v63  }
0x11d: {  	_ =	swait.ge [sflag:s4], $0x800  }
0x11e: {  	[sflag:s4] =	ssyncset.done $0x0  }
0x11f: {  	[sflag:s4] =	ssyncadd.s32 $0xFFFFF800  }
0x120: {  	[tilespmem:s7], [sflag:$0x1] =	stream.linear.gather [hbm4b:s20+s19], $0x800, $0x38;
	[tilespmem:$0x4000] =	vst v63  }
0x121: {  	_ =	swait.ge [sflag:s4], $0x800  }
0x122: {  	[sflag:s4] =	ssyncset.done $0x0  }
0x123: {  	[sflag:s4] =	ssyncadd.s32 $0xFFFFF800  }
0x124: {  	[tilespmem:s10], [sflag:$0x1] =	stream.linear.gather [hbm4b:s21+s19], $0x800, $0x38;
	[tilespmem:$0x4000] =	vst v63  }
0x125: {  	_ =	swait.ge [sflag:s4], $0x800  }
0x126: {  	[sflag:s4] =	ssyncset.done $0x0  }
0x127: {  	s19 =	simm.s32 $0x0;
	[sflag:s4] =	ssyncadd.s32 $0xFFFFF800  }
0x128: {  	v0 =	vld [tilespmem:s19+$0x3000]  }
0x129: {  	v1 =	vld [tilespmem:s19+$0x2800];
	_ =	sdelay $0x6  }
0x12a: {  	v0 =	vld.idx.msk [tilespmem:v0+s1+$0x0], $0xffff  }
0x12b: {  	s22 =	simm.s32 $0x10;
	v2 =	vld.idx.msk [tilespmem:v1+s1+$0x0], $0xffff  }
0x12c: {  	s25 =	simm.s32 $0x80;
	v1 =	vld [tilespmem:s22+$0x3000]  }
.LBB2_16:
0x12d: {  	p0 =	sne.s32 s25, $0x1FC0;
	v3 =	vld [tilespmem:s22+$0x2800];
	_ =	sdelay $0x3  }
0x12e: {  	v0 =	vsub.f32 v2, v0  }
.Ltmp7:
0x12f: {  	(pc) =	sbr.rel @p0 .LBB2_16-.Ltmp7, $4  }
0x130: {  	[tilespmem:s19+$0x3800] =	vst v0;
	s19 =	smov.u32 s22  }
0x131: {  	v0 =	vld.idx.msk [tilespmem:v1+s1+$0x0], $0xffff  }
0x132: {  	s22 =	sshra.s32 s25, $0x2;
	v2 =	vld.idx.msk [tilespmem:v3+s1+$0x0], $0xffff  }
0x133: {  	s25 =	sadd.s32 $0x40, s25;
	v1 =	vld [tilespmem:s22+$0x3000]  }
0x134: {  	_ = 	snop  }
0x135: {  	v3 =	vld [tilespmem:s22+$0x2800];
	_ =	sdelay $0x3  }
0x136: {  	v0 =	vsub.f32 v2, v0;
	_ =	sdelay $0x1  }
0x137: {  	[tilespmem:s19+$0x3800] =	vst v0  }
0x138: {  	v0 =	vld.idx.msk [tilespmem:v1+s1+$0x0], $0xffff  }
0x139: {  	v1 =	vld.idx.msk [tilespmem:v3+s1+$0x0], $0xffff;
	_ =	sdelay $0x4  }
0x13a: {  	v0 =	vsub.f32 v1, v0;
	_ =	sdelay $0x1  }
0x13b: {  	s25 =	rddreg [dreg:$0xb];
	s19 =	simm.s32 $0x0;
	[tilespmem:s22+$0x3800] =	vst v0  }
0x13c: {  	[hbm4b:s25+s19] =	stream.linear.scatter [tilespmem:s13], [sflag:$0x1], $0x800, $0x38;
	[tilespmem:$0x4000] =	vst v63  }
0x13d: {  	_ =	swait.ge [sflag:s4], $0x800  }
0x13e: {  	[sflag:s4] =	ssyncset.done $0x0  }
0x13f: {  	[sflag:s4] =	ssyncadd.s32 $0xFFFFF800  }
0x140: {  	[tilespmem:s7], [sflag:$0x1] =	stream.linear.gather [hbm4b:s26+s19], $0x800, $0x38;
	[tilespmem:$0x4000] =	vst v63  }
0x141: {  	_ =	swait.ge [sflag:s4], $0x800  }
0x142: {  	[sflag:s4] =	ssyncset.done $0x0  }
0x143: {  	[sflag:s4] =	ssyncadd.s32 $0xFFFFF800  }
0x144: {  	[tilespmem:s10], [sflag:$0x1] =	stream.linear.gather [hbm4b:s29+s19], $0x800, $0x38;
	[tilespmem:$0x4000] =	vst v63  }
0x145: {  	_ =	swait.ge [sflag:s4], $0x800  }
0x146: {  	[sflag:s4] =	ssyncset.done $0x0  }
0x147: {  	s19 =	simm.s32 $0x0;
	[sflag:s4] =	ssyncadd.s32 $0xFFFFF800  }
0x148: {  	v0 =	vld [tilespmem:s19+$0x3000]  }
0x149: {  	v1 =	vld [tilespmem:s19+$0x2800];
	_ =	sdelay $0x6  }
0x14a: {  	v0 =	vld.idx.msk [tilespmem:v0+s1+$0x0], $0xffff  }
0x14b: {  	s22 =	simm.s32 $0x10;
	v2 =	vld.idx.msk [tilespmem:v1+s1+$0x0], $0xffff  }
0x14c: {  	s25 =	simm.s32 $0x80;
	v1 =	vld [tilespmem:s22+$0x3000]  }
.LBB2_18:
0x14d: {  	p0 =	sne.s32 s25, $0x1FC0;
	v3 =	vld [tilespmem:s22+$0x2800];
	_ =	sdelay $0x3  }
0x14e: {  	v0 =	vsub.f32 v2, v0  }
.Ltmp8:
0x14f: {  	(pc) =	sbr.rel @p0 .LBB2_18-.Ltmp8, $4  }
0x150: {  	[tilespmem:s19+$0x3800] =	vst v0;
	s19 =	smov.u32 s22  }
0x151: {  	v0 =	vld.idx.msk [tilespmem:v1+s1+$0x0], $0xffff  }
0x152: {  	s22 =	sshra.s32 s25, $0x2;
	v2 =	vld.idx.msk [tilespmem:v3+s1+$0x0], $0xffff  }
0x153: {  	s25 =	sadd.s32 $0x40, s25;
	v1 =	vld [tilespmem:s22+$0x3000]  }
0x154: {  	_ = 	snop  }
0x155: {  	v3 =	vld [tilespmem:s22+$0x2800];
	_ =	sdelay $0x3  }
0x156: {  	v0 =	vsub.f32 v2, v0;
	_ =	sdelay $0x1  }
0x157: {  	[tilespmem:s19+$0x3800] =	vst v0  }
0x158: {  	v0 =	vld.idx.msk [tilespmem:v1+s1+$0x0], $0xffff  }
0x159: {  	v1 =	vld.idx.msk [tilespmem:v3+s1+$0x0], $0xffff;
	_ =	sdelay $0x4  }
0x15a: {  	v0 =	vsub.f32 v1, v0;
	_ =	sdelay $0x1  }
0x15b: {  	s25 =	rddreg [dreg:$0xd];
	s19 =	simm.s32 $0x0;
	[tilespmem:s22+$0x3800] =	vst v0  }
0x15c: {  	[hbm4b:s25+s19] =	stream.linear.scatter [tilespmem:s13], [sflag:$0x1], $0x800, $0x38;
	[tilespmem:$0x4000] =	vst v63  }
0x15d: {  	_ =	swait.ge [sflag:s4], $0x800  }
0x15e: {  	[sflag:s4] =	ssyncset.done $0x0  }
0x15f: {  	[sflag:s4] =	ssyncadd.s32 $0xFFFFF800  }
0x160: {  	[tilespmem:s7], [sflag:$0x1] =	stream.linear.gather [hbm4b:s31+s19], $0x800, $0x38;
	[tilespmem:$0x4000] =	vst v63  }
0x161: {  	_ =	swait.ge [sflag:s4], $0x800  }
0x162: {  	[sflag:s4] =	ssyncset.done $0x0  }
0x163: {  	[sflag:s4] =	ssyncadd.s32 $0xFFFFF800  }
0x164: {  	[tilespmem:s10], [sflag:$0x1] =	stream.linear.gather [hbm4b:s0+s19], $0x800, $0x38;
	[tilespmem:$0x4000] =	vst v63  }
0x165: {  	_ =	swait.ge [sflag:s4], $0x800  }
0x166: {  	[sflag:s4] =	ssyncset.done $0x0  }
0x167: {  	s19 =	simm.s32 $0x0;
	[sflag:s4] =	ssyncadd.s32 $0xFFFFF800  }
0x168: {  	v0 =	vld [tilespmem:s19+$0x3000]  }
0x169: {  	v1 =	vld [tilespmem:s19+$0x2800];
	_ =	sdelay $0x6  }
0x16a: {  	v0 =	vld.idx.msk [tilespmem:v0+s1+$0x0], $0xffff  }
0x16b: {  	s22 =	simm.s32 $0x10;
	v2 =	vld.idx.msk [tilespmem:v1+s1+$0x0], $0xffff  }
0x16c: {  	s25 =	simm.s32 $0x80;
	v1 =	vld [tilespmem:s22+$0x3000]  }
.LBB2_20:
0x16d: {  	p0 =	sne.s32 s25, $0x1FC0;
	v3 =	vld [tilespmem:s22+$0x2800];
	_ =	sdelay $0x3  }
0x16e: {  	v0 =	vsub.f32 v2, v0  }
.Ltmp9:
0x16f: {  	(pc) =	sbr.rel @p0 .LBB2_20-.Ltmp9, $4  }
0x170: {  	[tilespmem:s19+$0x3800] =	vst v0;
	s19 =	smov.u32 s22  }
0x171: {  	v0 =	vld.idx.msk [tilespmem:v1+s1+$0x0], $0xffff  }
0x172: {  	s22 =	sshra.s32 s25, $0x2;
	v2 =	vld.idx.msk [tilespmem:v3+s1+$0x0], $0xffff  }
0x173: {  	s25 =	sadd.s32 $0x40, s25;
	v1 =	vld [tilespmem:s22+$0x3000]  }
0x174: {  	_ = 	snop  }
0x175: {  	v3 =	vld [tilespmem:s22+$0x2800];
	_ =	sdelay $0x3  }
0x176: {  	v0 =	vsub.f32 v2, v0;
	_ =	sdelay $0x1  }
0x177: {  	[tilespmem:s19+$0x3800] =	vst v0  }
0x178: {  	v0 =	vld.idx.msk [tilespmem:v1+s1+$0x0], $0xffff  }
0x179: {  	v1 =	vld.idx.msk [tilespmem:v3+s1+$0x0], $0xffff;
	_ =	sdelay $0x4  }
0x17a: {  	v0 =	vsub.f32 v1, v0;
	_ =	sdelay $0x1  }
0x17b: {  	s25 =	rddreg [dreg:$0xe];
	s19 =	simm.s32 $0x0;
	[tilespmem:s22+$0x3800] =	vst v0  }
0x17c: {  	[hbm4b:s25+s19] =	stream.linear.scatter [tilespmem:s13], [sflag:$0x1], $0x800, $0x38;
	[tilespmem:$0x4000] =	vst v63  }
0x17d: {  	_ =	swait.ge [sflag:s4], $0x800  }
0x17e: {  	[sflag:s4] =	ssyncset.done $0x0  }
0x17f: {  	s25 =	rddreg [dreg:$0x10];
	[sflag:s4] =	ssyncadd.s32 $0xFFFFF800  }
0x180: {  	[tilespmem:s19], [sflag:$0x1] =	stream.strided.gather [hbm4b:s25+s30], $0x2800, s28, s30, $0x38;
	[tilespmem:$0x4000] =	vst v63  }
0x181: {  	_ =	swait.ge [sflag:s4], $0x2800  }
0x182: {  	[sflag:s4] =	ssyncset.done $0x0  }
0x183: {  	[sflag:s4] =	ssyncadd.s32 $0xFFFFD800  }
0x184: {  	[tilespmem:s7], [sflag:$0x1] =	stream.linear.gather [hbm4b:s23+s19], $0x800, $0x38;
	[tilespmem:$0x4000] =	vst v63  }
0x185: {  	_ =	swait.ge [sflag:s4], $0x800  }
0x186: {  	[sflag:s4] =	ssyncset.done $0x0  }
0x187: {  	[sflag:s4] =	ssyncadd.s32 $0xFFFFF800  }
0x188: {  	[tilespmem:s10], [sflag:$0x1] =	stream.linear.gather [hbm4b:s24+s19], $0x800, $0x38;
	[tilespmem:$0x4000] =	vst v63  }
0x189: {  	_ =	swait.ge [sflag:s4], $0x800  }
0x18a: {  	[sflag:s4] =	ssyncset.done $0x0  }
0x18b: {  	s19 =	simm.s32 $0x0;
	[sflag:s4] =	ssyncadd.s32 $0xFFFFF800  }
0x18c: {  	v0 =	vld [tilespmem:s19+$0x3000]  }
0x18d: {  	v1 =	vld [tilespmem:s19+$0x2800];
	_ =	sdelay $0x6  }
0x18e: {  	v0 =	vld.idx.msk [tilespmem:v0+s1+$0x0], $0xffff  }
0x18f: {  	s22 =	simm.s32 $0x10;
	v2 =	vld.idx.msk [tilespmem:v1+s1+$0x0], $0xffff  }
0x190: {  	s25 =	simm.s32 $0x80;
	v1 =	vld [tilespmem:s22+$0x3000]  }
.LBB2_22:
0x191: {  	p0 =	sne.s32 s25, $0x1FC0;
	v3 =	vld [tilespmem:s22+$0x2800];
	_ =	sdelay $0x3  }
0x192: {  	v0 =	vsub.f32 v2, v0  }
.Ltmp10:
0x193: {  	(pc) =	sbr.rel @p0 .LBB2_22-.Ltmp10, $4  }
0x194: {  	[tilespmem:s19+$0x3800] =	vst v0;
	s19 =	smov.u32 s22  }
0x195: {  	v0 =	vld.idx.msk [tilespmem:v1+s1+$0x0], $0xffff  }
0x196: {  	s22 =	sshra.s32 s25, $0x2;
	v2 =	vld.idx.msk [tilespmem:v3+s1+$0x0], $0xffff  }
0x197: {  	s25 =	sadd.s32 $0x40, s25;
	v1 =	vld [tilespmem:s22+$0x3000]  }
0x198: {  	_ = 	snop  }
0x199: {  	v3 =	vld [tilespmem:s22+$0x2800];
	_ =	sdelay $0x3  }
0x19a: {  	v0 =	vsub.f32 v2, v0;
	_ =	sdelay $0x1  }
0x19b: {  	[tilespmem:s19+$0x3800] =	vst v0  }
0x19c: {  	v0 =	vld.idx.msk [tilespmem:v1+s1+$0x0], $0xffff  }
0x19d: {  	v1 =	vld.idx.msk [tilespmem:v3+s1+$0x0], $0xffff;
	_ =	sdelay $0x4  }
0x19e: {  	v0 =	vsub.f32 v1, v0;
	_ =	sdelay $0x1  }
0x19f: {  	s25 =	rddreg [dreg:$0x11];
	s19 =	simm.s32 $0x0;
	[tilespmem:s22+$0x3800] =	vst v0  }
0x1a0: {  	[hbm4b:s25+s19] =	stream.linear.scatter [tilespmem:s13], [sflag:$0x1], $0x800, $0x38;
	[tilespmem:$0x4000] =	vst v63  }
0x1a1: {  	_ =	swait.ge [sflag:s4], $0x800  }
0x1a2: {  	[sflag:s4] =	ssyncset.done $0x0  }
0x1a3: {  	[sflag:s4] =	ssyncadd.s32 $0xFFFFF800  }
0x1a4: {  	[tilespmem:s7], [sflag:$0x1] =	stream.linear.gather [hbm4b:s2+s19], $0x800, $0x38;
	[tilespmem:$0x4000] =	vst v63  }
0x1a5: {  	_ =	swait.ge [sflag:s4], $0x800  }
0x1a6: {  	[sflag:s4] =	ssyncset.done $0x0  }
0x1a7: {  	[sflag:s4] =	ssyncadd.s32 $0xFFFFF800  }
0x1a8: {  	[tilespmem:s10], [sflag:$0x1] =	stream.linear.gather [hbm4b:s3+s19], $0x800, $0x38;
	[tilespmem:$0x4000] =	vst v63  }
0x1a9: {  	_ =	swait.ge [sflag:s4], $0x800  }
0x1aa: {  	[sflag:s4] =	ssyncset.done $0x0  }
0x1ab: {  	s19 =	simm.s32 $0x0;
	[sflag:s4] =	ssyncadd.s32 $0xFFFFF800  }
0x1ac: {  	v0 =	vld [tilespmem:s19+$0x3000]  }
0x1ad: {  	v1 =	vld [tilespmem:s19+$0x2800];
	_ =	sdelay $0x6  }
0x1ae: {  	v0 =	vld.idx.msk [tilespmem:v0+s1+$0x0], $0xffff  }
0x1af: {  	s22 =	simm.s32 $0x10;
	v2 =	vld.idx.msk [tilespmem:v1+s1+$0x0], $0xffff  }
0x1b0: {  	s25 =	simm.s32 $0x80;
	v1 =	vld [tilespmem:s22+$0x3000]  }
.LBB2_24:
0x1b1: {  	p0 =	sne.s32 s25, $0x1FC0;
	v3 =	vld [tilespmem:s22+$0x2800];
	_ =	sdelay $0x3  }
0x1b2: {  	v0 =	vsub.f32 v2, v0  }
.Ltmp11:
0x1b3: {  	(pc) =	sbr.rel @p0 .LBB2_24-.Ltmp11, $4  }
0x1b4: {  	[tilespmem:s19+$0x3800] =	vst v0;
	s19 =	smov.u32 s22  }
0x1b5: {  	v0 =	vld.idx.msk [tilespmem:v1+s1+$0x0], $0xffff  }
0x1b6: {  	s22 =	sshra.s32 s25, $0x2;
	v2 =	vld.idx.msk [tilespmem:v3+s1+$0x0], $0xffff  }
0x1b7: {  	s25 =	sadd.s32 $0x40, s25;
	v1 =	vld [tilespmem:s22+$0x3000]  }
0x1b8: {  	_ = 	snop  }
0x1b9: {  	v3 =	vld [tilespmem:s22+$0x2800];
	_ =	sdelay $0x3  }
0x1ba: {  	v0 =	vsub.f32 v2, v0;
	_ =	sdelay $0x1  }
0x1bb: {  	[tilespmem:s19+$0x3800] =	vst v0  }
0x1bc: {  	v0 =	vld.idx.msk [tilespmem:v1+s1+$0x0], $0xffff  }
0x1bd: {  	v1 =	vld.idx.msk [tilespmem:v3+s1+$0x0], $0xffff;
	_ =	sdelay $0x4  }
0x1be: {  	v0 =	vsub.f32 v1, v0;
	_ =	sdelay $0x1  }
0x1bf: {  	s25 =	rddreg [dreg:$0x12];
	s19 =	simm.s32 $0x0;
	[tilespmem:s22+$0x3800] =	vst v0  }
0x1c0: {  	[hbm4b:s25+s19] =	stream.linear.scatter [tilespmem:s13], [sflag:$0x1], $0x800, $0x38;
	[tilespmem:$0x4000] =	vst v63  }
0x1c1: {  	_ =	swait.ge [sflag:s4], $0x800  }
0x1c2: {  	[sflag:s4] =	ssyncset.done $0x0  }
0x1c3: {  	[sflag:s4] =	ssyncadd.s32 $0xFFFFF800  }
0x1c4: {  	[tilespmem:s7], [sflag:$0x1] =	stream.linear.gather [hbm4b:s5+s19], $0x800, $0x38;
	[tilespmem:$0x4000] =	vst v63  }
0x1c5: {  	_ =	swait.ge [sflag:s4], $0x800  }
0x1c6: {  	[sflag:s4] =	ssyncset.done $0x0  }
0x1c7: {  	[sflag:s4] =	ssyncadd.s32 $0xFFFFF800  }
0x1c8: {  	[tilespmem:s10], [sflag:$0x1] =	stream.linear.gather [hbm4b:s6+s19], $0x800, $0x38;
	[tilespmem:$0x4000] =	vst v63  }
0x1c9: {  	_ =	swait.ge [sflag:s4], $0x800  }
0x1ca: {  	[sflag:s4] =	ssyncset.done $0x0  }
0x1cb: {  	s19 =	simm.s32 $0x0;
	[sflag:s4] =	ssyncadd.s32 $0xFFFFF800  }
0x1cc: {  	v0 =	vld [tilespmem:s19+$0x3000]  }
0x1cd: {  	v1 =	vld [tilespmem:s19+$0x2800];
	_ =	sdelay $0x6  }
0x1ce: {  	v0 =	vld.idx.msk [tilespmem:v0+s1+$0x0], $0xffff  }
0x1cf: {  	s22 =	simm.s32 $0x10;
	v2 =	vld.idx.msk [tilespmem:v1+s1+$0x0], $0xffff  }
0x1d0: {  	s25 =	simm.s32 $0x80;
	v1 =	vld [tilespmem:s22+$0x3000]  }
.LBB2_26:
0x1d1: {  	p0 =	sne.s32 s25, $0x1FC0;
	v3 =	vld [tilespmem:s22+$0x2800];
	_ =	sdelay $0x3  }
0x1d2: {  	v0 =	vsub.f32 v2, v0  }
.Ltmp12:
0x1d3: {  	(pc) =	sbr.rel @p0 .LBB2_26-.Ltmp12, $4  }
0x1d4: {  	[tilespmem:s19+$0x3800] =	vst v0;
	s19 =	smov.u32 s22  }
0x1d5: {  	v0 =	vld.idx.msk [tilespmem:v1+s1+$0x0], $0xffff  }
0x1d6: {  	s22 =	sshra.s32 s25, $0x2;
	v2 =	vld.idx.msk [tilespmem:v3+s1+$0x0], $0xffff  }
0x1d7: {  	s25 =	sadd.s32 $0x40, s25;
	v1 =	vld [tilespmem:s22+$0x3000]  }
0x1d8: {  	_ = 	snop  }
0x1d9: {  	v3 =	vld [tilespmem:s22+$0x2800];
	_ =	sdelay $0x3  }
0x1da: {  	v0 =	vsub.f32 v2, v0;
	_ =	sdelay $0x1  }
0x1db: {  	[tilespmem:s19+$0x3800] =	vst v0  }
0x1dc: {  	v0 =	vld.idx.msk [tilespmem:v1+s1+$0x0], $0xffff  }
0x1dd: {  	v1 =	vld.idx.msk [tilespmem:v3+s1+$0x0], $0xffff;
	_ =	sdelay $0x4  }
0x1de: {  	v0 =	vsub.f32 v1, v0;
	_ =	sdelay $0x1  }
0x1df: {  	s25 =	rddreg [dreg:$0x13];
	s19 =	simm.s32 $0x0;
	[tilespmem:s22+$0x3800] =	vst v0  }
0x1e0: {  	[hbm4b:s25+s19] =	stream.linear.scatter [tilespmem:s13], [sflag:$0x1], $0x800, $0x38;
	[tilespmem:$0x4000] =	vst v63  }
0x1e1: {  	_ =	swait.ge [sflag:s4], $0x800  }
0x1e2: {  	[sflag:s4] =	ssyncset.done $0x0  }
0x1e3: {  	[sflag:s4] =	ssyncadd.s32 $0xFFFFF800  }
0x1e4: {  	[tilespmem:s7], [sflag:$0x1] =	stream.linear.gather [hbm4b:s8+s19], $0x800, $0x38;
	[tilespmem:$0x4000] =	vst v63  }
0x1e5: {  	_ =	swait.ge [sflag:s4], $0x800  }
0x1e6: {  	[sflag:s4] =	ssyncset.done $0x0  }
0x1e7: {  	[sflag:s4] =	ssyncadd.s32 $0xFFFFF800  }
0x1e8: {  	[tilespmem:s10], [sflag:$0x1] =	stream.linear.gather [hbm4b:s9+s19], $0x800, $0x38;
	[tilespmem:$0x4000] =	vst v63  }
0x1e9: {  	_ =	swait.ge [sflag:s4], $0x800  }
0x1ea: {  	[sflag:s4] =	ssyncset.done $0x0  }
0x1eb: {  	s19 =	simm.s32 $0x0;
	[sflag:s4] =	ssyncadd.s32 $0xFFFFF800  }
0x1ec: {  	v0 =	vld [tilespmem:s19+$0x3000]  }
0x1ed: {  	v1 =	vld [tilespmem:s19+$0x2800];
	_ =	sdelay $0x6  }
0x1ee: {  	v0 =	vld.idx.msk [tilespmem:v0+s1+$0x0], $0xffff  }
0x1ef: {  	s22 =	simm.s32 $0x10;
	v2 =	vld.idx.msk [tilespmem:v1+s1+$0x0], $0xffff  }
0x1f0: {  	s25 =	simm.s32 $0x80;
	v1 =	vld [tilespmem:s22+$0x3000]  }
.LBB2_28:
0x1f1: {  	p0 =	sne.s32 s25, $0x1FC0;
	v3 =	vld [tilespmem:s22+$0x2800];
	_ =	sdelay $0x3  }
0x1f2: {  	v0 =	vsub.f32 v2, v0  }
.Ltmp13:
0x1f3: {  	(pc) =	sbr.rel @p0 .LBB2_28-.Ltmp13, $4  }
0x1f4: {  	[tilespmem:s19+$0x3800] =	vst v0;
	s19 =	smov.u32 s22  }
0x1f5: {  	v0 =	vld.idx.msk [tilespmem:v1+s1+$0x0], $0xffff  }
0x1f6: {  	s22 =	sshra.s32 s25, $0x2;
	v2 =	vld.idx.msk [tilespmem:v3+s1+$0x0], $0xffff  }
0x1f7: {  	s25 =	sadd.s32 $0x40, s25;
	v1 =	vld [tilespmem:s22+$0x3000]  }
0x1f8: {  	_ = 	snop  }
0x1f9: {  	v3 =	vld [tilespmem:s22+$0x2800];
	_ =	sdelay $0x3  }
0x1fa: {  	v0 =	vsub.f32 v2, v0;
	_ =	sdelay $0x1  }
0x1fb: {  	[tilespmem:s19+$0x3800] =	vst v0  }
0x1fc: {  	v0 =	vld.idx.msk [tilespmem:v1+s1+$0x0], $0xffff  }
0x1fd: {  	v1 =	vld.idx.msk [tilespmem:v3+s1+$0x0], $0xffff;
	_ =	sdelay $0x4  }
0x1fe: {  	v0 =	vsub.f32 v1, v0;
	_ =	sdelay $0x1  }
0x1ff: {  	s25 =	rddreg [dreg:$0x14];
	s19 =	simm.s32 $0x0;
	[tilespmem:s22+$0x3800] =	vst v0  }
0x200: {  	[hbm4b:s25+s19] =	stream.linear.scatter [tilespmem:s13], [sflag:$0x1], $0x800, $0x38;
	[tilespmem:$0x4000] =	vst v63  }
0x201: {  	_ =	swait.ge [sflag:s4], $0x800  }
0x202: {  	[sflag:s4] =	ssyncset.done $0x0  }
0x203: {  	[sflag:s4] =	ssyncadd.s32 $0xFFFFF800  }
0x204: {  	[tilespmem:s7], [sflag:$0x1] =	stream.linear.gather [hbm4b:s11+s19], $0x800, $0x38;
	[tilespmem:$0x4000] =	vst v63  }
0x205: {  	_ =	swait.ge [sflag:s4], $0x800  }
0x206: {  	[sflag:s4] =	ssyncset.done $0x0  }
0x207: {  	[sflag:s4] =	ssyncadd.s32 $0xFFFFF800  }
0x208: {  	[tilespmem:s10], [sflag:$0x1] =	stream.linear.gather [hbm4b:s12+s19], $0x800, $0x38;
	[tilespmem:$0x4000] =	vst v63  }
0x209: {  	_ =	swait.ge [sflag:s4], $0x800  }
0x20a: {  	[sflag:s4] =	ssyncset.done $0x0  }
0x20b: {  	s19 =	simm.s32 $0x0;
	[sflag:s4] =	ssyncadd.s32 $0xFFFFF800  }
0x20c: {  	v0 =	vld [tilespmem:s19+$0x3000]  }
0x20d: {  	v1 =	vld [tilespmem:s19+$0x2800];
	_ =	sdelay $0x6  }
0x20e: {  	v0 =	vld.idx.msk [tilespmem:v0+s1+$0x0], $0xffff  }
0x20f: {  	s22 =	simm.s32 $0x10;
	v2 =	vld.idx.msk [tilespmem:v1+s1+$0x0], $0xffff  }
0x210: {  	s25 =	simm.s32 $0x80;
	v1 =	vld [tilespmem:s22+$0x3000]  }
.LBB2_30:
0x211: {  	p0 =	sne.s32 s25, $0x1FC0;
	v3 =	vld [tilespmem:s22+$0x2800];
	_ =	sdelay $0x3  }
0x212: {  	v0 =	vsub.f32 v2, v0  }
.Ltmp14:
0x213: {  	(pc) =	sbr.rel @p0 .LBB2_30-.Ltmp14, $4  }
0x214: {  	[tilespmem:s19+$0x3800] =	vst v0;
	s19 =	smov.u32 s22  }
0x215: {  	v0 =	vld.idx.msk [tilespmem:v1+s1+$0x0], $0xffff  }
0x216: {  	s22 =	sshra.s32 s25, $0x2;
	v2 =	vld.idx.msk [tilespmem:v3+s1+$0x0], $0xffff  }
0x217: {  	s25 =	sadd.s32 $0x40, s25;
	v1 =	vld [tilespmem:s22+$0x3000]  }
0x218: {  	_ = 	snop  }
0x219: {  	v3 =	vld [tilespmem:s22+$0x2800];
	_ =	sdelay $0x3  }
0x21a: {  	v0 =	vsub.f32 v2, v0;
	_ =	sdelay $0x1  }
0x21b: {  	[tilespmem:s19+$0x3800] =	vst v0  }
0x21c: {  	v0 =	vld.idx.msk [tilespmem:v1+s1+$0x0], $0xffff  }
0x21d: {  	v1 =	vld.idx.msk [tilespmem:v3+s1+$0x0], $0xffff;
	_ =	sdelay $0x4  }
0x21e: {  	v0 =	vsub.f32 v1, v0;
	_ =	sdelay $0x1  }
0x21f: {  	s25 =	rddreg [dreg:$0x15];
	s19 =	simm.s32 $0x0;
	[tilespmem:s22+$0x3800] =	vst v0  }
0x220: {  	[hbm4b:s25+s19] =	stream.linear.scatter [tilespmem:s13], [sflag:$0x1], $0x800, $0x38;
	[tilespmem:$0x4000] =	vst v63  }
0x221: {  	_ =	swait.ge [sflag:s4], $0x800  }
0x222: {  	[sflag:s4] =	ssyncset.done $0x0  }
0x223: {  	[sflag:s4] =	ssyncadd.s32 $0xFFFFF800  }
0x224: {  	[tilespmem:s7], [sflag:$0x1] =	stream.linear.gather [hbm4b:s14+s19], $0x800, $0x38;
	[tilespmem:$0x4000] =	vst v63  }
0x225: {  	_ =	swait.ge [sflag:s4], $0x800  }
0x226: {  	[sflag:s4] =	ssyncset.done $0x0  }
0x227: {  	[sflag:s4] =	ssyncadd.s32 $0xFFFFF800  }
0x228: {  	[tilespmem:s10], [sflag:$0x1] =	stream.linear.gather [hbm4b:s15+s19], $0x800, $0x38;
	[tilespmem:$0x4000] =	vst v63  }
0x229: {  	_ =	swait.ge [sflag:s4], $0x800  }
0x22a: {  	[sflag:s4] =	ssyncset.done $0x0  }
0x22b: {  	s19 =	simm.s32 $0x0;
	[sflag:s4] =	ssyncadd.s32 $0xFFFFF800  }
0x22c: {  	v0 =	vld [tilespmem:s19+$0x3000]  }
0x22d: {  	v1 =	vld [tilespmem:s19+$0x2800];
	_ =	sdelay $0x6  }
0x22e: {  	v0 =	vld.idx.msk [tilespmem:v0+s1+$0x0], $0xffff  }
0x22f: {  	s22 =	simm.s32 $0x10;
	v2 =	vld.idx.msk [tilespmem:v1+s1+$0x0], $0xffff  }
0x230: {  	s25 =	simm.s32 $0x80;
	v1 =	vld [tilespmem:s22+$0x3000]  }
.LBB2_32:
0x231: {  	p0 =	sne.s32 s25, $0x1FC0;
	v3 =	vld [tilespmem:s22+$0x2800];
	_ =	sdelay $0x3  }
0x232: {  	v0 =	vsub.f32 v2, v0  }
.Ltmp15:
0x233: {  	(pc) =	sbr.rel @p0 .LBB2_32-.Ltmp15, $4  }
0x234: {  	[tilespmem:s19+$0x3800] =	vst v0;
	s19 =	smov.u32 s22  }
0x235: {  	v0 =	vld.idx.msk [tilespmem:v1+s1+$0x0], $0xffff  }
0x236: {  	s22 =	sshra.s32 s25, $0x2;
	v2 =	vld.idx.msk [tilespmem:v3+s1+$0x0], $0xffff  }
0x237: {  	s25 =	sadd.s32 $0x40, s25;
	v1 =	vld [tilespmem:s22+$0x3000]  }
0x238: {  	_ = 	snop  }
0x239: {  	v3 =	vld [tilespmem:s22+$0x2800];
	_ =	sdelay $0x3  }
0x23a: {  	v0 =	vsub.f32 v2, v0;
	_ =	sdelay $0x1  }
0x23b: {  	[tilespmem:s19+$0x3800] =	vst v0  }
0x23c: {  	v0 =	vld.idx.msk [tilespmem:v1+s1+$0x0], $0xffff  }
0x23d: {  	v1 =	vld.idx.msk [tilespmem:v3+s1+$0x0], $0xffff;
	_ =	sdelay $0x4  }
0x23e: {  	v0 =	vsub.f32 v1, v0;
	_ =	sdelay $0x1  }
0x23f: {  	s25 =	rddreg [dreg:$0x16];
	s19 =	simm.s32 $0x0;
	[tilespmem:s22+$0x3800] =	vst v0  }
0x240: {  	[hbm4b:s25+s19] =	stream.linear.scatter [tilespmem:s13], [sflag:$0x1], $0x800, $0x38;
	[tilespmem:$0x4000] =	vst v63  }
0x241: {  	_ =	swait.ge [sflag:s4], $0x800  }
0x242: {  	[sflag:s4] =	ssyncset.done $0x0  }
0x243: {  	[sflag:s4] =	ssyncadd.s32 $0xFFFFF800  }
0x244: {  	[tilespmem:s7], [sflag:$0x1] =	stream.linear.gather [hbm4b:s17+s19], $0x800, $0x38;
	[tilespmem:$0x4000] =	vst v63  }
0x245: {  	_ =	swait.ge [sflag:s4], $0x800  }
0x246: {  	[sflag:s4] =	ssyncset.done $0x0  }
0x247: {  	[sflag:s4] =	ssyncadd.s32 $0xFFFFF800  }
0x248: {  	[tilespmem:s10], [sflag:$0x1] =	stream.linear.gather [hbm4b:s18+s19], $0x800, $0x38;
	[tilespmem:$0x4000] =	vst v63  }
0x249: {  	_ =	swait.ge [sflag:s4], $0x800  }
0x24a: {  	[sflag:s4] =	ssyncset.done $0x0  }
0x24b: {  	s19 =	simm.s32 $0x0;
	[sflag:s4] =	ssyncadd.s32 $0xFFFFF800  }
0x24c: {  	v0 =	vld [tilespmem:s19+$0x3000]  }
0x24d: {  	v1 =	vld [tilespmem:s19+$0x2800];
	_ =	sdelay $0x6  }
0x24e: {  	v0 =	vld.idx.msk [tilespmem:v0+s1+$0x0], $0xffff  }
0x24f: {  	s22 =	simm.s32 $0x10;
	v2 =	vld.idx.msk [tilespmem:v1+s1+$0x0], $0xffff  }
0x250: {  	s25 =	simm.s32 $0x80;
	v1 =	vld [tilespmem:s22+$0x3000]  }
.LBB2_34:
0x251: {  	p0 =	sne.s32 s25, $0x1FC0;
	v3 =	vld [tilespmem:s22+$0x2800];
	_ =	sdelay $0x3  }
0x252: {  	v0 =	vsub.f32 v2, v0  }
.Ltmp16:
0x253: {  	(pc) =	sbr.rel @p0 .LBB2_34-.Ltmp16, $4  }
0x254: {  	[tilespmem:s19+$0x3800] =	vst v0;
	s19 =	smov.u32 s22  }
0x255: {  	v0 =	vld.idx.msk [tilespmem:v1+s1+$0x0], $0xffff  }
0x256: {  	s22 =	sshra.s32 s25, $0x2;
	v2 =	vld.idx.msk [tilespmem:v3+s1+$0x0], $0xffff  }
0x257: {  	s25 =	sadd.s32 $0x40, s25;
	v1 =	vld [tilespmem:s22+$0x3000]  }
0x258: {  	_ = 	snop  }
0x259: {  	v3 =	vld [tilespmem:s22+$0x2800];
	_ =	sdelay $0x3  }
0x25a: {  	v0 =	vsub.f32 v2, v0;
	_ =	sdelay $0x1  }
0x25b: {  	[tilespmem:s19+$0x3800] =	vst v0  }
0x25c: {  	v0 =	vld.idx.msk [tilespmem:v1+s1+$0x0], $0xffff  }
0x25d: {  	v1 =	vld.idx.msk [tilespmem:v3+s1+$0x0], $0xffff;
	_ =	sdelay $0x4  }
0x25e: {  	v0 =	vsub.f32 v1, v0;
	_ =	sdelay $0x1  }
0x25f: {  	s25 =	rddreg [dreg:$0x17];
	s19 =	simm.s32 $0x0;
	[tilespmem:s22+$0x3800] =	vst v0  }
0x260: {  	[hbm4b:s25+s19] =	stream.linear.scatter [tilespmem:s13], [sflag:$0x1], $0x800, $0x38;
	[tilespmem:$0x4000] =	vst v63  }
0x261: {  	_ =	swait.ge [sflag:s4], $0x800  }
0x262: {  	[sflag:s4] =	ssyncset.done $0x0  }
0x263: {  	[sflag:s4] =	ssyncadd.s32 $0xFFFFF800  }
0x264: {  	[tilespmem:s7], [sflag:$0x1] =	stream.linear.gather [hbm4b:s20+s19], $0x800, $0x38;
	[tilespmem:$0x4000] =	vst v63  }
0x265: {  	_ =	swait.ge [sflag:s4], $0x800  }
0x266: {  	[sflag:s4] =	ssyncset.done $0x0  }
0x267: {  	[sflag:s4] =	ssyncadd.s32 $0xFFFFF800  }
0x268: {  	[tilespmem:s10], [sflag:$0x1] =	stream.linear.gather [hbm4b:s21+s19], $0x800, $0x38;
	[tilespmem:$0x4000] =	vst v63  }
0x269: {  	_ =	swait.ge [sflag:s4], $0x800  }
0x26a: {  	[sflag:s4] =	ssyncset.done $0x0  }
0x26b: {  	s19 =	simm.s32 $0x0;
	[sflag:s4] =	ssyncadd.s32 $0xFFFFF800  }
0x26c: {  	v0 =	vld [tilespmem:s19+$0x3000]  }
0x26d: {  	v1 =	vld [tilespmem:s19+$0x2800];
	_ =	sdelay $0x6  }
0x26e: {  	v0 =	vld.idx.msk [tilespmem:v0+s1+$0x0], $0xffff  }
0x26f: {  	s22 =	simm.s32 $0x10;
	v2 =	vld.idx.msk [tilespmem:v1+s1+$0x0], $0xffff  }
0x270: {  	s25 =	simm.s32 $0x80;
	v1 =	vld [tilespmem:s22+$0x3000]  }
.LBB2_36:
0x271: {  	p0 =	sne.s32 s25, $0x1FC0;
	v3 =	vld [tilespmem:s22+$0x2800];
	_ =	sdelay $0x3  }
0x272: {  	v0 =	vsub.f32 v2, v0  }
.Ltmp17:
0x273: {  	(pc) =	sbr.rel @p0 .LBB2_36-.Ltmp17, $4  }
0x274: {  	[tilespmem:s19+$0x3800] =	vst v0;
	s19 =	smov.u32 s22  }
0x275: {  	v0 =	vld.idx.msk [tilespmem:v1+s1+$0x0], $0xffff  }
0x276: {  	s22 =	sshra.s32 s25, $0x2;
	v2 =	vld.idx.msk [tilespmem:v3+s1+$0x0], $0xffff  }
0x277: {  	s25 =	sadd.s32 $0x40, s25;
	v1 =	vld [tilespmem:s22+$0x3000]  }
0x278: {  	_ = 	snop  }
0x279: {  	v3 =	vld [tilespmem:s22+$0x2800];
	_ =	sdelay $0x3  }
0x27a: {  	v0 =	vsub.f32 v2, v0;
	_ =	sdelay $0x1  }
0x27b: {  	[tilespmem:s19+$0x3800] =	vst v0  }
0x27c: {  	v0 =	vld.idx.msk [tilespmem:v1+s1+$0x0], $0xffff  }
0x27d: {  	v1 =	vld.idx.msk [tilespmem:v3+s1+$0x0], $0xffff;
	_ =	sdelay $0x4  }
0x27e: {  	v0 =	vsub.f32 v1, v0;
	_ =	sdelay $0x1  }
0x27f: {  	s25 =	rddreg [dreg:$0x18];
	s19 =	simm.s32 $0x0;
	[tilespmem:s22+$0x3800] =	vst v0  }
0x280: {  	[hbm4b:s25+s19] =	stream.linear.scatter [tilespmem:s13], [sflag:$0x1], $0x800, $0x38;
	[tilespmem:$0x4000] =	vst v63  }
0x281: {  	_ =	swait.ge [sflag:s4], $0x800  }
0x282: {  	[sflag:s4] =	ssyncset.done $0x0  }
0x283: {  	[sflag:s4] =	ssyncadd.s32 $0xFFFFF800  }
0x284: {  	[tilespmem:s7], [sflag:$0x1] =	stream.linear.gather [hbm4b:s26+s19], $0x800, $0x38;
	[tilespmem:$0x4000] =	vst v63  }
0x285: {  	_ =	swait.ge [sflag:s4], $0x800  }
0x286: {  	[sflag:s4] =	ssyncset.done $0x0  }
0x287: {  	[sflag:s4] =	ssyncadd.s32 $0xFFFFF800  }
0x288: {  	[tilespmem:s10], [sflag:$0x1] =	stream.linear.gather [hbm4b:s29+s19], $0x800, $0x38;
	[tilespmem:$0x4000] =	vst v63  }
0x289: {  	_ =	swait.ge [sflag:s4], $0x800  }
0x28a: {  	[sflag:s4] =	ssyncset.done $0x0  }
0x28b: {  	s19 =	simm.s32 $0x0;
	[sflag:s4] =	ssyncadd.s32 $0xFFFFF800  }
0x28c: {  	v0 =	vld [tilespmem:s19+$0x3000]  }
0x28d: {  	v1 =	vld [tilespmem:s19+$0x2800];
	_ =	sdelay $0x6  }
0x28e: {  	v0 =	vld.idx.msk [tilespmem:v0+s1+$0x0], $0xffff  }
0x28f: {  	s22 =	simm.s32 $0x10;
	v2 =	vld.idx.msk [tilespmem:v1+s1+$0x0], $0xffff  }
0x290: {  	s25 =	simm.s32 $0x80;
	v1 =	vld [tilespmem:s22+$0x3000]  }
.LBB2_38:
0x291: {  	p0 =	sne.s32 s25, $0x1FC0;
	v3 =	vld [tilespmem:s22+$0x2800];
	_ =	sdelay $0x3  }
0x292: {  	v0 =	vsub.f32 v2, v0  }
.Ltmp18:
0x293: {  	(pc) =	sbr.rel @p0 .LBB2_38-.Ltmp18, $4  }
0x294: {  	[tilespmem:s19+$0x3800] =	vst v0;
	s19 =	smov.u32 s22  }
0x295: {  	v0 =	vld.idx.msk [tilespmem:v1+s1+$0x0], $0xffff  }
0x296: {  	s22 =	sshra.s32 s25, $0x2;
	v2 =	vld.idx.msk [tilespmem:v3+s1+$0x0], $0xffff  }
0x297: {  	s25 =	sadd.s32 $0x40, s25;
	v1 =	vld [tilespmem:s22+$0x3000]  }
0x298: {  	_ = 	snop  }
0x299: {  	v3 =	vld [tilespmem:s22+$0x2800];
	_ =	sdelay $0x3  }
0x29a: {  	v0 =	vsub.f32 v2, v0;
	_ =	sdelay $0x1  }
0x29b: {  	[tilespmem:s19+$0x3800] =	vst v0  }
0x29c: {  	v0 =	vld.idx.msk [tilespmem:v1+s1+$0x0], $0xffff  }
0x29d: {  	v1 =	vld.idx.msk [tilespmem:v3+s1+$0x0], $0xffff;
	_ =	sdelay $0x4  }
0x29e: {  	v0 =	vsub.f32 v1, v0;
	_ =	sdelay $0x1  }
0x29f: {  	s25 =	rddreg [dreg:$0x19];
	s19 =	simm.s32 $0x0;
	[tilespmem:s22+$0x3800] =	vst v0  }
0x2a0: {  	[hbm4b:s25+s19] =	stream.linear.scatter [tilespmem:s13], [sflag:$0x1], $0x800, $0x38;
	[tilespmem:$0x4000] =	vst v63  }
0x2a1: {  	_ =	swait.ge [sflag:s4], $0x800  }
0x2a2: {  	[sflag:s4] =	ssyncset.done $0x0  }
0x2a3: {  	[sflag:s4] =	ssyncadd.s32 $0xFFFFF800  }
0x2a4: {  	[tilespmem:s7], [sflag:$0x1] =	stream.linear.gather [hbm4b:s31+s19], $0x800, $0x38;
	[tilespmem:$0x4000] =	vst v63  }
0x2a5: {  	_ =	swait.ge [sflag:s4], $0x800  }
0x2a6: {  	[sflag:s4] =	ssyncset.done $0x0  }
0x2a7: {  	[sflag:s4] =	ssyncadd.s32 $0xFFFFF800  }
0x2a8: {  	[tilespmem:s10], [sflag:$0x1] =	stream.linear.gather [hbm4b:s0+s19], $0x800, $0x38;
	[tilespmem:$0x4000] =	vst v63  }
0x2a9: {  	_ =	swait.ge [sflag:s4], $0x800  }
0x2aa: {  	[sflag:s4] =	ssyncset.done $0x0  }
0x2ab: {  	s19 =	simm.s32 $0x0;
	[sflag:s4] =	ssyncadd.s32 $0xFFFFF800  }
0x2ac: {  	v0 =	vld [tilespmem:s19+$0x3000]  }
0x2ad: {  	v1 =	vld [tilespmem:s19+$0x2800];
	_ =	sdelay $0x6  }
0x2ae: {  	v0 =	vld.idx.msk [tilespmem:v0+s1+$0x0], $0xffff  }
0x2af: {  	s22 =	simm.s32 $0x10;
	v2 =	vld.idx.msk [tilespmem:v1+s1+$0x0], $0xffff  }
0x2b0: {  	s25 =	simm.s32 $0x80;
	v1 =	vld [tilespmem:s22+$0x3000]  }
.LBB2_40:
0x2b1: {  	p0 =	sne.s32 s25, $0x1FC0;
	v3 =	vld [tilespmem:s22+$0x2800];
	_ =	sdelay $0x3  }
0x2b2: {  	v0 =	vsub.f32 v2, v0  }
.Ltmp19:
0x2b3: {  	(pc) =	sbr.rel @p0 .LBB2_40-.Ltmp19, $4  }
0x2b4: {  	[tilespmem:s19+$0x3800] =	vst v0;
	s19 =	smov.u32 s22  }
0x2b5: {  	v0 =	vld.idx.msk [tilespmem:v1+s1+$0x0], $0xffff  }
0x2b6: {  	s22 =	sshra.s32 s25, $0x2;
	v2 =	vld.idx.msk [tilespmem:v3+s1+$0x0], $0xffff  }
0x2b7: {  	s25 =	sadd.s32 $0x40, s25;
	v1 =	vld [tilespmem:s22+$0x3000]  }
0x2b8: {  	_ = 	snop  }
0x2b9: {  	v3 =	vld [tilespmem:s22+$0x2800];
	_ =	sdelay $0x3  }
0x2ba: {  	v0 =	vsub.f32 v2, v0;
	_ =	sdelay $0x1  }
0x2bb: {  	[tilespmem:s19+$0x3800] =	vst v0  }
0x2bc: {  	v0 =	vld.idx.msk [tilespmem:v1+s1+$0x0], $0xffff  }
0x2bd: {  	v1 =	vld.idx.msk [tilespmem:v3+s1+$0x0], $0xffff;
	_ =	sdelay $0x4  }
0x2be: {  	v0 =	vsub.f32 v1, v0;
	_ =	sdelay $0x1  }
0x2bf: {  	s25 =	rddreg [dreg:$0x1a];
	s19 =	simm.s32 $0x0;
	[tilespmem:s22+$0x3800] =	vst v0  }
0x2c0: {  	[hbm4b:s25+s19] =	stream.linear.scatter [tilespmem:s13], [sflag:$0x1], $0x800, $0x38;
	[tilespmem:$0x4000] =	vst v63  }
0x2c1: {  	_ =	swait.ge [sflag:s4], $0x800  }
0x2c2: {  	[sflag:s4] =	ssyncset.done $0x0  }
0x2c3: {  	s25 =	rddreg [dreg:$0x1b];
	[sflag:s4] =	ssyncadd.s32 $0xFFFFF800  }
0x2c4: {  	[tilespmem:s19], [sflag:$0x1] =	stream.strided.gather [hbm4b:s25+s30], $0x2800, s28, s30, $0x38;
	[tilespmem:$0x4000] =	vst v63  }
0x2c5: {  	_ =	swait.ge [sflag:s4], $0x2800  }
0x2c6: {  	[sflag:s4] =	ssyncset.done $0x0  }
0x2c7: {  	[sflag:s4] =	ssyncadd.s32 $0xFFFFD800  }
0x2c8: {  	[tilespmem:s7], [sflag:$0x1] =	stream.linear.gather [hbm4b:s23+s19], $0x800, $0x38;
	[tilespmem:$0x4000] =	vst v63  }
0x2c9: {  	_ =	swait.ge [sflag:s4], $0x800  }
0x2ca: {  	[sflag:s4] =	ssyncset.done $0x0  }
0x2cb: {  	[sflag:s4] =	ssyncadd.s32 $0xFFFFF800  }
0x2cc: {  	[tilespmem:s10], [sflag:$0x1] =	stream.linear.gather [hbm4b:s24+s19], $0x800, $0x38;
	[tilespmem:$0x4000] =	vst v63  }
0x2cd: {  	_ =	swait.ge [sflag:s4], $0x800  }
0x2ce: {  	[sflag:s4] =	ssyncset.done $0x0  }
0x2cf: {  	s19 =	simm.s32 $0x0;
	[sflag:s4] =	ssyncadd.s32 $0xFFFFF800  }
0x2d0: {  	v0 =	vld [tilespmem:s19+$0x3000]  }
0x2d1: {  	v1 =	vld [tilespmem:s19+$0x2800];
	_ =	sdelay $0x6  }
0x2d2: {  	v0 =	vld.idx.msk [tilespmem:v0+s1+$0x0], $0xffff  }
0x2d3: {  	s22 =	simm.s32 $0x10;
	v2 =	vld.idx.msk [tilespmem:v1+s1+$0x0], $0xffff  }
0x2d4: {  	s25 =	simm.s32 $0x80;
	v1 =	vld [tilespmem:s22+$0x3000]  }
.LBB2_42:
0x2d5: {  	p0 =	sne.s32 s25, $0x1FC0;
	v3 =	vld [tilespmem:s22+$0x2800];
	_ =	sdelay $0x3  }
0x2d6: {  	v0 =	vsub.f32 v2, v0  }
.Ltmp20:
0x2d7: {  	(pc) =	sbr.rel @p0 .LBB2_42-.Ltmp20, $4  }
0x2d8: {  	[tilespmem:s19+$0x3800] =	vst v0;
	s19 =	smov.u32 s22  }
0x2d9: {  	v0 =	vld.idx.msk [tilespmem:v1+s1+$0x0], $0xffff  }
0x2da: {  	s22 =	sshra.s32 s25, $0x2;
	v2 =	vld.idx.msk [tilespmem:v3+s1+$0x0], $0xffff  }
0x2db: {  	s25 =	sadd.s32 $0x40, s25;
	v1 =	vld [tilespmem:s22+$0x3000]  }
0x2dc: {  	_ = 	snop  }
0x2dd: {  	v3 =	vld [tilespmem:s22+$0x2800];
	_ =	sdelay $0x3  }
0x2de: {  	v0 =	vsub.f32 v2, v0;
	_ =	sdelay $0x1  }
0x2df: {  	[tilespmem:s19+$0x3800] =	vst v0  }
0x2e0: {  	v0 =	vld.idx.msk [tilespmem:v1+s1+$0x0], $0xffff  }
0x2e1: {  	v1 =	vld.idx.msk [tilespmem:v3+s1+$0x0], $0xffff;
	_ =	sdelay $0x4  }
0x2e2: {  	v0 =	vsub.f32 v1, v0;
	_ =	sdelay $0x1  }
0x2e3: {  	s25 =	rddreg [dreg:$0x1c];
	s19 =	simm.s32 $0x0;
	[tilespmem:s22+$0x3800] =	vst v0  }
0x2e4: {  	[hbm4b:s25+s19] =	stream.linear.scatter [tilespmem:s13], [sflag:$0x1], $0x800, $0x38;
	[tilespmem:$0x4000] =	vst v63  }
0x2e5: {  	_ =	swait.ge [sflag:s4], $0x800  }
0x2e6: {  	[sflag:s4] =	ssyncset.done $0x0  }
0x2e7: {  	[sflag:s4] =	ssyncadd.s32 $0xFFFFF800  }
0x2e8: {  	[tilespmem:s7], [sflag:$0x1] =	stream.linear.gather [hbm4b:s2+s19], $0x800, $0x38;
	[tilespmem:$0x4000] =	vst v63  }
0x2e9: {  	_ =	swait.ge [sflag:s4], $0x800  }
0x2ea: {  	[sflag:s4] =	ssyncset.done $0x0  }
0x2eb: {  	[sflag:s4] =	ssyncadd.s32 $0xFFFFF800  }
0x2ec: {  	[tilespmem:s10], [sflag:$0x1] =	stream.linear.gather [hbm4b:s3+s19], $0x800, $0x38;
	[tilespmem:$0x4000] =	vst v63  }
0x2ed: {  	_ =	swait.ge [sflag:s4], $0x800  }
0x2ee: {  	[sflag:s4] =	ssyncset.done $0x0  }
0x2ef: {  	s19 =	simm.s32 $0x0;
	[sflag:s4] =	ssyncadd.s32 $0xFFFFF800  }
0x2f0: {  	v0 =	vld [tilespmem:s19+$0x3000]  }
0x2f1: {  	v1 =	vld [tilespmem:s19+$0x2800];
	_ =	sdelay $0x6  }
0x2f2: {  	v0 =	vld.idx.msk [tilespmem:v0+s1+$0x0], $0xffff  }
0x2f3: {  	s22 =	simm.s32 $0x10;
	v2 =	vld.idx.msk [tilespmem:v1+s1+$0x0], $0xffff  }
0x2f4: {  	s25 =	simm.s32 $0x80;
	v1 =	vld [tilespmem:s22+$0x3000]  }
.LBB2_44:
0x2f5: {  	p0 =	sne.s32 s25, $0x1FC0;
	v3 =	vld [tilespmem:s22+$0x2800];
	_ =	sdelay $0x3  }
0x2f6: {  	v0 =	vsub.f32 v2, v0  }
.Ltmp21:
0x2f7: {  	(pc) =	sbr.rel @p0 .LBB2_44-.Ltmp21, $4  }
0x2f8: {  	[tilespmem:s19+$0x3800] =	vst v0;
	s19 =	smov.u32 s22  }
0x2f9: {  	v0 =	vld.idx.msk [tilespmem:v1+s1+$0x0], $0xffff  }
0x2fa: {  	s22 =	sshra.s32 s25, $0x2;
	v2 =	vld.idx.msk [tilespmem:v3+s1+$0x0], $0xffff  }
0x2fb: {  	s25 =	sadd.s32 $0x40, s25;
	v1 =	vld [tilespmem:s22+$0x3000]  }
0x2fc: {  	_ = 	snop  }
0x2fd: {  	v3 =	vld [tilespmem:s22+$0x2800];
	_ =	sdelay $0x3  }
0x2fe: {  	v0 =	vsub.f32 v2, v0;
	_ =	sdelay $0x1  }
0x2ff: {  	[tilespmem:s19+$0x3800] =	vst v0  }
0x300: {  	v0 =	vld.idx.msk [tilespmem:v1+s1+$0x0], $0xffff  }
0x301: {  	v1 =	vld.idx.msk [tilespmem:v3+s1+$0x0], $0xffff;
	_ =	sdelay $0x4  }
0x302: {  	v0 =	vsub.f32 v1, v0;
	_ =	sdelay $0x1  }
0x303: {  	s25 =	rddreg [dreg:$0x1d];
	s19 =	simm.s32 $0x0;
	[tilespmem:s22+$0x3800] =	vst v0  }
0x304: {  	[hbm4b:s25+s19] =	stream.linear.scatter [tilespmem:s13], [sflag:$0x1], $0x800, $0x38;
	[tilespmem:$0x4000] =	vst v63  }
0x305: {  	_ =	swait.ge [sflag:s4], $0x800  }
0x306: {  	[sflag:s4] =	ssyncset.done $0x0  }
0x307: {  	[sflag:s4] =	ssyncadd.s32 $0xFFFFF800  }
0x308: {  	[tilespmem:s7], [sflag:$0x1] =	stream.linear.gather [hbm4b:s5+s19], $0x800, $0x38;
	[tilespmem:$0x4000] =	vst v63  }
0x309: {  	_ =	swait.ge [sflag:s4], $0x800  }
0x30a: {  	[sflag:s4] =	ssyncset.done $0x0  }
0x30b: {  	[sflag:s4] =	ssyncadd.s32 $0xFFFFF800  }
0x30c: {  	[tilespmem:s10], [sflag:$0x1] =	stream.linear.gather [hbm4b:s6+s19], $0x800, $0x38;
	[tilespmem:$0x4000] =	vst v63  }
0x30d: {  	_ =	swait.ge [sflag:s4], $0x800  }
0x30e: {  	[sflag:s4] =	ssyncset.done $0x0  }
0x30f: {  	s19 =	simm.s32 $0x0;
	[sflag:s4] =	ssyncadd.s32 $0xFFFFF800  }
0x310: {  	v0 =	vld [tilespmem:s19+$0x3000]  }
0x311: {  	v1 =	vld [tilespmem:s19+$0x2800];
	_ =	sdelay $0x6  }
0x312: {  	v0 =	vld.idx.msk [tilespmem:v0+s1+$0x0], $0xffff  }
0x313: {  	s22 =	simm.s32 $0x10;
	v2 =	vld.idx.msk [tilespmem:v1+s1+$0x0], $0xffff  }
0x314: {  	s25 =	simm.s32 $0x80;
	v1 =	vld [tilespmem:s22+$0x3000]  }
.LBB2_46:
0x315: {  	p0 =	sne.s32 s25, $0x1FC0;
	v3 =	vld [tilespmem:s22+$0x2800];
	_ =	sdelay $0x3  }
0x316: {  	v0 =	vsub.f32 v2, v0  }
.Ltmp22:
0x317: {  	(pc) =	sbr.rel @p0 .LBB2_46-.Ltmp22, $4  }
0x318: {  	[tilespmem:s19+$0x3800] =	vst v0;
	s19 =	smov.u32 s22  }
0x319: {  	v0 =	vld.idx.msk [tilespmem:v1+s1+$0x0], $0xffff  }
0x31a: {  	s22 =	sshra.s32 s25, $0x2;
	v2 =	vld.idx.msk [tilespmem:v3+s1+$0x0], $0xffff  }
0x31b: {  	s25 =	sadd.s32 $0x40, s25;
	v1 =	vld [tilespmem:s22+$0x3000]  }
0x31c: {  	_ = 	snop  }
0x31d: {  	v3 =	vld [tilespmem:s22+$0x2800];
	_ =	sdelay $0x3  }
0x31e: {  	v0 =	vsub.f32 v2, v0;
	_ =	sdelay $0x1  }
0x31f: {  	[tilespmem:s19+$0x3800] =	vst v0  }
0x320: {  	v0 =	vld.idx.msk [tilespmem:v1+s1+$0x0], $0xffff  }
0x321: {  	v1 =	vld.idx.msk [tilespmem:v3+s1+$0x0], $0xffff;
	_ =	sdelay $0x4  }
0x322: {  	v0 =	vsub.f32 v1, v0;
	_ =	sdelay $0x1  }
0x323: {  	s25 =	rddreg [dreg:$0x1e];
	s19 =	simm.s32 $0x0;
	[tilespmem:s22+$0x3800] =	vst v0  }
0x324: {  	[hbm4b:s25+s19] =	stream.linear.scatter [tilespmem:s13], [sflag:$0x1], $0x800, $0x38;
	[tilespmem:$0x4000] =	vst v63  }
0x325: {  	_ =	swait.ge [sflag:s4], $0x800  }
0x326: {  	[sflag:s4] =	ssyncset.done $0x0  }
0x327: {  	[sflag:s4] =	ssyncadd.s32 $0xFFFFF800  }
0x328: {  	[tilespmem:s7], [sflag:$0x1] =	stream.linear.gather [hbm4b:s8+s19], $0x800, $0x38;
	[tilespmem:$0x4000] =	vst v63  }
0x329: {  	_ =	swait.ge [sflag:s4], $0x800  }
0x32a: {  	[sflag:s4] =	ssyncset.done $0x0  }
0x32b: {  	[sflag:s4] =	ssyncadd.s32 $0xFFFFF800  }
0x32c: {  	[tilespmem:s10], [sflag:$0x1] =	stream.linear.gather [hbm4b:s9+s19], $0x800, $0x38;
	[tilespmem:$0x4000] =	vst v63  }
0x32d: {  	_ =	swait.ge [sflag:s4], $0x800  }
0x32e: {  	[sflag:s4] =	ssyncset.done $0x0  }
0x32f: {  	s19 =	simm.s32 $0x0;
	[sflag:s4] =	ssyncadd.s32 $0xFFFFF800  }
0x330: {  	v0 =	vld [tilespmem:s19+$0x3000]  }
0x331: {  	v1 =	vld [tilespmem:s19+$0x2800];
	_ =	sdelay $0x6  }
0x332: {  	v0 =	vld.idx.msk [tilespmem:v0+s1+$0x0], $0xffff  }
0x333: {  	s22 =	simm.s32 $0x10;
	v2 =	vld.idx.msk [tilespmem:v1+s1+$0x0], $0xffff  }
0x334: {  	s25 =	simm.s32 $0x80;
	v1 =	vld [tilespmem:s22+$0x3000]  }
.LBB2_48:
0x335: {  	p0 =	sne.s32 s25, $0x1FC0;
	v3 =	vld [tilespmem:s22+$0x2800];
	_ =	sdelay $0x3  }
0x336: {  	v0 =	vsub.f32 v2, v0  }
.Ltmp23:
0x337: {  	(pc) =	sbr.rel @p0 .LBB2_48-.Ltmp23, $4  }
0x338: {  	[tilespmem:s19+$0x3800] =	vst v0;
	s19 =	smov.u32 s22  }
0x339: {  	v0 =	vld.idx.msk [tilespmem:v1+s1+$0x0], $0xffff  }
0x33a: {  	s22 =	sshra.s32 s25, $0x2;
	v2 =	vld.idx.msk [tilespmem:v3+s1+$0x0], $0xffff  }
0x33b: {  	s25 =	sadd.s32 $0x40, s25;
	v1 =	vld [tilespmem:s22+$0x3000]  }
0x33c: {  	_ = 	snop  }
0x33d: {  	v3 =	vld [tilespmem:s22+$0x2800];
	_ =	sdelay $0x3  }
0x33e: {  	v0 =	vsub.f32 v2, v0;
	_ =	sdelay $0x1  }
0x33f: {  	[tilespmem:s19+$0x3800] =	vst v0  }
0x340: {  	v0 =	vld.idx.msk [tilespmem:v1+s1+$0x0], $0xffff  }
0x341: {  	v1 =	vld.idx.msk [tilespmem:v3+s1+$0x0], $0xffff;
	_ =	sdelay $0x4  }
0x342: {  	v0 =	vsub.f32 v1, v0;
	_ =	sdelay $0x1  }
0x343: {  	s25 =	rddreg [dreg:$0x1f];
	s19 =	simm.s32 $0x0;
	[tilespmem:s22+$0x3800] =	vst v0  }
0x344: {  	[hbm4b:s25+s19] =	stream.linear.scatter [tilespmem:s13], [sflag:$0x1], $0x800, $0x38;
	[tilespmem:$0x4000] =	vst v63  }
0x345: {  	_ =	swait.ge [sflag:s4], $0x800  }
0x346: {  	[sflag:s4] =	ssyncset.done $0x0  }
0x347: {  	[sflag:s4] =	ssyncadd.s32 $0xFFFFF800  }
0x348: {  	[tilespmem:s7], [sflag:$0x1] =	stream.linear.gather [hbm4b:s11+s19], $0x800, $0x38;
	[tilespmem:$0x4000] =	vst v63  }
0x349: {  	_ =	swait.ge [sflag:s4], $0x800  }
0x34a: {  	[sflag:s4] =	ssyncset.done $0x0  }
0x34b: {  	[sflag:s4] =	ssyncadd.s32 $0xFFFFF800  }
0x34c: {  	[tilespmem:s10], [sflag:$0x1] =	stream.linear.gather [hbm4b:s12+s19], $0x800, $0x38;
	[tilespmem:$0x4000] =	vst v63  }
0x34d: {  	_ =	swait.ge [sflag:s4], $0x800  }
0x34e: {  	[sflag:s4] =	ssyncset.done $0x0  }
0x34f: {  	s19 =	simm.s32 $0x0;
	[sflag:s4] =	ssyncadd.s32 $0xFFFFF800  }
0x350: {  	v0 =	vld [tilespmem:s19+$0x3000]  }
0x351: {  	v1 =	vld [tilespmem:s19+$0x2800];
	_ =	sdelay $0x6  }
0x352: {  	v0 =	vld.idx.msk [tilespmem:v0+s1+$0x0], $0xffff  }
0x353: {  	s22 =	simm.s32 $0x10;
	v2 =	vld.idx.msk [tilespmem:v1+s1+$0x0], $0xffff  }
0x354: {  	s25 =	simm.s32 $0x80;
	v1 =	vld [tilespmem:s22+$0x3000]  }
.LBB2_50:
0x355: {  	p0 =	sne.s32 s25, $0x1FC0;
	v3 =	vld [tilespmem:s22+$0x2800];
	_ =	sdelay $0x3  }
0x356: {  	v0 =	vsub.f32 v2, v0  }
.Ltmp24:
0x357: {  	(pc) =	sbr.rel @p0 .LBB2_50-.Ltmp24, $4  }
0x358: {  	[tilespmem:s19+$0x3800] =	vst v0;
	s19 =	smov.u32 s22  }
0x359: {  	v0 =	vld.idx.msk [tilespmem:v1+s1+$0x0], $0xffff  }
0x35a: {  	s22 =	sshra.s32 s25, $0x2;
	v2 =	vld.idx.msk [tilespmem:v3+s1+$0x0], $0xffff  }
0x35b: {  	s25 =	sadd.s32 $0x40, s25;
	v1 =	vld [tilespmem:s22+$0x3000]  }
0x35c: {  	_ = 	snop  }
0x35d: {  	v3 =	vld [tilespmem:s22+$0x2800];
	_ =	sdelay $0x3  }
0x35e: {  	v0 =	vsub.f32 v2, v0;
	_ =	sdelay $0x1  }
0x35f: {  	[tilespmem:s19+$0x3800] =	vst v0  }
0x360: {  	v0 =	vld.idx.msk [tilespmem:v1+s1+$0x0], $0xffff  }
0x361: {  	v1 =	vld.idx.msk [tilespmem:v3+s1+$0x0], $0xffff;
	_ =	sdelay $0x4  }
0x362: {  	s25 =	sld [smem:$0x7ED];
	v0 =	vsub.f32 v1, v0;
	_ =	sdelay $0x1  }
0x363: {  	s19 =	simm.s32 $0x0;
	[tilespmem:s22+$0x3800] =	vst v0  }
0x364: {  	[hbm4b:s25+s19] =	stream.linear.scatter [tilespmem:s13], [sflag:$0x1], $0x800, $0x38;
	[tilespmem:$0x4000] =	vst v63  }
0x365: {  	_ =	swait.ge [sflag:s4], $0x800  }
0x366: {  	[sflag:s4] =	ssyncset.done $0x0  }
0x367: {  	[sflag:s4] =	ssyncadd.s32 $0xFFFFF800  }
0x368: {  	[tilespmem:s7], [sflag:$0x1] =	stream.linear.gather [hbm4b:s14+s19], $0x800, $0x38;
	[tilespmem:$0x4000] =	vst v63  }
0x369: {  	_ =	swait.ge [sflag:s4], $0x800  }
0x36a: {  	[sflag:s4] =	ssyncset.done $0x0  }
0x36b: {  	[sflag:s4] =	ssyncadd.s32 $0xFFFFF800  }
0x36c: {  	[tilespmem:s10], [sflag:$0x1] =	stream.linear.gather [hbm4b:s15+s19], $0x800, $0x38;
	[tilespmem:$0x4000] =	vst v63  }
0x36d: {  	_ =	swait.ge [sflag:s4], $0x800  }
0x36e: {  	[sflag:s4] =	ssyncset.done $0x0  }
0x36f: {  	s19 =	simm.s32 $0x0;
	[sflag:s4] =	ssyncadd.s32 $0xFFFFF800  }
0x370: {  	v0 =	vld [tilespmem:s19+$0x3000]  }
0x371: {  	v1 =	vld [tilespmem:s19+$0x2800];
	_ =	sdelay $0x6  }
0x372: {  	v0 =	vld.idx.msk [tilespmem:v0+s1+$0x0], $0xffff  }
0x373: {  	s22 =	simm.s32 $0x10;
	v2 =	vld.idx.msk [tilespmem:v1+s1+$0x0], $0xffff  }
0x374: {  	s25 =	simm.s32 $0x80;
	v1 =	vld [tilespmem:s22+$0x3000]  }
.LBB2_52:
0x375: {  	p0 =	sne.s32 s25, $0x1FC0;
	v3 =	vld [tilespmem:s22+$0x2800];
	_ =	sdelay $0x3  }
0x376: {  	v0 =	vsub.f32 v2, v0  }
.Ltmp25:
0x377: {  	(pc) =	sbr.rel @p0 .LBB2_52-.Ltmp25, $4  }
0x378: {  	[tilespmem:s19+$0x3800] =	vst v0;
	s19 =	smov.u32 s22  }
0x379: {  	v0 =	vld.idx.msk [tilespmem:v1+s1+$0x0], $0xffff  }
0x37a: {  	s22 =	sshra.s32 s25, $0x2;
	v2 =	vld.idx.msk [tilespmem:v3+s1+$0x0], $0xffff  }
0x37b: {  	s25 =	sadd.s32 $0x40, s25;
	v1 =	vld [tilespmem:s22+$0x3000]  }
0x37c: {  	_ = 	snop  }
0x37d: {  	v3 =	vld [tilespmem:s22+$0x2800];
	_ =	sdelay $0x3  }
0x37e: {  	v0 =	vsub.f32 v2, v0;
	_ =	sdelay $0x1  }
0x37f: {  	[tilespmem:s19+$0x3800] =	vst v0  }
0x380: {  	v0 =	vld.idx.msk [tilespmem:v1+s1+$0x0], $0xffff  }
0x381: {  	v1 =	vld.idx.msk [tilespmem:v3+s1+$0x0], $0xffff;
	_ =	sdelay $0x4  }
0x382: {  	s25 =	sld [smem:$0x7EE];
	v0 =	vsub.f32 v1, v0;
	_ =	sdelay $0x1  }
0x383: {  	s19 =	simm.s32 $0x0;
	[tilespmem:s22+$0x3800] =	vst v0  }
0x384: {  	[hbm4b:s25+s19] =	stream.linear.scatter [tilespmem:s13], [sflag:$0x1], $0x800, $0x38;
	[tilespmem:$0x4000] =	vst v63  }
0x385: {  	_ =	swait.ge [sflag:s4], $0x800  }
0x386: {  	[sflag:s4] =	ssyncset.done $0x0  }
0x387: {  	[sflag:s4] =	ssyncadd.s32 $0xFFFFF800  }
0x388: {  	[tilespmem:s7], [sflag:$0x1] =	stream.linear.gather [hbm4b:s17+s19], $0x800, $0x38;
	[tilespmem:$0x4000] =	vst v63  }
0x389: {  	_ =	swait.ge [sflag:s4], $0x800  }
0x38a: {  	[sflag:s4] =	ssyncset.done $0x0  }
0x38b: {  	[sflag:s4] =	ssyncadd.s32 $0xFFFFF800  }
0x38c: {  	[tilespmem:s10], [sflag:$0x1] =	stream.linear.gather [hbm4b:s18+s19], $0x800, $0x38;
	[tilespmem:$0x4000] =	vst v63  }
0x38d: {  	_ =	swait.ge [sflag:s4], $0x800  }
0x38e: {  	[sflag:s4] =	ssyncset.done $0x0  }
0x38f: {  	s19 =	simm.s32 $0x0;
	[sflag:s4] =	ssyncadd.s32 $0xFFFFF800  }
0x390: {  	v0 =	vld [tilespmem:s19+$0x3000]  }
0x391: {  	v1 =	vld [tilespmem:s19+$0x2800];
	_ =	sdelay $0x6  }
0x392: {  	v0 =	vld.idx.msk [tilespmem:v0+s1+$0x0], $0xffff  }
0x393: {  	s22 =	simm.s32 $0x10;
	v2 =	vld.idx.msk [tilespmem:v1+s1+$0x0], $0xffff  }
0x394: {  	s25 =	simm.s32 $0x80;
	v1 =	vld [tilespmem:s22+$0x3000]  }
.LBB2_54:
0x395: {  	p0 =	sne.s32 s25, $0x1FC0;
	v3 =	vld [tilespmem:s22+$0x2800];
	_ =	sdelay $0x3  }
0x396: {  	v0 =	vsub.f32 v2, v0  }
.Ltmp26:
0x397: {  	(pc) =	sbr.rel @p0 .LBB2_54-.Ltmp26, $4  }
0x398: {  	[tilespmem:s19+$0x3800] =	vst v0;
	s19 =	smov.u32 s22  }
0x399: {  	v0 =	vld.idx.msk [tilespmem:v1+s1+$0x0], $0xffff  }
0x39a: {  	s22 =	sshra.s32 s25, $0x2;
	v2 =	vld.idx.msk [tilespmem:v3+s1+$0x0], $0xffff  }
0x39b: {  	s25 =	sadd.s32 $0x40, s25;
	v1 =	vld [tilespmem:s22+$0x3000]  }
0x39c: {  	_ = 	snop  }
0x39d: {  	v3 =	vld [tilespmem:s22+$0x2800];
	_ =	sdelay $0x3  }
0x39e: {  	v0 =	vsub.f32 v2, v0;
	_ =	sdelay $0x1  }
0x39f: {  	[tilespmem:s19+$0x3800] =	vst v0  }
0x3a0: {  	v0 =	vld.idx.msk [tilespmem:v1+s1+$0x0], $0xffff  }
0x3a1: {  	v1 =	vld.idx.msk [tilespmem:v3+s1+$0x0], $0xffff;
	_ =	sdelay $0x4  }
0x3a2: {  	s25 =	sld [smem:$0x7EF];
	v0 =	vsub.f32 v1, v0;
	_ =	sdelay $0x1  }
0x3a3: {  	s19 =	simm.s32 $0x0;
	[tilespmem:s22+$0x3800] =	vst v0  }
0x3a4: {  	[hbm4b:s25+s19] =	stream.linear.scatter [tilespmem:s13], [sflag:$0x1], $0x800, $0x38;
	[tilespmem:$0x4000] =	vst v63  }
0x3a5: {  	_ =	swait.ge [sflag:s4], $0x800  }
0x3a6: {  	[sflag:s4] =	ssyncset.done $0x0  }
0x3a7: {  	[sflag:s4] =	ssyncadd.s32 $0xFFFFF800  }
0x3a8: {  	[tilespmem:s7], [sflag:$0x1] =	stream.linear.gather [hbm4b:s20+s19], $0x800, $0x38;
	[tilespmem:$0x4000] =	vst v63  }
0x3a9: {  	_ =	swait.ge [sflag:s4], $0x800  }
0x3aa: {  	[sflag:s4] =	ssyncset.done $0x0  }
0x3ab: {  	[sflag:s4] =	ssyncadd.s32 $0xFFFFF800  }
0x3ac: {  	[tilespmem:s10], [sflag:$0x1] =	stream.linear.gather [hbm4b:s21+s19], $0x800, $0x38;
	[tilespmem:$0x4000] =	vst v63  }
0x3ad: {  	_ =	swait.ge [sflag:s4], $0x800  }
0x3ae: {  	[sflag:s4] =	ssyncset.done $0x0  }
0x3af: {  	s19 =	simm.s32 $0x0;
	[sflag:s4] =	ssyncadd.s32 $0xFFFFF800  }
0x3b0: {  	v0 =	vld [tilespmem:s19+$0x3000]  }
0x3b1: {  	v1 =	vld [tilespmem:s19+$0x2800];
	_ =	sdelay $0x6  }
0x3b2: {  	v0 =	vld.idx.msk [tilespmem:v0+s1+$0x0], $0xffff  }
0x3b3: {  	s22 =	simm.s32 $0x10;
	v2 =	vld.idx.msk [tilespmem:v1+s1+$0x0], $0xffff  }
0x3b4: {  	s25 =	simm.s32 $0x80;
	v1 =	vld [tilespmem:s22+$0x3000]  }
.LBB2_56:
0x3b5: {  	p0 =	sne.s32 s25, $0x1FC0;
	v3 =	vld [tilespmem:s22+$0x2800];
	_ =	sdelay $0x3  }
0x3b6: {  	v0 =	vsub.f32 v2, v0  }
.Ltmp27:
0x3b7: {  	(pc) =	sbr.rel @p0 .LBB2_56-.Ltmp27, $4  }
0x3b8: {  	[tilespmem:s19+$0x3800] =	vst v0;
	s19 =	smov.u32 s22  }
0x3b9: {  	v0 =	vld.idx.msk [tilespmem:v1+s1+$0x0], $0xffff  }
0x3ba: {  	s22 =	sshra.s32 s25, $0x2;
	v2 =	vld.idx.msk [tilespmem:v3+s1+$0x0], $0xffff  }
0x3bb: {  	s25 =	sadd.s32 $0x40, s25;
	v1 =	vld [tilespmem:s22+$0x3000]  }
0x3bc: {  	_ = 	snop  }
0x3bd: {  	v3 =	vld [tilespmem:s22+$0x2800];
	_ =	sdelay $0x3  }
0x3be: {  	v0 =	vsub.f32 v2, v0;
	_ =	sdelay $0x1  }
0x3bf: {  	[tilespmem:s19+$0x3800] =	vst v0  }
0x3c0: {  	v0 =	vld.idx.msk [tilespmem:v1+s1+$0x0], $0xffff  }
0x3c1: {  	v1 =	vld.idx.msk [tilespmem:v3+s1+$0x0], $0xffff;
	_ =	sdelay $0x4  }
0x3c2: {  	s25 =	sld [smem:$0x7F0];
	v0 =	vsub.f32 v1, v0;
	_ =	sdelay $0x1  }
0x3c3: {  	s19 =	simm.s32 $0x0;
	[tilespmem:s22+$0x3800] =	vst v0  }
0x3c4: {  	[hbm4b:s25+s19] =	stream.linear.scatter [tilespmem:s13], [sflag:$0x1], $0x800, $0x38;
	[tilespmem:$0x4000] =	vst v63  }
0x3c5: {  	_ =	swait.ge [sflag:s4], $0x800  }
0x3c6: {  	[sflag:s4] =	ssyncset.done $0x0  }
0x3c7: {  	[sflag:s4] =	ssyncadd.s32 $0xFFFFF800  }
0x3c8: {  	[tilespmem:s7], [sflag:$0x1] =	stream.linear.gather [hbm4b:s26+s19], $0x800, $0x38;
	[tilespmem:$0x4000] =	vst v63  }
0x3c9: {  	_ =	swait.ge [sflag:s4], $0x800  }
0x3ca: {  	[sflag:s4] =	ssyncset.done $0x0  }
0x3cb: {  	[sflag:s4] =	ssyncadd.s32 $0xFFFFF800  }
0x3cc: {  	[tilespmem:s10], [sflag:$0x1] =	stream.linear.gather [hbm4b:s29+s19], $0x800, $0x38;
	[tilespmem:$0x4000] =	vst v63  }
0x3cd: {  	_ =	swait.ge [sflag:s4], $0x800  }
0x3ce: {  	[sflag:s4] =	ssyncset.done $0x0  }
0x3cf: {  	s19 =	simm.s32 $0x0;
	[sflag:s4] =	ssyncadd.s32 $0xFFFFF800  }
0x3d0: {  	v0 =	vld [tilespmem:s19+$0x3000]  }
0x3d1: {  	v1 =	vld [tilespmem:s19+$0x2800];
	_ =	sdelay $0x6  }
0x3d2: {  	v0 =	vld.idx.msk [tilespmem:v0+s1+$0x0], $0xffff  }
0x3d3: {  	s22 =	simm.s32 $0x10;
	v2 =	vld.idx.msk [tilespmem:v1+s1+$0x0], $0xffff  }
0x3d4: {  	s25 =	simm.s32 $0x80;
	v1 =	vld [tilespmem:s22+$0x3000]  }
.LBB2_58:
0x3d5: {  	p0 =	sne.s32 s25, $0x1FC0;
	v3 =	vld [tilespmem:s22+$0x2800];
	_ =	sdelay $0x3  }
0x3d6: {  	v0 =	vsub.f32 v2, v0  }
.Ltmp28:
0x3d7: {  	(pc) =	sbr.rel @p0 .LBB2_58-.Ltmp28, $4  }
0x3d8: {  	[tilespmem:s19+$0x3800] =	vst v0;
	s19 =	smov.u32 s22  }
0x3d9: {  	v0 =	vld.idx.msk [tilespmem:v1+s1+$0x0], $0xffff  }
0x3da: {  	s22 =	sshra.s32 s25, $0x2;
	v2 =	vld.idx.msk [tilespmem:v3+s1+$0x0], $0xffff  }
0x3db: {  	s25 =	sadd.s32 $0x40, s25;
	v1 =	vld [tilespmem:s22+$0x3000]  }
0x3dc: {  	_ = 	snop  }
0x3dd: {  	v3 =	vld [tilespmem:s22+$0x2800];
	_ =	sdelay $0x3  }
0x3de: {  	v0 =	vsub.f32 v2, v0;
	_ =	sdelay $0x1  }
0x3df: {  	[tilespmem:s19+$0x3800] =	vst v0  }
0x3e0: {  	v0 =	vld.idx.msk [tilespmem:v1+s1+$0x0], $0xffff  }
0x3e1: {  	v1 =	vld.idx.msk [tilespmem:v3+s1+$0x0], $0xffff;
	_ =	sdelay $0x4  }
0x3e2: {  	s25 =	sld [smem:$0x7F1];
	v0 =	vsub.f32 v1, v0;
	_ =	sdelay $0x1  }
0x3e3: {  	s19 =	simm.s32 $0x0;
	[tilespmem:s22+$0x3800] =	vst v0  }
0x3e4: {  	[hbm4b:s25+s19] =	stream.linear.scatter [tilespmem:s13], [sflag:$0x1], $0x800, $0x38;
	[tilespmem:$0x4000] =	vst v63  }
0x3e5: {  	_ =	swait.ge [sflag:s4], $0x800  }
0x3e6: {  	[sflag:s4] =	ssyncset.done $0x0  }
0x3e7: {  	[sflag:s4] =	ssyncadd.s32 $0xFFFFF800  }
0x3e8: {  	[tilespmem:s7], [sflag:$0x1] =	stream.linear.gather [hbm4b:s31+s19], $0x800, $0x38;
	[tilespmem:$0x4000] =	vst v63  }
0x3e9: {  	_ =	swait.ge [sflag:s4], $0x800  }
0x3ea: {  	[sflag:s4] =	ssyncset.done $0x0  }
0x3eb: {  	[sflag:s4] =	ssyncadd.s32 $0xFFFFF800  }
0x3ec: {  	[tilespmem:s10], [sflag:$0x1] =	stream.linear.gather [hbm4b:s0+s19], $0x800, $0x38;
	[tilespmem:$0x4000] =	vst v63  }
0x3ed: {  	_ =	swait.ge [sflag:s4], $0x800  }
0x3ee: {  	[sflag:s4] =	ssyncset.done $0x0  }
0x3ef: {  	s19 =	simm.s32 $0x0;
	[sflag:s4] =	ssyncadd.s32 $0xFFFFF800  }
0x3f0: {  	v0 =	vld [tilespmem:s19+$0x3000]  }
0x3f1: {  	v1 =	vld [tilespmem:s19+$0x2800];
	_ =	sdelay $0x6  }
0x3f2: {  	v0 =	vld.idx.msk [tilespmem:v0+s1+$0x0], $0xffff  }
0x3f3: {  	s22 =	simm.s32 $0x10;
	v2 =	vld.idx.msk [tilespmem:v1+s1+$0x0], $0xffff  }
0x3f4: {  	s25 =	simm.s32 $0x80;
	v1 =	vld [tilespmem:s22+$0x3000]  }
.LBB2_60:
0x3f5: {  	p0 =	sne.s32 s25, $0x1FC0;
	v3 =	vld [tilespmem:s22+$0x2800];
	_ =	sdelay $0x3  }
0x3f6: {  	v0 =	vsub.f32 v2, v0  }
.Ltmp29:
0x3f7: {  	(pc) =	sbr.rel @p0 .LBB2_60-.Ltmp29, $4  }
0x3f8: {  	[tilespmem:s19+$0x3800] =	vst v0;
	s19 =	smov.u32 s22  }
0x3f9: {  	v0 =	vld.idx.msk [tilespmem:v1+s1+$0x0], $0xffff  }
0x3fa: {  	s22 =	sshra.s32 s25, $0x2;
	v2 =	vld.idx.msk [tilespmem:v3+s1+$0x0], $0xffff  }
0x3fb: {  	s25 =	sadd.s32 $0x40, s25;
	v1 =	vld [tilespmem:s22+$0x3000]  }
0x3fc: {  	_ = 	snop  }
0x3fd: {  	v3 =	vld [tilespmem:s22+$0x2800];
	_ =	sdelay $0x3  }
0x3fe: {  	v0 =	vsub.f32 v2, v0;
	_ =	sdelay $0x1  }
0x3ff: {  	[tilespmem:s19+$0x3800] =	vst v0  }
0x400: {  	v0 =	vld.idx.msk [tilespmem:v1+s1+$0x0], $0xffff  }
0x401: {  	v1 =	vld.idx.msk [tilespmem:v3+s1+$0x0], $0xffff;
	_ =	sdelay $0x4  }
0x402: {  	s25 =	sld [smem:$0x7F2];
	v0 =	vsub.f32 v1, v0;
	_ =	sdelay $0x1  }
0x403: {  	s19 =	simm.s32 $0x0;
	[tilespmem:s22+$0x3800] =	vst v0  }
0x404: {  	[hbm4b:s25+s19] =	stream.linear.scatter [tilespmem:s13], [sflag:$0x1], $0x800, $0x38;
	[tilespmem:$0x4000] =	vst v63  }
0x405: {  	_ =	swait.ge [sflag:s4], $0x800  }
0x406: {  	s25 =	sld [smem:$0x7F3]  }
0x407: {  	[sflag:s4] =	ssyncset.done $0x0  }
0x408: {  	[sflag:s4] =	ssyncadd.s32 $0xFFFFF800  }
0x409: {  	[tilespmem:s19], [sflag:$0x1] =	stream.strided.gather [hbm4b:s25+s30], $0x2800, s28, s30, $0x38;
	[tilespmem:$0x4000] =	vst v63  }
0x40a: {  	_ =	swait.ge [sflag:s4], $0x2800  }
0x40b: {  	[sflag:s4] =	ssyncset.done $0x0  }
0x40c: {  	[sflag:s4] =	ssyncadd.s32 $0xFFFFD800  }
0x40d: {  	[tilespmem:s7], [sflag:$0x1] =	stream.linear.gather [hbm4b:s23+s19], $0x800, $0x38;
	[tilespmem:$0x4000] =	vst v63  }
0x40e: {  	_ =	swait.ge [sflag:s4], $0x800  }
0x40f: {  	[sflag:s4] =	ssyncset.done $0x0  }
0x410: {  	[sflag:s4] =	ssyncadd.s32 $0xFFFFF800  }
0x411: {  	[tilespmem:s10], [sflag:$0x1] =	stream.linear.gather [hbm4b:s24+s19], $0x800, $0x38;
	[tilespmem:$0x4000] =	vst v63  }
0x412: {  	_ =	swait.ge [sflag:s4], $0x800  }
0x413: {  	[sflag:s4] =	ssyncset.done $0x0  }
0x414: {  	s19 =	simm.s32 $0x0;
	[sflag:s4] =	ssyncadd.s32 $0xFFFFF800  }
0x415: {  	v0 =	vld [tilespmem:s19+$0x3000]  }
0x416: {  	v1 =	vld [tilespmem:s19+$0x2800];
	_ =	sdelay $0x6  }
0x417: {  	v0 =	vld.idx.msk [tilespmem:v0+s1+$0x0], $0xffff  }
0x418: {  	s22 =	simm.s32 $0x10;
	v2 =	vld.idx.msk [tilespmem:v1+s1+$0x0], $0xffff  }
0x419: {  	s25 =	simm.s32 $0x80;
	v1 =	vld [tilespmem:s22+$0x3000]  }
.LBB2_62:
0x41a: {  	p0 =	sne.s32 s25, $0x1FC0;
	v3 =	vld [tilespmem:s22+$0x2800];
	_ =	sdelay $0x3  }
0x41b: {  	v0 =	vsub.f32 v2, v0  }
.Ltmp30:
0x41c: {  	(pc) =	sbr.rel @p0 .LBB2_62-.Ltmp30, $4  }
0x41d: {  	[tilespmem:s19+$0x3800] =	vst v0;
	s19 =	smov.u32 s22  }
0x41e: {  	v0 =	vld.idx.msk [tilespmem:v1+s1+$0x0], $0xffff  }
0x41f: {  	s22 =	sshra.s32 s25, $0x2;
	v2 =	vld.idx.msk [tilespmem:v3+s1+$0x0], $0xffff  }
0x420: {  	s25 =	sadd.s32 $0x40, s25;
	v1 =	vld [tilespmem:s22+$0x3000]  }
0x421: {  	_ = 	snop  }
0x422: {  	v3 =	vld [tilespmem:s22+$0x2800];
	_ =	sdelay $0x3  }
0x423: {  	v0 =	vsub.f32 v2, v0;
	_ =	sdelay $0x1  }
0x424: {  	[tilespmem:s19+$0x3800] =	vst v0  }
0x425: {  	v0 =	vld.idx.msk [tilespmem:v1+s1+$0x0], $0xffff  }
0x426: {  	v1 =	vld.idx.msk [tilespmem:v3+s1+$0x0], $0xffff;
	_ =	sdelay $0x4  }
0x427: {  	s25 =	sld [smem:$0x7F4];
	v0 =	vsub.f32 v1, v0;
	_ =	sdelay $0x1  }
0x428: {  	s19 =	simm.s32 $0x0;
	[tilespmem:s22+$0x3800] =	vst v0  }
0x429: {  	[hbm4b:s25+s19] =	stream.linear.scatter [tilespmem:s13], [sflag:$0x1], $0x800, $0x38;
	[tilespmem:$0x4000] =	vst v63  }
0x42a: {  	_ =	swait.ge [sflag:s4], $0x800  }
0x42b: {  	[sflag:s4] =	ssyncset.done $0x0  }
0x42c: {  	[sflag:s4] =	ssyncadd.s32 $0xFFFFF800  }
0x42d: {  	[tilespmem:s7], [sflag:$0x1] =	stream.linear.gather [hbm4b:s2+s19], $0x800, $0x38;
	[tilespmem:$0x4000] =	vst v63  }
0x42e: {  	_ =	swait.ge [sflag:s4], $0x800  }
0x42f: {  	[sflag:s4] =	ssyncset.done $0x0  }
0x430: {  	[sflag:s4] =	ssyncadd.s32 $0xFFFFF800  }
0x431: {  	[tilespmem:s10], [sflag:$0x1] =	stream.linear.gather [hbm4b:s3+s19], $0x800, $0x38;
	[tilespmem:$0x4000] =	vst v63  }
0x432: {  	_ =	swait.ge [sflag:s4], $0x800  }
0x433: {  	[sflag:s4] =	ssyncset.done $0x0  }
0x434: {  	s19 =	simm.s32 $0x0;
	[sflag:s4] =	ssyncadd.s32 $0xFFFFF800  }
0x435: {  	v0 =	vld [tilespmem:s19+$0x3000]  }
0x436: {  	v1 =	vld [tilespmem:s19+$0x2800];
	_ =	sdelay $0x6  }
0x437: {  	v0 =	vld.idx.msk [tilespmem:v0+s1+$0x0], $0xffff  }
0x438: {  	s22 =	simm.s32 $0x10;
	v2 =	vld.idx.msk [tilespmem:v1+s1+$0x0], $0xffff  }
0x439: {  	s25 =	simm.s32 $0x80;
	v1 =	vld [tilespmem:s22+$0x3000]  }
.LBB2_64:
0x43a: {  	p0 =	sne.s32 s25, $0x1FC0;
	v3 =	vld [tilespmem:s22+$0x2800];
	_ =	sdelay $0x3  }
0x43b: {  	v0 =	vsub.f32 v2, v0  }
.Ltmp31:
0x43c: {  	(pc) =	sbr.rel @p0 .LBB2_64-.Ltmp31, $4  }
0x43d: {  	[tilespmem:s19+$0x3800] =	vst v0;
	s19 =	smov.u32 s22  }
0x43e: {  	v0 =	vld.idx.msk [tilespmem:v1+s1+$0x0], $0xffff  }
0x43f: {  	s22 =	sshra.s32 s25, $0x2;
	v2 =	vld.idx.msk [tilespmem:v3+s1+$0x0], $0xffff  }
0x440: {  	s25 =	sadd.s32 $0x40, s25;
	v1 =	vld [tilespmem:s22+$0x3000]  }
0x441: {  	_ = 	snop  }
0x442: {  	v3 =	vld [tilespmem:s22+$0x2800];
	_ =	sdelay $0x3  }
0x443: {  	v0 =	vsub.f32 v2, v0;
	_ =	sdelay $0x1  }
0x444: {  	[tilespmem:s19+$0x3800] =	vst v0  }
0x445: {  	v0 =	vld.idx.msk [tilespmem:v1+s1+$0x0], $0xffff  }
0x446: {  	v1 =	vld.idx.msk [tilespmem:v3+s1+$0x0], $0xffff;
	_ =	sdelay $0x4  }
0x447: {  	s25 =	sld [smem:$0x7F5];
	v0 =	vsub.f32 v1, v0;
	_ =	sdelay $0x1  }
0x448: {  	s19 =	simm.s32 $0x0;
	[tilespmem:s22+$0x3800] =	vst v0  }
0x449: {  	[hbm4b:s25+s19] =	stream.linear.scatter [tilespmem:s13], [sflag:$0x1], $0x800, $0x38;
	[tilespmem:$0x4000] =	vst v63  }
0x44a: {  	_ =	swait.ge [sflag:s4], $0x800  }
0x44b: {  	[sflag:s4] =	ssyncset.done $0x0  }
0x44c: {  	[sflag:s4] =	ssyncadd.s32 $0xFFFFF800  }
0x44d: {  	[tilespmem:s7], [sflag:$0x1] =	stream.linear.gather [hbm4b:s5+s19], $0x800, $0x38;
	[tilespmem:$0x4000] =	vst v63  }
0x44e: {  	_ =	swait.ge [sflag:s4], $0x800  }
0x44f: {  	[sflag:s4] =	ssyncset.done $0x0  }
0x450: {  	[sflag:s4] =	ssyncadd.s32 $0xFFFFF800  }
0x451: {  	[tilespmem:s10], [sflag:$0x1] =	stream.linear.gather [hbm4b:s6+s19], $0x800, $0x38;
	[tilespmem:$0x4000] =	vst v63  }
0x452: {  	_ =	swait.ge [sflag:s4], $0x800  }
0x453: {  	[sflag:s4] =	ssyncset.done $0x0  }
0x454: {  	s19 =	simm.s32 $0x0;
	[sflag:s4] =	ssyncadd.s32 $0xFFFFF800  }
0x455: {  	v0 =	vld [tilespmem:s19+$0x3000]  }
0x456: {  	v1 =	vld [tilespmem:s19+$0x2800];
	_ =	sdelay $0x6  }
0x457: {  	v0 =	vld.idx.msk [tilespmem:v0+s1+$0x0], $0xffff  }
0x458: {  	s22 =	simm.s32 $0x10;
	v2 =	vld.idx.msk [tilespmem:v1+s1+$0x0], $0xffff  }
0x459: {  	s25 =	simm.s32 $0x80;
	v1 =	vld [tilespmem:s22+$0x3000]  }
.LBB2_66:
0x45a: {  	p0 =	sne.s32 s25, $0x1FC0;
	v3 =	vld [tilespmem:s22+$0x2800];
	_ =	sdelay $0x3  }
0x45b: {  	v0 =	vsub.f32 v2, v0  }
.Ltmp32:
0x45c: {  	(pc) =	sbr.rel @p0 .LBB2_66-.Ltmp32, $4  }
0x45d: {  	[tilespmem:s19+$0x3800] =	vst v0;
	s19 =	smov.u32 s22  }
0x45e: {  	v0 =	vld.idx.msk [tilespmem:v1+s1+$0x0], $0xffff  }
0x45f: {  	s22 =	sshra.s32 s25, $0x2;
	v2 =	vld.idx.msk [tilespmem:v3+s1+$0x0], $0xffff  }
0x460: {  	s25 =	sadd.s32 $0x40, s25;
	v1 =	vld [tilespmem:s22+$0x3000]  }
0x461: {  	_ = 	snop  }
0x462: {  	v3 =	vld [tilespmem:s22+$0x2800];
	_ =	sdelay $0x3  }
0x463: {  	v0 =	vsub.f32 v2, v0;
	_ =	sdelay $0x1  }
0x464: {  	[tilespmem:s19+$0x3800] =	vst v0  }
0x465: {  	v0 =	vld.idx.msk [tilespmem:v1+s1+$0x0], $0xffff  }
0x466: {  	v1 =	vld.idx.msk [tilespmem:v3+s1+$0x0], $0xffff;
	_ =	sdelay $0x4  }
0x467: {  	s25 =	sld [smem:$0x7F6];
	v0 =	vsub.f32 v1, v0;
	_ =	sdelay $0x1  }
0x468: {  	s19 =	simm.s32 $0x0;
	[tilespmem:s22+$0x3800] =	vst v0  }
0x469: {  	[hbm4b:s25+s19] =	stream.linear.scatter [tilespmem:s13], [sflag:$0x1], $0x800, $0x38;
	[tilespmem:$0x4000] =	vst v63  }
0x46a: {  	_ =	swait.ge [sflag:s4], $0x800  }
0x46b: {  	[sflag:s4] =	ssyncset.done $0x0  }
0x46c: {  	[sflag:s4] =	ssyncadd.s32 $0xFFFFF800  }
0x46d: {  	[tilespmem:s7], [sflag:$0x1] =	stream.linear.gather [hbm4b:s8+s19], $0x800, $0x38;
	[tilespmem:$0x4000] =	vst v63  }
0x46e: {  	_ =	swait.ge [sflag:s4], $0x800  }
0x46f: {  	[sflag:s4] =	ssyncset.done $0x0  }
0x470: {  	[sflag:s4] =	ssyncadd.s32 $0xFFFFF800  }
0x471: {  	[tilespmem:s10], [sflag:$0x1] =	stream.linear.gather [hbm4b:s9+s19], $0x800, $0x38;
	[tilespmem:$0x4000] =	vst v63  }
0x472: {  	_ =	swait.ge [sflag:s4], $0x800  }
0x473: {  	[sflag:s4] =	ssyncset.done $0x0  }
0x474: {  	s19 =	simm.s32 $0x0;
	[sflag:s4] =	ssyncadd.s32 $0xFFFFF800  }
0x475: {  	v0 =	vld [tilespmem:s19+$0x3000]  }
0x476: {  	v1 =	vld [tilespmem:s19+$0x2800];
	_ =	sdelay $0x6  }
0x477: {  	v0 =	vld.idx.msk [tilespmem:v0+s1+$0x0], $0xffff  }
0x478: {  	s22 =	simm.s32 $0x10;
	v2 =	vld.idx.msk [tilespmem:v1+s1+$0x0], $0xffff  }
0x479: {  	s25 =	simm.s32 $0x80;
	v1 =	vld [tilespmem:s22+$0x3000]  }
.LBB2_68:
0x47a: {  	p0 =	sne.s32 s25, $0x1FC0;
	v3 =	vld [tilespmem:s22+$0x2800];
	_ =	sdelay $0x3  }
0x47b: {  	v0 =	vsub.f32 v2, v0  }
.Ltmp33:
0x47c: {  	(pc) =	sbr.rel @p0 .LBB2_68-.Ltmp33, $4  }
0x47d: {  	[tilespmem:s19+$0x3800] =	vst v0;
	s19 =	smov.u32 s22  }
0x47e: {  	v0 =	vld.idx.msk [tilespmem:v1+s1+$0x0], $0xffff  }
0x47f: {  	s22 =	sshra.s32 s25, $0x2;
	v2 =	vld.idx.msk [tilespmem:v3+s1+$0x0], $0xffff  }
0x480: {  	s25 =	sadd.s32 $0x40, s25;
	v1 =	vld [tilespmem:s22+$0x3000]  }
0x481: {  	_ = 	snop  }
0x482: {  	v3 =	vld [tilespmem:s22+$0x2800];
	_ =	sdelay $0x3  }
0x483: {  	v0 =	vsub.f32 v2, v0;
	_ =	sdelay $0x1  }
0x484: {  	[tilespmem:s19+$0x3800] =	vst v0  }
0x485: {  	v0 =	vld.idx.msk [tilespmem:v1+s1+$0x0], $0xffff  }
0x486: {  	v1 =	vld.idx.msk [tilespmem:v3+s1+$0x0], $0xffff;
	_ =	sdelay $0x4  }
0x487: {  	s25 =	sld [smem:$0x7F7];
	v0 =	vsub.f32 v1, v0;
	_ =	sdelay $0x1  }
0x488: {  	s19 =	simm.s32 $0x0;
	[tilespmem:s22+$0x3800] =	vst v0  }
0x489: {  	[hbm4b:s25+s19] =	stream.linear.scatter [tilespmem:s13], [sflag:$0x1], $0x800, $0x38;
	[tilespmem:$0x4000] =	vst v63  }
0x48a: {  	_ =	swait.ge [sflag:s4], $0x800  }
0x48b: {  	[sflag:s4] =	ssyncset.done $0x0  }
0x48c: {  	[sflag:s4] =	ssyncadd.s32 $0xFFFFF800  }
0x48d: {  	[tilespmem:s7], [sflag:$0x1] =	stream.linear.gather [hbm4b:s11+s19], $0x800, $0x38;
	[tilespmem:$0x4000] =	vst v63  }
0x48e: {  	_ =	swait.ge [sflag:s4], $0x800  }
0x48f: {  	[sflag:s4] =	ssyncset.done $0x0  }
0x490: {  	[sflag:s4] =	ssyncadd.s32 $0xFFFFF800  }
0x491: {  	[tilespmem:s10], [sflag:$0x1] =	stream.linear.gather [hbm4b:s12+s19], $0x800, $0x38;
	[tilespmem:$0x4000] =	vst v63  }
0x492: {  	_ =	swait.ge [sflag:s4], $0x800  }
0x493: {  	[sflag:s4] =	ssyncset.done $0x0  }
0x494: {  	s19 =	simm.s32 $0x0;
	[sflag:s4] =	ssyncadd.s32 $0xFFFFF800  }
0x495: {  	v0 =	vld [tilespmem:s19+$0x3000]  }
0x496: {  	v1 =	vld [tilespmem:s19+$0x2800];
	_ =	sdelay $0x6  }
0x497: {  	v0 =	vld.idx.msk [tilespmem:v0+s1+$0x0], $0xffff  }
0x498: {  	s22 =	simm.s32 $0x10;
	v2 =	vld.idx.msk [tilespmem:v1+s1+$0x0], $0xffff  }
0x499: {  	s25 =	simm.s32 $0x80;
	v1 =	vld [tilespmem:s22+$0x3000]  }
.LBB2_70:
0x49a: {  	p0 =	sne.s32 s25, $0x1FC0;
	v3 =	vld [tilespmem:s22+$0x2800];
	_ =	sdelay $0x3  }
0x49b: {  	v0 =	vsub.f32 v2, v0  }
.Ltmp34:
0x49c: {  	(pc) =	sbr.rel @p0 .LBB2_70-.Ltmp34, $4  }
0x49d: {  	[tilespmem:s19+$0x3800] =	vst v0;
	s19 =	smov.u32 s22  }
0x49e: {  	v0 =	vld.idx.msk [tilespmem:v1+s1+$0x0], $0xffff  }
0x49f: {  	s22 =	sshra.s32 s25, $0x2;
	v2 =	vld.idx.msk [tilespmem:v3+s1+$0x0], $0xffff  }
0x4a0: {  	s25 =	sadd.s32 $0x40, s25;
	v1 =	vld [tilespmem:s22+$0x3000]  }
0x4a1: {  	_ = 	snop  }
0x4a2: {  	v3 =	vld [tilespmem:s22+$0x2800];
	_ =	sdelay $0x3  }
0x4a3: {  	v0 =	vsub.f32 v2, v0;
	_ =	sdelay $0x1  }
0x4a4: {  	[tilespmem:s19+$0x3800] =	vst v0  }
0x4a5: {  	v0 =	vld.idx.msk [tilespmem:v1+s1+$0x0], $0xffff  }
0x4a6: {  	v1 =	vld.idx.msk [tilespmem:v3+s1+$0x0], $0xffff;
	_ =	sdelay $0x4  }
0x4a7: {  	s25 =	sld [smem:$0x7F8];
	v0 =	vsub.f32 v1, v0;
	_ =	sdelay $0x1  }
0x4a8: {  	s19 =	simm.s32 $0x0;
	[tilespmem:s22+$0x3800] =	vst v0  }
0x4a9: {  	[hbm4b:s25+s19] =	stream.linear.scatter [tilespmem:s13], [sflag:$0x1], $0x800, $0x38;
	[tilespmem:$0x4000] =	vst v63  }
0x4aa: {  	_ =	swait.ge [sflag:s4], $0x800  }
0x4ab: {  	[sflag:s4] =	ssyncset.done $0x0  }
0x4ac: {  	[sflag:s4] =	ssyncadd.s32 $0xFFFFF800  }
0x4ad: {  	[tilespmem:s7], [sflag:$0x1] =	stream.linear.gather [hbm4b:s14+s19], $0x800, $0x38;
	[tilespmem:$0x4000] =	vst v63  }
0x4ae: {  	_ =	swait.ge [sflag:s4], $0x800  }
0x4af: {  	[sflag:s4] =	ssyncset.done $0x0  }
0x4b0: {  	[sflag:s4] =	ssyncadd.s32 $0xFFFFF800  }
0x4b1: {  	[tilespmem:s10], [sflag:$0x1] =	stream.linear.gather [hbm4b:s15+s19], $0x800, $0x38;
	[tilespmem:$0x4000] =	vst v63  }
0x4b2: {  	_ =	swait.ge [sflag:s4], $0x800  }
0x4b3: {  	[sflag:s4] =	ssyncset.done $0x0  }
0x4b4: {  	s19 =	simm.s32 $0x0;
	[sflag:s4] =	ssyncadd.s32 $0xFFFFF800  }
0x4b5: {  	v0 =	vld [tilespmem:s19+$0x3000]  }
0x4b6: {  	v1 =	vld [tilespmem:s19+$0x2800];
	_ =	sdelay $0x6  }
0x4b7: {  	v0 =	vld.idx.msk [tilespmem:v0+s1+$0x0], $0xffff  }
0x4b8: {  	s22 =	simm.s32 $0x10;
	v2 =	vld.idx.msk [tilespmem:v1+s1+$0x0], $0xffff  }
0x4b9: {  	s25 =	simm.s32 $0x80;
	v1 =	vld [tilespmem:s22+$0x3000]  }
.LBB2_72:
0x4ba: {  	p0 =	sne.s32 s25, $0x1FC0;
	v3 =	vld [tilespmem:s22+$0x2800];
	_ =	sdelay $0x3  }
0x4bb: {  	v0 =	vsub.f32 v2, v0  }
.Ltmp35:
0x4bc: {  	(pc) =	sbr.rel @p0 .LBB2_72-.Ltmp35, $4  }
0x4bd: {  	[tilespmem:s19+$0x3800] =	vst v0;
	s19 =	smov.u32 s22  }
0x4be: {  	v0 =	vld.idx.msk [tilespmem:v1+s1+$0x0], $0xffff  }
0x4bf: {  	s22 =	sshra.s32 s25, $0x2;
	v2 =	vld.idx.msk [tilespmem:v3+s1+$0x0], $0xffff  }
0x4c0: {  	s25 =	sadd.s32 $0x40, s25;
	v1 =	vld [tilespmem:s22+$0x3000]  }
0x4c1: {  	_ = 	snop  }
0x4c2: {  	v3 =	vld [tilespmem:s22+$0x2800];
	_ =	sdelay $0x3  }
0x4c3: {  	v0 =	vsub.f32 v2, v0;
	_ =	sdelay $0x1  }
0x4c4: {  	[tilespmem:s19+$0x3800] =	vst v0  }
0x4c5: {  	v0 =	vld.idx.msk [tilespmem:v1+s1+$0x0], $0xffff  }
0x4c6: {  	v1 =	vld.idx.msk [tilespmem:v3+s1+$0x0], $0xffff;
	_ =	sdelay $0x4  }
0x4c7: {  	s25 =	sld [smem:$0x7F9];
	v0 =	vsub.f32 v1, v0;
	_ =	sdelay $0x1  }
0x4c8: {  	s19 =	simm.s32 $0x0;
	[tilespmem:s22+$0x3800] =	vst v0  }
0x4c9: {  	[hbm4b:s25+s19] =	stream.linear.scatter [tilespmem:s13], [sflag:$0x1], $0x800, $0x38;
	[tilespmem:$0x4000] =	vst v63  }
0x4ca: {  	_ =	swait.ge [sflag:s4], $0x800  }
0x4cb: {  	[sflag:s4] =	ssyncset.done $0x0  }
0x4cc: {  	[sflag:s4] =	ssyncadd.s32 $0xFFFFF800  }
0x4cd: {  	[tilespmem:s7], [sflag:$0x1] =	stream.linear.gather [hbm4b:s17+s19], $0x800, $0x38;
	[tilespmem:$0x4000] =	vst v63  }
0x4ce: {  	_ =	swait.ge [sflag:s4], $0x800  }
0x4cf: {  	[sflag:s4] =	ssyncset.done $0x0  }
0x4d0: {  	[sflag:s4] =	ssyncadd.s32 $0xFFFFF800  }
0x4d1: {  	[tilespmem:s10], [sflag:$0x1] =	stream.linear.gather [hbm4b:s18+s19], $0x800, $0x38;
	[tilespmem:$0x4000] =	vst v63  }
0x4d2: {  	_ =	swait.ge [sflag:s4], $0x800  }
0x4d3: {  	[sflag:s4] =	ssyncset.done $0x0  }
0x4d4: {  	s19 =	simm.s32 $0x0;
	[sflag:s4] =	ssyncadd.s32 $0xFFFFF800  }
0x4d5: {  	v0 =	vld [tilespmem:s19+$0x3000]  }
0x4d6: {  	v1 =	vld [tilespmem:s19+$0x2800];
	_ =	sdelay $0x6  }
0x4d7: {  	v0 =	vld.idx.msk [tilespmem:v0+s1+$0x0], $0xffff  }
0x4d8: {  	s22 =	simm.s32 $0x10;
	v2 =	vld.idx.msk [tilespmem:v1+s1+$0x0], $0xffff  }
0x4d9: {  	s25 =	simm.s32 $0x80;
	v1 =	vld [tilespmem:s22+$0x3000]  }
.LBB2_74:
0x4da: {  	p0 =	sne.s32 s25, $0x1FC0;
	v3 =	vld [tilespmem:s22+$0x2800];
	_ =	sdelay $0x3  }
0x4db: {  	v0 =	vsub.f32 v2, v0  }
.Ltmp36:
0x4dc: {  	(pc) =	sbr.rel @p0 .LBB2_74-.Ltmp36, $4  }
0x4dd: {  	[tilespmem:s19+$0x3800] =	vst v0;
	s19 =	smov.u32 s22  }
0x4de: {  	v0 =	vld.idx.msk [tilespmem:v1+s1+$0x0], $0xffff  }
0x4df: {  	s22 =	sshra.s32 s25, $0x2;
	v2 =	vld.idx.msk [tilespmem:v3+s1+$0x0], $0xffff  }
0x4e0: {  	s25 =	sadd.s32 $0x40, s25;
	v1 =	vld [tilespmem:s22+$0x3000]  }
0x4e1: {  	_ = 	snop  }
0x4e2: {  	v3 =	vld [tilespmem:s22+$0x2800];
	_ =	sdelay $0x3  }
0x4e3: {  	v0 =	vsub.f32 v2, v0;
	_ =	sdelay $0x1  }
0x4e4: {  	[tilespmem:s19+$0x3800] =	vst v0  }
0x4e5: {  	v0 =	vld.idx.msk [tilespmem:v1+s1+$0x0], $0xffff  }
0x4e6: {  	v1 =	vld.idx.msk [tilespmem:v3+s1+$0x0], $0xffff;
	_ =	sdelay $0x4  }
0x4e7: {  	s25 =	sld [smem:$0x7FA];
	v0 =	vsub.f32 v1, v0;
	_ =	sdelay $0x1  }
0x4e8: {  	s19 =	simm.s32 $0x0;
	[tilespmem:s22+$0x3800] =	vst v0  }
0x4e9: {  	[hbm4b:s25+s19] =	stream.linear.scatter [tilespmem:s13], [sflag:$0x1], $0x800, $0x38;
	[tilespmem:$0x4000] =	vst v63  }
0x4ea: {  	_ =	swait.ge [sflag:s4], $0x800  }
0x4eb: {  	[sflag:s4] =	ssyncset.done $0x0  }
0x4ec: {  	[sflag:s4] =	ssyncadd.s32 $0xFFFFF800  }
0x4ed: {  	[tilespmem:s7], [sflag:$0x1] =	stream.linear.gather [hbm4b:s20+s19], $0x800, $0x38;
	[tilespmem:$0x4000] =	vst v63  }
0x4ee: {  	_ =	swait.ge [sflag:s4], $0x800  }
0x4ef: {  	[sflag:s4] =	ssyncset.done $0x0  }
0x4f0: {  	[sflag:s4] =	ssyncadd.s32 $0xFFFFF800  }
0x4f1: {  	[tilespmem:s10], [sflag:$0x1] =	stream.linear.gather [hbm4b:s21+s19], $0x800, $0x38;
	[tilespmem:$0x4000] =	vst v63  }
0x4f2: {  	_ =	swait.ge [sflag:s4], $0x800  }
0x4f3: {  	[sflag:s4] =	ssyncset.done $0x0  }
0x4f4: {  	s19 =	simm.s32 $0x0;
	[sflag:s4] =	ssyncadd.s32 $0xFFFFF800  }
0x4f5: {  	v0 =	vld [tilespmem:s19+$0x3000]  }
0x4f6: {  	v1 =	vld [tilespmem:s19+$0x2800];
	_ =	sdelay $0x6  }
0x4f7: {  	v0 =	vld.idx.msk [tilespmem:v0+s1+$0x0], $0xffff  }
0x4f8: {  	s22 =	simm.s32 $0x10;
	v2 =	vld.idx.msk [tilespmem:v1+s1+$0x0], $0xffff  }
0x4f9: {  	s25 =	simm.s32 $0x80;
	v1 =	vld [tilespmem:s22+$0x3000]  }
.LBB2_76:
0x4fa: {  	p0 =	sne.s32 s25, $0x1FC0;
	v3 =	vld [tilespmem:s22+$0x2800];
	_ =	sdelay $0x3  }
0x4fb: {  	v0 =	vsub.f32 v2, v0  }
.Ltmp37:
0x4fc: {  	(pc) =	sbr.rel @p0 .LBB2_76-.Ltmp37, $4  }
0x4fd: {  	[tilespmem:s19+$0x3800] =	vst v0;
	s19 =	smov.u32 s22  }
0x4fe: {  	v0 =	vld.idx.msk [tilespmem:v1+s1+$0x0], $0xffff  }
0x4ff: {  	s22 =	sshra.s32 s25, $0x2;
	v2 =	vld.idx.msk [tilespmem:v3+s1+$0x0], $0xffff  }
0x500: {  	s25 =	sadd.s32 $0x40, s25;
	v1 =	vld [tilespmem:s22+$0x3000]  }
0x501: {  	_ = 	snop  }
0x502: {  	v3 =	vld [tilespmem:s22+$0x2800];
	_ =	sdelay $0x3  }
0x503: {  	v0 =	vsub.f32 v2, v0;
	_ =	sdelay $0x1  }
0x504: {  	[tilespmem:s19+$0x3800] =	vst v0  }
0x505: {  	v0 =	vld.idx.msk [tilespmem:v1+s1+$0x0], $0xffff  }
0x506: {  	v1 =	vld.idx.msk [tilespmem:v3+s1+$0x0], $0xffff;
	_ =	sdelay $0x4  }
0x507: {  	s25 =	sld [smem:$0x7FB];
	v0 =	vsub.f32 v1, v0;
	_ =	sdelay $0x1  }
0x508: {  	s19 =	simm.s32 $0x0;
	[tilespmem:s22+$0x3800] =	vst v0  }
0x509: {  	[hbm4b:s25+s19] =	stream.linear.scatter [tilespmem:s13], [sflag:$0x1], $0x800, $0x38;
	[tilespmem:$0x4000] =	vst v63  }
0x50a: {  	_ =	swait.ge [sflag:s4], $0x800  }
0x50b: {  	[sflag:s4] =	ssyncset.done $0x0  }
0x50c: {  	[sflag:s4] =	ssyncadd.s32 $0xFFFFF800  }
0x50d: {  	[tilespmem:s7], [sflag:$0x1] =	stream.linear.gather [hbm4b:s26+s19], $0x800, $0x38;
	[tilespmem:$0x4000] =	vst v63  }
0x50e: {  	_ =	swait.ge [sflag:s4], $0x800  }
0x50f: {  	[sflag:s4] =	ssyncset.done $0x0  }
0x510: {  	[sflag:s4] =	ssyncadd.s32 $0xFFFFF800  }
0x511: {  	[tilespmem:s10], [sflag:$0x1] =	stream.linear.gather [hbm4b:s29+s19], $0x800, $0x38;
	[tilespmem:$0x4000] =	vst v63  }
0x512: {  	_ =	swait.ge [sflag:s4], $0x800  }
0x513: {  	[sflag:s4] =	ssyncset.done $0x0  }
0x514: {  	s19 =	simm.s32 $0x0;
	[sflag:s4] =	ssyncadd.s32 $0xFFFFF800  }
0x515: {  	v0 =	vld [tilespmem:s19+$0x3000]  }
0x516: {  	v1 =	vld [tilespmem:s19+$0x2800];
	_ =	sdelay $0x6  }
0x517: {  	v0 =	vld.idx.msk [tilespmem:v0+s1+$0x0], $0xffff  }
0x518: {  	s22 =	simm.s32 $0x10;
	v2 =	vld.idx.msk [tilespmem:v1+s1+$0x0], $0xffff  }
0x519: {  	s25 =	simm.s32 $0x80;
	v1 =	vld [tilespmem:s22+$0x3000]  }
.LBB2_78:
0x51a: {  	p0 =	sne.s32 s25, $0x1FC0;
	v3 =	vld [tilespmem:s22+$0x2800];
	_ =	sdelay $0x3  }
0x51b: {  	v0 =	vsub.f32 v2, v0  }
.Ltmp38:
0x51c: {  	(pc) =	sbr.rel @p0 .LBB2_78-.Ltmp38, $4  }
0x51d: {  	[tilespmem:s19+$0x3800] =	vst v0;
	s19 =	smov.u32 s22  }
0x51e: {  	v0 =	vld.idx.msk [tilespmem:v1+s1+$0x0], $0xffff  }
0x51f: {  	s22 =	sshra.s32 s25, $0x2;
	v2 =	vld.idx.msk [tilespmem:v3+s1+$0x0], $0xffff  }
0x520: {  	s25 =	sadd.s32 $0x40, s25;
	v1 =	vld [tilespmem:s22+$0x3000]  }
0x521: {  	_ = 	snop  }
0x522: {  	v3 =	vld [tilespmem:s22+$0x2800];
	_ =	sdelay $0x3  }
0x523: {  	v0 =	vsub.f32 v2, v0;
	_ =	sdelay $0x1  }
0x524: {  	[tilespmem:s19+$0x3800] =	vst v0  }
0x525: {  	v0 =	vld.idx.msk [tilespmem:v1+s1+$0x0], $0xffff  }
0x526: {  	v1 =	vld.idx.msk [tilespmem:v3+s1+$0x0], $0xffff;
	_ =	sdelay $0x4  }
0x527: {  	s25 =	sld [smem:$0x7FC];
	v0 =	vsub.f32 v1, v0;
	_ =	sdelay $0x1  }
0x528: {  	s19 =	simm.s32 $0x0;
	[tilespmem:s22+$0x3800] =	vst v0  }
0x529: {  	[hbm4b:s25+s19] =	stream.linear.scatter [tilespmem:s13], [sflag:$0x1], $0x800, $0x38;
	[tilespmem:$0x4000] =	vst v63  }
0x52a: {  	_ =	swait.ge [sflag:s4], $0x800  }
0x52b: {  	[sflag:s4] =	ssyncset.done $0x0  }
0x52c: {  	[sflag:s4] =	ssyncadd.s32 $0xFFFFF800  }
0x52d: {  	[tilespmem:s7], [sflag:$0x1] =	stream.linear.gather [hbm4b:s31+s19], $0x800, $0x38;
	[tilespmem:$0x4000] =	vst v63  }
0x52e: {  	_ =	swait.ge [sflag:s4], $0x800  }
0x52f: {  	[sflag:s4] =	ssyncset.done $0x0  }
0x530: {  	[sflag:s4] =	ssyncadd.s32 $0xFFFFF800  }
0x531: {  	[tilespmem:s10], [sflag:$0x1] =	stream.linear.gather [hbm4b:s0+s19], $0x800, $0x38;
	[tilespmem:$0x4000] =	vst v63  }
0x532: {  	_ =	swait.ge [sflag:s4], $0x800  }
0x533: {  	[sflag:s4] =	ssyncset.done $0x0  }
0x534: {  	s19 =	simm.s32 $0x0;
	[sflag:s4] =	ssyncadd.s32 $0xFFFFF800  }
0x535: {  	v0 =	vld [tilespmem:s19+$0x3000]  }
0x536: {  	v1 =	vld [tilespmem:s19+$0x2800];
	_ =	sdelay $0x6  }
0x537: {  	v0 =	vld.idx.msk [tilespmem:v0+s1+$0x0], $0xffff  }
0x538: {  	s22 =	simm.s32 $0x10;
	v2 =	vld.idx.msk [tilespmem:v1+s1+$0x0], $0xffff  }
0x539: {  	s25 =	simm.s32 $0x80;
	v1 =	vld [tilespmem:s22+$0x3000]  }
.LBB2_80:
0x53a: {  	p0 =	sne.s32 s25, $0x1FC0;
	v3 =	vld [tilespmem:s22+$0x2800];
	_ =	sdelay $0x3  }
0x53b: {  	v0 =	vsub.f32 v2, v0  }
.Ltmp39:
0x53c: {  	(pc) =	sbr.rel @p0 .LBB2_80-.Ltmp39, $4  }
0x53d: {  	[tilespmem:s19+$0x3800] =	vst v0;
	s19 =	smov.u32 s22  }
0x53e: {  	v0 =	vld.idx.msk [tilespmem:v1+s1+$0x0], $0xffff  }
0x53f: {  	s22 =	sshra.s32 s25, $0x2;
	v2 =	vld.idx.msk [tilespmem:v3+s1+$0x0], $0xffff  }
0x540: {  	s25 =	sadd.s32 $0x40, s25;
	v1 =	vld [tilespmem:s22+$0x3000]  }
0x541: {  	_ = 	snop  }
0x542: {  	v3 =	vld [tilespmem:s22+$0x2800];
	_ =	sdelay $0x3  }
0x543: {  	v0 =	vsub.f32 v2, v0;
	_ =	sdelay $0x1  }
0x544: {  	[tilespmem:s19+$0x3800] =	vst v0  }
0x545: {  	v0 =	vld.idx.msk [tilespmem:v1+s1+$0x0], $0xffff  }
0x546: {  	v63 =	vld.idx.msk [tilespmem:v3+s1+$0x0], $0xffff;
	_ =	sdelay $0x4  }
0x547: {  	v0 =	vsub.f32 v63, v0;
	_ =	sdelay $0x1  }
0x548: {  	[tilespmem:s22+$0x3800] =	vst v0;
	s22 =	sld [smem:$0x7FD];
	_ =	sdelay $0x2  }
0x549: {  	[hbm4b:s22+s1] =	stream.linear.scatter [tilespmem:s13], [sflag:$0x1], $0x800, $0x38;
	[tilespmem:$0x4000] =	vst v63  }
0x54a: {  	_ =	swait.ge [sflag:s4], $0x800  }
0x54b: {  	s16 =	sadd.s32 $0x1, s16;
	s25 =	rddreg [dreg:$0xf]  }
0x54c: {  	p0 =	sne.s32 s16, s25  }
.Ltmp40:
0x54d: {  	_ = 	snop;
	(pc) =	sbr.rel @p0 .LBB2_1-.Ltmp40, $3  }
0x54e: {  	_ =	sdelay $0x1  }
0x54f: {  	[sflag:s4] =	ssyncset.done $0x0  }
0x550: {  	[sflag:s4] =	ssyncadd.s32 $0xFFFFF800  }
0x551: {  	_ =	sfence.sel $0x180000  }
0x552: {  	[bflag:$0x0] =	sbarrier.arrive $0xFFFF  }
0x553: {  	_ =	strace $0x90000047  }
0x554: {  	s0 =	stileid.u32;
	[bflag:$0x2] =	sbarrier.arrive $0xFFFF  }
0x555: {  	p0 =	sne.s32 s0, $0x0;
	s0 =	rddreg [dreg:$0x4]  }
0x556: {  	s0 =	sadd.s32 @!p0 $0x100000, s0  }
0x557: {  	[sflag:s0] =	ssyncadd.tile.s32 @!p0 $0x1;
	_ =	shalt  }
.Lfunc_end2:
_tile_overlayer_lowered:
.L_overlay_start_2:
0x558: {  	(tag) =	ssettag $0x2  }
0x559: {  	s0 =	rddreg [dreg:$0x0];
	s2 =	stileid.u32  }
0x55a: {  	s1 =	rddreg [dreg:$0x1];
	p0 =	sne.s32 s2, $0x0  }
0x55b: {  	s3 =	rddreg [dreg:$0x2];
	[bflag:$0x3] =	sbarrier.arrive $0xFFFF;
	s2 =	simm.s32 @!p0 $0x1C01  }
0x55c: {  	[timem:s3], [sflag:s2] =	dma.local @!p0 [hbm:s0], s1  }
0x55d: {  	s0 =	simm.s32 @!p0 $0x1  }
0x55e: {  	_ =	swait.ge @!p0 [sflag:s0], s1  }
0x55f: {  	s1 =	ssub.s32 @!p0 $0x0, s1;
	[sflag:s0] =	ssyncset.done @!p0 $0x0  }
0x560: {  	[sflag:s0] =	ssyncadd.s32 @!p0 s1  }
0x561: {  	[bflag:$0x3] =	sbarrier.arrive $0xFFFF  }
0x562: {  	_ =	shalt  }

</sc_bundles>
